<compile_context>
chip_gen: v7x
topology: tpu7x:2x2x1
jax: 0.10.2.dev20260603
libtpu: 0.0.44.dev20260713+nightly
codegen_flags: <defaults>
</compile_context>

<pallas_src>
import functools

import jax
import jax.numpy as jnp
from jax import lax
from jax.experimental import pallas as pl
from jax.experimental.pallas import tpu as pltpu
from jax.experimental.pallas import tpu_sc as plsc

N_NODES = 10000
N_EDGES = 2500
NNZ = 320000
D = 128

NC, NS = 2, 16
NW = NC * NS
PER_W = NNZ // NW
CH_E = 80
NCH_E = -(-PER_W // CH_E)
CH_V = 80
NCH_V = -(-PER_W // CH_V)
E_PAD = 2560
V_PAD = 10112
DEG_W = 16

_MESH = plsc.VectorSubcoreMesh(core_axis_name="c", subcore_axis_name="s")


def _zero_stripe(buf, ch, d, acc, base, stripe):
    zeros = jnp.zeros((16,), jnp.float32)

    def zrow(i, carry):
        for j in range(d // 16):
            buf[i, pl.ds(j * 16, 16)] = zeros
        return carry

    lax.fori_loop(0, ch, zrow, 0)
    off = 0
    while off < stripe:
        n = min(ch, stripe - off)
        pltpu.sync_copy(buf.at[pl.ds(0, n)], acc.at[pl.ds(base + off, n)])
        off += n


def _seg_loop(tbl, gv, sv, buf_a, buf_b, acc, sem_a, sem_b, nch):
    pltpu.async_copy(tbl.at[gv.at[0]], buf_a, sem_a)

    def chunk(i, carry):
        j0 = i * 2
        pltpu.async_copy(tbl.at[gv.at[j0 + 1]], buf_b, sem_b)
        pltpu.make_async_copy(tbl.at[gv.at[j0]], buf_a, sem_a).wait()
        pltpu.sync_copy(buf_a, acc.at[sv.at[j0]], add=True)

        @pl.when(j0 + 2 < nch)
        def _():
            pltpu.async_copy(tbl.at[gv.at[j0 + 2]], buf_a, sem_a)

        pltpu.make_async_copy(tbl.at[gv.at[j0 + 1]], buf_b, sem_b).wait()
        pltpu.sync_copy(buf_b, acc.at[sv.at[j0 + 1]], add=True)
        return carry

    lax.fori_loop(0, nch // 2, chunk, 0)
    if nch % 2:
        j = nch - 1
        pltpu.make_async_copy(tbl.at[gv.at[j]], buf_a, sem_a).wait()
        pltpu.sync_copy(buf_a, acc.at[sv.at[j]], add=True)


def _make_seg_sum(n_pad, nch, ch):
    stripe = n_pad // NS

    @functools.partial(
        pl.kernel,
        out_type=jax.ShapeDtypeStruct((NC, n_pad, D), jnp.float32),
        mesh=_MESH,
        scratch_types=[
            pltpu.VMEM((nch, ch), jnp.int32),
            pltpu.VMEM((nch, ch), jnp.int32),
            pltpu.VMEM((ch, D), jnp.float32),
            pltpu.VMEM((ch, D), jnp.float32),
            pltpu.VMEM_SHARED((n_pad, D), jnp.float32),
            pltpu.SemaphoreType.DMA,
            pltpu.SemaphoreType.DMA,
        ],
        compiler_params=pltpu.CompilerParams(use_tc_tiling_on_sc=False),
    )
    def seg_sum(table_hbm, gidx_hbm, sidx_hbm, out_hbm, gv, sv, buf_a, buf_b,
                acc, sem_a, sem_b):
        c = lax.axis_index("c")
        s = lax.axis_index("s")
        pltpu.sync_copy(gidx_hbm.at[c, s], gv)
        pltpu.sync_copy(sidx_hbm.at[c, s], sv)
        base = s * stripe
        _zero_stripe(buf_a, ch, D, acc, base, stripe)
        plsc.subcore_barrier()
        _seg_loop(table_hbm, gv, sv, buf_a, buf_b, acc, sem_a, sem_b, nch)
        plsc.subcore_barrier()
        pltpu.sync_copy(acc.at[pl.ds(base, stripe)],
                        out_hbm.at[c, pl.ds(base, stripe)])

    return seg_sum


_SEG_E = _make_seg_sum(E_PAD, NCH_E, CH_E)
_SEG_V = _make_seg_sum(V_PAD, NCH_V, CH_V)


@functools.partial(
    pl.kernel,
    out_type=(jax.ShapeDtypeStruct((NC, E_PAD, D), jnp.float32),
              jax.ShapeDtypeStruct((NC, E_PAD, DEG_W), jnp.float32),
              jax.ShapeDtypeStruct((NC, V_PAD, DEG_W), jnp.float32)),
    mesh=_MESH,
    scratch_types=[
        pltpu.VMEM((NCH_E, CH_E), jnp.int32),
        pltpu.VMEM((NCH_E, CH_E), jnp.int32),
        pltpu.VMEM((CH_E, D), jnp.float32),
        pltpu.VMEM((CH_E, D), jnp.float32),
        pltpu.VMEM((CH_E, DEG_W), jnp.float32),
        pltpu.VMEM((CH_E, DEG_W), jnp.float32),
        pltpu.VMEM_SHARED((E_PAD, D), jnp.float32),
        pltpu.VMEM_SHARED((E_PAD, DEG_W), jnp.float32),
        pltpu.VMEM_SHARED((V_PAD, DEG_W), jnp.float32),
        pltpu.SemaphoreType.DMA,
        pltpu.SemaphoreType.DMA,
        pltpu.SemaphoreType.DMA,
        pltpu.SemaphoreType.DMA,
    ],
    compiler_params=pltpu.CompilerParams(use_tc_tiling_on_sc=False),
)
def _SEG_E_DEG(table_hbm, gidx_hbm, sidx_hbm, out_hbm, oute_hbm, outv_hbm,
               gv, sv, buf_a, buf_b, ones_b, zero_b, acc, acc_e, acc_v,
               sem_a, sem_b, sem_de, sem_dv):
    c = lax.axis_index("c")
    s = lax.axis_index("s")
    pltpu.sync_copy(gidx_hbm.at[c, s], gv)
    pltpu.sync_copy(sidx_hbm.at[c, s], sv)
    stripe = E_PAD // NS
    base = s * stripe
    _zero_stripe(buf_a, CH_E, D, acc, base, stripe)

    ones = jnp.ones((16,), jnp.float32)
    zeros = jnp.zeros((16,), jnp.float32)

    def fill(i, carry):
        ones_b[i, pl.ds(0, DEG_W)] = ones
        zero_b[i, pl.ds(0, DEG_W)] = zeros
        return carry

    lax.fori_loop(0, CH_E, fill, 0)
    sv_ = V_PAD // NS
    for dbase, dstripe, dacc in ((base, stripe, acc_e),
                                 (s * sv_, sv_, acc_v)):
        off = 0
        while off < dstripe:
            n = min(CH_E, dstripe - off)
            pltpu.sync_copy(zero_b.at[pl.ds(0, n)],
                            dacc.at[pl.ds(dbase + off, n)])
            off += n
    plsc.subcore_barrier()

    pltpu.async_copy(table_hbm.at[gv.at[0]], buf_a, sem_a)
    pltpu.async_copy(ones_b, acc_e.at[sv.at[0]], sem_de, add=True)
    pltpu.async_copy(ones_b, acc_v.at[gv.at[0]], sem_dv, add=True)

    def chunk(i, carry):
        for p, (bc, bn, sc_, sn) in enumerate(
                ((buf_a, buf_b, sem_a, sem_b), (buf_b, buf_a, sem_b, sem_a))):
            j = i * 2 + p

            @pl.when(j + 1 < NCH_E)
            def _():
                pltpu.async_copy(table_hbm.at[gv.at[j + 1]], bn, sn)

            pltpu.make_async_copy(table_hbm.at[gv.at[j]], bc, sc_).wait()
            pltpu.sync_copy(bc, acc.at[sv.at[j]], add=True)
            pltpu.make_async_copy(ones_b, acc_e.at[sv.at[j]], sem_de).wait()
            pltpu.make_async_copy(ones_b, acc_v.at[gv.at[j]], sem_dv).wait()

            @pl.when(j + 1 < NCH_E)
            def _():
                pltpu.async_copy(ones_b, acc_e.at[sv.at[j + 1]], sem_de,
                                 add=True)
                pltpu.async_copy(ones_b, acc_v.at[gv.at[j + 1]], sem_dv,
                                 add=True)
        return carry

    lax.fori_loop(0, NCH_E // 2, chunk, 0)
    if NCH_E % 2:
        j = NCH_E - 1
        pltpu.make_async_copy(table_hbm.at[gv.at[j]], buf_a, sem_a).wait()
        pltpu.sync_copy(buf_a, acc.at[sv.at[j]], add=True)
        pltpu.make_async_copy(ones_b, acc_e.at[sv.at[j]], sem_de).wait()
        pltpu.make_async_copy(ones_b, acc_v.at[gv.at[j]], sem_dv).wait()
    plsc.subcore_barrier()
    pltpu.sync_copy(acc.at[pl.ds(base, stripe)],
                    out_hbm.at[c, pl.ds(base, stripe)])
    pltpu.sync_copy(acc_e.at[pl.ds(base, stripe)],
                    oute_hbm.at[c, pl.ds(base, stripe)])
    pltpu.sync_copy(acc_v.at[pl.ds(s * sv_, sv_)],
                    outv_hbm.at[c, pl.ds(s * sv_, sv_)])



_NODE_BLK = 1000
_NODE_GRID = N_NODES // _NODE_BLK


def _tc_ft_body(x, wft, bft, lng, lnb, w1, b1, out):
    h = jnp.dot(x[...], wft[...], preferred_element_type=jnp.float32) + bft[...]
    h = jax.nn.gelu(h)
    m = jnp.mean(h, axis=-1, keepdims=True)
    var = jnp.mean((h - m) * (h - m), axis=-1, keepdims=True)
    h = (h - m) / jnp.sqrt(var + 1e-5) * lng[...] + lnb[...]
    out[...] = jnp.dot(h, w1[...], preferred_element_type=jnp.float32) + b1[...]


def _tc_ft(X, wft, bft, lng, lnb, w1, b1):
    full = lambda i: (0, 0)
    return pl.pallas_call(
        _tc_ft_body,
        grid=(_NODE_GRID,),
        in_specs=[
            pl.BlockSpec((_NODE_BLK, D), lambda i: (i, 0)),
            pl.BlockSpec((D, D), full),
            pl.BlockSpec((1, D), full),
            pl.BlockSpec((1, D), full),
            pl.BlockSpec((1, D), full),
            pl.BlockSpec((D, D), full),
            pl.BlockSpec((1, D), full),
        ],
        out_specs=pl.BlockSpec((_NODE_BLK, D), lambda i: (i, 0)),
        out_shape=jax.ShapeDtypeStruct((N_NODES, D), jnp.float32),
    )(X, wft, bft, lng, lnb, w1, b1)


def _tc_edge_body(has_prev, *refs):
    if has_prev:
        ep, dp, eprev, watt, batt, out = refs
    else:
        ep, dp, watt, batt, out = refs
    deg = jnp.clip(dp[0, :, 0:1] + dp[1, :, 0:1], 1.0, None)
    ef = (ep[0] + ep[1]) / deg
    if has_prev:
        ef = ef + eprev[...]
    a = jax.nn.sigmoid(
        jnp.dot(ef, watt[...], preferred_element_type=jnp.float32) + batt[...])
    out[...] = ef * a


def _tc_edge(ep, dp, eprev, watt, batt):
    args = [ep, dp] + ([eprev] if eprev is not None else []) + [watt, batt]
    return pl.pallas_call(
        functools.partial(_tc_edge_body, eprev is not None),
        out_shape=jax.ShapeDtypeStruct((E_PAD, D), jnp.float32),
    )(*args)


def _tc_node_body(vp, dvp, xt, w, b, out):
    deg = jnp.clip(dvp[0, :, 0:1] + dvp[1, :, 0:1], 1.0, None)
    v = (vp[0] + vp[1]) / deg + xt[...]
    v = jax.nn.gelu(v)
    out[...] = jnp.dot(v, w[...], preferred_element_type=jnp.float32) + b[...]


def _tc_node(vp, dvp, xt, w, b):
    full = lambda i: (0, 0)
    return pl.pallas_call(
        _tc_node_body,
        grid=(_NODE_GRID,),
        in_specs=[
            pl.BlockSpec((2, _NODE_BLK, D), lambda i: (0, i, 0)),
            pl.BlockSpec((2, _NODE_BLK, DEG_W), lambda i: (0, i, 0)),
            pl.BlockSpec((_NODE_BLK, D), lambda i: (i, 0)),
            pl.BlockSpec((D, D), full),
            pl.BlockSpec((1, D), full),
        ],
        out_specs=pl.BlockSpec((_NODE_BLK, D), lambda i: (i, 0)),
        out_shape=jax.ShapeDtypeStruct((N_NODES, D), jnp.float32),
    )(vp, dvp, xt, w, b)


def _tc_final_body(ep, dp, e2, watt, batt, wr, br, w1c, b1c, w2b, b2v,
                   wf1, bf1, wf2, bf2, bnm, bnv, bng, bnb, wo, bo,
                   score_out, att_out):
    deg = jnp.clip(dp[0, :, 0:1] + dp[1, :, 0:1], 1.0, None)
    ef = (ep[0] + ep[1]) / deg + e2[...]
    a3 = jax.nn.sigmoid(
        jnp.dot(ef, watt[...], preferred_element_type=jnp.float32) + batt[...])
    e3 = ef * a3
    refined = jax.nn.gelu(
        jnp.dot(e3, wr[...], preferred_element_type=jnp.float32) + br[...])
    t = jax.nn.gelu(
        jnp.dot(refined, w1c[...], preferred_element_type=jnp.float32) + b1c[...])
    combined = jnp.dot(t, w2b[...], preferred_element_type=jnp.float32) + b2v[...]
    aw = jax.nn.sigmoid(jnp.mean(combined, axis=1, keepdims=True))
    fatt = (aw + a3) * 0.5
    xw = refined * fatt
    t1 = jax.nn.gelu(
        jnp.dot(xw, wf1[...], preferred_element_type=jnp.float32) + bf1[...])
    xe = jax.nn.gelu(
        jnp.dot(t1, wf2[...], preferred_element_type=jnp.float32) + bf2[...])
    xs = xe + xw
    xs = (xs - bnm[...]) / jnp.sqrt(bnv[...] + 1e-5) * bng[...] + bnb[...]
    score_out[...] = jax.nn.sigmoid(
        jnp.dot(xs, wo[...], preferred_element_type=jnp.float32) + bo[...])
    att_out[...] = fatt


def _tc_final(ep, dp, e2, watt, batt, p):
    w1c = jnp.concatenate([hp["l1"]["W"] for hp in p["heads"]], axis=1)
    b1c = jnp.concatenate([hp["l1"]["b"] for hp in p["heads"]])[None, :]
    w2b = jax.scipy.linalg.block_diag(*[hp["l2"]["W"] for hp in p["heads"]])
    b2v = jnp.stack([hp["l2"]["b"][0] for hp in p["heads"]])[None, :]
    row = lambda a: a[None, :]
    return pl.pallas_call(
        _tc_final_body,
        out_shape=(jax.ShapeDtypeStruct((E_PAD, 1), jnp.float32),
                   jax.ShapeDtypeStruct((E_PAD, 1), jnp.float32)),
    )(ep, dp, e2, watt, batt,
      p["refine"]["W"], row(p["refine"]["b"]), w1c, b1c, w2b, b2v,
      p["fe1"]["W"], row(p["fe1"]["b"]), p["fe2"]["W"], row(p["fe2"]["b"]),
      row(p["bn_m"]), row(p["bn_v"]), row(p["bn_g"]), row(p["bn_b"]),
      p["out"]["W"], row(p["out"]["b"]))


def kernel(X, node_idx, edge_idx, params):
    p = params
    nidx = node_idx.astype(jnp.int32).reshape(NC, NS, NCH_E, CH_E)
    eidx = edge_idx.astype(jnp.int32).reshape(NC, NS, NCH_E, CH_E)
    row = lambda a: a[None, :]

    xt1 = _tc_ft(X, p["ft"]["W"], row(p["ft"]["b"]), row(p["ln_g"]),
                 row(p["ln_b"]), p["conv1"]["W"], row(p["conv1"]["b"]))

    ep1, dp_e, dp_v = _SEG_E_DEG(xt1, nidx, eidx)
    e1 = _tc_edge(ep1, dp_e, None, p["conv1"]["w_att"], row(p["conv1"]["b_att"]))
    vp1 = _SEG_V(e1, eidx, nidx)
    xt2 = _tc_node(vp1, dp_v, xt1, p["conv2"]["W"], row(p["conv2"]["b"]))

    ep2 = _SEG_E(xt2, nidx, eidx)
    e2 = _tc_edge(ep2, dp_e, e1, p["conv2"]["w_att"], row(p["conv2"]["b_att"]))
    vp2 = _SEG_V(e2, eidx, nidx)
    xt3 = _tc_node(vp2, dp_v, xt2, p["conv3"]["W"], row(p["conv3"]["b"]))

    ep3 = _SEG_E(xt3, nidx, eidx)
    score, fatt = _tc_final(ep3, dp_e, e2, p["conv3"]["w_att"],
                            row(p["conv3"]["b_att"]), p)
    return score[:N_EDGES], fatt[:N_EDGES]

# --- scband reference (transcript-rebuilt; emitter-appended) ---
"""Pipeline reference for scband-hgnnp-90022514524573 (READ-ONLY COPY).

The authoritative reference and input builder live on the scoring server;
editing this copy changes nothing except your own understanding.
"""

import jax, jax.numpy as jnp
import numpy as np

N_NODES = 10000
N_EDGES = 2500
NNZ = 320000
D_IN = 128
D_H = 128
HEADS = 4

def _lin(key, din, dout):
    k1, k2 = jax.random.split(key)
    s = 1.0 / np.sqrt(din)
    return {"W": jax.random.uniform(k1, (din, dout), jnp.float32, -s, s),
            "b": jax.random.uniform(k2, (dout,), jnp.float32, -s, s)}

def _make_params(key):
    ks = jax.random.split(key, 16)
    p = {}
    p["ft"] = _lin(ks[0], D_IN, D_H)
    p["ln_g"] = jnp.ones((D_H,), jnp.float32)
    p["ln_b"] = jnp.zeros((D_H,), jnp.float32)
    for i, name in enumerate(["conv1", "conv2", "conv3"]):
        c = _lin(ks[1 + i], D_H, D_H)
        c["w_att"] = jax.random.normal(ks[4 + i], (D_H, 1), jnp.float32) * 0.05
        c["b_att"] = jnp.zeros((1,), jnp.float32)
        p[name] = c
    p["refine"] = _lin(ks[7], D_H, D_H)
    p["heads"] = [{"l1": _lin(jax.random.fold_in(ks[8], h), D_H, D_H // HEADS),
                   "l2": _lin(jax.random.fold_in(ks[9], h), D_H // HEADS, 1)} for h in range(HEADS)]
    p["fe1"] = _lin(ks[10], D_H, D_H)
    p["fe2"] = _lin(ks[11], D_H, D_H)
    p["out"] = _lin(ks[12], D_H, 1)
    p["bn_g"] = jnp.ones((D_H,), jnp.float32)
    p["bn_b"] = jnp.zeros((D_H,), jnp.float32)
    p["bn_m"] = jnp.zeros((D_H,), jnp.float32)
    p["bn_v"] = jnp.ones((D_H,), jnp.float32)
    return p

def setup_inputs(seed: int = 0):
    key = jax.random.key(seed)
    k1, k2, k3, k4 = jax.random.split(key, 4)
    return {"X": jax.random.normal(k1, (N_NODES, D_IN), jnp.float32),
            "node_idx": jax.random.randint(k2, (NNZ,), 0, N_NODES),
            "edge_idx": jax.random.randint(k3, (NNZ,), 0, N_EDGES),
            "params": _make_params(k4)}

def _layer_norm(x, g, b):
    m = jnp.mean(x, axis=-1, keepdims=True)
    v = jnp.var(x, axis=-1, keepdims=True)
    return (x - m) / jnp.sqrt(v + 1e-5) * g + b

def _conv(X, node_idx, edge_idx, p, edge_features=None, is_last=False):
    # theta transform
    Xt = X @ p["W"] + p["b"]
    # v2e: gather node features per incidence, scatter-add into hyperedges (sum aggr)
    msgs = Xt[node_idx]
    e_feat = jax.ops.segment_sum(msgs, edge_idx, num_segments=N_EDGES)
    deg_e = jnp.clip(jax.ops.segment_sum(jnp.ones((NNZ,), jnp.float32), edge_idx, num_segments=N_EDGES), 1.0, None)
    e_feat = e_feat / deg_e[:, None]  # normalize='both' -> edge-degree norm on v2e
    if edge_features is not None:
        e_feat = e_feat + edge_features
    # per-hyperedge attention score
    attn = jax.nn.sigmoid(e_feat @ p["w_att"] + p["b_att"])
    e_out = e_feat * attn
    # e2v: gather hyperedge features per incidence, scatter-add back to nodes (sum aggr)
    back = e_out[edge_idx]
    v_feat = jax.ops.segment_sum(back, node_idx, num_segments=N_NODES)
    deg_v = jnp.clip(jax.ops.segment_sum(jnp.ones((NNZ,), jnp.float32), node_idx, num_segments=N_NODES), 1.0, None)
    v_feat = v_feat / deg_v[:, None] + Xt  # node-degree norm + residual
    if not is_last:
        v_feat = jax.nn.gelu(v_feat)  # bn/dropout are identity in eval
    return v_feat, e_out, attn

def _forward(X, params, node_idx, edge_idx):
    h = jax.nn.gelu(X @ params["ft"]["W"] + params["ft"]["b"])  # node_feature_transform (dropout eval=id)
    h = _layer_norm(h, params["ln_g"], params["ln_b"])
    v1, e1, a1 = _conv(h, node_idx, edge_idx, params["conv1"], None, False)
    v2, e2, a2 = _conv(v1, node_idx, edge_idx, params["conv2"], e1, False)
    v3, e3, a3 = _conv(v2, node_idx, edge_idx, params["conv3"], e2, True)
    refined = jax.nn.gelu(e3 @ params["refine"]["W"] + params["refine"]["b"])
    heads = []
    for hp in params["heads"]:
        t = jax.nn.gelu(refined @ hp["l1"]["W"] + hp["l1"]["b"])
        heads.append(t @ hp["l2"]["W"] + hp["l2"]["b"])
    combined = jnp.concatenate(heads, axis=1)
    aw = jax.nn.sigmoid(jnp.mean(combined, axis=1, keepdims=True))
    final_att = (aw + a3) / 2.0
    Xw = refined * final_att
    t1 = jax.nn.gelu(Xw @ params["fe1"]["W"] + params["fe1"]["b"])
    Xe = jax.nn.gelu(t1 @ params["fe2"]["W"] + params["fe2"]["b"])
    Xs = Xe + Xw
    Xs = (Xs - params["bn_m"]) / jnp.sqrt(params["bn_v"] + 1e-5) * params["bn_g"] + params["bn_b"]
    score = jax.nn.sigmoid(Xs @ params["out"]["W"] + params["out"]["b"])
    return score, final_att

def reference(X, node_idx, edge_idx, params):
    return _forward(X, params, node_idx, edge_idx)

if __name__ == "__main__":
    import jax
    _d = setup_inputs()
    print(jax.jit(kernel)(*tuple(_d.values())))

</pallas_src>

<mosaic_0001>
#map = affine_map<(d0, d1) -> (0, 0)>
#map1 = affine_map<(d0, d1) -> (0, 0, 0, 0)>
#map2 = affine_map<(d0, d1) -> (0, 0, 0)>
module attributes {stable_mosaic.version = 14 : i64} {
  func.func @seg_sum(%arg0: i32, %arg1: i32, %arg2: memref<2560x128xf32, #tpu.memory_space<hbm>>, %arg3: memref<2x16x125x80xi32, #tpu.memory_space<hbm>>, %arg4: memref<2x16x125x80xi32, #tpu.memory_space<hbm>>, %arg5: memref<2x10112x128xf32, #tpu.memory_space<hbm>>, %arg6: memref<125x80xi32, #tpu.memory_space<vmem>>, %arg7: memref<125x80xi32, #tpu.memory_space<vmem>>, %arg8: memref<80x128xf32, #tpu.memory_space<vmem>>, %arg9: memref<80x128xf32, #tpu.memory_space<vmem>>, %arg10: memref<10112x128xf32, #tpu.memory_space<vmem_shared>>, %arg11: memref<!tpu.dma_semaphore, #tpu.memory_space<semaphore_mem>>, %arg12: memref<!tpu.dma_semaphore, #tpu.memory_space<semaphore_mem>>) attributes {dimension_semantics = [#tpu.dimension_semantics<core_parallel>, #tpu.dimension_semantics<subcore_parallel>], iteration_bounds = array<i64: 2, 16>, scalar_prefetch = 0 : i64, scratch_operands = 7 : i64, tpu.core_type = #tpu.core_type<sc_vector_subcore>, window_params = [{transform_indices = #map}, {transform_indices = #map1}, {transform_indices = #map1}, {transform_indices = #map2}]} {
    "tpu.region"() ({
      %run_scoped3A_41 = tpu.sem_alloc : memref<!tpu.dma_semaphore, #tpu.memory_space<semaphore_mem>>
      %dma_start3A_42 = arith.constant 0 : i32
      %dma_start3A_43 = arith.constant 0 : i32
      %dma_start3A_44 = tpu.memref_slice %arg3[%arg0, %arg1, %dma_start3A_42, %dma_start3A_43] : memref<2x16x125x80xi32, #tpu.memory_space<hbm>> -> memref<1x1x125x80xi32, #tpu.memory_space<hbm>>
      %dma_start3A_45 = tpu.memref_squeeze %dma_start3A_44 : memref<1x1x125x80xi32, #tpu.memory_space<hbm>> -> memref<125x80xi32, #tpu.memory_space<hbm>>
      %dma_start3A_46 = arith.constant 0 : i32
      %dma_start3A_47 = arith.constant 0 : i32
      %dma_start3A_48 = tpu.memref_slice %arg3[%arg0, %arg1, %dma_start3A_46, %dma_start3A_47] : memref<2x16x125x80xi32, #tpu.memory_space<hbm>> -> memref<1x1x125x80xi32, #tpu.memory_space<hbm>>
      %dma_start3A_49 = tpu.memref_squeeze %dma_start3A_48 : memref<1x1x125x80xi32, #tpu.memory_space<hbm>> -> memref<125x80xi32, #tpu.memory_space<hbm>>
      tpu.enqueue_dma source(%dma_start3A_49 : memref<125x80xi32, #tpu.memory_space<hbm>>) target(%arg6 : memref<125x80xi32, #tpu.memory_space<vmem>>) target_semaphore(%run_scoped3A_41 : memref<!tpu.dma_semaphore, #tpu.memory_space<semaphore_mem>>)
      %dma_wait3A_50 = arith.constant 0 : i32
      %dma_wait3A_51 = arith.constant 0 : i32
      %dma_wait3A_52 = tpu.memref_slice %arg3[%arg0, %arg1, %dma_wait3A_50, %dma_wait3A_51] : memref<2x16x125x80xi32, #tpu.memory_space<hbm>> -> memref<1x1x125x80xi32, #tpu.memory_space<hbm>>
      %dma_wait3A_53 = tpu.memref_squeeze %dma_wait3A_52 : memref<1x1x125x80xi32, #tpu.memory_space<hbm>> -> memref<125x80xi32, #tpu.memory_space<hbm>>
      %dma_wait3A_54 = arith.constant 0 : i32
      %dma_wait3A_55 = arith.constant 0 : i32
      %dma_wait3A_56 = tpu.memref_slice %arg3[%arg0, %arg1, %dma_wait3A_54, %dma_wait3A_55] : memref<2x16x125x80xi32, #tpu.memory_space<hbm>> -> memref<1x1x125x80xi32, #tpu.memory_space<hbm>>
      %dma_wait3A_57 = tpu.memref_squeeze %dma_wait3A_56 : memref<1x1x125x80xi32, #tpu.memory_space<hbm>> -> memref<125x80xi32, #tpu.memory_space<hbm>>
      tpu.wait_dma2 semaphore(%run_scoped3A_41 : memref<!tpu.dma_semaphore, #tpu.memory_space<semaphore_mem>>) src(%dma_wait3A_57 : memref<125x80xi32, #tpu.memory_space<hbm>>) dst(%arg6 : memref<125x80xi32, #tpu.memory_space<vmem>>)
      tpu.yield
    }) : () -> ()
    "tpu.region"() ({
      %run_scoped3A_41 = tpu.sem_alloc : memref<!tpu.dma_semaphore, #tpu.memory_space<semaphore_mem>>
      %dma_start3A_42 = arith.constant 0 : i32
      %dma_start3A_43 = arith.constant 0 : i32
      %dma_start3A_44 = tpu.memref_slice %arg4[%arg0, %arg1, %dma_start3A_42, %dma_start3A_43] : memref<2x16x125x80xi32, #tpu.memory_space<hbm>> -> memref<1x1x125x80xi32, #tpu.memory_space<hbm>>
      %dma_start3A_45 = tpu.memref_squeeze %dma_start3A_44 : memref<1x1x125x80xi32, #tpu.memory_space<hbm>> -> memref<125x80xi32, #tpu.memory_space<hbm>>
      %dma_start3A_46 = arith.constant 0 : i32
      %dma_start3A_47 = arith.constant 0 : i32
      %dma_start3A_48 = tpu.memref_slice %arg4[%arg0, %arg1, %dma_start3A_46, %dma_start3A_47] : memref<2x16x125x80xi32, #tpu.memory_space<hbm>> -> memref<1x1x125x80xi32, #tpu.memory_space<hbm>>
      %dma_start3A_49 = tpu.memref_squeeze %dma_start3A_48 : memref<1x1x125x80xi32, #tpu.memory_space<hbm>> -> memref<125x80xi32, #tpu.memory_space<hbm>>
      tpu.enqueue_dma source(%dma_start3A_49 : memref<125x80xi32, #tpu.memory_space<hbm>>) target(%arg7 : memref<125x80xi32, #tpu.memory_space<vmem>>) target_semaphore(%run_scoped3A_41 : memref<!tpu.dma_semaphore, #tpu.memory_space<semaphore_mem>>)
      %dma_wait3A_50 = arith.constant 0 : i32
      %dma_wait3A_51 = arith.constant 0 : i32
      %dma_wait3A_52 = tpu.memref_slice %arg4[%arg0, %arg1, %dma_wait3A_50, %dma_wait3A_51] : memref<2x16x125x80xi32, #tpu.memory_space<hbm>> -> memref<1x1x125x80xi32, #tpu.memory_space<hbm>>
      %dma_wait3A_53 = tpu.memref_squeeze %dma_wait3A_52 : memref<1x1x125x80xi32, #tpu.memory_space<hbm>> -> memref<125x80xi32, #tpu.memory_space<hbm>>
      %dma_wait3A_54 = arith.constant 0 : i32
      %dma_wait3A_55 = arith.constant 0 : i32
      %dma_wait3A_56 = tpu.memref_slice %arg4[%arg0, %arg1, %dma_wait3A_54, %dma_wait3A_55] : memref<2x16x125x80xi32, #tpu.memory_space<hbm>> -> memref<1x1x125x80xi32, #tpu.memory_space<hbm>>
      %dma_wait3A_57 = tpu.memref_squeeze %dma_wait3A_56 : memref<1x1x125x80xi32, #tpu.memory_space<hbm>> -> memref<125x80xi32, #tpu.memory_space<hbm>>
      tpu.wait_dma2 semaphore(%run_scoped3A_41 : memref<!tpu.dma_semaphore, #tpu.memory_space<semaphore_mem>>) src(%dma_wait3A_57 : memref<125x80xi32, #tpu.memory_space<hbm>>) dst(%arg7 : memref<125x80xi32, #tpu.memory_space<vmem>>)
      tpu.yield
    }) : () -> ()
    %mul3A = arith.constant 632 : i32
    %mul3A_0 = arith.muli %arg1, %mul3A : i32
    %broadcast_in_dim3A = arith.constant 0.000000e+00 : f32
    %broadcast_in_dim3A_1 = vector.broadcast %broadcast_in_dim3A : f32 to vector<16xf32>
    %scan3A = arith.constant 0 : i32
    %scan3A_2 = arith.constant 0 : i32
    %scan3A_3 = arith.constant 80 : i32
    %scan3A_4 = arith.addi %scan3A_2, %scan3A_3 : i32
    %scan3A_5 = arith.constant 1 : i32
    scf.for %scan3A_41 = %scan3A_2 to %scan3A_4 step %scan3A_5  : i32 {
      %swap3A = arith.index_cast %scan3A_41 : i32 to index
      %swap3A_42 = arith.constant 0 : index
      %swap3A_43 = tpu.vector_load %arg8[%swap3A, %swap3A_42] {strides = array<i32>} : memref<80x128xf32, #tpu.memory_space<vmem>>, vector<1x16xf32>,
      %swap3A_44 = vector.shape_cast %swap3A_43 : vector<1x16xf32> to vector<16xf32>
      %swap3A_45 = vector.shape_cast %broadcast_in_dim3A_1 : vector<16xf32> to vector<1x16xf32>
      tpu.vector_store %arg8[%swap3A, %swap3A_42], %swap3A_45 {strides = array<i32>} : memref<80x128xf32, #tpu.memory_space<vmem>>, vector<1x16xf32>,
      %swap3A_46 = arith.index_cast %scan3A_41 : i32 to index
      %swap3A_47 = arith.constant 16 : index
      %swap3A_48 = tpu.vector_load %arg8[%swap3A_46, %swap3A_47] {strides = array<i32>} : memref<80x128xf32, #tpu.memory_space<vmem>>, vector<1x16xf32>,
      %swap3A_49 = vector.shape_cast %swap3A_48 : vector<1x16xf32> to vector<16xf32>
      %swap3A_50 = vector.shape_cast %broadcast_in_dim3A_1 : vector<16xf32> to vector<1x16xf32>
      tpu.vector_store %arg8[%swap3A_46, %swap3A_47], %swap3A_50 {strides = array<i32>} : memref<80x128xf32, #tpu.memory_space<vmem>>, vector<1x16xf32>,
      %swap3A_51 = arith.index_cast %scan3A_41 : i32 to index
      %swap3A_52 = arith.constant 32 : index
      %swap3A_53 = tpu.vector_load %arg8[%swap3A_51, %swap3A_52] {strides = array<i32>} : memref<80x128xf32, #tpu.memory_space<vmem>>, vector<1x16xf32>,
      %swap3A_54 = vector.shape_cast %swap3A_53 : vector<1x16xf32> to vector<16xf32>
      %swap3A_55 = vector.shape_cast %broadcast_in_dim3A_1 : vector<16xf32> to vector<1x16xf32>
      tpu.vector_store %arg8[%swap3A_51, %swap3A_52], %swap3A_55 {strides = array<i32>} : memref<80x128xf32, #tpu.memory_space<vmem>>, vector<1x16xf32>,
      %swap3A_56 = arith.index_cast %scan3A_41 : i32 to index
      %swap3A_57 = arith.constant 48 : index
      %swap3A_58 = tpu.vector_load %arg8[%swap3A_56, %swap3A_57] {strides = array<i32>} : memref<80x128xf32, #tpu.memory_space<vmem>>, vector<1x16xf32>,
      %swap3A_59 = vector.shape_cast %swap3A_58 : vector<1x16xf32> to vector<16xf32>
      %swap3A_60 = vector.shape_cast %broadcast_in_dim3A_1 : vector<16xf32> to vector<1x16xf32>
      tpu.vector_store %arg8[%swap3A_56, %swap3A_57], %swap3A_60 {strides = array<i32>} : memref<80x128xf32, #tpu.memory_space<vmem>>, vector<1x16xf32>,
      %swap3A_61 = arith.index_cast %scan3A_41 : i32 to index
      %swap3A_62 = arith.constant 64 : index
      %swap3A_63 = tpu.vector_load %arg8[%swap3A_61, %swap3A_62] {strides = array<i32>} : memref<80x128xf32, #tpu.memory_space<vmem>>, vector<1x16xf32>,
      %swap3A_64 = vector.shape_cast %swap3A_63 : vector<1x16xf32> to vector<16xf32>
      %swap3A_65 = vector.shape_cast %broadcast_in_dim3A_1 : vector<16xf32> to vector<1x16xf32>
      tpu.vector_store %arg8[%swap3A_61, %swap3A_62], %swap3A_65 {strides = array<i32>} : memref<80x128xf32, #tpu.memory_space<vmem>>, vector<1x16xf32>,
      %swap3A_66 = arith.index_cast %scan3A_41 : i32 to index
      %swap3A_67 = arith.constant 80 : index
      %swap3A_68 = tpu.vector_load %arg8[%swap3A_66, %swap3A_67] {strides = array<i32>} : memref<80x128xf32, #tpu.memory_space<vmem>>, vector<1x16xf32>,
      %swap3A_69 = vector.shape_cast %swap3A_68 : vector<1x16xf32> to vector<16xf32>
      %swap3A_70 = vector.shape_cast %broadcast_in_dim3A_1 : vector<16xf32> to vector<1x16xf32>
      tpu.vector_store %arg8[%swap3A_66, %swap3A_67], %swap3A_70 {strides = array<i32>} : memref<80x128xf32, #tpu.memory_space<vmem>>, vector<1x16xf32>,
      %swap3A_71 = arith.index_cast %scan3A_41 : i32 to index
      %swap3A_72 = arith.constant 96 : index
      %swap3A_73 = tpu.vector_load %arg8[%swap3A_71, %swap3A_72] {strides = array<i32>} : memref<80x128xf32, #tpu.memory_space<vmem>>, vector<1x16xf32>,
      %swap3A_74 = vector.shape_cast %swap3A_73 : vector<1x16xf32> to vector<16xf32>
      %swap3A_75 = vector.shape_cast %broadcast_in_dim3A_1 : vector<16xf32> to vector<1x16xf32>
      tpu.vector_store %arg8[%swap3A_71, %swap3A_72], %swap3A_75 {strides = array<i32>} : memref<80x128xf32, #tpu.memory_space<vmem>>, vector<1x16xf32>,
      %swap3A_76 = arith.index_cast %scan3A_41 : i32 to index
      %swap3A_77 = arith.constant 112 : index
      %swap3A_78 = tpu.vector_load %arg8[%swap3A_76, %swap3A_77] {strides = array<i32>} : memref<80x128xf32, #tpu.memory_space<vmem>>, vector<1x16xf32>,
      %swap3A_79 = vector.shape_cast %swap3A_78 : vector<1x16xf32> to vector<16xf32>
      %swap3A_80 = vector.shape_cast %broadcast_in_dim3A_1 : vector<16xf32> to vector<1x16xf32>
      tpu.vector_store %arg8[%swap3A_76, %swap3A_77], %swap3A_80 {strides = array<i32>} : memref<80x128xf32, #tpu.memory_space<vmem>>, vector<1x16xf32>,
    }
    %scan3A_6 = arith.constant 80 : i32
    %add3A = arith.constant 0 : i32
    %add3A_7 = arith.addi %mul3A_0, %add3A : i32
    "tpu.region"() ({
      %run_scoped3A_41 = tpu.sem_alloc : memref<!tpu.dma_semaphore, #tpu.memory_space<semaphore_mem>>
      %dma_start3A_42 = arith.constant 0 : i32
      %dma_start3A_43 = arith.constant 0 : i32
      %dma_start3A_44 = tpu.memref_slice %arg8[%dma_start3A_42, %dma_start3A_43] : memref<80x128xf32, #tpu.memory_space<vmem>> -> memref<80x128xf32, #tpu.memory_space<vmem>>
      %dma_start3A_45 = arith.constant 0 : i32
      %dma_start3A_46 = tpu.memref_slice %arg10[%add3A_7, %dma_start3A_45] : memref<10112x128xf32, #tpu.memory_space<vmem_shared>> -> memref<80x128xf32, #tpu.memory_space<vmem_shared>>
      %dma_start3A_47 = arith.constant 0 : i32
      %dma_start3A_48 = tpu.memref_slice %arg10[%add3A_7, %dma_start3A_47] : memref<10112x128xf32, #tpu.memory_space<vmem_shared>> -> memref<80x128xf32, #tpu.memory_space<vmem_shared>>
      %dma_start3A_49 = arith.constant 0 : i32
      %dma_start3A_50 = arith.constant 0 : i32
      %dma_start3A_51 = tpu.memref_slice %arg8[%dma_start3A_49, %dma_start3A_50] : memref<80x128xf32, #tpu.memory_space<vmem>> -> memref<80x128xf32, #tpu.memory_space<vmem>>
      tpu.enqueue_dma source(%dma_start3A_51 : memref<80x128xf32, #tpu.memory_space<vmem>>) target(%dma_start3A_48 : memref<80x128xf32, #tpu.memory_space<vmem_shared>>) target_semaphore(%run_scoped3A_41 : memref<!tpu.dma_semaphore, #tpu.memory_space<semaphore_mem>>)
      %dma_wait3A_52 = arith.constant 0 : i32
      %dma_wait3A_53 = arith.constant 0 : i32
      %dma_wait3A_54 = tpu.memref_slice %arg8[%dma_wait3A_52, %dma_wait3A_53] : memref<80x128xf32, #tpu.memory_space<vmem>> -> memref<80x128xf32, #tpu.memory_space<vmem>>
      %dma_wait3A_55 = arith.constant 0 : i32
      %dma_wait3A_56 = tpu.memref_slice %arg10[%add3A_7, %dma_wait3A_55] : memref<10112x128xf32, #tpu.memory_space<vmem_shared>> -> memref<80x128xf32, #tpu.memory_space<vmem_shared>>
      %dma_wait3A_57 = arith.constant 0 : i32
      %dma_wait3A_58 = tpu.memref_slice %arg10[%add3A_7, %dma_wait3A_57] : memref<10112x128xf32, #tpu.memory_space<vmem_shared>> -> memref<80x128xf32, #tpu.memory_space<vmem_shared>>
      %dma_wait3A_59 = arith.constant 0 : i32
      %dma_wait3A_60 = arith.constant 0 : i32
      %dma_wait3A_61 = tpu.memref_slice %arg8[%dma_wait3A_59, %dma_wait3A_60] : memref<80x128xf32, #tpu.memory_space<vmem>> -> memref<80x128xf32, #tpu.memory_space<vmem>>
      tpu.wait_dma2 semaphore(%run_scoped3A_41 : memref<!tpu.dma_semaphore, #tpu.memory_space<semaphore_mem>>) src(%dma_wait3A_61 : memref<80x128xf32, #tpu.memory_space<vmem>>) dst(%dma_wait3A_58 : memref<80x128xf32, #tpu.memory_space<vmem_shared>>)
      tpu.yield
    }) : () -> ()
    %add3A_8 = arith.constant 80 : i32
    %add3A_9 = arith.addi %mul3A_0, %add3A_8 : i32
    "tpu.region"() ({
      %run_scoped3A_41 = tpu.sem_alloc : memref<!tpu.dma_semaphore, #tpu.memory_space<semaphore_mem>>
      %dma_start3A_42 = arith.constant 0 : i32
      %dma_start3A_43 = arith.constant 0 : i32
      %dma_start3A_44 = tpu.memref_slice %arg8[%dma_start3A_42, %dma_start3A_43] : memref<80x128xf32, #tpu.memory_space<vmem>> -> memref<80x128xf32, #tpu.memory_space<vmem>>
      %dma_start3A_45 = arith.constant 0 : i32
      %dma_start3A_46 = tpu.memref_slice %arg10[%add3A_9, %dma_start3A_45] : memref<10112x128xf32, #tpu.memory_space<vmem_shared>> -> memref<80x128xf32, #tpu.memory_space<vmem_shared>>
      %dma_start3A_47 = arith.constant 0 : i32
      %dma_start3A_48 = tpu.memref_slice %arg10[%add3A_9, %dma_start3A_47] : memref<10112x128xf32, #tpu.memory_space<vmem_shared>> -> memref<80x128xf32, #tpu.memory_space<vmem_shared>>
      %dma_start3A_49 = arith.constant 0 : i32
      %dma_start3A_50 = arith.constant 0 : i32
      %dma_start3A_51 = tpu.memref_slice %arg8[%dma_start3A_49, %dma_start3A_50] : memref<80x128xf32, #tpu.memory_space<vmem>> -> memref<80x128xf32, #tpu.memory_space<vmem>>
      tpu.enqueue_dma source(%dma_start3A_51 : memref<80x128xf32, #tpu.memory_space<vmem>>) target(%dma_start3A_48 : memref<80x128xf32, #tpu.memory_space<vmem_shared>>) target_semaphore(%run_scoped3A_41 : memref<!tpu.dma_semaphore, #tpu.memory_space<semaphore_mem>>)
      %dma_wait3A_52 = arith.constant 0 : i32
      %dma_wait3A_53 = arith.constant 0 : i32
      %dma_wait3A_54 = tpu.memref_slice %arg8[%dma_wait3A_52, %dma_wait3A_53] : memref<80x128xf32, #tpu.memory_space<vmem>> -> memref<80x128xf32, #tpu.memory_space<vmem>>
      %dma_wait3A_55 = arith.constant 0 : i32
      %dma_wait3A_56 = tpu.memref_slice %arg10[%add3A_9, %dma_wait3A_55] : memref<10112x128xf32, #tpu.memory_space<vmem_shared>> -> memref<80x128xf32, #tpu.memory_space<vmem_shared>>
      %dma_wait3A_57 = arith.constant 0 : i32
      %dma_wait3A_58 = tpu.memref_slice %arg10[%add3A_9, %dma_wait3A_57] : memref<10112x128xf32, #tpu.memory_space<vmem_shared>> -> memref<80x128xf32, #tpu.memory_space<vmem_shared>>
      %dma_wait3A_59 = arith.constant 0 : i32
      %dma_wait3A_60 = arith.constant 0 : i32
      %dma_wait3A_61 = tpu.memref_slice %arg8[%dma_wait3A_59, %dma_wait3A_60] : memref<80x128xf32, #tpu.memory_space<vmem>> -> memref<80x128xf32, #tpu.memory_space<vmem>>
      tpu.wait_dma2 semaphore(%run_scoped3A_41 : memref<!tpu.dma_semaphore, #tpu.memory_space<semaphore_mem>>) src(%dma_wait3A_61 : memref<80x128xf32, #tpu.memory_space<vmem>>) dst(%dma_wait3A_58 : memref<80x128xf32, #tpu.memory_space<vmem_shared>>)
      tpu.yield
    }) : () -> ()
    %add3A_10 = arith.constant 160 : i32
    %add3A_11 = arith.addi %mul3A_0, %add3A_10 : i32
    "tpu.region"() ({
      %run_scoped3A_41 = tpu.sem_alloc : memref<!tpu.dma_semaphore, #tpu.memory_space<semaphore_mem>>
      %dma_start3A_42 = arith.constant 0 : i32
      %dma_start3A_43 = arith.constant 0 : i32
      %dma_start3A_44 = tpu.memref_slice %arg8[%dma_start3A_42, %dma_start3A_43] : memref<80x128xf32, #tpu.memory_space<vmem>> -> memref<80x128xf32, #tpu.memory_space<vmem>>
      %dma_start3A_45 = arith.constant 0 : i32
      %dma_start3A_46 = tpu.memref_slice %arg10[%add3A_11, %dma_start3A_45] : memref<10112x128xf32, #tpu.memory_space<vmem_shared>> -> memref<80x128xf32, #tpu.memory_space<vmem_shared>>
      %dma_start3A_47 = arith.constant 0 : i32
      %dma_start3A_48 = tpu.memref_slice %arg10[%add3A_11, %dma_start3A_47] : memref<10112x128xf32, #tpu.memory_space<vmem_shared>> -> memref<80x128xf32, #tpu.memory_space<vmem_shared>>
      %dma_start3A_49 = arith.constant 0 : i32
      %dma_start3A_50 = arith.constant 0 : i32
      %dma_start3A_51 = tpu.memref_slice %arg8[%dma_start3A_49, %dma_start3A_50] : memref<80x128xf32, #tpu.memory_space<vmem>> -> memref<80x128xf32, #tpu.memory_space<vmem>>
      tpu.enqueue_dma source(%dma_start3A_51 : memref<80x128xf32, #tpu.memory_space<vmem>>) target(%dma_start3A_48 : memref<80x128xf32, #tpu.memory_space<vmem_shared>>) target_semaphore(%run_scoped3A_41 : memref<!tpu.dma_semaphore, #tpu.memory_space<semaphore_mem>>)
      %dma_wait3A_52 = arith.constant 0 : i32
      %dma_wait3A_53 = arith.constant 0 : i32
      %dma_wait3A_54 = tpu.memref_slice %arg8[%dma_wait3A_52, %dma_wait3A_53] : memref<80x128xf32, #tpu.memory_space<vmem>> -> memref<80x128xf32, #tpu.memory_space<vmem>>
      %dma_wait3A_55 = arith.constant 0 : i32
      %dma_wait3A_56 = tpu.memref_slice %arg10[%add3A_11, %dma_wait3A_55] : memref<10112x128xf32, #tpu.memory_space<vmem_shared>> -> memref<80x128xf32, #tpu.memory_space<vmem_shared>>
      %dma_wait3A_57 = arith.constant 0 : i32
      %dma_wait3A_58 = tpu.memref_slice %arg10[%add3A_11, %dma_wait3A_57] : memref<10112x128xf32, #tpu.memory_space<vmem_shared>> -> memref<80x128xf32, #tpu.memory_space<vmem_shared>>
      %dma_wait3A_59 = arith.constant 0 : i32
      %dma_wait3A_60 = arith.constant 0 : i32
      %dma_wait3A_61 = tpu.memref_slice %arg8[%dma_wait3A_59, %dma_wait3A_60] : memref<80x128xf32, #tpu.memory_space<vmem>> -> memref<80x128xf32, #tpu.memory_space<vmem>>
      tpu.wait_dma2 semaphore(%run_scoped3A_41 : memref<!tpu.dma_semaphore, #tpu.memory_space<semaphore_mem>>) src(%dma_wait3A_61 : memref<80x128xf32, #tpu.memory_space<vmem>>) dst(%dma_wait3A_58 : memref<80x128xf32, #tpu.memory_space<vmem_shared>>)
      tpu.yield
    }) : () -> ()
    %add3A_12 = arith.constant 240 : i32
    %add3A_13 = arith.addi %mul3A_0, %add3A_12 : i32
    "tpu.region"() ({
      %run_scoped3A_41 = tpu.sem_alloc : memref<!tpu.dma_semaphore, #tpu.memory_space<semaphore_mem>>
      %dma_start3A_42 = arith.constant 0 : i32
      %dma_start3A_43 = arith.constant 0 : i32
      %dma_start3A_44 = tpu.memref_slice %arg8[%dma_start3A_42, %dma_start3A_43] : memref<80x128xf32, #tpu.memory_space<vmem>> -> memref<80x128xf32, #tpu.memory_space<vmem>>
      %dma_start3A_45 = arith.constant 0 : i32
      %dma_start3A_46 = tpu.memref_slice %arg10[%add3A_13, %dma_start3A_45] : memref<10112x128xf32, #tpu.memory_space<vmem_shared>> -> memref<80x128xf32, #tpu.memory_space<vmem_shared>>
      %dma_start3A_47 = arith.constant 0 : i32
      %dma_start3A_48 = tpu.memref_slice %arg10[%add3A_13, %dma_start3A_47] : memref<10112x128xf32, #tpu.memory_space<vmem_shared>> -> memref<80x128xf32, #tpu.memory_space<vmem_shared>>
      %dma_start3A_49 = arith.constant 0 : i32
      %dma_start3A_50 = arith.constant 0 : i32
      %dma_start3A_51 = tpu.memref_slice %arg8[%dma_start3A_49, %dma_start3A_50] : memref<80x128xf32, #tpu.memory_space<vmem>> -> memref<80x128xf32, #tpu.memory_space<vmem>>
      tpu.enqueue_dma source(%dma_start3A_51 : memref<80x128xf32, #tpu.memory_space<vmem>>) target(%dma_start3A_48 : memref<80x128xf32, #tpu.memory_space<vmem_shared>>) target_semaphore(%run_scoped3A_41 : memref<!tpu.dma_semaphore, #tpu.memory_space<semaphore_mem>>)
      %dma_wait3A_52 = arith.constant 0 : i32
      %dma_wait3A_53 = arith.constant 0 : i32
      %dma_wait3A_54 = tpu.memref_slice %arg8[%dma_wait3A_52, %dma_wait3A_53] : memref<80x128xf32, #tpu.memory_space<vmem>> -> memref<80x128xf32, #tpu.memory_space<vmem>>
      %dma_wait3A_55 = arith.constant 0 : i32
      %dma_wait3A_56 = tpu.memref_slice %arg10[%add3A_13, %dma_wait3A_55] : memref<10112x128xf32, #tpu.memory_space<vmem_shared>> -> memref<80x128xf32, #tpu.memory_space<vmem_shared>>
      %dma_wait3A_57 = arith.constant 0 : i32
      %dma_wait3A_58 = tpu.memref_slice %arg10[%add3A_13, %dma_wait3A_57] : memref<10112x128xf32, #tpu.memory_space<vmem_shared>> -> memref<80x128xf32, #tpu.memory_space<vmem_shared>>
      %dma_wait3A_59 = arith.constant 0 : i32
      %dma_wait3A_60 = arith.constant 0 : i32
      %dma_wait3A_61 = tpu.memref_slice %arg8[%dma_wait3A_59, %dma_wait3A_60] : memref<80x128xf32, #tpu.memory_space<vmem>> -> memref<80x128xf32, #tpu.memory_space<vmem>>
      tpu.wait_dma2 semaphore(%run_scoped3A_41 : memref<!tpu.dma_semaphore, #tpu.memory_space<semaphore_mem>>) src(%dma_wait3A_61 : memref<80x128xf32, #tpu.memory_space<vmem>>) dst(%dma_wait3A_58 : memref<80x128xf32, #tpu.memory_space<vmem_shared>>)
      tpu.yield
    }) : () -> ()
    %add3A_14 = arith.constant 320 : i32
    %add3A_15 = arith.addi %mul3A_0, %add3A_14 : i32
    "tpu.region"() ({
      %run_scoped3A_41 = tpu.sem_alloc : memref<!tpu.dma_semaphore, #tpu.memory_space<semaphore_mem>>
      %dma_start3A_42 = arith.constant 0 : i32
      %dma_start3A_43 = arith.constant 0 : i32
      %dma_start3A_44 = tpu.memref_slice %arg8[%dma_start3A_42, %dma_start3A_43] : memref<80x128xf32, #tpu.memory_space<vmem>> -> memref<80x128xf32, #tpu.memory_space<vmem>>
      %dma_start3A_45 = arith.constant 0 : i32
      %dma_start3A_46 = tpu.memref_slice %arg10[%add3A_15, %dma_start3A_45] : memref<10112x128xf32, #tpu.memory_space<vmem_shared>> -> memref<80x128xf32, #tpu.memory_space<vmem_shared>>
      %dma_start3A_47 = arith.constant 0 : i32
      %dma_start3A_48 = tpu.memref_slice %arg10[%add3A_15, %dma_start3A_47] : memref<10112x128xf32, #tpu.memory_space<vmem_shared>> -> memref<80x128xf32, #tpu.memory_space<vmem_shared>>
      %dma_start3A_49 = arith.constant 0 : i32
      %dma_start3A_50 = arith.constant 0 : i32
      %dma_start3A_51 = tpu.memref_slice %arg8[%dma_start3A_49, %dma_start3A_50] : memref<80x128xf32, #tpu.memory_space<vmem>> -> memref<80x128xf32, #tpu.memory_space<vmem>>
      tpu.enqueue_dma source(%dma_start3A_51 : memref<80x128xf32, #tpu.memory_space<vmem>>) target(%dma_start3A_48 : memref<80x128xf32, #tpu.memory_space<vmem_shared>>) target_semaphore(%run_scoped3A_41 : memref<!tpu.dma_semaphore, #tpu.memory_space<semaphore_mem>>)
      %dma_wait3A_52 = arith.constant 0 : i32
      %dma_wait3A_53 = arith.constant 0 : i32
      %dma_wait3A_54 = tpu.memref_slice %arg8[%dma_wait3A_52, %dma_wait3A_53] : memref<80x128xf32, #tpu.memory_space<vmem>> -> memref<80x128xf32, #tpu.memory_space<vmem>>
      %dma_wait3A_55 = arith.constant 0 : i32
      %dma_wait3A_56 = tpu.memref_slice %arg10[%add3A_15, %dma_wait3A_55] : memref<10112x128xf32, #tpu.memory_space<vmem_shared>> -> memref<80x128xf32, #tpu.memory_space<vmem_shared>>
      %dma_wait3A_57 = arith.constant 0 : i32
      %dma_wait3A_58 = tpu.memref_slice %arg10[%add3A_15, %dma_wait3A_57] : memref<10112x128xf32, #tpu.memory_space<vmem_shared>> -> memref<80x128xf32, #tpu.memory_space<vmem_shared>>
      %dma_wait3A_59 = arith.constant 0 : i32
      %dma_wait3A_60 = arith.constant 0 : i32
      %dma_wait3A_61 = tpu.memref_slice %arg8[%dma_wait3A_59, %dma_wait3A_60] : memref<80x128xf32, #tpu.memory_space<vmem>> -> memref<80x128xf32, #tpu.memory_space<vmem>>
      tpu.wait_dma2 semaphore(%run_scoped3A_41 : memref<!tpu.dma_semaphore, #tpu.memory_space<semaphore_mem>>) src(%dma_wait3A_61 : memref<80x128xf32, #tpu.memory_space<vmem>>) dst(%dma_wait3A_58 : memref<80x128xf32, #tpu.memory_space<vmem_shared>>)
      tpu.yield
    }) : () -> ()
    %add3A_16 = arith.constant 400 : i32
    %add3A_17 = arith.addi %mul3A_0, %add3A_16 : i32
    "tpu.region"() ({
      %run_scoped3A_41 = tpu.sem_alloc : memref<!tpu.dma_semaphore, #tpu.memory_space<semaphore_mem>>
      %dma_start3A_42 = arith.constant 0 : i32
      %dma_start3A_43 = arith.constant 0 : i32
      %dma_start3A_44 = tpu.memref_slice %arg8[%dma_start3A_42, %dma_start3A_43] : memref<80x128xf32, #tpu.memory_space<vmem>> -> memref<80x128xf32, #tpu.memory_space<vmem>>
      %dma_start3A_45 = arith.constant 0 : i32
      %dma_start3A_46 = tpu.memref_slice %arg10[%add3A_17, %dma_start3A_45] : memref<10112x128xf32, #tpu.memory_space<vmem_shared>> -> memref<80x128xf32, #tpu.memory_space<vmem_shared>>
      %dma_start3A_47 = arith.constant 0 : i32
      %dma_start3A_48 = tpu.memref_slice %arg10[%add3A_17, %dma_start3A_47] : memref<10112x128xf32, #tpu.memory_space<vmem_shared>> -> memref<80x128xf32, #tpu.memory_space<vmem_shared>>
      %dma_start3A_49 = arith.constant 0 : i32
      %dma_start3A_50 = arith.constant 0 : i32
      %dma_start3A_51 = tpu.memref_slice %arg8[%dma_start3A_49, %dma_start3A_50] : memref<80x128xf32, #tpu.memory_space<vmem>> -> memref<80x128xf32, #tpu.memory_space<vmem>>
      tpu.enqueue_dma source(%dma_start3A_51 : memref<80x128xf32, #tpu.memory_space<vmem>>) target(%dma_start3A_48 : memref<80x128xf32, #tpu.memory_space<vmem_shared>>) target_semaphore(%run_scoped3A_41 : memref<!tpu.dma_semaphore, #tpu.memory_space<semaphore_mem>>)
      %dma_wait3A_52 = arith.constant 0 : i32
      %dma_wait3A_53 = arith.constant 0 : i32
      %dma_wait3A_54 = tpu.memref_slice %arg8[%dma_wait3A_52, %dma_wait3A_53] : memref<80x128xf32, #tpu.memory_space<vmem>> -> memref<80x128xf32, #tpu.memory_space<vmem>>
      %dma_wait3A_55 = arith.constant 0 : i32
      %dma_wait3A_56 = tpu.memref_slice %arg10[%add3A_17, %dma_wait3A_55] : memref<10112x128xf32, #tpu.memory_space<vmem_shared>> -> memref<80x128xf32, #tpu.memory_space<vmem_shared>>
      %dma_wait3A_57 = arith.constant 0 : i32
      %dma_wait3A_58 = tpu.memref_slice %arg10[%add3A_17, %dma_wait3A_57] : memref<10112x128xf32, #tpu.memory_space<vmem_shared>> -> memref<80x128xf32, #tpu.memory_space<vmem_shared>>
      %dma_wait3A_59 = arith.constant 0 : i32
      %dma_wait3A_60 = arith.constant 0 : i32
      %dma_wait3A_61 = tpu.memref_slice %arg8[%dma_wait3A_59, %dma_wait3A_60] : memref<80x128xf32, #tpu.memory_space<vmem>> -> memref<80x128xf32, #tpu.memory_space<vmem>>
      tpu.wait_dma2 semaphore(%run_scoped3A_41 : memref<!tpu.dma_semaphore, #tpu.memory_space<semaphore_mem>>) src(%dma_wait3A_61 : memref<80x128xf32, #tpu.memory_space<vmem>>) dst(%dma_wait3A_58 : memref<80x128xf32, #tpu.memory_space<vmem_shared>>)
      tpu.yield
    }) : () -> ()
    %add3A_18 = arith.constant 480 : i32
    %add3A_19 = arith.addi %mul3A_0, %add3A_18 : i32
    "tpu.region"() ({
      %run_scoped3A_41 = tpu.sem_alloc : memref<!tpu.dma_semaphore, #tpu.memory_space<semaphore_mem>>
      %dma_start3A_42 = arith.constant 0 : i32
      %dma_start3A_43 = arith.constant 0 : i32
      %dma_start3A_44 = tpu.memref_slice %arg8[%dma_start3A_42, %dma_start3A_43] : memref<80x128xf32, #tpu.memory_space<vmem>> -> memref<80x128xf32, #tpu.memory_space<vmem>>
      %dma_start3A_45 = arith.constant 0 : i32
      %dma_start3A_46 = tpu.memref_slice %arg10[%add3A_19, %dma_start3A_45] : memref<10112x128xf32, #tpu.memory_space<vmem_shared>> -> memref<80x128xf32, #tpu.memory_space<vmem_shared>>
      %dma_start3A_47 = arith.constant 0 : i32
      %dma_start3A_48 = tpu.memref_slice %arg10[%add3A_19, %dma_start3A_47] : memref<10112x128xf32, #tpu.memory_space<vmem_shared>> -> memref<80x128xf32, #tpu.memory_space<vmem_shared>>
      %dma_start3A_49 = arith.constant 0 : i32
      %dma_start3A_50 = arith.constant 0 : i32
      %dma_start3A_51 = tpu.memref_slice %arg8[%dma_start3A_49, %dma_start3A_50] : memref<80x128xf32, #tpu.memory_space<vmem>> -> memref<80x128xf32, #tpu.memory_space<vmem>>
      tpu.enqueue_dma source(%dma_start3A_51 : memref<80x128xf32, #tpu.memory_space<vmem>>) target(%dma_start3A_48 : memref<80x128xf32, #tpu.memory_space<vmem_shared>>) target_semaphore(%run_scoped3A_41 : memref<!tpu.dma_semaphore, #tpu.memory_space<semaphore_mem>>)
      %dma_wait3A_52 = arith.constant 0 : i32
      %dma_wait3A_53 = arith.constant 0 : i32
      %dma_wait3A_54 = tpu.memref_slice %arg8[%dma_wait3A_52, %dma_wait3A_53] : memref<80x128xf32, #tpu.memory_space<vmem>> -> memref<80x128xf32, #tpu.memory_space<vmem>>
      %dma_wait3A_55 = arith.constant 0 : i32
      %dma_wait3A_56 = tpu.memref_slice %arg10[%add3A_19, %dma_wait3A_55] : memref<10112x128xf32, #tpu.memory_space<vmem_shared>> -> memref<80x128xf32, #tpu.memory_space<vmem_shared>>
      %dma_wait3A_57 = arith.constant 0 : i32
      %dma_wait3A_58 = tpu.memref_slice %arg10[%add3A_19, %dma_wait3A_57] : memref<10112x128xf32, #tpu.memory_space<vmem_shared>> -> memref<80x128xf32, #tpu.memory_space<vmem_shared>>
      %dma_wait3A_59 = arith.constant 0 : i32
      %dma_wait3A_60 = arith.constant 0 : i32
      %dma_wait3A_61 = tpu.memref_slice %arg8[%dma_wait3A_59, %dma_wait3A_60] : memref<80x128xf32, #tpu.memory_space<vmem>> -> memref<80x128xf32, #tpu.memory_space<vmem>>
      tpu.wait_dma2 semaphore(%run_scoped3A_41 : memref<!tpu.dma_semaphore, #tpu.memory_space<semaphore_mem>>) src(%dma_wait3A_61 : memref<80x128xf32, #tpu.memory_space<vmem>>) dst(%dma_wait3A_58 : memref<80x128xf32, #tpu.memory_space<vmem_shared>>)
      tpu.yield
    }) : () -> ()
    %add3A_20 = arith.constant 560 : i32
    %add3A_21 = arith.addi %mul3A_0, %add3A_20 : i32
    "tpu.region"() ({
      %run_scoped3A_41 = tpu.sem_alloc : memref<!tpu.dma_semaphore, #tpu.memory_space<semaphore_mem>>
      %dma_start3A_42 = arith.constant 0 : i32
      %dma_start3A_43 = arith.constant 0 : i32
      %dma_start3A_44 = tpu.memref_slice %arg8[%dma_start3A_42, %dma_start3A_43] : memref<80x128xf32, #tpu.memory_space<vmem>> -> memref<72x128xf32, #tpu.memory_space<vmem>>
      %dma_start3A_45 = arith.constant 0 : i32
      %dma_start3A_46 = tpu.memref_slice %arg10[%add3A_21, %dma_start3A_45] : memref<10112x128xf32, #tpu.memory_space<vmem_shared>> -> memref<72x128xf32, #tpu.memory_space<vmem_shared>>
      %dma_start3A_47 = arith.constant 0 : i32
      %dma_start3A_48 = tpu.memref_slice %arg10[%add3A_21, %dma_start3A_47] : memref<10112x128xf32, #tpu.memory_space<vmem_shared>> -> memref<72x128xf32, #tpu.memory_space<vmem_shared>>
      %dma_start3A_49 = arith.constant 0 : i32
      %dma_start3A_50 = arith.constant 0 : i32
      %dma_start3A_51 = tpu.memref_slice %arg8[%dma_start3A_49, %dma_start3A_50] : memref<80x128xf32, #tpu.memory_space<vmem>> -> memref<72x128xf32, #tpu.memory_space<vmem>>
      tpu.enqueue_dma source(%dma_start3A_51 : memref<72x128xf32, #tpu.memory_space<vmem>>) target(%dma_start3A_48 : memref<72x128xf32, #tpu.memory_space<vmem_shared>>) target_semaphore(%run_scoped3A_41 : memref<!tpu.dma_semaphore, #tpu.memory_space<semaphore_mem>>)
      %dma_wait3A_52 = arith.constant 0 : i32
      %dma_wait3A_53 = arith.constant 0 : i32
      %dma_wait3A_54 = tpu.memref_slice %arg8[%dma_wait3A_52, %dma_wait3A_53] : memref<80x128xf32, #tpu.memory_space<vmem>> -> memref<72x128xf32, #tpu.memory_space<vmem>>
      %dma_wait3A_55 = arith.constant 0 : i32
      %dma_wait3A_56 = tpu.memref_slice %arg10[%add3A_21, %dma_wait3A_55] : memref<10112x128xf32, #tpu.memory_space<vmem_shared>> -> memref<72x128xf32, #tpu.memory_space<vmem_shared>>
      %dma_wait3A_57 = arith.constant 0 : i32
      %dma_wait3A_58 = tpu.memref_slice %arg10[%add3A_21, %dma_wait3A_57] : memref<10112x128xf32, #tpu.memory_space<vmem_shared>> -> memref<72x128xf32, #tpu.memory_space<vmem_shared>>
      %dma_wait3A_59 = arith.constant 0 : i32
      %dma_wait3A_60 = arith.constant 0 : i32
      %dma_wait3A_61 = tpu.memref_slice %arg8[%dma_wait3A_59, %dma_wait3A_60] : memref<80x128xf32, #tpu.memory_space<vmem>> -> memref<72x128xf32, #tpu.memory_space<vmem>>
      tpu.wait_dma2 semaphore(%run_scoped3A_41 : memref<!tpu.dma_semaphore, #tpu.memory_space<semaphore_mem>>) src(%dma_wait3A_61 : memref<72x128xf32, #tpu.memory_space<vmem>>) dst(%dma_wait3A_58 : memref<72x128xf32, #tpu.memory_space<vmem_shared>>)
      tpu.yield
    }) : () -> ()
    %barrier3A = arith.constant 0 : index
    tpu.barrier barrier_id(%barrier3A)
    %dma_start3A = arith.constant 0 : i32
    %dma_start3A_22 = arith.constant 0 : i32
    %dma_start3A_23 = tpu.memref_slice %arg6[%dma_start3A, %dma_start3A_22] : memref<125x80xi32, #tpu.memory_space<vmem>> -> memref<1x80xi32, #tpu.memory_space<vmem>>
    %dma_start3A_24 = tpu.memref_squeeze %dma_start3A_23 : memref<1x80xi32, #tpu.memory_space<vmem>> -> memref<80xi32, #tpu.memory_space<vmem>>
    %dma_start3A_25 = arith.constant 0 : i32
    %dma_start3A_26 = arith.constant 0 : i32
    %dma_start3A_27 = tpu.memref_slice %arg2[%dma_start3A_25, %dma_start3A_26] : memref<2560x128xf32, #tpu.memory_space<hbm>> -> memref<2560x128xf32, #tpu.memory_space<hbm>>
    tpu.enqueue_indirect_dma source(%dma_start3A_27 : memref<2560x128xf32, #tpu.memory_space<hbm>>) target(%arg8 : memref<80x128xf32, #tpu.memory_space<vmem>>) offsets(%dma_start3A_24 : memref<80xi32, #tpu.memory_space<vmem>>) semaphore(%arg11 : memref<!tpu.dma_semaphore, #tpu.memory_space<semaphore_mem>>)
    %scan3A_28 = arith.constant 0 : i32
    %scan3A_29 = arith.constant 0 : i32
    %scan3A_30 = arith.constant 62 : i32
    %scan3A_31 = arith.addi %scan3A_29, %scan3A_30 : i32
    %scan3A_32 = arith.constant 1 : i32
    scf.for %scan3A_41 = %scan3A_29 to %scan3A_31 step %scan3A_32  : i32 {
      %mul3A_42 = arith.constant 2 : i32
      %mul3A_43 = arith.muli %scan3A_41, %mul3A_42 : i32
      %add3A_44 = arith.constant 1 : i32
      %add3A_45 = arith.addi %mul3A_43, %add3A_44 : i32
      %dma_start3A_46 = arith.constant 0 : i32
      %dma_start3A_47 = tpu.memref_slice %arg6[%add3A_45, %dma_start3A_46] : memref<125x80xi32, #tpu.memory_space<vmem>> -> memref<1x80xi32, #tpu.memory_space<vmem>>
      %dma_start3A_48 = tpu.memref_squeeze %dma_start3A_47 : memref<1x80xi32, #tpu.memory_space<vmem>> -> memref<80xi32, #tpu.memory_space<vmem>>
      %dma_start3A_49 = arith.constant 0 : i32
      %dma_start3A_50 = arith.constant 0 : i32
      %dma_start3A_51 = tpu.memref_slice %arg2[%dma_start3A_49, %dma_start3A_50] : memref<2560x128xf32, #tpu.memory_space<hbm>> -> memref<2560x128xf32, #tpu.memory_space<hbm>>
      tpu.enqueue_indirect_dma source(%dma_start3A_51 : memref<2560x128xf32, #tpu.memory_space<hbm>>) target(%arg9 : memref<80x128xf32, #tpu.memory_space<vmem>>) offsets(%dma_start3A_48 : memref<80xi32, #tpu.memory_space<vmem>>) semaphore(%arg12 : memref<!tpu.dma_semaphore, #tpu.memory_space<semaphore_mem>>)
      %dma_wait3A_52 = arith.constant 0 : i32
      %dma_wait3A_53 = tpu.memref_slice %arg6[%mul3A_43, %dma_wait3A_52] : memref<125x80xi32, #tpu.memory_space<vmem>> -> memref<1x80xi32, #tpu.memory_space<vmem>>
      %dma_wait3A_54 = tpu.memref_squeeze %dma_wait3A_53 : memref<1x80xi32, #tpu.memory_space<vmem>> -> memref<80xi32, #tpu.memory_space<vmem>>
      %dma_wait3A_55 = arith.constant 0 : i32
      %dma_wait3A_56 = arith.constant 0 : i32
      %dma_wait3A_57 = tpu.memref_slice %arg2[%dma_wait3A_55, %dma_wait3A_56] : memref<2560x128xf32, #tpu.memory_space<hbm>> -> memref<2560x128xf32, #tpu.memory_space<hbm>>
      tpu.wait_indirect_dma semaphore(%arg11 : memref<!tpu.dma_semaphore, #tpu.memory_space<semaphore_mem>>) src(%dma_wait3A_57 : memref<2560x128xf32, #tpu.memory_space<hbm>>) dst(%arg8 : memref<80x128xf32, #tpu.memory_space<vmem>>)
      "tpu.region"() ({
        %run_scoped3A_72 = tpu.sem_alloc : memref<!tpu.dma_semaphore, #tpu.memory_space<semaphore_mem>>
        %dma_start3A_73 = arith.constant 0 : i32
        %dma_start3A_74 = tpu.memref_slice %arg7[%mul3A_43, %dma_start3A_73] : memref<125x80xi32, #tpu.memory_space<vmem>> -> memref<1x80xi32, #tpu.memory_space<vmem>>
        %dma_start3A_75 = tpu.memref_squeeze %dma_start3A_74 : memref<1x80xi32, #tpu.memory_space<vmem>> -> memref<80xi32, #tpu.memory_space<vmem>>
        %dma_start3A_76 = arith.constant 0 : i32
        %dma_start3A_77 = arith.constant 0 : i32
        %dma_start3A_78 = tpu.memref_slice %arg10[%dma_start3A_76, %dma_start3A_77] : memref<10112x128xf32, #tpu.memory_space<vmem_shared>> -> memref<10112x128xf32, #tpu.memory_space<vmem_shared>>
        tpu.enqueue_indirect_dma source(%arg8 : memref<80x128xf32, #tpu.memory_space<vmem>>) target(%dma_start3A_78 : memref<10112x128xf32, #tpu.memory_space<vmem_shared>>) offsets(%dma_start3A_75 : memref<80xi32, #tpu.memory_space<vmem>>) semaphore(%run_scoped3A_72 : memref<!tpu.dma_semaphore, #tpu.memory_space<semaphore_mem>>) {add = true}
        %dma_wait3A_79 = arith.constant 0 : i32
        %dma_wait3A_80 = tpu.memref_slice %arg7[%mul3A_43, %dma_wait3A_79] : memref<125x80xi32, #tpu.memory_space<vmem>> -> memref<1x80xi32, #tpu.memory_space<vmem>>
        %dma_wait3A_81 = tpu.memref_squeeze %dma_wait3A_80 : memref<1x80xi32, #tpu.memory_space<vmem>> -> memref<80xi32, #tpu.memory_space<vmem>>
        %dma_wait3A_82 = arith.constant 0 : i32
        %dma_wait3A_83 = arith.constant 0 : i32
        %dma_wait3A_84 = tpu.memref_slice %arg10[%dma_wait3A_82, %dma_wait3A_83] : memref<10112x128xf32, #tpu.memory_space<vmem_shared>> -> memref<10112x128xf32, #tpu.memory_space<vmem_shared>>
        tpu.wait_indirect_dma semaphore(%run_scoped3A_72 : memref<!tpu.dma_semaphore, #tpu.memory_space<semaphore_mem>>) src(%arg8 : memref<80x128xf32, #tpu.memory_space<vmem>>) dst(%dma_wait3A_84 : memref<10112x128xf32, #tpu.memory_space<vmem_shared>>)
        tpu.yield
      }) : () -> ()
      %add3A_58 = arith.constant 2 : i32
      %add3A_59 = arith.addi %mul3A_43, %add3A_58 : i32
      %lt3A = arith.constant 125 : i32
      %lt3A_60 = arith.cmpi slt, %add3A_59, %lt3A : i32
      %convert_element_type3A = arith.extui %lt3A_60 : i1 to i32
      %cond3A = arith.constant 0 : i32
      %cond3A_61 = arith.cmpi ne, %convert_element_type3A, %cond3A : i32
      scf.if %cond3A_61 {
        %add3A_72 = arith.constant 2 : i32
        %add3A_73 = arith.addi %mul3A_43, %add3A_72 : i32
        %dma_start3A_74 = arith.constant 0 : i32
        %dma_start3A_75 = tpu.memref_slice %arg6[%add3A_73, %dma_start3A_74] : memref<125x80xi32, #tpu.memory_space<vmem>> -> memref<1x80xi32, #tpu.memory_space<vmem>>
        %dma_start3A_76 = tpu.memref_squeeze %dma_start3A_75 : memref<1x80xi32, #tpu.memory_space<vmem>> -> memref<80xi32, #tpu.memory_space<vmem>>
        %dma_start3A_77 = arith.constant 0 : i32
        %dma_start3A_78 = arith.constant 0 : i32
        %dma_start3A_79 = tpu.memref_slice %arg2[%dma_start3A_77, %dma_start3A_78] : memref<2560x128xf32, #tpu.memory_space<hbm>> -> memref<2560x128xf32, #tpu.memory_space<hbm>>
        tpu.enqueue_indirect_dma source(%dma_start3A_79 : memref<2560x128xf32, #tpu.memory_space<hbm>>) target(%arg8 : memref<80x128xf32, #tpu.memory_space<vmem>>) offsets(%dma_start3A_76 : memref<80xi32, #tpu.memory_space<vmem>>) semaphore(%arg11 : memref<!tpu.dma_semaphore, #tpu.memory_space<semaphore_mem>>)
      } else {
      }
      %add3A_62 = arith.constant 1 : i32
      %add3A_63 = arith.addi %mul3A_43, %add3A_62 : i32
      %dma_wait3A_64 = arith.constant 0 : i32
      %dma_wait3A_65 = tpu.memref_slice %arg6[%add3A_63, %dma_wait3A_64] : memref<125x80xi32, #tpu.memory_space<vmem>> -> memref<1x80xi32, #tpu.memory_space<vmem>>
      %dma_wait3A_66 = tpu.memref_squeeze %dma_wait3A_65 : memref<1x80xi32, #tpu.memory_space<vmem>> -> memref<80xi32, #tpu.memory_space<vmem>>
      %dma_wait3A_67 = arith.constant 0 : i32
      %dma_wait3A_68 = arith.constant 0 : i32
      %dma_wait3A_69 = tpu.memref_slice %arg2[%dma_wait3A_67, %dma_wait3A_68] : memref<2560x128xf32, #tpu.memory_space<hbm>> -> memref<2560x128xf32, #tpu.memory_space<hbm>>
      tpu.wait_indirect_dma semaphore(%arg12 : memref<!tpu.dma_semaphore, #tpu.memory_space<semaphore_mem>>) src(%dma_wait3A_69 : memref<2560x128xf32, #tpu.memory_space<hbm>>) dst(%arg9 : memref<80x128xf32, #tpu.memory_space<vmem>>)
      %add3A_70 = arith.constant 1 : i32
      %add3A_71 = arith.addi %mul3A_43, %add3A_70 : i32
      "tpu.region"() ({
        %run_scoped3A_72 = tpu.sem_alloc : memref<!tpu.dma_semaphore, #tpu.memory_space<semaphore_mem>>
        %dma_start3A_73 = arith.constant 0 : i32
        %dma_start3A_74 = tpu.memref_slice %arg7[%add3A_71, %dma_start3A_73] : memref<125x80xi32, #tpu.memory_space<vmem>> -> memref<1x80xi32, #tpu.memory_space<vmem>>
        %dma_start3A_75 = tpu.memref_squeeze %dma_start3A_74 : memref<1x80xi32, #tpu.memory_space<vmem>> -> memref<80xi32, #tpu.memory_space<vmem>>
        %dma_start3A_76 = arith.constant 0 : i32
        %dma_start3A_77 = arith.constant 0 : i32
        %dma_start3A_78 = tpu.memref_slice %arg10[%dma_start3A_76, %dma_start3A_77] : memref<10112x128xf32, #tpu.memory_space<vmem_shared>> -> memref<10112x128xf32, #tpu.memory_space<vmem_shared>>
        tpu.enqueue_indirect_dma source(%arg9 : memref<80x128xf32, #tpu.memory_space<vmem>>) target(%dma_start3A_78 : memref<10112x128xf32, #tpu.memory_space<vmem_shared>>) offsets(%dma_start3A_75 : memref<80xi32, #tpu.memory_space<vmem>>) semaphore(%run_scoped3A_72 : memref<!tpu.dma_semaphore, #tpu.memory_space<semaphore_mem>>) {add = true}
        %dma_wait3A_79 = arith.constant 0 : i32
        %dma_wait3A_80 = tpu.memref_slice %arg7[%add3A_71, %dma_wait3A_79] : memref<125x80xi32, #tpu.memory_space<vmem>> -> memref<1x80xi32, #tpu.memory_space<vmem>>
        %dma_wait3A_81 = tpu.memref_squeeze %dma_wait3A_80 : memref<1x80xi32, #tpu.memory_space<vmem>> -> memref<80xi32, #tpu.memory_space<vmem>>
        %dma_wait3A_82 = arith.constant 0 : i32
        %dma_wait3A_83 = arith.constant 0 : i32
        %dma_wait3A_84 = tpu.memref_slice %arg10[%dma_wait3A_82, %dma_wait3A_83] : memref<10112x128xf32, #tpu.memory_space<vmem_shared>> -> memref<10112x128xf32, #tpu.memory_space<vmem_shared>>
        tpu.wait_indirect_dma semaphore(%run_scoped3A_72 : memref<!tpu.dma_semaphore, #tpu.memory_space<semaphore_mem>>) src(%arg9 : memref<80x128xf32, #tpu.memory_space<vmem>>) dst(%dma_wait3A_84 : memref<10112x128xf32, #tpu.memory_space<vmem_shared>>)
        tpu.yield
      }) : () -> ()
    }
    %scan3A_33 = arith.constant 62 : i32
    %dma_wait3A = arith.constant 124 : i32
    %dma_wait3A_34 = arith.constant 0 : i32
    %dma_wait3A_35 = tpu.memref_slice %arg6[%dma_wait3A, %dma_wait3A_34] : memref<125x80xi32, #tpu.memory_space<vmem>> -> memref<1x80xi32, #tpu.memory_space<vmem>>
    %dma_wait3A_36 = tpu.memref_squeeze %dma_wait3A_35 : memref<1x80xi32, #tpu.memory_space<vmem>> -> memref<80xi32, #tpu.memory_space<vmem>>
    %dma_wait3A_37 = arith.constant 0 : i32
    %dma_wait3A_38 = arith.constant 0 : i32
    %dma_wait3A_39 = tpu.memref_slice %arg2[%dma_wait3A_37, %dma_wait3A_38] : memref<2560x128xf32, #tpu.memory_space<hbm>> -> memref<2560x128xf32, #tpu.memory_space<hbm>>
    tpu.wait_indirect_dma semaphore(%arg11 : memref<!tpu.dma_semaphore, #tpu.memory_space<semaphore_mem>>) src(%dma_wait3A_39 : memref<2560x128xf32, #tpu.memory_space<hbm>>) dst(%arg8 : memref<80x128xf32, #tpu.memory_space<vmem>>)
    %run_scoped3A = arith.constant 124 : i32
    "tpu.region"() ({
      %run_scoped3A_41 = tpu.sem_alloc : memref<!tpu.dma_semaphore, #tpu.memory_space<semaphore_mem>>
      %dma_start3A_42 = arith.constant 0 : i32
      %dma_start3A_43 = tpu.memref_slice %arg7[%run_scoped3A, %dma_start3A_42] : memref<125x80xi32, #tpu.memory_space<vmem>> -> memref<1x80xi32, #tpu.memory_space<vmem>>
      %dma_start3A_44 = tpu.memref_squeeze %dma_start3A_43 : memref<1x80xi32, #tpu.memory_space<vmem>> -> memref<80xi32, #tpu.memory_space<vmem>>
      %dma_start3A_45 = arith.constant 0 : i32
      %dma_start3A_46 = arith.constant 0 : i32
      %dma_start3A_47 = tpu.memref_slice %arg10[%dma_start3A_45, %dma_start3A_46] : memref<10112x128xf32, #tpu.memory_space<vmem_shared>> -> memref<10112x128xf32, #tpu.memory_space<vmem_shared>>
      tpu.enqueue_indirect_dma source(%arg8 : memref<80x128xf32, #tpu.memory_space<vmem>>) target(%dma_start3A_47 : memref<10112x128xf32, #tpu.memory_space<vmem_shared>>) offsets(%dma_start3A_44 : memref<80xi32, #tpu.memory_space<vmem>>) semaphore(%run_scoped3A_41 : memref<!tpu.dma_semaphore, #tpu.memory_space<semaphore_mem>>) {add = true}
      %dma_wait3A_48 = arith.constant 0 : i32
      %dma_wait3A_49 = tpu.memref_slice %arg7[%run_scoped3A, %dma_wait3A_48] : memref<125x80xi32, #tpu.memory_space<vmem>> -> memref<1x80xi32, #tpu.memory_space<vmem>>
      %dma_wait3A_50 = tpu.memref_squeeze %dma_wait3A_49 : memref<1x80xi32, #tpu.memory_space<vmem>> -> memref<80xi32, #tpu.memory_space<vmem>>
      %dma_wait3A_51 = arith.constant 0 : i32
      %dma_wait3A_52 = arith.constant 0 : i32
      %dma_wait3A_53 = tpu.memref_slice %arg10[%dma_wait3A_51, %dma_wait3A_52] : memref<10112x128xf32, #tpu.memory_space<vmem_shared>> -> memref<10112x128xf32, #tpu.memory_space<vmem_shared>>
      tpu.wait_indirect_dma semaphore(%run_scoped3A_41 : memref<!tpu.dma_semaphore, #tpu.memory_space<semaphore_mem>>) src(%arg8 : memref<80x128xf32, #tpu.memory_space<vmem>>) dst(%dma_wait3A_53 : memref<10112x128xf32, #tpu.memory_space<vmem_shared>>)
      tpu.yield
    }) : () -> ()
    %barrier3A_40 = arith.constant 0 : index
    tpu.barrier barrier_id(%barrier3A_40)
    "tpu.region"() ({
      %run_scoped3A_41 = tpu.sem_alloc : memref<!tpu.dma_semaphore, #tpu.memory_space<semaphore_mem>>
      %dma_start3A_42 = arith.constant 0 : i32
      %dma_start3A_43 = tpu.memref_slice %arg5[%arg0, %mul3A_0, %dma_start3A_42] : memref<2x10112x128xf32, #tpu.memory_space<hbm>> -> memref<1x632x128xf32, #tpu.memory_space<hbm>>
      %dma_start3A_44 = tpu.memref_squeeze %dma_start3A_43 : memref<1x632x128xf32, #tpu.memory_space<hbm>> -> memref<632x128xf32, #tpu.memory_space<hbm>>
      %dma_start3A_45 = arith.constant 0 : i32
      %dma_start3A_46 = tpu.memref_slice %arg10[%mul3A_0, %dma_start3A_45] : memref<10112x128xf32, #tpu.memory_space<vmem_shared>> -> memref<632x128xf32, #tpu.memory_space<vmem_shared>>
      tpu.enqueue_dma source(%dma_start3A_46 : memref<632x128xf32, #tpu.memory_space<vmem_shared>>) target(%dma_start3A_44 : memref<632x128xf32, #tpu.memory_space<hbm>>) target_semaphore(%run_scoped3A_41 : memref<!tpu.dma_semaphore, #tpu.memory_space<semaphore_mem>>)
      %dma_wait3A_47 = arith.constant 0 : i32
      %dma_wait3A_48 = tpu.memref_slice %arg5[%arg0, %mul3A_0, %dma_wait3A_47] : memref<2x10112x128xf32, #tpu.memory_space<hbm>> -> memref<1x632x128xf32, #tpu.memory_space<hbm>>
      %dma_wait3A_49 = tpu.memref_squeeze %dma_wait3A_48 : memref<1x632x128xf32, #tpu.memory_space<hbm>> -> memref<632x128xf32, #tpu.memory_space<hbm>>
      %dma_wait3A_50 = arith.constant 0 : i32
      %dma_wait3A_51 = tpu.memref_slice %arg10[%mul3A_0, %dma_wait3A_50] : memref<10112x128xf32, #tpu.memory_space<vmem_shared>> -> memref<632x128xf32, #tpu.memory_space<vmem_shared>>
      tpu.wait_dma2 semaphore(%run_scoped3A_41 : memref<!tpu.dma_semaphore, #tpu.memory_space<semaphore_mem>>) src(%dma_wait3A_51 : memref<632x128xf32, #tpu.memory_space<vmem_shared>>) dst(%dma_wait3A_49 : memref<632x128xf32, #tpu.memory_space<hbm>>)
      tpu.yield
    }) : () -> ()
    return
  }
}

#map = affine_map<(d0, d1) -> (0, 0)>
#map1 = affine_map<(d0, d1) -> (0, 0, 0, 0)>
#map2 = affine_map<(d0, d1) -> (0, 0, 0)>
module attributes {stable_mosaic.version = 14 : i64} {
  func.func @_SEG_E_DEG(%arg0: i32, %arg1: i32, %arg2: memref<10000x128xf32, #tpu.memory_space<hbm>>, %arg3: memref<2x16x125x80xi32, #tpu.memory_space<hbm>>, %arg4: memref<2x16x125x80xi32, #tpu.memory_space<hbm>>, %arg5: memref<2x2560x128xf32, #tpu.memory_space<hbm>>, %arg6: memref<2x2560x16xf32, #tpu.memory_space<hbm>>, %arg7: memref<2x10112x16xf32, #tpu.memory_space<hbm>>, %arg8: memref<125x80xi32, #tpu.memory_space<vmem>>, %arg9: memref<125x80xi32, #tpu.memory_space<vmem>>, %arg10: memref<80x128xf32, #tpu.memory_space<vmem>>, %arg11: memref<80x128xf32, #tpu.memory_space<vmem>>, %arg12: memref<80x16xf32, #tpu.memory_space<vmem>>, %arg13: memref<80x16xf32, #tpu.memory_space<vmem>>, %arg14: memref<2560x128xf32, #tpu.memory_space<vmem_shared>>, %arg15: memref<2560x16xf32, #tpu.memory_space<vmem_shared>>, %arg16: memref<10112x16xf32, #tpu.memory_space<vmem_shared>>, %arg17: memref<!tpu.dma_semaphore, #tpu.memory_space<semaphore_mem>>, %arg18: memref<!tpu.dma_semaphore, #tpu.memory_space<semaphore_mem>>, %arg19: memref<!tpu.dma_semaphore, #tpu.memory_space<semaphore_mem>>, %arg20: memref<!tpu.dma_semaphore, #tpu.memory_space<semaphore_mem>>) attributes {dimension_semantics = [#tpu.dimension_semantics<core_parallel>, #tpu.dimension_semantics<subcore_parallel>], iteration_bounds = array<i64: 2, 16>, scalar_prefetch = 0 : i64, scratch_operands = 13 : i64, tpu.core_type = #tpu.core_type<sc_vector_subcore>, window_params = [{transform_indices = #map}, {transform_indices = #map1}, {transform_indices = #map1}, {transform_indices = #map2}, {transform_indices = #map2}, {transform_indices = #map2}]} {
    "tpu.region"() ({
      %run_scoped3A_93 = tpu.sem_alloc : memref<!tpu.dma_semaphore, #tpu.memory_space<semaphore_mem>>
      %dma_start3A_94 = arith.constant 0 : i32
      %dma_start3A_95 = arith.constant 0 : i32
      %dma_start3A_96 = tpu.memref_slice %arg3[%arg0, %arg1, %dma_start3A_94, %dma_start3A_95] : memref<2x16x125x80xi32, #tpu.memory_space<hbm>> -> memref<1x1x125x80xi32, #tpu.memory_space<hbm>>
      %dma_start3A_97 = tpu.memref_squeeze %dma_start3A_96 : memref<1x1x125x80xi32, #tpu.memory_space<hbm>> -> memref<125x80xi32, #tpu.memory_space<hbm>>
      %dma_start3A_98 = arith.constant 0 : i32
      %dma_start3A_99 = arith.constant 0 : i32
      %dma_start3A_100 = tpu.memref_slice %arg3[%arg0, %arg1, %dma_start3A_98, %dma_start3A_99] : memref<2x16x125x80xi32, #tpu.memory_space<hbm>> -> memref<1x1x125x80xi32, #tpu.memory_space<hbm>>
      %dma_start3A_101 = tpu.memref_squeeze %dma_start3A_100 : memref<1x1x125x80xi32, #tpu.memory_space<hbm>> -> memref<125x80xi32, #tpu.memory_space<hbm>>
      tpu.enqueue_dma source(%dma_start3A_101 : memref<125x80xi32, #tpu.memory_space<hbm>>) target(%arg8 : memref<125x80xi32, #tpu.memory_space<vmem>>) target_semaphore(%run_scoped3A_93 : memref<!tpu.dma_semaphore, #tpu.memory_space<semaphore_mem>>)
      %dma_wait3A_102 = arith.constant 0 : i32
      %dma_wait3A_103 = arith.constant 0 : i32
      %dma_wait3A_104 = tpu.memref_slice %arg3[%arg0, %arg1, %dma_wait3A_102, %dma_wait3A_103] : memref<2x16x125x80xi32, #tpu.memory_space<hbm>> -> memref<1x1x125x80xi32, #tpu.memory_space<hbm>>
      %dma_wait3A_105 = tpu.memref_squeeze %dma_wait3A_104 : memref<1x1x125x80xi32, #tpu.memory_space<hbm>> -> memref<125x80xi32, #tpu.memory_space<hbm>>
      %dma_wait3A_106 = arith.constant 0 : i32
      %dma_wait3A_107 = arith.constant 0 : i32
      %dma_wait3A_108 = tpu.memref_slice %arg3[%arg0, %arg1, %dma_wait3A_106, %dma_wait3A_107] : memref<2x16x125x80xi32, #tpu.memory_space<hbm>> -> memref<1x1x125x80xi32, #tpu.memory_space<hbm>>
      %dma_wait3A_109 = tpu.memref_squeeze %dma_wait3A_108 : memref<1x1x125x80xi32, #tpu.memory_space<hbm>> -> memref<125x80xi32, #tpu.memory_space<hbm>>
      tpu.wait_dma2 semaphore(%run_scoped3A_93 : memref<!tpu.dma_semaphore, #tpu.memory_space<semaphore_mem>>) src(%dma_wait3A_109 : memref<125x80xi32, #tpu.memory_space<hbm>>) dst(%arg8 : memref<125x80xi32, #tpu.memory_space<vmem>>)
      tpu.yield
    }) : () -> ()
    "tpu.region"() ({
      %run_scoped3A_93 = tpu.sem_alloc : memref<!tpu.dma_semaphore, #tpu.memory_space<semaphore_mem>>
      %dma_start3A_94 = arith.constant 0 : i32
      %dma_start3A_95 = arith.constant 0 : i32
      %dma_start3A_96 = tpu.memref_slice %arg4[%arg0, %arg1, %dma_start3A_94, %dma_start3A_95] : memref<2x16x125x80xi32, #tpu.memory_space<hbm>> -> memref<1x1x125x80xi32, #tpu.memory_space<hbm>>
      %dma_start3A_97 = tpu.memref_squeeze %dma_start3A_96 : memref<1x1x125x80xi32, #tpu.memory_space<hbm>> -> memref<125x80xi32, #tpu.memory_space<hbm>>
      %dma_start3A_98 = arith.constant 0 : i32
      %dma_start3A_99 = arith.constant 0 : i32
      %dma_start3A_100 = tpu.memref_slice %arg4[%arg0, %arg1, %dma_start3A_98, %dma_start3A_99] : memref<2x16x125x80xi32, #tpu.memory_space<hbm>> -> memref<1x1x125x80xi32, #tpu.memory_space<hbm>>
      %dma_start3A_101 = tpu.memref_squeeze %dma_start3A_100 : memref<1x1x125x80xi32, #tpu.memory_space<hbm>> -> memref<125x80xi32, #tpu.memory_space<hbm>>
      tpu.enqueue_dma source(%dma_start3A_101 : memref<125x80xi32, #tpu.memory_space<hbm>>) target(%arg9 : memref<125x80xi32, #tpu.memory_space<vmem>>) target_semaphore(%run_scoped3A_93 : memref<!tpu.dma_semaphore, #tpu.memory_space<semaphore_mem>>)
      %dma_wait3A_102 = arith.constant 0 : i32
      %dma_wait3A_103 = arith.constant 0 : i32
      %dma_wait3A_104 = tpu.memref_slice %arg4[%arg0, %arg1, %dma_wait3A_102, %dma_wait3A_103] : memref<2x16x125x80xi32, #tpu.memory_space<hbm>> -> memref<1x1x125x80xi32, #tpu.memory_space<hbm>>
      %dma_wait3A_105 = tpu.memref_squeeze %dma_wait3A_104 : memref<1x1x125x80xi32, #tpu.memory_space<hbm>> -> memref<125x80xi32, #tpu.memory_space<hbm>>
      %dma_wait3A_106 = arith.constant 0 : i32
      %dma_wait3A_107 = arith.constant 0 : i32
      %dma_wait3A_108 = tpu.memref_slice %arg4[%arg0, %arg1, %dma_wait3A_106, %dma_wait3A_107] : memref<2x16x125x80xi32, #tpu.memory_space<hbm>> -> memref<1x1x125x80xi32, #tpu.memory_space<hbm>>
      %dma_wait3A_109 = tpu.memref_squeeze %dma_wait3A_108 : memref<1x1x125x80xi32, #tpu.memory_space<hbm>> -> memref<125x80xi32, #tpu.memory_space<hbm>>
      tpu.wait_dma2 semaphore(%run_scoped3A_93 : memref<!tpu.dma_semaphore, #tpu.memory_space<semaphore_mem>>) src(%dma_wait3A_109 : memref<125x80xi32, #tpu.memory_space<hbm>>) dst(%arg9 : memref<125x80xi32, #tpu.memory_space<vmem>>)
      tpu.yield
    }) : () -> ()
    %mul3A = arith.constant 160 : i32
    %mul3A_0 = arith.muli %arg1, %mul3A : i32
    %broadcast_in_dim3A = arith.constant 0.000000e+00 : f32
    %broadcast_in_dim3A_1 = vector.broadcast %broadcast_in_dim3A : f32 to vector<16xf32>
    %scan3A = arith.constant 0 : i32
    %scan3A_2 = arith.constant 0 : i32
    %scan3A_3 = arith.constant 80 : i32
    %scan3A_4 = arith.addi %scan3A_2, %scan3A_3 : i32
    %scan3A_5 = arith.constant 1 : i32
    scf.for %scan3A_93 = %scan3A_2 to %scan3A_4 step %scan3A_5  : i32 {
      %swap3A = arith.index_cast %scan3A_93 : i32 to index
      %swap3A_94 = arith.constant 0 : index
      %swap3A_95 = tpu.vector_load %arg10[%swap3A, %swap3A_94] {strides = array<i32>} : memref<80x128xf32, #tpu.memory_space<vmem>>, vector<1x16xf32>,
      %swap3A_96 = vector.shape_cast %swap3A_95 : vector<1x16xf32> to vector<16xf32>
      %swap3A_97 = vector.shape_cast %broadcast_in_dim3A_1 : vector<16xf32> to vector<1x16xf32>
      tpu.vector_store %arg10[%swap3A, %swap3A_94], %swap3A_97 {strides = array<i32>} : memref<80x128xf32, #tpu.memory_space<vmem>>, vector<1x16xf32>,
      %swap3A_98 = arith.index_cast %scan3A_93 : i32 to index
      %swap3A_99 = arith.constant 16 : index
      %swap3A_100 = tpu.vector_load %arg10[%swap3A_98, %swap3A_99] {strides = array<i32>} : memref<80x128xf32, #tpu.memory_space<vmem>>, vector<1x16xf32>,
      %swap3A_101 = vector.shape_cast %swap3A_100 : vector<1x16xf32> to vector<16xf32>
      %swap3A_102 = vector.shape_cast %broadcast_in_dim3A_1 : vector<16xf32> to vector<1x16xf32>
      tpu.vector_store %arg10[%swap3A_98, %swap3A_99], %swap3A_102 {strides = array<i32>} : memref<80x128xf32, #tpu.memory_space<vmem>>, vector<1x16xf32>,
      %swap3A_103 = arith.index_cast %scan3A_93 : i32 to index
      %swap3A_104 = arith.constant 32 : index
      %swap3A_105 = tpu.vector_load %arg10[%swap3A_103, %swap3A_104] {strides = array<i32>} : memref<80x128xf32, #tpu.memory_space<vmem>>, vector<1x16xf32>,
      %swap3A_106 = vector.shape_cast %swap3A_105 : vector<1x16xf32> to vector<16xf32>
      %swap3A_107 = vector.shape_cast %broadcast_in_dim3A_1 : vector<16xf32> to vector<1x16xf32>
      tpu.vector_store %arg10[%swap3A_103, %swap3A_104], %swap3A_107 {strides = array<i32>} : memref<80x128xf32, #tpu.memory_space<vmem>>, vector<1x16xf32>,
      %swap3A_108 = arith.index_cast %scan3A_93 : i32 to index
      %swap3A_109 = arith.constant 48 : index
      %swap3A_110 = tpu.vector_load %arg10[%swap3A_108, %swap3A_109] {strides = array<i32>} : memref<80x128xf32, #tpu.memory_space<vmem>>, vector<1x16xf32>,
      %swap3A_111 = vector.shape_cast %swap3A_110 : vector<1x16xf32> to vector<16xf32>
      %swap3A_112 = vector.shape_cast %broadcast_in_dim3A_1 : vector<16xf32> to vector<1x16xf32>
      tpu.vector_store %arg10[%swap3A_108, %swap3A_109], %swap3A_112 {strides = array<i32>} : memref<80x128xf32, #tpu.memory_space<vmem>>, vector<1x16xf32>,
      %swap3A_113 = arith.index_cast %scan3A_93 : i32 to index
      %swap3A_114 = arith.constant 64 : index
      %swap3A_115 = tpu.vector_load %arg10[%swap3A_113, %swap3A_114] {strides = array<i32>} : memref<80x128xf32, #tpu.memory_space<vmem>>, vector<1x16xf32>,
      %swap3A_116 = vector.shape_cast %swap3A_115 : vector<1x16xf32> to vector<16xf32>
      %swap3A_117 = vector.shape_cast %broadcast_in_dim3A_1 : vector<16xf32> to vector<1x16xf32>
      tpu.vector_store %arg10[%swap3A_113, %swap3A_114], %swap3A_117 {strides = array<i32>} : memref<80x128xf32, #tpu.memory_space<vmem>>, vector<1x16xf32>,
      %swap3A_118 = arith.index_cast %scan3A_93 : i32 to index
      %swap3A_119 = arith.constant 80 : index
      %swap3A_120 = tpu.vector_load %arg10[%swap3A_118, %swap3A_119] {strides = array<i32>} : memref<80x128xf32, #tpu.memory_space<vmem>>, vector<1x16xf32>,
      %swap3A_121 = vector.shape_cast %swap3A_120 : vector<1x16xf32> to vector<16xf32>
      %swap3A_122 = vector.shape_cast %broadcast_in_dim3A_1 : vector<16xf32> to vector<1x16xf32>
      tpu.vector_store %arg10[%swap3A_118, %swap3A_119], %swap3A_122 {strides = array<i32>} : memref<80x128xf32, #tpu.memory_space<vmem>>, vector<1x16xf32>,
      %swap3A_123 = arith.index_cast %scan3A_93 : i32 to index
      %swap3A_124 = arith.constant 96 : index
      %swap3A_125 = tpu.vector_load %arg10[%swap3A_123, %swap3A_124] {strides = array<i32>} : memref<80x128xf32, #tpu.memory_space<vmem>>, vector<1x16xf32>,
      %swap3A_126 = vector.shape_cast %swap3A_125 : vector<1x16xf32> to vector<16xf32>
      %swap3A_127 = vector.shape_cast %broadcast_in_dim3A_1 : vector<16xf32> to vector<1x16xf32>
      tpu.vector_store %arg10[%swap3A_123, %swap3A_124], %swap3A_127 {strides = array<i32>} : memref<80x128xf32, #tpu.memory_space<vmem>>, vector<1x16xf32>,
      %swap3A_128 = arith.index_cast %scan3A_93 : i32 to index
      %swap3A_129 = arith.constant 112 : index
      %swap3A_130 = tpu.vector_load %arg10[%swap3A_128, %swap3A_129] {strides = array<i32>} : memref<80x128xf32, #tpu.memory_space<vmem>>, vector<1x16xf32>,
      %swap3A_131 = vector.shape_cast %swap3A_130 : vector<1x16xf32> to vector<16xf32>
      %swap3A_132 = vector.shape_cast %broadcast_in_dim3A_1 : vector<16xf32> to vector<1x16xf32>
      tpu.vector_store %arg10[%swap3A_128, %swap3A_129], %swap3A_132 {strides = array<i32>} : memref<80x128xf32, #tpu.memory_space<vmem>>, vector<1x16xf32>,
    }
    %scan3A_6 = arith.constant 80 : i32
    %add3A = arith.constant 0 : i32
    %add3A_7 = arith.addi %mul3A_0, %add3A : i32
    "tpu.region"() ({
      %run_scoped3A_93 = tpu.sem_alloc : memref<!tpu.dma_semaphore, #tpu.memory_space<semaphore_mem>>
      %dma_start3A_94 = arith.constant 0 : i32
      %dma_start3A_95 = arith.constant 0 : i32
      %dma_start3A_96 = tpu.memref_slice %arg10[%dma_start3A_94, %dma_start3A_95] : memref<80x128xf32, #tpu.memory_space<vmem>> -> memref<80x128xf32, #tpu.memory_space<vmem>>
      %dma_start3A_97 = arith.constant 0 : i32
      %dma_start3A_98 = tpu.memref_slice %arg14[%add3A_7, %dma_start3A_97] : memref<2560x128xf32, #tpu.memory_space<vmem_shared>> -> memref<80x128xf32, #tpu.memory_space<vmem_shared>>
      %dma_start3A_99 = arith.constant 0 : i32
      %dma_start3A_100 = tpu.memref_slice %arg14[%add3A_7, %dma_start3A_99] : memref<2560x128xf32, #tpu.memory_space<vmem_shared>> -> memref<80x128xf32, #tpu.memory_space<vmem_shared>>
      %dma_start3A_101 = arith.constant 0 : i32
      %dma_start3A_102 = arith.constant 0 : i32
      %dma_start3A_103 = tpu.memref_slice %arg10[%dma_start3A_101, %dma_start3A_102] : memref<80x128xf32, #tpu.memory_space<vmem>> -> memref<80x128xf32, #tpu.memory_space<vmem>>
      tpu.enqueue_dma source(%dma_start3A_103 : memref<80x128xf32, #tpu.memory_space<vmem>>) target(%dma_start3A_100 : memref<80x128xf32, #tpu.memory_space<vmem_shared>>) target_semaphore(%run_scoped3A_93 : memref<!tpu.dma_semaphore, #tpu.memory_space<semaphore_mem>>)
      %dma_wait3A_104 = arith.constant 0 : i32
      %dma_wait3A_105 = arith.constant 0 : i32
      %dma_wait3A_106 = tpu.memref_slice %arg10[%dma_wait3A_104, %dma_wait3A_105] : memref<80x128xf32, #tpu.memory_space<vmem>> -> memref<80x128xf32, #tpu.memory_space<vmem>>
      %dma_wait3A_107 = arith.constant 0 : i32
      %dma_wait3A_108 = tpu.memref_slice %arg14[%add3A_7, %dma_wait3A_107] : memref<2560x128xf32, #tpu.memory_space<vmem_shared>> -> memref<80x128xf32, #tpu.memory_space<vmem_shared>>
      %dma_wait3A_109 = arith.constant 0 : i32
      %dma_wait3A_110 = tpu.memref_slice %arg14[%add3A_7, %dma_wait3A_109] : memref<2560x128xf32, #tpu.memory_space<vmem_shared>> -> memref<80x128xf32, #tpu.memory_space<vmem_shared>>
      %dma_wait3A_111 = arith.constant 0 : i32
      %dma_wait3A_112 = arith.constant 0 : i32
      %dma_wait3A_113 = tpu.memref_slice %arg10[%dma_wait3A_111, %dma_wait3A_112] : memref<80x128xf32, #tpu.memory_space<vmem>> -> memref<80x128xf32, #tpu.memory_space<vmem>>
      tpu.wait_dma2 semaphore(%run_scoped3A_93 : memref<!tpu.dma_semaphore, #tpu.memory_space<semaphore_mem>>) src(%dma_wait3A_113 : memref<80x128xf32, #tpu.memory_space<vmem>>) dst(%dma_wait3A_110 : memref<80x128xf32, #tpu.memory_space<vmem_shared>>)
      tpu.yield
    }) : () -> ()
    %add3A_8 = arith.constant 80 : i32
    %add3A_9 = arith.addi %mul3A_0, %add3A_8 : i32
    "tpu.region"() ({
      %run_scoped3A_93 = tpu.sem_alloc : memref<!tpu.dma_semaphore, #tpu.memory_space<semaphore_mem>>
      %dma_start3A_94 = arith.constant 0 : i32
      %dma_start3A_95 = arith.constant 0 : i32
      %dma_start3A_96 = tpu.memref_slice %arg10[%dma_start3A_94, %dma_start3A_95] : memref<80x128xf32, #tpu.memory_space<vmem>> -> memref<80x128xf32, #tpu.memory_space<vmem>>
      %dma_start3A_97 = arith.constant 0 : i32
      %dma_start3A_98 = tpu.memref_slice %arg14[%add3A_9, %dma_start3A_97] : memref<2560x128xf32, #tpu.memory_space<vmem_shared>> -> memref<80x128xf32, #tpu.memory_space<vmem_shared>>
      %dma_start3A_99 = arith.constant 0 : i32
      %dma_start3A_100 = tpu.memref_slice %arg14[%add3A_9, %dma_start3A_99] : memref<2560x128xf32, #tpu.memory_space<vmem_shared>> -> memref<80x128xf32, #tpu.memory_space<vmem_shared>>
      %dma_start3A_101 = arith.constant 0 : i32
      %dma_start3A_102 = arith.constant 0 : i32
      %dma_start3A_103 = tpu.memref_slice %arg10[%dma_start3A_101, %dma_start3A_102] : memref<80x128xf32, #tpu.memory_space<vmem>> -> memref<80x128xf32, #tpu.memory_space<vmem>>
      tpu.enqueue_dma source(%dma_start3A_103 : memref<80x128xf32, #tpu.memory_space<vmem>>) target(%dma_start3A_100 : memref<80x128xf32, #tpu.memory_space<vmem_shared>>) target_semaphore(%run_scoped3A_93 : memref<!tpu.dma_semaphore, #tpu.memory_space<semaphore_mem>>)
      %dma_wait3A_104 = arith.constant 0 : i32
      %dma_wait3A_105 = arith.constant 0 : i32
      %dma_wait3A_106 = tpu.memref_slice %arg10[%dma_wait3A_104, %dma_wait3A_105] : memref<80x128xf32, #tpu.memory_space<vmem>> -> memref<80x128xf32, #tpu.memory_space<vmem>>
      %dma_wait3A_107 = arith.constant 0 : i32
      %dma_wait3A_108 = tpu.memref_slice %arg14[%add3A_9, %dma_wait3A_107] : memref<2560x128xf32, #tpu.memory_space<vmem_shared>> -> memref<80x128xf32, #tpu.memory_space<vmem_shared>>
      %dma_wait3A_109 = arith.constant 0 : i32
      %dma_wait3A_110 = tpu.memref_slice %arg14[%add3A_9, %dma_wait3A_109] : memref<2560x128xf32, #tpu.memory_space<vmem_shared>> -> memref<80x128xf32, #tpu.memory_space<vmem_shared>>
      %dma_wait3A_111 = arith.constant 0 : i32
      %dma_wait3A_112 = arith.constant 0 : i32
      %dma_wait3A_113 = tpu.memref_slice %arg10[%dma_wait3A_111, %dma_wait3A_112] : memref<80x128xf32, #tpu.memory_space<vmem>> -> memref<80x128xf32, #tpu.memory_space<vmem>>
      tpu.wait_dma2 semaphore(%run_scoped3A_93 : memref<!tpu.dma_semaphore, #tpu.memory_space<semaphore_mem>>) src(%dma_wait3A_113 : memref<80x128xf32, #tpu.memory_space<vmem>>) dst(%dma_wait3A_110 : memref<80x128xf32, #tpu.memory_space<vmem_shared>>)
      tpu.yield
    }) : () -> ()
    %broadcast_in_dim3A_10 = arith.constant 1.000000e+00 : f32
    %broadcast_in_dim3A_11 = vector.broadcast %broadcast_in_dim3A_10 : f32 to vector<16xf32>
    %broadcast_in_dim3A_12 = arith.constant 0.000000e+00 : f32
    %broadcast_in_dim3A_13 = vector.broadcast %broadcast_in_dim3A_12 : f32 to vector<16xf32>
    %scan3A_14 = arith.constant 0 : i32
    %scan3A_15 = arith.constant 0 : i32
    %scan3A_16 = arith.constant 80 : i32
    %scan3A_17 = arith.addi %scan3A_15, %scan3A_16 : i32
    %scan3A_18 = arith.constant 1 : i32
    scf.for %scan3A_93 = %scan3A_15 to %scan3A_17 step %scan3A_18  : i32 {
      %swap3A = arith.index_cast %scan3A_93 : i32 to index
      %swap3A_94 = arith.constant 0 : index
      %swap3A_95 = tpu.vector_load %arg12[%swap3A, %swap3A_94] {strides = array<i32>} : memref<80x16xf32, #tpu.memory_space<vmem>>, vector<1x16xf32>,
      %swap3A_96 = vector.shape_cast %swap3A_95 : vector<1x16xf32> to vector<16xf32>
      %swap3A_97 = vector.shape_cast %broadcast_in_dim3A_11 : vector<16xf32> to vector<1x16xf32>
      tpu.vector_store %arg12[%swap3A, %swap3A_94], %swap3A_97 {strides = array<i32>} : memref<80x16xf32, #tpu.memory_space<vmem>>, vector<1x16xf32>,
      %swap3A_98 = arith.index_cast %scan3A_93 : i32 to index
      %swap3A_99 = arith.constant 0 : index
      %swap3A_100 = tpu.vector_load %arg13[%swap3A_98, %swap3A_99] {strides = array<i32>} : memref<80x16xf32, #tpu.memory_space<vmem>>, vector<1x16xf32>,
      %swap3A_101 = vector.shape_cast %swap3A_100 : vector<1x16xf32> to vector<16xf32>
      %swap3A_102 = vector.shape_cast %broadcast_in_dim3A_13 : vector<16xf32> to vector<1x16xf32>
      tpu.vector_store %arg13[%swap3A_98, %swap3A_99], %swap3A_102 {strides = array<i32>} : memref<80x16xf32, #tpu.memory_space<vmem>>, vector<1x16xf32>,
    }
    %scan3A_19 = arith.constant 80 : i32
    %mul3A_20 = arith.constant 632 : i32
    %mul3A_21 = arith.muli %arg1, %mul3A_20 : i32
    %add3A_22 = arith.constant 0 : i32
    %add3A_23 = arith.addi %mul3A_0, %add3A_22 : i32
    "tpu.region"() ({
      %run_scoped3A_93 = tpu.sem_alloc : memref<!tpu.dma_semaphore, #tpu.memory_space<semaphore_mem>>
      %dma_start3A_94 = arith.constant 0 : i32
      %dma_start3A_95 = arith.constant 0 : i32
      %dma_start3A_96 = tpu.memref_slice %arg13[%dma_start3A_94, %dma_start3A_95] : memref<80x16xf32, #tpu.memory_space<vmem>> -> memref<80x16xf32, #tpu.memory_space<vmem>>
      %dma_start3A_97 = arith.constant 0 : i32
      %dma_start3A_98 = tpu.memref_slice %arg15[%add3A_23, %dma_start3A_97] : memref<2560x16xf32, #tpu.memory_space<vmem_shared>> -> memref<80x16xf32, #tpu.memory_space<vmem_shared>>
      %dma_start3A_99 = arith.constant 0 : i32
      %dma_start3A_100 = tpu.memref_slice %arg15[%add3A_23, %dma_start3A_99] : memref<2560x16xf32, #tpu.memory_space<vmem_shared>> -> memref<80x16xf32, #tpu.memory_space<vmem_shared>>
      %dma_start3A_101 = arith.constant 0 : i32
      %dma_start3A_102 = arith.constant 0 : i32
      %dma_start3A_103 = tpu.memref_slice %arg13[%dma_start3A_101, %dma_start3A_102] : memref<80x16xf32, #tpu.memory_space<vmem>> -> memref<80x16xf32, #tpu.memory_space<vmem>>
      tpu.enqueue_dma source(%dma_start3A_103 : memref<80x16xf32, #tpu.memory_space<vmem>>) target(%dma_start3A_100 : memref<80x16xf32, #tpu.memory_space<vmem_shared>>) target_semaphore(%run_scoped3A_93 : memref<!tpu.dma_semaphore, #tpu.memory_space<semaphore_mem>>)
      %dma_wait3A_104 = arith.constant 0 : i32
      %dma_wait3A_105 = arith.constant 0 : i32
      %dma_wait3A_106 = tpu.memref_slice %arg13[%dma_wait3A_104, %dma_wait3A_105] : memref<80x16xf32, #tpu.memory_space<vmem>> -> memref<80x16xf32, #tpu.memory_space<vmem>>
      %dma_wait3A_107 = arith.constant 0 : i32
      %dma_wait3A_108 = tpu.memref_slice %arg15[%add3A_23, %dma_wait3A_107] : memref<2560x16xf32, #tpu.memory_space<vmem_shared>> -> memref<80x16xf32, #tpu.memory_space<vmem_shared>>
      %dma_wait3A_109 = arith.constant 0 : i32
      %dma_wait3A_110 = tpu.memref_slice %arg15[%add3A_23, %dma_wait3A_109] : memref<2560x16xf32, #tpu.memory_space<vmem_shared>> -> memref<80x16xf32, #tpu.memory_space<vmem_shared>>
      %dma_wait3A_111 = arith.constant 0 : i32
      %dma_wait3A_112 = arith.constant 0 : i32
      %dma_wait3A_113 = tpu.memref_slice %arg13[%dma_wait3A_111, %dma_wait3A_112] : memref<80x16xf32, #tpu.memory_space<vmem>> -> memref<80x16xf32, #tpu.memory_space<vmem>>
      tpu.wait_dma2 semaphore(%run_scoped3A_93 : memref<!tpu.dma_semaphore, #tpu.memory_space<semaphore_mem>>) src(%dma_wait3A_113 : memref<80x16xf32, #tpu.memory_space<vmem>>) dst(%dma_wait3A_110 : memref<80x16xf32, #tpu.memory_space<vmem_shared>>)
      tpu.yield
    }) : () -> ()
    %add3A_24 = arith.constant 80 : i32
    %add3A_25 = arith.addi %mul3A_0, %add3A_24 : i32
    "tpu.region"() ({
      %run_scoped3A_93 = tpu.sem_alloc : memref<!tpu.dma_semaphore, #tpu.memory_space<semaphore_mem>>
      %dma_start3A_94 = arith.constant 0 : i32
      %dma_start3A_95 = arith.constant 0 : i32
      %dma_start3A_96 = tpu.memref_slice %arg13[%dma_start3A_94, %dma_start3A_95] : memref<80x16xf32, #tpu.memory_space<vmem>> -> memref<80x16xf32, #tpu.memory_space<vmem>>
      %dma_start3A_97 = arith.constant 0 : i32
      %dma_start3A_98 = tpu.memref_slice %arg15[%add3A_25, %dma_start3A_97] : memref<2560x16xf32, #tpu.memory_space<vmem_shared>> -> memref<80x16xf32, #tpu.memory_space<vmem_shared>>
      %dma_start3A_99 = arith.constant 0 : i32
      %dma_start3A_100 = tpu.memref_slice %arg15[%add3A_25, %dma_start3A_99] : memref<2560x16xf32, #tpu.memory_space<vmem_shared>> -> memref<80x16xf32, #tpu.memory_space<vmem_shared>>
      %dma_start3A_101 = arith.constant 0 : i32
      %dma_start3A_102 = arith.constant 0 : i32
      %dma_start3A_103 = tpu.memref_slice %arg13[%dma_start3A_101, %dma_start3A_102] : memref<80x16xf32, #tpu.memory_space<vmem>> -> memref<80x16xf32, #tpu.memory_space<vmem>>
      tpu.enqueue_dma source(%dma_start3A_103 : memref<80x16xf32, #tpu.memory_space<vmem>>) target(%dma_start3A_100 : memref<80x16xf32, #tpu.memory_space<vmem_shared>>) target_semaphore(%run_scoped3A_93 : memref<!tpu.dma_semaphore, #tpu.memory_space<semaphore_mem>>)
      %dma_wait3A_104 = arith.constant 0 : i32
      %dma_wait3A_105 = arith.constant 0 : i32
      %dma_wait3A_106 = tpu.memref_slice %arg13[%dma_wait3A_104, %dma_wait3A_105] : memref<80x16xf32, #tpu.memory_space<vmem>> -> memref<80x16xf32, #tpu.memory_space<vmem>>
      %dma_wait3A_107 = arith.constant 0 : i32
      %dma_wait3A_108 = tpu.memref_slice %arg15[%add3A_25, %dma_wait3A_107] : memref<2560x16xf32, #tpu.memory_space<vmem_shared>> -> memref<80x16xf32, #tpu.memory_space<vmem_shared>>
      %dma_wait3A_109 = arith.constant 0 : i32
      %dma_wait3A_110 = tpu.memref_slice %arg15[%add3A_25, %dma_wait3A_109] : memref<2560x16xf32, #tpu.memory_space<vmem_shared>> -> memref<80x16xf32, #tpu.memory_space<vmem_shared>>
      %dma_wait3A_111 = arith.constant 0 : i32
      %dma_wait3A_112 = arith.constant 0 : i32
      %dma_wait3A_113 = tpu.memref_slice %arg13[%dma_wait3A_111, %dma_wait3A_112] : memref<80x16xf32, #tpu.memory_space<vmem>> -> memref<80x16xf32, #tpu.memory_space<vmem>>
      tpu.wait_dma2 semaphore(%run_scoped3A_93 : memref<!tpu.dma_semaphore, #tpu.memory_space<semaphore_mem>>) src(%dma_wait3A_113 : memref<80x16xf32, #tpu.memory_space<vmem>>) dst(%dma_wait3A_110 : memref<80x16xf32, #tpu.memory_space<vmem_shared>>)
      tpu.yield
    }) : () -> ()
    %add3A_26 = arith.constant 0 : i32
    %add3A_27 = arith.addi %mul3A_21, %add3A_26 : i32
    "tpu.region"() ({
      %run_scoped3A_93 = tpu.sem_alloc : memref<!tpu.dma_semaphore, #tpu.memory_space<semaphore_mem>>
      %dma_start3A_94 = arith.constant 0 : i32
      %dma_start3A_95 = arith.constant 0 : i32
      %dma_start3A_96 = tpu.memref_slice %arg13[%dma_start3A_94, %dma_start3A_95] : memref<80x16xf32, #tpu.memory_space<vmem>> -> memref<80x16xf32, #tpu.memory_space<vmem>>
      %dma_start3A_97 = arith.constant 0 : i32
      %dma_start3A_98 = tpu.memref_slice %arg16[%add3A_27, %dma_start3A_97] : memref<10112x16xf32, #tpu.memory_space<vmem_shared>> -> memref<80x16xf32, #tpu.memory_space<vmem_shared>>
      %dma_start3A_99 = arith.constant 0 : i32
      %dma_start3A_100 = tpu.memref_slice %arg16[%add3A_27, %dma_start3A_99] : memref<10112x16xf32, #tpu.memory_space<vmem_shared>> -> memref<80x16xf32, #tpu.memory_space<vmem_shared>>
      %dma_start3A_101 = arith.constant 0 : i32
      %dma_start3A_102 = arith.constant 0 : i32
      %dma_start3A_103 = tpu.memref_slice %arg13[%dma_start3A_101, %dma_start3A_102] : memref<80x16xf32, #tpu.memory_space<vmem>> -> memref<80x16xf32, #tpu.memory_space<vmem>>
      tpu.enqueue_dma source(%dma_start3A_103 : memref<80x16xf32, #tpu.memory_space<vmem>>) target(%dma_start3A_100 : memref<80x16xf32, #tpu.memory_space<vmem_shared>>) target_semaphore(%run_scoped3A_93 : memref<!tpu.dma_semaphore, #tpu.memory_space<semaphore_mem>>)
      %dma_wait3A_104 = arith.constant 0 : i32
      %dma_wait3A_105 = arith.constant 0 : i32
      %dma_wait3A_106 = tpu.memref_slice %arg13[%dma_wait3A_104, %dma_wait3A_105] : memref<80x16xf32, #tpu.memory_space<vmem>> -> memref<80x16xf32, #tpu.memory_space<vmem>>
      %dma_wait3A_107 = arith.constant 0 : i32
      %dma_wait3A_108 = tpu.memref_slice %arg16[%add3A_27, %dma_wait3A_107] : memref<10112x16xf32, #tpu.memory_space<vmem_shared>> -> memref<80x16xf32, #tpu.memory_space<vmem_shared>>
      %dma_wait3A_109 = arith.constant 0 : i32
      %dma_wait3A_110 = tpu.memref_slice %arg16[%add3A_27, %dma_wait3A_109] : memref<10112x16xf32, #tpu.memory_space<vmem_shared>> -> memref<80x16xf32, #tpu.memory_space<vmem_shared>>
      %dma_wait3A_111 = arith.constant 0 : i32
      %dma_wait3A_112 = arith.constant 0 : i32
      %dma_wait3A_113 = tpu.memref_slice %arg13[%dma_wait3A_111, %dma_wait3A_112] : memref<80x16xf32, #tpu.memory_space<vmem>> -> memref<80x16xf32, #tpu.memory_space<vmem>>
      tpu.wait_dma2 semaphore(%run_scoped3A_93 : memref<!tpu.dma_semaphore, #tpu.memory_space<semaphore_mem>>) src(%dma_wait3A_113 : memref<80x16xf32, #tpu.memory_space<vmem>>) dst(%dma_wait3A_110 : memref<80x16xf32, #tpu.memory_space<vmem_shared>>)
      tpu.yield
    }) : () -> ()
    %add3A_28 = arith.constant 80 : i32
    %add3A_29 = arith.addi %mul3A_21, %add3A_28 : i32
    "tpu.region"() ({
      %run_scoped3A_93 = tpu.sem_alloc : memref<!tpu.dma_semaphore, #tpu.memory_space<semaphore_mem>>
      %dma_start3A_94 = arith.constant 0 : i32
      %dma_start3A_95 = arith.constant 0 : i32
      %dma_start3A_96 = tpu.memref_slice %arg13[%dma_start3A_94, %dma_start3A_95] : memref<80x16xf32, #tpu.memory_space<vmem>> -> memref<80x16xf32, #tpu.memory_space<vmem>>
      %dma_start3A_97 = arith.constant 0 : i32
      %dma_start3A_98 = tpu.memref_slice %arg16[%add3A_29, %dma_start3A_97] : memref<10112x16xf32, #tpu.memory_space<vmem_shared>> -> memref<80x16xf32, #tpu.memory_space<vmem_shared>>
      %dma_start3A_99 = arith.constant 0 : i32
      %dma_start3A_100 = tpu.memref_slice %arg16[%add3A_29, %dma_start3A_99] : memref<10112x16xf32, #tpu.memory_space<vmem_shared>> -> memref<80x16xf32, #tpu.memory_space<vmem_shared>>
      %dma_start3A_101 = arith.constant 0 : i32
      %dma_start3A_102 = arith.constant 0 : i32
      %dma_start3A_103 = tpu.memref_slice %arg13[%dma_start3A_101, %dma_start3A_102] : memref<80x16xf32, #tpu.memory_space<vmem>> -> memref<80x16xf32, #tpu.memory_space<vmem>>
      tpu.enqueue_dma source(%dma_start3A_103 : memref<80x16xf32, #tpu.memory_space<vmem>>) target(%dma_start3A_100 : memref<80x16xf32, #tpu.memory_space<vmem_shared>>) target_semaphore(%run_scoped3A_93 : memref<!tpu.dma_semaphore, #tpu.memory_space<semaphore_mem>>)
      %dma_wait3A_104 = arith.constant 0 : i32
      %dma_wait3A_105 = arith.constant 0 : i32
      %dma_wait3A_106 = tpu.memref_slice %arg13[%dma_wait3A_104, %dma_wait3A_105] : memref<80x16xf32, #tpu.memory_space<vmem>> -> memref<80x16xf32, #tpu.memory_space<vmem>>
      %dma_wait3A_107 = arith.constant 0 : i32
      %dma_wait3A_108 = tpu.memref_slice %arg16[%add3A_29, %dma_wait3A_107] : memref<10112x16xf32, #tpu.memory_space<vmem_shared>> -> memref<80x16xf32, #tpu.memory_space<vmem_shared>>
      %dma_wait3A_109 = arith.constant 0 : i32
      %dma_wait3A_110 = tpu.memref_slice %arg16[%add3A_29, %dma_wait3A_109] : memref<10112x16xf32, #tpu.memory_space<vmem_shared>> -> memref<80x16xf32, #tpu.memory_space<vmem_shared>>
      %dma_wait3A_111 = arith.constant 0 : i32
      %dma_wait3A_112 = arith.constant 0 : i32
      %dma_wait3A_113 = tpu.memref_slice %arg13[%dma_wait3A_111, %dma_wait3A_112] : memref<80x16xf32, #tpu.memory_space<vmem>> -> memref<80x16xf32, #tpu.memory_space<vmem>>
      tpu.wait_dma2 semaphore(%run_scoped3A_93 : memref<!tpu.dma_semaphore, #tpu.memory_space<semaphore_mem>>) src(%dma_wait3A_113 : memref<80x16xf32, #tpu.memory_space<vmem>>) dst(%dma_wait3A_110 : memref<80x16xf32, #tpu.memory_space<vmem_shared>>)
      tpu.yield
    }) : () -> ()
    %add3A_30 = arith.constant 160 : i32
    %add3A_31 = arith.addi %mul3A_21, %add3A_30 : i32
    "tpu.region"() ({
      %run_scoped3A_93 = tpu.sem_alloc : memref<!tpu.dma_semaphore, #tpu.memory_space<semaphore_mem>>
      %dma_start3A_94 = arith.constant 0 : i32
      %dma_start3A_95 = arith.constant 0 : i32
      %dma_start3A_96 = tpu.memref_slice %arg13[%dma_start3A_94, %dma_start3A_95] : memref<80x16xf32, #tpu.memory_space<vmem>> -> memref<80x16xf32, #tpu.memory_space<vmem>>
      %dma_start3A_97 = arith.constant 0 : i32
      %dma_start3A_98 = tpu.memref_slice %arg16[%add3A_31, %dma_start3A_97] : memref<10112x16xf32, #tpu.memory_space<vmem_shared>> -> memref<80x16xf32, #tpu.memory_space<vmem_shared>>
      %dma_start3A_99 = arith.constant 0 : i32
      %dma_start3A_100 = tpu.memref_slice %arg16[%add3A_31, %dma_start3A_99] : memref<10112x16xf32, #tpu.memory_space<vmem_shared>> -> memref<80x16xf32, #tpu.memory_space<vmem_shared>>
      %dma_start3A_101 = arith.constant 0 : i32
      %dma_start3A_102 = arith.constant 0 : i32
      %dma_start3A_103 = tpu.memref_slice %arg13[%dma_start3A_101, %dma_start3A_102] : memref<80x16xf32, #tpu.memory_space<vmem>> -> memref<80x16xf32, #tpu.memory_space<vmem>>
      tpu.enqueue_dma source(%dma_start3A_103 : memref<80x16xf32, #tpu.memory_space<vmem>>) target(%dma_start3A_100 : memref<80x16xf32, #tpu.memory_space<vmem_shared>>) target_semaphore(%run_scoped3A_93 : memref<!tpu.dma_semaphore, #tpu.memory_space<semaphore_mem>>)
      %dma_wait3A_104 = arith.constant 0 : i32
      %dma_wait3A_105 = arith.constant 0 : i32
      %dma_wait3A_106 = tpu.memref_slice %arg13[%dma_wait3A_104, %dma_wait3A_105] : memref<80x16xf32, #tpu.memory_space<vmem>> -> memref<80x16xf32, #tpu.memory_space<vmem>>
      %dma_wait3A_107 = arith.constant 0 : i32
      %dma_wait3A_108 = tpu.memref_slice %arg16[%add3A_31, %dma_wait3A_107] : memref<10112x16xf32, #tpu.memory_space<vmem_shared>> -> memref<80x16xf32, #tpu.memory_space<vmem_shared>>
      %dma_wait3A_109 = arith.constant 0 : i32
      %dma_wait3A_110 = tpu.memref_slice %arg16[%add3A_31, %dma_wait3A_109] : memref<10112x16xf32, #tpu.memory_space<vmem_shared>> -> memref<80x16xf32, #tpu.memory_space<vmem_shared>>
      %dma_wait3A_111 = arith.constant 0 : i32
      %dma_wait3A_112 = arith.constant 0 : i32
      %dma_wait3A_113 = tpu.memref_slice %arg13[%dma_wait3A_111, %dma_wait3A_112] : memref<80x16xf32, #tpu.memory_space<vmem>> -> memref<80x16xf32, #tpu.memory_space<vmem>>
      tpu.wait_dma2 semaphore(%run_scoped3A_93 : memref<!tpu.dma_semaphore, #tpu.memory_space<semaphore_mem>>) src(%dma_wait3A_113 : memref<80x16xf32, #tpu.memory_space<vmem>>) dst(%dma_wait3A_110 : memref<80x16xf32, #tpu.memory_space<vmem_shared>>)
      tpu.yield
    }) : () -> ()
    %add3A_32 = arith.constant 240 : i32
    %add3A_33 = arith.addi %mul3A_21, %add3A_32 : i32
    "tpu.region"() ({
      %run_scoped3A_93 = tpu.sem_alloc : memref<!tpu.dma_semaphore, #tpu.memory_space<semaphore_mem>>
      %dma_start3A_94 = arith.constant 0 : i32
      %dma_start3A_95 = arith.constant 0 : i32
      %dma_start3A_96 = tpu.memref_slice %arg13[%dma_start3A_94, %dma_start3A_95] : memref<80x16xf32, #tpu.memory_space<vmem>> -> memref<80x16xf32, #tpu.memory_space<vmem>>
      %dma_start3A_97 = arith.constant 0 : i32
      %dma_start3A_98 = tpu.memref_slice %arg16[%add3A_33, %dma_start3A_97] : memref<10112x16xf32, #tpu.memory_space<vmem_shared>> -> memref<80x16xf32, #tpu.memory_space<vmem_shared>>
      %dma_start3A_99 = arith.constant 0 : i32
      %dma_start3A_100 = tpu.memref_slice %arg16[%add3A_33, %dma_start3A_99] : memref<10112x16xf32, #tpu.memory_space<vmem_shared>> -> memref<80x16xf32, #tpu.memory_space<vmem_shared>>
      %dma_start3A_101 = arith.constant 0 : i32
      %dma_start3A_102 = arith.constant 0 : i32
      %dma_start3A_103 = tpu.memref_slice %arg13[%dma_start3A_101, %dma_start3A_102] : memref<80x16xf32, #tpu.memory_space<vmem>> -> memref<80x16xf32, #tpu.memory_space<vmem>>
      tpu.enqueue_dma source(%dma_start3A_103 : memref<80x16xf32, #tpu.memory_space<vmem>>) target(%dma_start3A_100 : memref<80x16xf32, #tpu.memory_space<vmem_shared>>) target_semaphore(%run_scoped3A_93 : memref<!tpu.dma_semaphore, #tpu.memory_space<semaphore_mem>>)
      %dma_wait3A_104 = arith.constant 0 : i32
      %dma_wait3A_105 = arith.constant 0 : i32
      %dma_wait3A_106 = tpu.memref_slice %arg13[%dma_wait3A_104, %dma_wait3A_105] : memref<80x16xf32, #tpu.memory_space<vmem>> -> memref<80x16xf32, #tpu.memory_space<vmem>>
      %dma_wait3A_107 = arith.constant 0 : i32
      %dma_wait3A_108 = tpu.memref_slice %arg16[%add3A_33, %dma_wait3A_107] : memref<10112x16xf32, #tpu.memory_space<vmem_shared>> -> memref<80x16xf32, #tpu.memory_space<vmem_shared>>
      %dma_wait3A_109 = arith.constant 0 : i32
      %dma_wait3A_110 = tpu.memref_slice %arg16[%add3A_33, %dma_wait3A_109] : memref<10112x16xf32, #tpu.memory_space<vmem_shared>> -> memref<80x16xf32, #tpu.memory_space<vmem_shared>>
      %dma_wait3A_111 = arith.constant 0 : i32
      %dma_wait3A_112 = arith.constant 0 : i32
      %dma_wait3A_113 = tpu.memref_slice %arg13[%dma_wait3A_111, %dma_wait3A_112] : memref<80x16xf32, #tpu.memory_space<vmem>> -> memref<80x16xf32, #tpu.memory_space<vmem>>
      tpu.wait_dma2 semaphore(%run_scoped3A_93 : memref<!tpu.dma_semaphore, #tpu.memory_space<semaphore_mem>>) src(%dma_wait3A_113 : memref<80x16xf32, #tpu.memory_space<vmem>>) dst(%dma_wait3A_110 : memref<80x16xf32, #tpu.memory_space<vmem_shared>>)
      tpu.yield
    }) : () -> ()
    %add3A_34 = arith.constant 320 : i32
    %add3A_35 = arith.addi %mul3A_21, %add3A_34 : i32
    "tpu.region"() ({
      %run_scoped3A_93 = tpu.sem_alloc : memref<!tpu.dma_semaphore, #tpu.memory_space<semaphore_mem>>
      %dma_start3A_94 = arith.constant 0 : i32
      %dma_start3A_95 = arith.constant 0 : i32
      %dma_start3A_96 = tpu.memref_slice %arg13[%dma_start3A_94, %dma_start3A_95] : memref<80x16xf32, #tpu.memory_space<vmem>> -> memref<80x16xf32, #tpu.memory_space<vmem>>
      %dma_start3A_97 = arith.constant 0 : i32
      %dma_start3A_98 = tpu.memref_slice %arg16[%add3A_35, %dma_start3A_97] : memref<10112x16xf32, #tpu.memory_space<vmem_shared>> -> memref<80x16xf32, #tpu.memory_space<vmem_shared>>
      %dma_start3A_99 = arith.constant 0 : i32
      %dma_start3A_100 = tpu.memref_slice %arg16[%add3A_35, %dma_start3A_99] : memref<10112x16xf32, #tpu.memory_space<vmem_shared>> -> memref<80x16xf32, #tpu.memory_space<vmem_shared>>
      %dma_start3A_101 = arith.constant 0 : i32
      %dma_start3A_102 = arith.constant 0 : i32
      %dma_start3A_103 = tpu.memref_slice %arg13[%dma_start3A_101, %dma_start3A_102] : memref<80x16xf32, #tpu.memory_space<vmem>> -> memref<80x16xf32, #tpu.memory_space<vmem>>
      tpu.enqueue_dma source(%dma_start3A_103 : memref<80x16xf32, #tpu.memory_space<vmem>>) target(%dma_start3A_100 : memref<80x16xf32, #tpu.memory_space<vmem_shared>>) target_semaphore(%run_scoped3A_93 : memref<!tpu.dma_semaphore, #tpu.memory_space<semaphore_mem>>)
      %dma_wait3A_104 = arith.constant 0 : i32
      %dma_wait3A_105 = arith.constant 0 : i32
      %dma_wait3A_106 = tpu.memref_slice %arg13[%dma_wait3A_104, %dma_wait3A_105] : memref<80x16xf32, #tpu.memory_space<vmem>> -> memref<80x16xf32, #tpu.memory_space<vmem>>
      %dma_wait3A_107 = arith.constant 0 : i32
      %dma_wait3A_108 = tpu.memref_slice %arg16[%add3A_35, %dma_wait3A_107] : memref<10112x16xf32, #tpu.memory_space<vmem_shared>> -> memref<80x16xf32, #tpu.memory_space<vmem_shared>>
      %dma_wait3A_109 = arith.constant 0 : i32
      %dma_wait3A_110 = tpu.memref_slice %arg16[%add3A_35, %dma_wait3A_109] : memref<10112x16xf32, #tpu.memory_space<vmem_shared>> -> memref<80x16xf32, #tpu.memory_space<vmem_shared>>
      %dma_wait3A_111 = arith.constant 0 : i32
      %dma_wait3A_112 = arith.constant 0 : i32
      %dma_wait3A_113 = tpu.memref_slice %arg13[%dma_wait3A_111, %dma_wait3A_112] : memref<80x16xf32, #tpu.memory_space<vmem>> -> memref<80x16xf32, #tpu.memory_space<vmem>>
      tpu.wait_dma2 semaphore(%run_scoped3A_93 : memref<!tpu.dma_semaphore, #tpu.memory_space<semaphore_mem>>) src(%dma_wait3A_113 : memref<80x16xf32, #tpu.memory_space<vmem>>) dst(%dma_wait3A_110 : memref<80x16xf32, #tpu.memory_space<vmem_shared>>)
      tpu.yield
    }) : () -> ()
    %add3A_36 = arith.constant 400 : i32
    %add3A_37 = arith.addi %mul3A_21, %add3A_36 : i32
    "tpu.region"() ({
      %run_scoped3A_93 = tpu.sem_alloc : memref<!tpu.dma_semaphore, #tpu.memory_space<semaphore_mem>>
      %dma_start3A_94 = arith.constant 0 : i32
      %dma_start3A_95 = arith.constant 0 : i32
      %dma_start3A_96 = tpu.memref_slice %arg13[%dma_start3A_94, %dma_start3A_95] : memref<80x16xf32, #tpu.memory_space<vmem>> -> memref<80x16xf32, #tpu.memory_space<vmem>>
      %dma_start3A_97 = arith.constant 0 : i32
      %dma_start3A_98 = tpu.memref_slice %arg16[%add3A_37, %dma_start3A_97] : memref<10112x16xf32, #tpu.memory_space<vmem_shared>> -> memref<80x16xf32, #tpu.memory_space<vmem_shared>>
      %dma_start3A_99 = arith.constant 0 : i32
      %dma_start3A_100 = tpu.memref_slice %arg16[%add3A_37, %dma_start3A_99] : memref<10112x16xf32, #tpu.memory_space<vmem_shared>> -> memref<80x16xf32, #tpu.memory_space<vmem_shared>>
      %dma_start3A_101 = arith.constant 0 : i32
      %dma_start3A_102 = arith.constant 0 : i32
      %dma_start3A_103 = tpu.memref_slice %arg13[%dma_start3A_101, %dma_start3A_102] : memref<80x16xf32, #tpu.memory_space<vmem>> -> memref<80x16xf32, #tpu.memory_space<vmem>>
      tpu.enqueue_dma source(%dma_start3A_103 : memref<80x16xf32, #tpu.memory_space<vmem>>) target(%dma_start3A_100 : memref<80x16xf32, #tpu.memory_space<vmem_shared>>) target_semaphore(%run_scoped3A_93 : memref<!tpu.dma_semaphore, #tpu.memory_space<semaphore_mem>>)
      %dma_wait3A_104 = arith.constant 0 : i32
      %dma_wait3A_105 = arith.constant 0 : i32
      %dma_wait3A_106 = tpu.memref_slice %arg13[%dma_wait3A_104, %dma_wait3A_105] : memref<80x16xf32, #tpu.memory_space<vmem>> -> memref<80x16xf32, #tpu.memory_space<vmem>>
      %dma_wait3A_107 = arith.constant 0 : i32
      %dma_wait3A_108 = tpu.memref_slice %arg16[%add3A_37, %dma_wait3A_107] : memref<10112x16xf32, #tpu.memory_space<vmem_shared>> -> memref<80x16xf32, #tpu.memory_space<vmem_shared>>
      %dma_wait3A_109 = arith.constant 0 : i32
      %dma_wait3A_110 = tpu.memref_slice %arg16[%add3A_37, %dma_wait3A_109] : memref<10112x16xf32, #tpu.memory_space<vmem_shared>> -> memref<80x16xf32, #tpu.memory_space<vmem_shared>>
      %dma_wait3A_111 = arith.constant 0 : i32
      %dma_wait3A_112 = arith.constant 0 : i32
      %dma_wait3A_113 = tpu.memref_slice %arg13[%dma_wait3A_111, %dma_wait3A_112] : memref<80x16xf32, #tpu.memory_space<vmem>> -> memref<80x16xf32, #tpu.memory_space<vmem>>
      tpu.wait_dma2 semaphore(%run_scoped3A_93 : memref<!tpu.dma_semaphore, #tpu.memory_space<semaphore_mem>>) src(%dma_wait3A_113 : memref<80x16xf32, #tpu.memory_space<vmem>>) dst(%dma_wait3A_110 : memref<80x16xf32, #tpu.memory_space<vmem_shared>>)
      tpu.yield
    }) : () -> ()
    %add3A_38 = arith.constant 480 : i32
    %add3A_39 = arith.addi %mul3A_21, %add3A_38 : i32
    "tpu.region"() ({
      %run_scoped3A_93 = tpu.sem_alloc : memref<!tpu.dma_semaphore, #tpu.memory_space<semaphore_mem>>
      %dma_start3A_94 = arith.constant 0 : i32
      %dma_start3A_95 = arith.constant 0 : i32
      %dma_start3A_96 = tpu.memref_slice %arg13[%dma_start3A_94, %dma_start3A_95] : memref<80x16xf32, #tpu.memory_space<vmem>> -> memref<80x16xf32, #tpu.memory_space<vmem>>
      %dma_start3A_97 = arith.constant 0 : i32
      %dma_start3A_98 = tpu.memref_slice %arg16[%add3A_39, %dma_start3A_97] : memref<10112x16xf32, #tpu.memory_space<vmem_shared>> -> memref<80x16xf32, #tpu.memory_space<vmem_shared>>
      %dma_start3A_99 = arith.constant 0 : i32
      %dma_start3A_100 = tpu.memref_slice %arg16[%add3A_39, %dma_start3A_99] : memref<10112x16xf32, #tpu.memory_space<vmem_shared>> -> memref<80x16xf32, #tpu.memory_space<vmem_shared>>
      %dma_start3A_101 = arith.constant 0 : i32
      %dma_start3A_102 = arith.constant 0 : i32
      %dma_start3A_103 = tpu.memref_slice %arg13[%dma_start3A_101, %dma_start3A_102] : memref<80x16xf32, #tpu.memory_space<vmem>> -> memref<80x16xf32, #tpu.memory_space<vmem>>
      tpu.enqueue_dma source(%dma_start3A_103 : memref<80x16xf32, #tpu.memory_space<vmem>>) target(%dma_start3A_100 : memref<80x16xf32, #tpu.memory_space<vmem_shared>>) target_semaphore(%run_scoped3A_93 : memref<!tpu.dma_semaphore, #tpu.memory_space<semaphore_mem>>)
      %dma_wait3A_104 = arith.constant 0 : i32
      %dma_wait3A_105 = arith.constant 0 : i32
      %dma_wait3A_106 = tpu.memref_slice %arg13[%dma_wait3A_104, %dma_wait3A_105] : memref<80x16xf32, #tpu.memory_space<vmem>> -> memref<80x16xf32, #tpu.memory_space<vmem>>
      %dma_wait3A_107 = arith.constant 0 : i32
      %dma_wait3A_108 = tpu.memref_slice %arg16[%add3A_39, %dma_wait3A_107] : memref<10112x16xf32, #tpu.memory_space<vmem_shared>> -> memref<80x16xf32, #tpu.memory_space<vmem_shared>>
      %dma_wait3A_109 = arith.constant 0 : i32
      %dma_wait3A_110 = tpu.memref_slice %arg16[%add3A_39, %dma_wait3A_109] : memref<10112x16xf32, #tpu.memory_space<vmem_shared>> -> memref<80x16xf32, #tpu.memory_space<vmem_shared>>
      %dma_wait3A_111 = arith.constant 0 : i32
      %dma_wait3A_112 = arith.constant 0 : i32
      %dma_wait3A_113 = tpu.memref_slice %arg13[%dma_wait3A_111, %dma_wait3A_112] : memref<80x16xf32, #tpu.memory_space<vmem>> -> memref<80x16xf32, #tpu.memory_space<vmem>>
      tpu.wait_dma2 semaphore(%run_scoped3A_93 : memref<!tpu.dma_semaphore, #tpu.memory_space<semaphore_mem>>) src(%dma_wait3A_113 : memref<80x16xf32, #tpu.memory_space<vmem>>) dst(%dma_wait3A_110 : memref<80x16xf32, #tpu.memory_space<vmem_shared>>)
      tpu.yield
    }) : () -> ()
    %add3A_40 = arith.constant 560 : i32
    %add3A_41 = arith.addi %mul3A_21, %add3A_40 : i32
    "tpu.region"() ({
      %run_scoped3A_93 = tpu.sem_alloc : memref<!tpu.dma_semaphore, #tpu.memory_space<semaphore_mem>>
      %dma_start3A_94 = arith.constant 0 : i32
      %dma_start3A_95 = arith.constant 0 : i32
      %dma_start3A_96 = tpu.memref_slice %arg13[%dma_start3A_94, %dma_start3A_95] : memref<80x16xf32, #tpu.memory_space<vmem>> -> memref<72x16xf32, #tpu.memory_space<vmem>>
      %dma_start3A_97 = arith.constant 0 : i32
      %dma_start3A_98 = tpu.memref_slice %arg16[%add3A_41, %dma_start3A_97] : memref<10112x16xf32, #tpu.memory_space<vmem_shared>> -> memref<72x16xf32, #tpu.memory_space<vmem_shared>>
      %dma_start3A_99 = arith.constant 0 : i32
      %dma_start3A_100 = tpu.memref_slice %arg16[%add3A_41, %dma_start3A_99] : memref<10112x16xf32, #tpu.memory_space<vmem_shared>> -> memref<72x16xf32, #tpu.memory_space<vmem_shared>>
      %dma_start3A_101 = arith.constant 0 : i32
      %dma_start3A_102 = arith.constant 0 : i32
      %dma_start3A_103 = tpu.memref_slice %arg13[%dma_start3A_101, %dma_start3A_102] : memref<80x16xf32, #tpu.memory_space<vmem>> -> memref<72x16xf32, #tpu.memory_space<vmem>>
      tpu.enqueue_dma source(%dma_start3A_103 : memref<72x16xf32, #tpu.memory_space<vmem>>) target(%dma_start3A_100 : memref<72x16xf32, #tpu.memory_space<vmem_shared>>) target_semaphore(%run_scoped3A_93 : memref<!tpu.dma_semaphore, #tpu.memory_space<semaphore_mem>>)
      %dma_wait3A_104 = arith.constant 0 : i32
      %dma_wait3A_105 = arith.constant 0 : i32
      %dma_wait3A_106 = tpu.memref_slice %arg13[%dma_wait3A_104, %dma_wait3A_105] : memref<80x16xf32, #tpu.memory_space<vmem>> -> memref<72x16xf32, #tpu.memory_space<vmem>>
      %dma_wait3A_107 = arith.constant 0 : i32
      %dma_wait3A_108 = tpu.memref_slice %arg16[%add3A_41, %dma_wait3A_107] : memref<10112x16xf32, #tpu.memory_space<vmem_shared>> -> memref<72x16xf32, #tpu.memory_space<vmem_shared>>
      %dma_wait3A_109 = arith.constant 0 : i32
      %dma_wait3A_110 = tpu.memref_slice %arg16[%add3A_41, %dma_wait3A_109] : memref<10112x16xf32, #tpu.memory_space<vmem_shared>> -> memref<72x16xf32, #tpu.memory_space<vmem_shared>>
      %dma_wait3A_111 = arith.constant 0 : i32
      %dma_wait3A_112 = arith.constant 0 : i32
      %dma_wait3A_113 = tpu.memref_slice %arg13[%dma_wait3A_111, %dma_wait3A_112] : memref<80x16xf32, #tpu.memory_space<vmem>> -> memref<72x16xf32, #tpu.memory_space<vmem>>
      tpu.wait_dma2 semaphore(%run_scoped3A_93 : memref<!tpu.dma_semaphore, #tpu.memory_space<semaphore_mem>>) src(%dma_wait3A_113 : memref<72x16xf32, #tpu.memory_space<vmem>>) dst(%dma_wait3A_110 : memref<72x16xf32, #tpu.memory_space<vmem_shared>>)
      tpu.yield
    }) : () -> ()
    %barrier3A = arith.constant 0 : index
    tpu.barrier barrier_id(%barrier3A)
    %dma_start3A = arith.constant 0 : i32
    %dma_start3A_42 = arith.constant 0 : i32
    %dma_start3A_43 = tpu.memref_slice %arg8[%dma_start3A, %dma_start3A_42] : memref<125x80xi32, #tpu.memory_space<vmem>> -> memref<1x80xi32, #tpu.memory_space<vmem>>
    %dma_start3A_44 = tpu.memref_squeeze %dma_start3A_43 : memref<1x80xi32, #tpu.memory_space<vmem>> -> memref<80xi32, #tpu.memory_space<vmem>>
    %dma_start3A_45 = arith.constant 0 : i32
    %dma_start3A_46 = arith.constant 0 : i32
    %dma_start3A_47 = tpu.memref_slice %arg2[%dma_start3A_45, %dma_start3A_46] : memref<10000x128xf32, #tpu.memory_space<hbm>> -> memref<10000x128xf32, #tpu.memory_space<hbm>>
    tpu.enqueue_indirect_dma source(%dma_start3A_47 : memref<10000x128xf32, #tpu.memory_space<hbm>>) target(%arg10 : memref<80x128xf32, #tpu.memory_space<vmem>>) offsets(%dma_start3A_44 : memref<80xi32, #tpu.memory_space<vmem>>) semaphore(%arg17 : memref<!tpu.dma_semaphore, #tpu.memory_space<semaphore_mem>>)
    %dma_start3A_48 = arith.constant 0 : i32
    %dma_start3A_49 = arith.constant 0 : i32
    %dma_start3A_50 = tpu.memref_slice %arg9[%dma_start3A_48, %dma_start3A_49] : memref<125x80xi32, #tpu.memory_space<vmem>> -> memref<1x80xi32, #tpu.memory_space<vmem>>
    %dma_start3A_51 = tpu.memref_squeeze %dma_start3A_50 : memref<1x80xi32, #tpu.memory_space<vmem>> -> memref<80xi32, #tpu.memory_space<vmem>>
    %dma_start3A_52 = arith.constant 0 : i32
    %dma_start3A_53 = arith.constant 0 : i32
    %dma_start3A_54 = tpu.memref_slice %arg15[%dma_start3A_52, %dma_start3A_53] : memref<2560x16xf32, #tpu.memory_space<vmem_shared>> -> memref<2560x16xf32, #tpu.memory_space<vmem_shared>>
    tpu.enqueue_indirect_dma source(%arg12 : memref<80x16xf32, #tpu.memory_space<vmem>>) target(%dma_start3A_54 : memref<2560x16xf32, #tpu.memory_space<vmem_shared>>) offsets(%dma_start3A_51 : memref<80xi32, #tpu.memory_space<vmem>>) semaphore(%arg19 : memref<!tpu.dma_semaphore, #tpu.memory_space<semaphore_mem>>) {add = true}
    %dma_start3A_55 = arith.constant 0 : i32
    %dma_start3A_56 = arith.constant 0 : i32
    %dma_start3A_57 = tpu.memref_slice %arg8[%dma_start3A_55, %dma_start3A_56] : memref<125x80xi32, #tpu.memory_space<vmem>> -> memref<1x80xi32, #tpu.memory_space<vmem>>
    %dma_start3A_58 = tpu.memref_squeeze %dma_start3A_57 : memref<1x80xi32, #tpu.memory_space<vmem>> -> memref<80xi32, #tpu.memory_space<vmem>>
    %dma_start3A_59 = arith.constant 0 : i32
    %dma_start3A_60 = arith.constant 0 : i32
    %dma_start3A_61 = tpu.memref_slice %arg16[%dma_start3A_59, %dma_start3A_60] : memref<10112x16xf32, #tpu.memory_space<vmem_shared>> -> memref<10112x16xf32, #tpu.memory_space<vmem_shared>>
    tpu.enqueue_indirect_dma source(%arg12 : memref<80x16xf32, #tpu.memory_space<vmem>>) target(%dma_start3A_61 : memref<10112x16xf32, #tpu.memory_space<vmem_shared>>) offsets(%dma_start3A_58 : memref<80xi32, #tpu.memory_space<vmem>>) semaphore(%arg20 : memref<!tpu.dma_semaphore, #tpu.memory_space<semaphore_mem>>) {add = true}
    %scan3A_62 = arith.constant 0 : i32
    %scan3A_63 = arith.constant 0 : i32
    %scan3A_64 = arith.constant 62 : i32
    %scan3A_65 = arith.addi %scan3A_63, %scan3A_64 : i32
    %scan3A_66 = arith.constant 1 : i32
    scf.for %scan3A_93 = %scan3A_63 to %scan3A_65 step %scan3A_66  : i32 {
      %mul3A_94 = arith.constant 2 : i32
      %mul3A_95 = arith.muli %scan3A_93, %mul3A_94 : i32
      %add3A_96 = arith.constant 0 : i32
      %add3A_97 = arith.addi %mul3A_95, %add3A_96 : i32
      %add3A_98 = arith.constant 1 : i32
      %add3A_99 = arith.addi %add3A_97, %add3A_98 : i32
      %lt3A = arith.constant 125 : i32
      %lt3A_100 = arith.cmpi slt, %add3A_99, %lt3A : i32
      %convert_element_type3A = arith.extui %lt3A_100 : i1 to i32
      %cond3A = arith.constant 0 : i32
      %cond3A_101 = arith.cmpi ne, %convert_element_type3A, %cond3A : i32
      scf.if %cond3A_101 {
        %add3A_163 = arith.constant 1 : i32
        %add3A_164 = arith.addi %add3A_97, %add3A_163 : i32
        %dma_start3A_165 = arith.constant 0 : i32
        %dma_start3A_166 = tpu.memref_slice %arg8[%add3A_164, %dma_start3A_165] : memref<125x80xi32, #tpu.memory_space<vmem>> -> memref<1x80xi32, #tpu.memory_space<vmem>>
        %dma_start3A_167 = tpu.memref_squeeze %dma_start3A_166 : memref<1x80xi32, #tpu.memory_space<vmem>> -> memref<80xi32, #tpu.memory_space<vmem>>
        %dma_start3A_168 = arith.constant 0 : i32
        %dma_start3A_169 = arith.constant 0 : i32
        %dma_start3A_170 = tpu.memref_slice %arg2[%dma_start3A_168, %dma_start3A_169] : memref<10000x128xf32, #tpu.memory_space<hbm>> -> memref<10000x128xf32, #tpu.memory_space<hbm>>
        tpu.enqueue_indirect_dma source(%dma_start3A_170 : memref<10000x128xf32, #tpu.memory_space<hbm>>) target(%arg11 : memref<80x128xf32, #tpu.memory_space<vmem>>) offsets(%dma_start3A_167 : memref<80xi32, #tpu.memory_space<vmem>>) semaphore(%arg18 : memref<!tpu.dma_semaphore, #tpu.memory_space<semaphore_mem>>)
      } else {
      }
      %dma_wait3A_102 = arith.constant 0 : i32
      %dma_wait3A_103 = tpu.memref_slice %arg8[%add3A_97, %dma_wait3A_102] : memref<125x80xi32, #tpu.memory_space<vmem>> -> memref<1x80xi32, #tpu.memory_space<vmem>>
      %dma_wait3A_104 = tpu.memref_squeeze %dma_wait3A_103 : memref<1x80xi32, #tpu.memory_space<vmem>> -> memref<80xi32, #tpu.memory_space<vmem>>
      %dma_wait3A_105 = arith.constant 0 : i32
      %dma_wait3A_106 = arith.constant 0 : i32
      %dma_wait3A_107 = tpu.memref_slice %arg2[%dma_wait3A_105, %dma_wait3A_106] : memref<10000x128xf32, #tpu.memory_space<hbm>> -> memref<10000x128xf32, #tpu.memory_space<hbm>>
      tpu.wait_indirect_dma semaphore(%arg17 : memref<!tpu.dma_semaphore, #tpu.memory_space<semaphore_mem>>) src(%dma_wait3A_107 : memref<10000x128xf32, #tpu.memory_space<hbm>>) dst(%arg10 : memref<80x128xf32, #tpu.memory_space<vmem>>)
      "tpu.region"() ({
        %run_scoped3A_163 = tpu.sem_alloc : memref<!tpu.dma_semaphore, #tpu.memory_space<semaphore_mem>>
        %dma_start3A_164 = arith.constant 0 : i32
        %dma_start3A_165 = tpu.memref_slice %arg9[%add3A_97, %dma_start3A_164] : memref<125x80xi32, #tpu.memory_space<vmem>> -> memref<1x80xi32, #tpu.memory_space<vmem>>
        %dma_start3A_166 = tpu.memref_squeeze %dma_start3A_165 : memref<1x80xi32, #tpu.memory_space<vmem>> -> memref<80xi32, #tpu.memory_space<vmem>>
        %dma_start3A_167 = arith.constant 0 : i32
        %dma_start3A_168 = arith.constant 0 : i32
        %dma_start3A_169 = tpu.memref_slice %arg14[%dma_start3A_167, %dma_start3A_168] : memref<2560x128xf32, #tpu.memory_space<vmem_shared>> -> memref<2560x128xf32, #tpu.memory_space<vmem_shared>>
        tpu.enqueue_indirect_dma source(%arg10 : memref<80x128xf32, #tpu.memory_space<vmem>>) target(%dma_start3A_169 : memref<2560x128xf32, #tpu.memory_space<vmem_shared>>) offsets(%dma_start3A_166 : memref<80xi32, #tpu.memory_space<vmem>>) semaphore(%run_scoped3A_163 : memref<!tpu.dma_semaphore, #tpu.memory_space<semaphore_mem>>) {add = true}
        %dma_wait3A_170 = arith.constant 0 : i32
        %dma_wait3A_171 = tpu.memref_slice %arg9[%add3A_97, %dma_wait3A_170] : memref<125x80xi32, #tpu.memory_space<vmem>> -> memref<1x80xi32, #tpu.memory_space<vmem>>
        %dma_wait3A_172 = tpu.memref_squeeze %dma_wait3A_171 : memref<1x80xi32, #tpu.memory_space<vmem>> -> memref<80xi32, #tpu.memory_space<vmem>>
        %dma_wait3A_173 = arith.constant 0 : i32
        %dma_wait3A_174 = arith.constant 0 : i32
        %dma_wait3A_175 = tpu.memref_slice %arg14[%dma_wait3A_173, %dma_wait3A_174] : memref<2560x128xf32, #tpu.memory_space<vmem_shared>> -> memref<2560x128xf32, #tpu.memory_space<vmem_shared>>
        tpu.wait_indirect_dma semaphore(%run_scoped3A_163 : memref<!tpu.dma_semaphore, #tpu.memory_space<semaphore_mem>>) src(%arg10 : memref<80x128xf32, #tpu.memory_space<vmem>>) dst(%dma_wait3A_175 : memref<2560x128xf32, #tpu.memory_space<vmem_shared>>)
        tpu.yield
      }) : () -> ()
      %dma_wait3A_108 = arith.constant 0 : i32
      %dma_wait3A_109 = tpu.memref_slice %arg9[%add3A_97, %dma_wait3A_108] : memref<125x80xi32, #tpu.memory_space<vmem>> -> memref<1x80xi32, #tpu.memory_space<vmem>>
      %dma_wait3A_110 = tpu.memref_squeeze %dma_wait3A_109 : memref<1x80xi32, #tpu.memory_space<vmem>> -> memref<80xi32, #tpu.memory_space<vmem>>
      %dma_wait3A_111 = arith.constant 0 : i32
      %dma_wait3A_112 = arith.constant 0 : i32
      %dma_wait3A_113 = tpu.memref_slice %arg15[%dma_wait3A_111, %dma_wait3A_112] : memref<2560x16xf32, #tpu.memory_space<vmem_shared>> -> memref<2560x16xf32, #tpu.memory_space<vmem_shared>>
      tpu.wait_indirect_dma semaphore(%arg19 : memref<!tpu.dma_semaphore, #tpu.memory_space<semaphore_mem>>) src(%arg12 : memref<80x16xf32, #tpu.memory_space<vmem>>) dst(%dma_wait3A_113 : memref<2560x16xf32, #tpu.memory_space<vmem_shared>>)
      %dma_wait3A_114 = arith.constant 0 : i32
      %dma_wait3A_115 = tpu.memref_slice %arg8[%add3A_97, %dma_wait3A_114] : memref<125x80xi32, #tpu.memory_space<vmem>> -> memref<1x80xi32, #tpu.memory_space<vmem>>
      %dma_wait3A_116 = tpu.memref_squeeze %dma_wait3A_115 : memref<1x80xi32, #tpu.memory_space<vmem>> -> memref<80xi32, #tpu.memory_space<vmem>>
      %dma_wait3A_117 = arith.constant 0 : i32
      %dma_wait3A_118 = arith.constant 0 : i32
      %dma_wait3A_119 = tpu.memref_slice %arg16[%dma_wait3A_117, %dma_wait3A_118] : memref<10112x16xf32, #tpu.memory_space<vmem_shared>> -> memref<10112x16xf32, #tpu.memory_space<vmem_shared>>
      tpu.wait_indirect_dma semaphore(%arg20 : memref<!tpu.dma_semaphore, #tpu.memory_space<semaphore_mem>>) src(%arg12 : memref<80x16xf32, #tpu.memory_space<vmem>>) dst(%dma_wait3A_119 : memref<10112x16xf32, #tpu.memory_space<vmem_shared>>)
      %add3A_120 = arith.constant 1 : i32
      %add3A_121 = arith.addi %add3A_97, %add3A_120 : i32
      %lt3A_122 = arith.constant 125 : i32
      %lt3A_123 = arith.cmpi slt, %add3A_121, %lt3A_122 : i32
      %convert_element_type3A_124 = arith.extui %lt3A_123 : i1 to i32
      %cond3A_125 = arith.constant 0 : i32
      %cond3A_126 = arith.cmpi ne, %convert_element_type3A_124, %cond3A_125 : i32
      scf.if %cond3A_126 {
        %add3A_163 = arith.constant 1 : i32
        %add3A_164 = arith.addi %add3A_97, %add3A_163 : i32
        %dma_start3A_165 = arith.constant 0 : i32
        %dma_start3A_166 = tpu.memref_slice %arg9[%add3A_164, %dma_start3A_165] : memref<125x80xi32, #tpu.memory_space<vmem>> -> memref<1x80xi32, #tpu.memory_space<vmem>>
        %dma_start3A_167 = tpu.memref_squeeze %dma_start3A_166 : memref<1x80xi32, #tpu.memory_space<vmem>> -> memref<80xi32, #tpu.memory_space<vmem>>
        %dma_start3A_168 = arith.constant 0 : i32
        %dma_start3A_169 = arith.constant 0 : i32
        %dma_start3A_170 = tpu.memref_slice %arg15[%dma_start3A_168, %dma_start3A_169] : memref<2560x16xf32, #tpu.memory_space<vmem_shared>> -> memref<2560x16xf32, #tpu.memory_space<vmem_shared>>
        tpu.enqueue_indirect_dma source(%arg12 : memref<80x16xf32, #tpu.memory_space<vmem>>) target(%dma_start3A_170 : memref<2560x16xf32, #tpu.memory_space<vmem_shared>>) offsets(%dma_start3A_167 : memref<80xi32, #tpu.memory_space<vmem>>) semaphore(%arg19 : memref<!tpu.dma_semaphore, #tpu.memory_space<semaphore_mem>>) {add = true}
        %add3A_171 = arith.constant 1 : i32
        %add3A_172 = arith.addi %add3A_97, %add3A_171 : i32
        %dma_start3A_173 = arith.constant 0 : i32
        %dma_start3A_174 = tpu.memref_slice %arg8[%add3A_172, %dma_start3A_173] : memref<125x80xi32, #tpu.memory_space<vmem>> -> memref<1x80xi32, #tpu.memory_space<vmem>>
        %dma_start3A_175 = tpu.memref_squeeze %dma_start3A_174 : memref<1x80xi32, #tpu.memory_space<vmem>> -> memref<80xi32, #tpu.memory_space<vmem>>
        %dma_start3A_176 = arith.constant 0 : i32
        %dma_start3A_177 = arith.constant 0 : i32
        %dma_start3A_178 = tpu.memref_slice %arg16[%dma_start3A_176, %dma_start3A_177] : memref<10112x16xf32, #tpu.memory_space<vmem_shared>> -> memref<10112x16xf32, #tpu.memory_space<vmem_shared>>
        tpu.enqueue_indirect_dma source(%arg12 : memref<80x16xf32, #tpu.memory_space<vmem>>) target(%dma_start3A_178 : memref<10112x16xf32, #tpu.memory_space<vmem_shared>>) offsets(%dma_start3A_175 : memref<80xi32, #tpu.memory_space<vmem>>) semaphore(%arg20 : memref<!tpu.dma_semaphore, #tpu.memory_space<semaphore_mem>>) {add = true}
      } else {
      }
      %mul3A_127 = arith.constant 2 : i32
      %mul3A_128 = arith.muli %scan3A_93, %mul3A_127 : i32
      %add3A_129 = arith.constant 1 : i32
      %add3A_130 = arith.addi %mul3A_128, %add3A_129 : i32
      %add3A_131 = arith.constant 1 : i32
      %add3A_132 = arith.addi %add3A_130, %add3A_131 : i32
      %lt3A_133 = arith.constant 125 : i32
      %lt3A_134 = arith.cmpi slt, %add3A_132, %lt3A_133 : i32
      %convert_element_type3A_135 = arith.extui %lt3A_134 : i1 to i32
      %cond3A_136 = arith.constant 0 : i32
      %cond3A_137 = arith.cmpi ne, %convert_element_type3A_135, %cond3A_136 : i32
      scf.if %cond3A_137 {
        %add3A_163 = arith.constant 1 : i32
        %add3A_164 = arith.addi %add3A_130, %add3A_163 : i32
        %dma_start3A_165 = arith.constant 0 : i32
        %dma_start3A_166 = tpu.memref_slice %arg8[%add3A_164, %dma_start3A_165] : memref<125x80xi32, #tpu.memory_space<vmem>> -> memref<1x80xi32, #tpu.memory_space<vmem>>
        %dma_start3A_167 = tpu.memref_squeeze %dma_start3A_166 : memref<1x80xi32, #tpu.memory_space<vmem>> -> memref<80xi32, #tpu.memory_space<vmem>>
        %dma_start3A_168 = arith.constant 0 : i32
        %dma_start3A_169 = arith.constant 0 : i32
        %dma_start3A_170 = tpu.memref_slice %arg2[%dma_start3A_168, %dma_start3A_169] : memref<10000x128xf32, #tpu.memory_space<hbm>> -> memref<10000x128xf32, #tpu.memory_space<hbm>>
        tpu.enqueue_indirect_dma source(%dma_start3A_170 : memref<10000x128xf32, #tpu.memory_space<hbm>>) target(%arg10 : memref<80x128xf32, #tpu.memory_space<vmem>>) offsets(%dma_start3A_167 : memref<80xi32, #tpu.memory_space<vmem>>) semaphore(%arg17 : memref<!tpu.dma_semaphore, #tpu.memory_space<semaphore_mem>>)
      } else {
      }
      %dma_wait3A_138 = arith.constant 0 : i32
      %dma_wait3A_139 = tpu.memref_slice %arg8[%add3A_130, %dma_wait3A_138] : memref<125x80xi32, #tpu.memory_space<vmem>> -> memref<1x80xi32, #tpu.memory_space<vmem>>
      %dma_wait3A_140 = tpu.memref_squeeze %dma_wait3A_139 : memref<1x80xi32, #tpu.memory_space<vmem>> -> memref<80xi32, #tpu.memory_space<vmem>>
      %dma_wait3A_141 = arith.constant 0 : i32
      %dma_wait3A_142 = arith.constant 0 : i32
      %dma_wait3A_143 = tpu.memref_slice %arg2[%dma_wait3A_141, %dma_wait3A_142] : memref<10000x128xf32, #tpu.memory_space<hbm>> -> memref<10000x128xf32, #tpu.memory_space<hbm>>
      tpu.wait_indirect_dma semaphore(%arg18 : memref<!tpu.dma_semaphore, #tpu.memory_space<semaphore_mem>>) src(%dma_wait3A_143 : memref<10000x128xf32, #tpu.memory_space<hbm>>) dst(%arg11 : memref<80x128xf32, #tpu.memory_space<vmem>>)
      "tpu.region"() ({
        %run_scoped3A_163 = tpu.sem_alloc : memref<!tpu.dma_semaphore, #tpu.memory_space<semaphore_mem>>
        %dma_start3A_164 = arith.constant 0 : i32
        %dma_start3A_165 = tpu.memref_slice %arg9[%add3A_130, %dma_start3A_164] : memref<125x80xi32, #tpu.memory_space<vmem>> -> memref<1x80xi32, #tpu.memory_space<vmem>>
        %dma_start3A_166 = tpu.memref_squeeze %dma_start3A_165 : memref<1x80xi32, #tpu.memory_space<vmem>> -> memref<80xi32, #tpu.memory_space<vmem>>
        %dma_start3A_167 = arith.constant 0 : i32
        %dma_start3A_168 = arith.constant 0 : i32
        %dma_start3A_169 = tpu.memref_slice %arg14[%dma_start3A_167, %dma_start3A_168] : memref<2560x128xf32, #tpu.memory_space<vmem_shared>> -> memref<2560x128xf32, #tpu.memory_space<vmem_shared>>
        tpu.enqueue_indirect_dma source(%arg11 : memref<80x128xf32, #tpu.memory_space<vmem>>) target(%dma_start3A_169 : memref<2560x128xf32, #tpu.memory_space<vmem_shared>>) offsets(%dma_start3A_166 : memref<80xi32, #tpu.memory_space<vmem>>) semaphore(%run_scoped3A_163 : memref<!tpu.dma_semaphore, #tpu.memory_space<semaphore_mem>>) {add = true}
        %dma_wait3A_170 = arith.constant 0 : i32
        %dma_wait3A_171 = tpu.memref_slice %arg9[%add3A_130, %dma_wait3A_170] : memref<125x80xi32, #tpu.memory_space<vmem>> -> memref<1x80xi32, #tpu.memory_space<vmem>>
        %dma_wait3A_172 = tpu.memref_squeeze %dma_wait3A_171 : memref<1x80xi32, #tpu.memory_space<vmem>> -> memref<80xi32, #tpu.memory_space<vmem>>
        %dma_wait3A_173 = arith.constant 0 : i32
        %dma_wait3A_174 = arith.constant 0 : i32
        %dma_wait3A_175 = tpu.memref_slice %arg14[%dma_wait3A_173, %dma_wait3A_174] : memref<2560x128xf32, #tpu.memory_space<vmem_shared>> -> memref<2560x128xf32, #tpu.memory_space<vmem_shared>>
        tpu.wait_indirect_dma semaphore(%run_scoped3A_163 : memref<!tpu.dma_semaphore, #tpu.memory_space<semaphore_mem>>) src(%arg11 : memref<80x128xf32, #tpu.memory_space<vmem>>) dst(%dma_wait3A_175 : memref<2560x128xf32, #tpu.memory_space<vmem_shared>>)
        tpu.yield
      }) : () -> ()
      %dma_wait3A_144 = arith.constant 0 : i32
      %dma_wait3A_145 = tpu.memref_slice %arg9[%add3A_130, %dma_wait3A_144] : memref<125x80xi32, #tpu.memory_space<vmem>> -> memref<1x80xi32, #tpu.memory_space<vmem>>
      %dma_wait3A_146 = tpu.memref_squeeze %dma_wait3A_145 : memref<1x80xi32, #tpu.memory_space<vmem>> -> memref<80xi32, #tpu.memory_space<vmem>>
      %dma_wait3A_147 = arith.constant 0 : i32
      %dma_wait3A_148 = arith.constant 0 : i32
      %dma_wait3A_149 = tpu.memref_slice %arg15[%dma_wait3A_147, %dma_wait3A_148] : memref<2560x16xf32, #tpu.memory_space<vmem_shared>> -> memref<2560x16xf32, #tpu.memory_space<vmem_shared>>
      tpu.wait_indirect_dma semaphore(%arg19 : memref<!tpu.dma_semaphore, #tpu.memory_space<semaphore_mem>>) src(%arg12 : memref<80x16xf32, #tpu.memory_space<vmem>>) dst(%dma_wait3A_149 : memref<2560x16xf32, #tpu.memory_space<vmem_shared>>)
      %dma_wait3A_150 = arith.constant 0 : i32
      %dma_wait3A_151 = tpu.memref_slice %arg8[%add3A_130, %dma_wait3A_150] : memref<125x80xi32, #tpu.memory_space<vmem>> -> memref<1x80xi32, #tpu.memory_space<vmem>>
      %dma_wait3A_152 = tpu.memref_squeeze %dma_wait3A_151 : memref<1x80xi32, #tpu.memory_space<vmem>> -> memref<80xi32, #tpu.memory_space<vmem>>
      %dma_wait3A_153 = arith.constant 0 : i32
      %dma_wait3A_154 = arith.constant 0 : i32
      %dma_wait3A_155 = tpu.memref_slice %arg16[%dma_wait3A_153, %dma_wait3A_154] : memref<10112x16xf32, #tpu.memory_space<vmem_shared>> -> memref<10112x16xf32, #tpu.memory_space<vmem_shared>>
      tpu.wait_indirect_dma semaphore(%arg20 : memref<!tpu.dma_semaphore, #tpu.memory_space<semaphore_mem>>) src(%arg12 : memref<80x16xf32, #tpu.memory_space<vmem>>) dst(%dma_wait3A_155 : memref<10112x16xf32, #tpu.memory_space<vmem_shared>>)
      %add3A_156 = arith.constant 1 : i32
      %add3A_157 = arith.addi %add3A_130, %add3A_156 : i32
      %lt3A_158 = arith.constant 125 : i32
      %lt3A_159 = arith.cmpi slt, %add3A_157, %lt3A_158 : i32
      %convert_element_type3A_160 = arith.extui %lt3A_159 : i1 to i32
      %cond3A_161 = arith.constant 0 : i32
      %cond3A_162 = arith.cmpi ne, %convert_element_type3A_160, %cond3A_161 : i32
      scf.if %cond3A_162 {
        %add3A_163 = arith.constant 1 : i32
        %add3A_164 = arith.addi %add3A_130, %add3A_163 : i32
        %dma_start3A_165 = arith.constant 0 : i32
        %dma_start3A_166 = tpu.memref_slice %arg9[%add3A_164, %dma_start3A_165] : memref<125x80xi32, #tpu.memory_space<vmem>> -> memref<1x80xi32, #tpu.memory_space<vmem>>
        %dma_start3A_167 = tpu.memref_squeeze %dma_start3A_166 : memref<1x80xi32, #tpu.memory_space<vmem>> -> memref<80xi32, #tpu.memory_space<vmem>>
        %dma_start3A_168 = arith.constant 0 : i32
        %dma_start3A_169 = arith.constant 0 : i32
        %dma_start3A_170 = tpu.memref_slice %arg15[%dma_start3A_168, %dma_start3A_169] : memref<2560x16xf32, #tpu.memory_space<vmem_shared>> -> memref<2560x16xf32, #tpu.memory_space<vmem_shared>>
        tpu.enqueue_indirect_dma source(%arg12 : memref<80x16xf32, #tpu.memory_space<vmem>>) target(%dma_start3A_170 : memref<2560x16xf32, #tpu.memory_space<vmem_shared>>) offsets(%dma_start3A_167 : memref<80xi32, #tpu.memory_space<vmem>>) semaphore(%arg19 : memref<!tpu.dma_semaphore, #tpu.memory_space<semaphore_mem>>) {add = true}
        %add3A_171 = arith.constant 1 : i32
        %add3A_172 = arith.addi %add3A_130, %add3A_171 : i32
        %dma_start3A_173 = arith.constant 0 : i32
        %dma_start3A_174 = tpu.memref_slice %arg8[%add3A_172, %dma_start3A_173] : memref<125x80xi32, #tpu.memory_space<vmem>> -> memref<1x80xi32, #tpu.memory_space<vmem>>
        %dma_start3A_175 = tpu.memref_squeeze %dma_start3A_174 : memref<1x80xi32, #tpu.memory_space<vmem>> -> memref<80xi32, #tpu.memory_space<vmem>>
        %dma_start3A_176 = arith.constant 0 : i32
        %dma_start3A_177 = arith.constant 0 : i32
        %dma_start3A_178 = tpu.memref_slice %arg16[%dma_start3A_176, %dma_start3A_177] : memref<10112x16xf32, #tpu.memory_space<vmem_shared>> -> memref<10112x16xf32, #tpu.memory_space<vmem_shared>>
        tpu.enqueue_indirect_dma source(%arg12 : memref<80x16xf32, #tpu.memory_space<vmem>>) target(%dma_start3A_178 : memref<10112x16xf32, #tpu.memory_space<vmem_shared>>) offsets(%dma_start3A_175 : memref<80xi32, #tpu.memory_space<vmem>>) semaphore(%arg20 : memref<!tpu.dma_semaphore, #tpu.memory_space<semaphore_mem>>) {add = true}
      } else {
      }
    }
    %scan3A_67 = arith.constant 62 : i32
    %dma_wait3A = arith.constant 124 : i32
    %dma_wait3A_68 = arith.constant 0 : i32
    %dma_wait3A_69 = tpu.memref_slice %arg8[%dma_wait3A, %dma_wait3A_68] : memref<125x80xi32, #tpu.memory_space<vmem>> -> memref<1x80xi32, #tpu.memory_space<vmem>>
    %dma_wait3A_70 = tpu.memref_squeeze %dma_wait3A_69 : memref<1x80xi32, #tpu.memory_space<vmem>> -> memref<80xi32, #tpu.memory_space<vmem>>
    %dma_wait3A_71 = arith.constant 0 : i32
    %dma_wait3A_72 = arith.constant 0 : i32
    %dma_wait3A_73 = tpu.memref_slice %arg2[%dma_wait3A_71, %dma_wait3A_72] : memref<10000x128xf32, #tpu.memory_space<hbm>> -> memref<10000x128xf32, #tpu.memory_space<hbm>>
    tpu.wait_indirect_dma semaphore(%arg17 : memref<!tpu.dma_semaphore, #tpu.memory_space<semaphore_mem>>) src(%dma_wait3A_73 : memref<10000x128xf32, #tpu.memory_space<hbm>>) dst(%arg10 : memref<80x128xf32, #tpu.memory_space<vmem>>)
    %run_scoped3A = arith.constant 124 : i32
    "tpu.region"() ({
      %run_scoped3A_93 = tpu.sem_alloc : memref<!tpu.dma_semaphore, #tpu.memory_space<semaphore_mem>>
      %dma_start3A_94 = arith.constant 0 : i32
      %dma_start3A_95 = tpu.memref_slice %arg9[%run_scoped3A, %dma_start3A_94] : memref<125x80xi32, #tpu.memory_space<vmem>> -> memref<1x80xi32, #tpu.memory_space<vmem>>
      %dma_start3A_96 = tpu.memref_squeeze %dma_start3A_95 : memref<1x80xi32, #tpu.memory_space<vmem>> -> memref<80xi32, #tpu.memory_space<vmem>>
      %dma_start3A_97 = arith.constant 0 : i32
      %dma_start3A_98 = arith.constant 0 : i32
      %dma_start3A_99 = tpu.memref_slice %arg14[%dma_start3A_97, %dma_start3A_98] : memref<2560x128xf32, #tpu.memory_space<vmem_shared>> -> memref<2560x128xf32, #tpu.memory_space<vmem_shared>>
      tpu.enqueue_indirect_dma source(%arg10 : memref<80x128xf32, #tpu.memory_space<vmem>>) target(%dma_start3A_99 : memref<2560x128xf32, #tpu.memory_space<vmem_shared>>) offsets(%dma_start3A_96 : memref<80xi32, #tpu.memory_space<vmem>>) semaphore(%run_scoped3A_93 : memref<!tpu.dma_semaphore, #tpu.memory_space<semaphore_mem>>) {add = true}
      %dma_wait3A_100 = arith.constant 0 : i32
      %dma_wait3A_101 = tpu.memref_slice %arg9[%run_scoped3A, %dma_wait3A_100] : memref<125x80xi32, #tpu.memory_space<vmem>> -> memref<1x80xi32, #tpu.memory_space<vmem>>
      %dma_wait3A_102 = tpu.memref_squeeze %dma_wait3A_101 : memref<1x80xi32, #tpu.memory_space<vmem>> -> memref<80xi32, #tpu.memory_space<vmem>>
      %dma_wait3A_103 = arith.constant 0 : i32
      %dma_wait3A_104 = arith.constant 0 : i32
      %dma_wait3A_105 = tpu.memref_slice %arg14[%dma_wait3A_103, %dma_wait3A_104] : memref<2560x128xf32, #tpu.memory_space<vmem_shared>> -> memref<2560x128xf32, #tpu.memory_space<vmem_shared>>
      tpu.wait_indirect_dma semaphore(%run_scoped3A_93 : memref<!tpu.dma_semaphore, #tpu.memory_space<semaphore_mem>>) src(%arg10 : memref<80x128xf32, #tpu.memory_space<vmem>>) dst(%dma_wait3A_105 : memref<2560x128xf32, #tpu.memory_space<vmem_shared>>)
      tpu.yield
    }) : () -> ()
    %dma_wait3A_74 = arith.constant 124 : i32
    %dma_wait3A_75 = arith.constant 0 : i32
    %dma_wait3A_76 = tpu.memref_slice %arg9[%dma_wait3A_74, %dma_wait3A_75] : memref<125x80xi32, #tpu.memory_space<vmem>> -> memref<1x80xi32, #tpu.memory_space<vmem>>
    %dma_wait3A_77 = tpu.memref_squeeze %dma_wait3A_76 : memref<1x80xi32, #tpu.memory_space<vmem>> -> memref<80xi32, #tpu.memory_space<vmem>>
    %dma_wait3A_78 = arith.constant 0 : i32
    %dma_wait3A_79 = arith.constant 0 : i32
    %dma_wait3A_80 = tpu.memref_slice %arg15[%dma_wait3A_78, %dma_wait3A_79] : memref<2560x16xf32, #tpu.memory_space<vmem_shared>> -> memref<2560x16xf32, #tpu.memory_space<vmem_shared>>
    tpu.wait_indirect_dma semaphore(%arg19 : memref<!tpu.dma_semaphore, #tpu.memory_space<semaphore_mem>>) src(%arg12 : memref<80x16xf32, #tpu.memory_space<vmem>>) dst(%dma_wait3A_80 : memref<2560x16xf32, #tpu.memory_space<vmem_shared>>)
    %dma_wait3A_81 = arith.constant 124 : i32
    %dma_wait3A_82 = arith.constant 0 : i32
    %dma_wait3A_83 = tpu.memref_slice %arg8[%dma_wait3A_81, %dma_wait3A_82] : memref<125x80xi32, #tpu.memory_space<vmem>> -> memref<1x80xi32, #tpu.memory_space<vmem>>
    %dma_wait3A_84 = tpu.memref_squeeze %dma_wait3A_83 : memref<1x80xi32, #tpu.memory_space<vmem>> -> memref<80xi32, #tpu.memory_space<vmem>>
    %dma_wait3A_85 = arith.constant 0 : i32
    %dma_wait3A_86 = arith.constant 0 : i32
    %dma_wait3A_87 = tpu.memref_slice %arg16[%dma_wait3A_85, %dma_wait3A_86] : memref<10112x16xf32, #tpu.memory_space<vmem_shared>> -> memref<10112x16xf32, #tpu.memory_space<vmem_shared>>
    tpu.wait_indirect_dma semaphore(%arg20 : memref<!tpu.dma_semaphore, #tpu.memory_space<semaphore_mem>>) src(%arg12 : memref<80x16xf32, #tpu.memory_space<vmem>>) dst(%dma_wait3A_87 : memref<10112x16xf32, #tpu.memory_space<vmem_shared>>)
    %barrier3A_88 = arith.constant 0 : index
    tpu.barrier barrier_id(%barrier3A_88)
    "tpu.region"() ({
      %run_scoped3A_93 = tpu.sem_alloc : memref<!tpu.dma_semaphore, #tpu.memory_space<semaphore_mem>>
      %dma_start3A_94 = arith.constant 0 : i32
      %dma_start3A_95 = tpu.memref_slice %arg5[%arg0, %mul3A_0, %dma_start3A_94] : memref<2x2560x128xf32, #tpu.memory_space<hbm>> -> memref<1x160x128xf32, #tpu.memory_space<hbm>>
      %dma_start3A_96 = tpu.memref_squeeze %dma_start3A_95 : memref<1x160x128xf32, #tpu.memory_space<hbm>> -> memref<160x128xf32, #tpu.memory_space<hbm>>
      %dma_start3A_97 = arith.constant 0 : i32
      %dma_start3A_98 = tpu.memref_slice %arg14[%mul3A_0, %dma_start3A_97] : memref<2560x128xf32, #tpu.memory_space<vmem_shared>> -> memref<160x128xf32, #tpu.memory_space<vmem_shared>>
      tpu.enqueue_dma source(%dma_start3A_98 : memref<160x128xf32, #tpu.memory_space<vmem_shared>>) target(%dma_start3A_96 : memref<160x128xf32, #tpu.memory_space<hbm>>) target_semaphore(%run_scoped3A_93 : memref<!tpu.dma_semaphore, #tpu.memory_space<semaphore_mem>>)
      %dma_wait3A_99 = arith.constant 0 : i32
      %dma_wait3A_100 = tpu.memref_slice %arg5[%arg0, %mul3A_0, %dma_wait3A_99] : memref<2x2560x128xf32, #tpu.memory_space<hbm>> -> memref<1x160x128xf32, #tpu.memory_space<hbm>>
      %dma_wait3A_101 = tpu.memref_squeeze %dma_wait3A_100 : memref<1x160x128xf32, #tpu.memory_space<hbm>> -> memref<160x128xf32, #tpu.memory_space<hbm>>
      %dma_wait3A_102 = arith.constant 0 : i32
      %dma_wait3A_103 = tpu.memref_slice %arg14[%mul3A_0, %dma_wait3A_102] : memref<2560x128xf32, #tpu.memory_space<vmem_shared>> -> memref<160x128xf32, #tpu.memory_space<vmem_shared>>
      tpu.wait_dma2 semaphore(%run_scoped3A_93 : memref<!tpu.dma_semaphore, #tpu.memory_space<semaphore_mem>>) src(%dma_wait3A_103 : memref<160x128xf32, #tpu.memory_space<vmem_shared>>) dst(%dma_wait3A_101 : memref<160x128xf32, #tpu.memory_space<hbm>>)
      tpu.yield
    }) : () -> ()
    "tpu.region"() ({
      %run_scoped3A_93 = tpu.sem_alloc : memref<!tpu.dma_semaphore, #tpu.memory_space<semaphore_mem>>
      %dma_start3A_94 = arith.constant 0 : i32
      %dma_start3A_95 = tpu.memref_slice %arg6[%arg0, %mul3A_0, %dma_start3A_94] : memref<2x2560x16xf32, #tpu.memory_space<hbm>> -> memref<1x160x16xf32, #tpu.memory_space<hbm>>
      %dma_start3A_96 = tpu.memref_squeeze %dma_start3A_95 : memref<1x160x16xf32, #tpu.memory_space<hbm>> -> memref<160x16xf32, #tpu.memory_space<hbm>>
      %dma_start3A_97 = arith.constant 0 : i32
      %dma_start3A_98 = tpu.memref_slice %arg15[%mul3A_0, %dma_start3A_97] : memref<2560x16xf32, #tpu.memory_space<vmem_shared>> -> memref<160x16xf32, #tpu.memory_space<vmem_shared>>
      tpu.enqueue_dma source(%dma_start3A_98 : memref<160x16xf32, #tpu.memory_space<vmem_shared>>) target(%dma_start3A_96 : memref<160x16xf32, #tpu.memory_space<hbm>>) target_semaphore(%run_scoped3A_93 : memref<!tpu.dma_semaphore, #tpu.memory_space<semaphore_mem>>)
      %dma_wait3A_99 = arith.constant 0 : i32
      %dma_wait3A_100 = tpu.memref_slice %arg6[%arg0, %mul3A_0, %dma_wait3A_99] : memref<2x2560x16xf32, #tpu.memory_space<hbm>> -> memref<1x160x16xf32, #tpu.memory_space<hbm>>
      %dma_wait3A_101 = tpu.memref_squeeze %dma_wait3A_100 : memref<1x160x16xf32, #tpu.memory_space<hbm>> -> memref<160x16xf32, #tpu.memory_space<hbm>>
      %dma_wait3A_102 = arith.constant 0 : i32
      %dma_wait3A_103 = tpu.memref_slice %arg15[%mul3A_0, %dma_wait3A_102] : memref<2560x16xf32, #tpu.memory_space<vmem_shared>> -> memref<160x16xf32, #tpu.memory_space<vmem_shared>>
      tpu.wait_dma2 semaphore(%run_scoped3A_93 : memref<!tpu.dma_semaphore, #tpu.memory_space<semaphore_mem>>) src(%dma_wait3A_103 : memref<160x16xf32, #tpu.memory_space<vmem_shared>>) dst(%dma_wait3A_101 : memref<160x16xf32, #tpu.memory_space<hbm>>)
      tpu.yield
    }) : () -> ()
    %mul3A_89 = arith.constant 632 : i32
    %mul3A_90 = arith.muli %arg1, %mul3A_89 : i32
    %mul3A_91 = arith.constant 632 : i32
    %mul3A_92 = arith.muli %arg1, %mul3A_91 : i32
    "tpu.region"() ({
      %run_scoped3A_93 = tpu.sem_alloc : memref<!tpu.dma_semaphore, #tpu.memory_space<semaphore_mem>>
      %dma_start3A_94 = arith.constant 0 : i32
      %dma_start3A_95 = tpu.memref_slice %arg7[%arg0, %mul3A_92, %dma_start3A_94] : memref<2x10112x16xf32, #tpu.memory_space<hbm>> -> memref<1x632x16xf32, #tpu.memory_space<hbm>>
      %dma_start3A_96 = tpu.memref_squeeze %dma_start3A_95 : memref<1x632x16xf32, #tpu.memory_space<hbm>> -> memref<632x16xf32, #tpu.memory_space<hbm>>
      %dma_start3A_97 = arith.constant 0 : i32
      %dma_start3A_98 = tpu.memref_slice %arg16[%mul3A_90, %dma_start3A_97] : memref<10112x16xf32, #tpu.memory_space<vmem_shared>> -> memref<632x16xf32, #tpu.memory_space<vmem_shared>>
      tpu.enqueue_dma source(%dma_start3A_98 : memref<632x16xf32, #tpu.memory_space<vmem_shared>>) target(%dma_start3A_96 : memref<632x16xf32, #tpu.memory_space<hbm>>) target_semaphore(%run_scoped3A_93 : memref<!tpu.dma_semaphore, #tpu.memory_space<semaphore_mem>>)
      %dma_wait3A_99 = arith.constant 0 : i32
      %dma_wait3A_100 = tpu.memref_slice %arg7[%arg0, %mul3A_92, %dma_wait3A_99] : memref<2x10112x16xf32, #tpu.memory_space<hbm>> -> memref<1x632x16xf32, #tpu.memory_space<hbm>>
      %dma_wait3A_101 = tpu.memref_squeeze %dma_wait3A_100 : memref<1x632x16xf32, #tpu.memory_space<hbm>> -> memref<632x16xf32, #tpu.memory_space<hbm>>
      %dma_wait3A_102 = arith.constant 0 : i32
      %dma_wait3A_103 = tpu.memref_slice %arg16[%mul3A_90, %dma_wait3A_102] : memref<10112x16xf32, #tpu.memory_space<vmem_shared>> -> memref<632x16xf32, #tpu.memory_space<vmem_shared>>
      tpu.wait_dma2 semaphore(%run_scoped3A_93 : memref<!tpu.dma_semaphore, #tpu.memory_space<semaphore_mem>>) src(%dma_wait3A_103 : memref<632x16xf32, #tpu.memory_space<vmem_shared>>) dst(%dma_wait3A_101 : memref<632x16xf32, #tpu.memory_space<hbm>>)
      tpu.yield
    }) : () -> ()
    return
  }
}

#map = affine_map<(d0, d1) -> (0, 0)>
#map1 = affine_map<(d0, d1) -> (0, 0, 0, 0)>
#map2 = affine_map<(d0, d1) -> (0, 0, 0)>
module attributes {stable_mosaic.version = 14 : i64} {
  func.func @seg_sum(%arg0: i32, %arg1: i32, %arg2: memref<2560x128xf32, #tpu.memory_space<hbm>>, %arg3: memref<2x16x125x80xi32, #tpu.memory_space<hbm>>, %arg4: memref<2x16x125x80xi32, #tpu.memory_space<hbm>>, %arg5: memref<2x10112x128xf32, #tpu.memory_space<hbm>>, %arg6: memref<125x80xi32, #tpu.memory_space<vmem>>, %arg7: memref<125x80xi32, #tpu.memory_space<vmem>>, %arg8: memref<80x128xf32, #tpu.memory_space<vmem>>, %arg9: memref<80x128xf32, #tpu.memory_space<vmem>>, %arg10: memref<10112x128xf32, #tpu.memory_space<vmem_shared>>, %arg11: memref<!tpu.dma_semaphore, #tpu.memory_space<semaphore_mem>>, %arg12: memref<!tpu.dma_semaphore, #tpu.memory_space<semaphore_mem>>) attributes {dimension_semantics = [#tpu.dimension_semantics<core_parallel>, #tpu.dimension_semantics<subcore_parallel>], iteration_bounds = array<i64: 2, 16>, scalar_prefetch = 0 : i64, scratch_operands = 7 : i64, tpu.core_type = #tpu.core_type<sc_vector_subcore>, window_params = [{transform_indices = #map}, {transform_indices = #map1}, {transform_indices = #map1}, {transform_indices = #map2}]} {
    "tpu.region"() ({
      %run_scoped3A_41 = tpu.sem_alloc : memref<!tpu.dma_semaphore, #tpu.memory_space<semaphore_mem>>
      %dma_start3A_42 = arith.constant 0 : i32
      %dma_start3A_43 = arith.constant 0 : i32
      %dma_start3A_44 = tpu.memref_slice %arg3[%arg0, %arg1, %dma_start3A_42, %dma_start3A_43] : memref<2x16x125x80xi32, #tpu.memory_space<hbm>> -> memref<1x1x125x80xi32, #tpu.memory_space<hbm>>
      %dma_start3A_45 = tpu.memref_squeeze %dma_start3A_44 : memref<1x1x125x80xi32, #tpu.memory_space<hbm>> -> memref<125x80xi32, #tpu.memory_space<hbm>>
      %dma_start3A_46 = arith.constant 0 : i32
      %dma_start3A_47 = arith.constant 0 : i32
      %dma_start3A_48 = tpu.memref_slice %arg3[%arg0, %arg1, %dma_start3A_46, %dma_start3A_47] : memref<2x16x125x80xi32, #tpu.memory_space<hbm>> -> memref<1x1x125x80xi32, #tpu.memory_space<hbm>>
      %dma_start3A_49 = tpu.memref_squeeze %dma_start3A_48 : memref<1x1x125x80xi32, #tpu.memory_space<hbm>> -> memref<125x80xi32, #tpu.memory_space<hbm>>
      tpu.enqueue_dma source(%dma_start3A_49 : memref<125x80xi32, #tpu.memory_space<hbm>>) target(%arg6 : memref<125x80xi32, #tpu.memory_space<vmem>>) target_semaphore(%run_scoped3A_41 : memref<!tpu.dma_semaphore, #tpu.memory_space<semaphore_mem>>)
      %dma_wait3A_50 = arith.constant 0 : i32
      %dma_wait3A_51 = arith.constant 0 : i32
      %dma_wait3A_52 = tpu.memref_slice %arg3[%arg0, %arg1, %dma_wait3A_50, %dma_wait3A_51] : memref<2x16x125x80xi32, #tpu.memory_space<hbm>> -> memref<1x1x125x80xi32, #tpu.memory_space<hbm>>
      %dma_wait3A_53 = tpu.memref_squeeze %dma_wait3A_52 : memref<1x1x125x80xi32, #tpu.memory_space<hbm>> -> memref<125x80xi32, #tpu.memory_space<hbm>>
      %dma_wait3A_54 = arith.constant 0 : i32
      %dma_wait3A_55 = arith.constant 0 : i32
      %dma_wait3A_56 = tpu.memref_slice %arg3[%arg0, %arg1, %dma_wait3A_54, %dma_wait3A_55] : memref<2x16x125x80xi32, #tpu.memory_space<hbm>> -> memref<1x1x125x80xi32, #tpu.memory_space<hbm>>
      %dma_wait3A_57 = tpu.memref_squeeze %dma_wait3A_56 : memref<1x1x125x80xi32, #tpu.memory_space<hbm>> -> memref<125x80xi32, #tpu.memory_space<hbm>>
      tpu.wait_dma2 semaphore(%run_scoped3A_41 : memref<!tpu.dma_semaphore, #tpu.memory_space<semaphore_mem>>) src(%dma_wait3A_57 : memref<125x80xi32, #tpu.memory_space<hbm>>) dst(%arg6 : memref<125x80xi32, #tpu.memory_space<vmem>>)
      tpu.yield
    }) : () -> ()
    "tpu.region"() ({
      %run_scoped3A_41 = tpu.sem_alloc : memref<!tpu.dma_semaphore, #tpu.memory_space<semaphore_mem>>
      %dma_start3A_42 = arith.constant 0 : i32
      %dma_start3A_43 = arith.constant 0 : i32
      %dma_start3A_44 = tpu.memref_slice %arg4[%arg0, %arg1, %dma_start3A_42, %dma_start3A_43] : memref<2x16x125x80xi32, #tpu.memory_space<hbm>> -> memref<1x1x125x80xi32, #tpu.memory_space<hbm>>
      %dma_start3A_45 = tpu.memref_squeeze %dma_start3A_44 : memref<1x1x125x80xi32, #tpu.memory_space<hbm>> -> memref<125x80xi32, #tpu.memory_space<hbm>>
      %dma_start3A_46 = arith.constant 0 : i32
      %dma_start3A_47 = arith.constant 0 : i32
      %dma_start3A_48 = tpu.memref_slice %arg4[%arg0, %arg1, %dma_start3A_46, %dma_start3A_47] : memref<2x16x125x80xi32, #tpu.memory_space<hbm>> -> memref<1x1x125x80xi32, #tpu.memory_space<hbm>>
      %dma_start3A_49 = tpu.memref_squeeze %dma_start3A_48 : memref<1x1x125x80xi32, #tpu.memory_space<hbm>> -> memref<125x80xi32, #tpu.memory_space<hbm>>
      tpu.enqueue_dma source(%dma_start3A_49 : memref<125x80xi32, #tpu.memory_space<hbm>>) target(%arg7 : memref<125x80xi32, #tpu.memory_space<vmem>>) target_semaphore(%run_scoped3A_41 : memref<!tpu.dma_semaphore, #tpu.memory_space<semaphore_mem>>)
      %dma_wait3A_50 = arith.constant 0 : i32
      %dma_wait3A_51 = arith.constant 0 : i32
      %dma_wait3A_52 = tpu.memref_slice %arg4[%arg0, %arg1, %dma_wait3A_50, %dma_wait3A_51] : memref<2x16x125x80xi32, #tpu.memory_space<hbm>> -> memref<1x1x125x80xi32, #tpu.memory_space<hbm>>
      %dma_wait3A_53 = tpu.memref_squeeze %dma_wait3A_52 : memref<1x1x125x80xi32, #tpu.memory_space<hbm>> -> memref<125x80xi32, #tpu.memory_space<hbm>>
      %dma_wait3A_54 = arith.constant 0 : i32
      %dma_wait3A_55 = arith.constant 0 : i32
      %dma_wait3A_56 = tpu.memref_slice %arg4[%arg0, %arg1, %dma_wait3A_54, %dma_wait3A_55] : memref<2x16x125x80xi32, #tpu.memory_space<hbm>> -> memref<1x1x125x80xi32, #tpu.memory_space<hbm>>
      %dma_wait3A_57 = tpu.memref_squeeze %dma_wait3A_56 : memref<1x1x125x80xi32, #tpu.memory_space<hbm>> -> memref<125x80xi32, #tpu.memory_space<hbm>>
      tpu.wait_dma2 semaphore(%run_scoped3A_41 : memref<!tpu.dma_semaphore, #tpu.memory_space<semaphore_mem>>) src(%dma_wait3A_57 : memref<125x80xi32, #tpu.memory_space<hbm>>) dst(%arg7 : memref<125x80xi32, #tpu.memory_space<vmem>>)
      tpu.yield
    }) : () -> ()
    %mul3A = arith.constant 632 : i32
    %mul3A_0 = arith.muli %arg1, %mul3A : i32
    %broadcast_in_dim3A = arith.constant 0.000000e+00 : f32
    %broadcast_in_dim3A_1 = vector.broadcast %broadcast_in_dim3A : f32 to vector<16xf32>
    %scan3A = arith.constant 0 : i32
    %scan3A_2 = arith.constant 0 : i32
    %scan3A_3 = arith.constant 80 : i32
    %scan3A_4 = arith.addi %scan3A_2, %scan3A_3 : i32
    %scan3A_5 = arith.constant 1 : i32
    scf.for %scan3A_41 = %scan3A_2 to %scan3A_4 step %scan3A_5  : i32 {
      %swap3A = arith.index_cast %scan3A_41 : i32 to index
      %swap3A_42 = arith.constant 0 : index
      %swap3A_43 = tpu.vector_load %arg8[%swap3A, %swap3A_42] {strides = array<i32>} : memref<80x128xf32, #tpu.memory_space<vmem>>, vector<1x16xf32>,
      %swap3A_44 = vector.shape_cast %swap3A_43 : vector<1x16xf32> to vector<16xf32>
      %swap3A_45 = vector.shape_cast %broadcast_in_dim3A_1 : vector<16xf32> to vector<1x16xf32>
      tpu.vector_store %arg8[%swap3A, %swap3A_42], %swap3A_45 {strides = array<i32>} : memref<80x128xf32, #tpu.memory_space<vmem>>, vector<1x16xf32>,
      %swap3A_46 = arith.index_cast %scan3A_41 : i32 to index
      %swap3A_47 = arith.constant 16 : index
      %swap3A_48 = tpu.vector_load %arg8[%swap3A_46, %swap3A_47] {strides = array<i32>} : memref<80x128xf32, #tpu.memory_space<vmem>>, vector<1x16xf32>,
      %swap3A_49 = vector.shape_cast %swap3A_48 : vector<1x16xf32> to vector<16xf32>
      %swap3A_50 = vector.shape_cast %broadcast_in_dim3A_1 : vector<16xf32> to vector<1x16xf32>
      tpu.vector_store %arg8[%swap3A_46, %swap3A_47], %swap3A_50 {strides = array<i32>} : memref<80x128xf32, #tpu.memory_space<vmem>>, vector<1x16xf32>,
      %swap3A_51 = arith.index_cast %scan3A_41 : i32 to index
      %swap3A_52 = arith.constant 32 : index
      %swap3A_53 = tpu.vector_load %arg8[%swap3A_51, %swap3A_52] {strides = array<i32>} : memref<80x128xf32, #tpu.memory_space<vmem>>, vector<1x16xf32>,
      %swap3A_54 = vector.shape_cast %swap3A_53 : vector<1x16xf32> to vector<16xf32>
      %swap3A_55 = vector.shape_cast %broadcast_in_dim3A_1 : vector<16xf32> to vector<1x16xf32>
      tpu.vector_store %arg8[%swap3A_51, %swap3A_52], %swap3A_55 {strides = array<i32>} : memref<80x128xf32, #tpu.memory_space<vmem>>, vector<1x16xf32>,
      %swap3A_56 = arith.index_cast %scan3A_41 : i32 to index
      %swap3A_57 = arith.constant 48 : index
      %swap3A_58 = tpu.vector_load %arg8[%swap3A_56, %swap3A_57] {strides = array<i32>} : memref<80x128xf32, #tpu.memory_space<vmem>>, vector<1x16xf32>,
      %swap3A_59 = vector.shape_cast %swap3A_58 : vector<1x16xf32> to vector<16xf32>
      %swap3A_60 = vector.shape_cast %broadcast_in_dim3A_1 : vector<16xf32> to vector<1x16xf32>
      tpu.vector_store %arg8[%swap3A_56, %swap3A_57], %swap3A_60 {strides = array<i32>} : memref<80x128xf32, #tpu.memory_space<vmem>>, vector<1x16xf32>,
      %swap3A_61 = arith.index_cast %scan3A_41 : i32 to index
      %swap3A_62 = arith.constant 64 : index
      %swap3A_63 = tpu.vector_load %arg8[%swap3A_61, %swap3A_62] {strides = array<i32>} : memref<80x128xf32, #tpu.memory_space<vmem>>, vector<1x16xf32>,
      %swap3A_64 = vector.shape_cast %swap3A_63 : vector<1x16xf32> to vector<16xf32>
      %swap3A_65 = vector.shape_cast %broadcast_in_dim3A_1 : vector<16xf32> to vector<1x16xf32>
      tpu.vector_store %arg8[%swap3A_61, %swap3A_62], %swap3A_65 {strides = array<i32>} : memref<80x128xf32, #tpu.memory_space<vmem>>, vector<1x16xf32>,
      %swap3A_66 = arith.index_cast %scan3A_41 : i32 to index
      %swap3A_67 = arith.constant 80 : index
      %swap3A_68 = tpu.vector_load %arg8[%swap3A_66, %swap3A_67] {strides = array<i32>} : memref<80x128xf32, #tpu.memory_space<vmem>>, vector<1x16xf32>,
      %swap3A_69 = vector.shape_cast %swap3A_68 : vector<1x16xf32> to vector<16xf32>
      %swap3A_70 = vector.shape_cast %broadcast_in_dim3A_1 : vector<16xf32> to vector<1x16xf32>
      tpu.vector_store %arg8[%swap3A_66, %swap3A_67], %swap3A_70 {strides = array<i32>} : memref<80x128xf32, #tpu.memory_space<vmem>>, vector<1x16xf32>,
      %swap3A_71 = arith.index_cast %scan3A_41 : i32 to index
      %swap3A_72 = arith.constant 96 : index
      %swap3A_73 = tpu.vector_load %arg8[%swap3A_71, %swap3A_72] {strides = array<i32>} : memref<80x128xf32, #tpu.memory_space<vmem>>, vector<1x16xf32>,
      %swap3A_74 = vector.shape_cast %swap3A_73 : vector<1x16xf32> to vector<16xf32>
      %swap3A_75 = vector.shape_cast %broadcast_in_dim3A_1 : vector<16xf32> to vector<1x16xf32>
      tpu.vector_store %arg8[%swap3A_71, %swap3A_72], %swap3A_75 {strides = array<i32>} : memref<80x128xf32, #tpu.memory_space<vmem>>, vector<1x16xf32>,
      %swap3A_76 = arith.index_cast %scan3A_41 : i32 to index
      %swap3A_77 = arith.constant 112 : index
      %swap3A_78 = tpu.vector_load %arg8[%swap3A_76, %swap3A_77] {strides = array<i32>} : memref<80x128xf32, #tpu.memory_space<vmem>>, vector<1x16xf32>,
      %swap3A_79 = vector.shape_cast %swap3A_78 : vector<1x16xf32> to vector<16xf32>
      %swap3A_80 = vector.shape_cast %broadcast_in_dim3A_1 : vector<16xf32> to vector<1x16xf32>
      tpu.vector_store %arg8[%swap3A_76, %swap3A_77], %swap3A_80 {strides = array<i32>} : memref<80x128xf32, #tpu.memory_space<vmem>>, vector<1x16xf32>,
    }
    %scan3A_6 = arith.constant 80 : i32
    %add3A = arith.constant 0 : i32
    %add3A_7 = arith.addi %mul3A_0, %add3A : i32
    "tpu.region"() ({
      %run_scoped3A_41 = tpu.sem_alloc : memref<!tpu.dma_semaphore, #tpu.memory_space<semaphore_mem>>
      %dma_start3A_42 = arith.constant 0 : i32
      %dma_start3A_43 = arith.constant 0 : i32
      %dma_start3A_44 = tpu.memref_slice %arg8[%dma_start3A_42, %dma_start3A_43] : memref<80x128xf32, #tpu.memory_space<vmem>> -> memref<80x128xf32, #tpu.memory_space<vmem>>
      %dma_start3A_45 = arith.constant 0 : i32
      %dma_start3A_46 = tpu.memref_slice %arg10[%add3A_7, %dma_start3A_45] : memref<10112x128xf32, #tpu.memory_space<vmem_shared>> -> memref<80x128xf32, #tpu.memory_space<vmem_shared>>
      %dma_start3A_47 = arith.constant 0 : i32
      %dma_start3A_48 = tpu.memref_slice %arg10[%add3A_7, %dma_start3A_47] : memref<10112x128xf32, #tpu.memory_space<vmem_shared>> -> memref<80x128xf32, #tpu.memory_space<vmem_shared>>
      %dma_start3A_49 = arith.constant 0 : i32
      %dma_start3A_50 = arith.constant 0 : i32
      %dma_start3A_51 = tpu.memref_slice %arg8[%dma_start3A_49, %dma_start3A_50] : memref<80x128xf32, #tpu.memory_space<vmem>> -> memref<80x128xf32, #tpu.memory_space<vmem>>
      tpu.enqueue_dma source(%dma_start3A_51 : memref<80x128xf32, #tpu.memory_space<vmem>>) target(%dma_start3A_48 : memref<80x128xf32, #tpu.memory_space<vmem_shared>>) target_semaphore(%run_scoped3A_41 : memref<!tpu.dma_semaphore, #tpu.memory_space<semaphore_mem>>)
      %dma_wait3A_52 = arith.constant 0 : i32
      %dma_wait3A_53 = arith.constant 0 : i32
      %dma_wait3A_54 = tpu.memref_slice %arg8[%dma_wait3A_52, %dma_wait3A_53] : memref<80x128xf32, #tpu.memory_space<vmem>> -> memref<80x128xf32, #tpu.memory_space<vmem>>
      %dma_wait3A_55 = arith.constant 0 : i32
      %dma_wait3A_56 = tpu.memref_slice %arg10[%add3A_7, %dma_wait3A_55] : memref<10112x128xf32, #tpu.memory_space<vmem_shared>> -> memref<80x128xf32, #tpu.memory_space<vmem_shared>>
      %dma_wait3A_57 = arith.constant 0 : i32
      %dma_wait3A_58 = tpu.memref_slice %arg10[%add3A_7, %dma_wait3A_57] : memref<10112x128xf32, #tpu.memory_space<vmem_shared>> -> memref<80x128xf32, #tpu.memory_space<vmem_shared>>
      %dma_wait3A_59 = arith.constant 0 : i32
      %dma_wait3A_60 = arith.constant 0 : i32
      %dma_wait3A_61 = tpu.memref_slice %arg8[%dma_wait3A_59, %dma_wait3A_60] : memref<80x128xf32, #tpu.memory_space<vmem>> -> memref<80x128xf32, #tpu.memory_space<vmem>>
      tpu.wait_dma2 semaphore(%run_scoped3A_41 : memref<!tpu.dma_semaphore, #tpu.memory_space<semaphore_mem>>) src(%dma_wait3A_61 : memref<80x128xf32, #tpu.memory_space<vmem>>) dst(%dma_wait3A_58 : memref<80x128xf32, #tpu.memory_space<vmem_shared>>)
      tpu.yield
    }) : () -> ()
    %add3A_8 = arith.constant 80 : i32
    %add3A_9 = arith.addi %mul3A_0, %add3A_8 : i32
    "tpu.region"() ({
      %run_scoped3A_41 = tpu.sem_alloc : memref<!tpu.dma_semaphore, #tpu.memory_space<semaphore_mem>>
      %dma_start3A_42 = arith.constant 0 : i32
      %dma_start3A_43 = arith.constant 0 : i32
      %dma_start3A_44 = tpu.memref_slice %arg8[%dma_start3A_42, %dma_start3A_43] : memref<80x128xf32, #tpu.memory_space<vmem>> -> memref<80x128xf32, #tpu.memory_space<vmem>>
      %dma_start3A_45 = arith.constant 0 : i32
      %dma_start3A_46 = tpu.memref_slice %arg10[%add3A_9, %dma_start3A_45] : memref<10112x128xf32, #tpu.memory_space<vmem_shared>> -> memref<80x128xf32, #tpu.memory_space<vmem_shared>>
      %dma_start3A_47 = arith.constant 0 : i32
      %dma_start3A_48 = tpu.memref_slice %arg10[%add3A_9, %dma_start3A_47] : memref<10112x128xf32, #tpu.memory_space<vmem_shared>> -> memref<80x128xf32, #tpu.memory_space<vmem_shared>>
      %dma_start3A_49 = arith.constant 0 : i32
      %dma_start3A_50 = arith.constant 0 : i32
      %dma_start3A_51 = tpu.memref_slice %arg8[%dma_start3A_49, %dma_start3A_50] : memref<80x128xf32, #tpu.memory_space<vmem>> -> memref<80x128xf32, #tpu.memory_space<vmem>>
      tpu.enqueue_dma source(%dma_start3A_51 : memref<80x128xf32, #tpu.memory_space<vmem>>) target(%dma_start3A_48 : memref<80x128xf32, #tpu.memory_space<vmem_shared>>) target_semaphore(%run_scoped3A_41 : memref<!tpu.dma_semaphore, #tpu.memory_space<semaphore_mem>>)
      %dma_wait3A_52 = arith.constant 0 : i32
      %dma_wait3A_53 = arith.constant 0 : i32
      %dma_wait3A_54 = tpu.memref_slice %arg8[%dma_wait3A_52, %dma_wait3A_53] : memref<80x128xf32, #tpu.memory_space<vmem>> -> memref<80x128xf32, #tpu.memory_space<vmem>>
      %dma_wait3A_55 = arith.constant 0 : i32
      %dma_wait3A_56 = tpu.memref_slice %arg10[%add3A_9, %dma_wait3A_55] : memref<10112x128xf32, #tpu.memory_space<vmem_shared>> -> memref<80x128xf32, #tpu.memory_space<vmem_shared>>
      %dma_wait3A_57 = arith.constant 0 : i32
      %dma_wait3A_58 = tpu.memref_slice %arg10[%add3A_9, %dma_wait3A_57] : memref<10112x128xf32, #tpu.memory_space<vmem_shared>> -> memref<80x128xf32, #tpu.memory_space<vmem_shared>>
      %dma_wait3A_59 = arith.constant 0 : i32
      %dma_wait3A_60 = arith.constant 0 : i32
      %dma_wait3A_61 = tpu.memref_slice %arg8[%dma_wait3A_59, %dma_wait3A_60] : memref<80x128xf32, #tpu.memory_space<vmem>> -> memref<80x128xf32, #tpu.memory_space<vmem>>
      tpu.wait_dma2 semaphore(%run_scoped3A_41 : memref<!tpu.dma_semaphore, #tpu.memory_space<semaphore_mem>>) src(%dma_wait3A_61 : memref<80x128xf32, #tpu.memory_space<vmem>>) dst(%dma_wait3A_58 : memref<80x128xf32, #tpu.memory_space<vmem_shared>>)
      tpu.yield
    }) : () -> ()
    %add3A_10 = arith.constant 160 : i32
    %add3A_11 = arith.addi %mul3A_0, %add3A_10 : i32
    "tpu.region"() ({
      %run_scoped3A_41 = tpu.sem_alloc : memref<!tpu.dma_semaphore, #tpu.memory_space<semaphore_mem>>
      %dma_start3A_42 = arith.constant 0 : i32
      %dma_start3A_43 = arith.constant 0 : i32
      %dma_start3A_44 = tpu.memref_slice %arg8[%dma_start3A_42, %dma_start3A_43] : memref<80x128xf32, #tpu.memory_space<vmem>> -> memref<80x128xf32, #tpu.memory_space<vmem>>
      %dma_start3A_45 = arith.constant 0 : i32
      %dma_start3A_46 = tpu.memref_slice %arg10[%add3A_11, %dma_start3A_45] : memref<10112x128xf32, #tpu.memory_space<vmem_shared>> -> memref<80x128xf32, #tpu.memory_space<vmem_shared>>
      %dma_start3A_47 = arith.constant 0 : i32
      %dma_start3A_48 = tpu.memref_slice %arg10[%add3A_11, %dma_start3A_47] : memref<10112x128xf32, #tpu.memory_space<vmem_shared>> -> memref<80x128xf32, #tpu.memory_space<vmem_shared>>
      %dma_start3A_49 = arith.constant 0 : i32
      %dma_start3A_50 = arith.constant 0 : i32
      %dma_start3A_51 = tpu.memref_slice %arg8[%dma_start3A_49, %dma_start3A_50] : memref<80x128xf32, #tpu.memory_space<vmem>> -> memref<80x128xf32, #tpu.memory_space<vmem>>
      tpu.enqueue_dma source(%dma_start3A_51 : memref<80x128xf32, #tpu.memory_space<vmem>>) target(%dma_start3A_48 : memref<80x128xf32, #tpu.memory_space<vmem_shared>>) target_semaphore(%run_scoped3A_41 : memref<!tpu.dma_semaphore, #tpu.memory_space<semaphore_mem>>)
      %dma_wait3A_52 = arith.constant 0 : i32
      %dma_wait3A_53 = arith.constant 0 : i32
      %dma_wait3A_54 = tpu.memref_slice %arg8[%dma_wait3A_52, %dma_wait3A_53] : memref<80x128xf32, #tpu.memory_space<vmem>> -> memref<80x128xf32, #tpu.memory_space<vmem>>
      %dma_wait3A_55 = arith.constant 0 : i32
      %dma_wait3A_56 = tpu.memref_slice %arg10[%add3A_11, %dma_wait3A_55] : memref<10112x128xf32, #tpu.memory_space<vmem_shared>> -> memref<80x128xf32, #tpu.memory_space<vmem_shared>>
      %dma_wait3A_57 = arith.constant 0 : i32
      %dma_wait3A_58 = tpu.memref_slice %arg10[%add3A_11, %dma_wait3A_57] : memref<10112x128xf32, #tpu.memory_space<vmem_shared>> -> memref<80x128xf32, #tpu.memory_space<vmem_shared>>
      %dma_wait3A_59 = arith.constant 0 : i32
      %dma_wait3A_60 = arith.constant 0 : i32
      %dma_wait3A_61 = tpu.memref_slice %arg8[%dma_wait3A_59, %dma_wait3A_60] : memref<80x128xf32, #tpu.memory_space<vmem>> -> memref<80x128xf32, #tpu.memory_space<vmem>>
      tpu.wait_dma2 semaphore(%run_scoped3A_41 : memref<!tpu.dma_semaphore, #tpu.memory_space<semaphore_mem>>) src(%dma_wait3A_61 : memref<80x128xf32, #tpu.memory_space<vmem>>) dst(%dma_wait3A_58 : memref<80x128xf32, #tpu.memory_space<vmem_shared>>)
      tpu.yield
    }) : () -> ()
    %add3A_12 = arith.constant 240 : i32
    %add3A_13 = arith.addi %mul3A_0, %add3A_12 : i32
    "tpu.region"() ({
      %run_scoped3A_41 = tpu.sem_alloc : memref<!tpu.dma_semaphore, #tpu.memory_space<semaphore_mem>>
      %dma_start3A_42 = arith.constant 0 : i32
      %dma_start3A_43 = arith.constant 0 : i32
      %dma_start3A_44 = tpu.memref_slice %arg8[%dma_start3A_42, %dma_start3A_43] : memref<80x128xf32, #tpu.memory_space<vmem>> -> memref<80x128xf32, #tpu.memory_space<vmem>>
      %dma_start3A_45 = arith.constant 0 : i32
      %dma_start3A_46 = tpu.memref_slice %arg10[%add3A_13, %dma_start3A_45] : memref<10112x128xf32, #tpu.memory_space<vmem_shared>> -> memref<80x128xf32, #tpu.memory_space<vmem_shared>>
      %dma_start3A_47 = arith.constant 0 : i32
      %dma_start3A_48 = tpu.memref_slice %arg10[%add3A_13, %dma_start3A_47] : memref<10112x128xf32, #tpu.memory_space<vmem_shared>> -> memref<80x128xf32, #tpu.memory_space<vmem_shared>>
      %dma_start3A_49 = arith.constant 0 : i32
      %dma_start3A_50 = arith.constant 0 : i32
      %dma_start3A_51 = tpu.memref_slice %arg8[%dma_start3A_49, %dma_start3A_50] : memref<80x128xf32, #tpu.memory_space<vmem>> -> memref<80x128xf32, #tpu.memory_space<vmem>>
      tpu.enqueue_dma source(%dma_start3A_51 : memref<80x128xf32, #tpu.memory_space<vmem>>) target(%dma_start3A_48 : memref<80x128xf32, #tpu.memory_space<vmem_shared>>) target_semaphore(%run_scoped3A_41 : memref<!tpu.dma_semaphore, #tpu.memory_space<semaphore_mem>>)
      %dma_wait3A_52 = arith.constant 0 : i32
      %dma_wait3A_53 = arith.constant 0 : i32
      %dma_wait3A_54 = tpu.memref_slice %arg8[%dma_wait3A_52, %dma_wait3A_53] : memref<80x128xf32, #tpu.memory_space<vmem>> -> memref<80x128xf32, #tpu.memory_space<vmem>>
      %dma_wait3A_55 = arith.constant 0 : i32
      %dma_wait3A_56 = tpu.memref_slice %arg10[%add3A_13, %dma_wait3A_55] : memref<10112x128xf32, #tpu.memory_space<vmem_shared>> -> memref<80x128xf32, #tpu.memory_space<vmem_shared>>
      %dma_wait3A_57 = arith.constant 0 : i32
      %dma_wait3A_58 = tpu.memref_slice %arg10[%add3A_13, %dma_wait3A_57] : memref<10112x128xf32, #tpu.memory_space<vmem_shared>> -> memref<80x128xf32, #tpu.memory_space<vmem_shared>>
      %dma_wait3A_59 = arith.constant 0 : i32
      %dma_wait3A_60 = arith.constant 0 : i32
      %dma_wait3A_61 = tpu.memref_slice %arg8[%dma_wait3A_59, %dma_wait3A_60] : memref<80x128xf32, #tpu.memory_space<vmem>> -> memref<80x128xf32, #tpu.memory_space<vmem>>
      tpu.wait_dma2 semaphore(%run_scoped3A_41 : memref<!tpu.dma_semaphore, #tpu.memory_space<semaphore_mem>>) src(%dma_wait3A_61 : memref<80x128xf32, #tpu.memory_space<vmem>>) dst(%dma_wait3A_58 : memref<80x128xf32, #tpu.memory_space<vmem_shared>>)
      tpu.yield
    }) : () -> ()
    %add3A_14 = arith.constant 320 : i32
    %add3A_15 = arith.addi %mul3A_0, %add3A_14 : i32
    "tpu.region"() ({
      %run_scoped3A_41 = tpu.sem_alloc : memref<!tpu.dma_semaphore, #tpu.memory_space<semaphore_mem>>
      %dma_start3A_42 = arith.constant 0 : i32
      %dma_start3A_43 = arith.constant 0 : i32
      %dma_start3A_44 = tpu.memref_slice %arg8[%dma_start3A_42, %dma_start3A_43] : memref<80x128xf32, #tpu.memory_space<vmem>> -> memref<80x128xf32, #tpu.memory_space<vmem>>
      %dma_start3A_45 = arith.constant 0 : i32
      %dma_start3A_46 = tpu.memref_slice %arg10[%add3A_15, %dma_start3A_45] : memref<10112x128xf32, #tpu.memory_space<vmem_shared>> -> memref<80x128xf32, #tpu.memory_space<vmem_shared>>
      %dma_start3A_47 = arith.constant 0 : i32
      %dma_start3A_48 = tpu.memref_slice %arg10[%add3A_15, %dma_start3A_47] : memref<10112x128xf32, #tpu.memory_space<vmem_shared>> -> memref<80x128xf32, #tpu.memory_space<vmem_shared>>
      %dma_start3A_49 = arith.constant 0 : i32
      %dma_start3A_50 = arith.constant 0 : i32
      %dma_start3A_51 = tpu.memref_slice %arg8[%dma_start3A_49, %dma_start3A_50] : memref<80x128xf32, #tpu.memory_space<vmem>> -> memref<80x128xf32, #tpu.memory_space<vmem>>
      tpu.enqueue_dma source(%dma_start3A_51 : memref<80x128xf32, #tpu.memory_space<vmem>>) target(%dma_start3A_48 : memref<80x128xf32, #tpu.memory_space<vmem_shared>>) target_semaphore(%run_scoped3A_41 : memref<!tpu.dma_semaphore, #tpu.memory_space<semaphore_mem>>)
      %dma_wait3A_52 = arith.constant 0 : i32
      %dma_wait3A_53 = arith.constant 0 : i32
      %dma_wait3A_54 = tpu.memref_slice %arg8[%dma_wait3A_52, %dma_wait3A_53] : memref<80x128xf32, #tpu.memory_space<vmem>> -> memref<80x128xf32, #tpu.memory_space<vmem>>
      %dma_wait3A_55 = arith.constant 0 : i32
      %dma_wait3A_56 = tpu.memref_slice %arg10[%add3A_15, %dma_wait3A_55] : memref<10112x128xf32, #tpu.memory_space<vmem_shared>> -> memref<80x128xf32, #tpu.memory_space<vmem_shared>>
      %dma_wait3A_57 = arith.constant 0 : i32
      %dma_wait3A_58 = tpu.memref_slice %arg10[%add3A_15, %dma_wait3A_57] : memref<10112x128xf32, #tpu.memory_space<vmem_shared>> -> memref<80x128xf32, #tpu.memory_space<vmem_shared>>
      %dma_wait3A_59 = arith.constant 0 : i32
      %dma_wait3A_60 = arith.constant 0 : i32
      %dma_wait3A_61 = tpu.memref_slice %arg8[%dma_wait3A_59, %dma_wait3A_60] : memref<80x128xf32, #tpu.memory_space<vmem>> -> memref<80x128xf32, #tpu.memory_space<vmem>>
      tpu.wait_dma2 semaphore(%run_scoped3A_41 : memref<!tpu.dma_semaphore, #tpu.memory_space<semaphore_mem>>) src(%dma_wait3A_61 : memref<80x128xf32, #tpu.memory_space<vmem>>) dst(%dma_wait3A_58 : memref<80x128xf32, #tpu.memory_space<vmem_shared>>)
      tpu.yield
    }) : () -> ()
    %add3A_16 = arith.constant 400 : i32
    %add3A_17 = arith.addi %mul3A_0, %add3A_16 : i32
    "tpu.region"() ({
      %run_scoped3A_41 = tpu.sem_alloc : memref<!tpu.dma_semaphore, #tpu.memory_space<semaphore_mem>>
      %dma_start3A_42 = arith.constant 0 : i32
      %dma_start3A_43 = arith.constant 0 : i32
      %dma_start3A_44 = tpu.memref_slice %arg8[%dma_start3A_42, %dma_start3A_43] : memref<80x128xf32, #tpu.memory_space<vmem>> -> memref<80x128xf32, #tpu.memory_space<vmem>>
      %dma_start3A_45 = arith.constant 0 : i32
      %dma_start3A_46 = tpu.memref_slice %arg10[%add3A_17, %dma_start3A_45] : memref<10112x128xf32, #tpu.memory_space<vmem_shared>> -> memref<80x128xf32, #tpu.memory_space<vmem_shared>>
      %dma_start3A_47 = arith.constant 0 : i32
      %dma_start3A_48 = tpu.memref_slice %arg10[%add3A_17, %dma_start3A_47] : memref<10112x128xf32, #tpu.memory_space<vmem_shared>> -> memref<80x128xf32, #tpu.memory_space<vmem_shared>>
      %dma_start3A_49 = arith.constant 0 : i32
      %dma_start3A_50 = arith.constant 0 : i32
      %dma_start3A_51 = tpu.memref_slice %arg8[%dma_start3A_49, %dma_start3A_50] : memref<80x128xf32, #tpu.memory_space<vmem>> -> memref<80x128xf32, #tpu.memory_space<vmem>>
      tpu.enqueue_dma source(%dma_start3A_51 : memref<80x128xf32, #tpu.memory_space<vmem>>) target(%dma_start3A_48 : memref<80x128xf32, #tpu.memory_space<vmem_shared>>) target_semaphore(%run_scoped3A_41 : memref<!tpu.dma_semaphore, #tpu.memory_space<semaphore_mem>>)
      %dma_wait3A_52 = arith.constant 0 : i32
      %dma_wait3A_53 = arith.constant 0 : i32
      %dma_wait3A_54 = tpu.memref_slice %arg8[%dma_wait3A_52, %dma_wait3A_53] : memref<80x128xf32, #tpu.memory_space<vmem>> -> memref<80x128xf32, #tpu.memory_space<vmem>>
      %dma_wait3A_55 = arith.constant 0 : i32
      %dma_wait3A_56 = tpu.memref_slice %arg10[%add3A_17, %dma_wait3A_55] : memref<10112x128xf32, #tpu.memory_space<vmem_shared>> -> memref<80x128xf32, #tpu.memory_space<vmem_shared>>
      %dma_wait3A_57 = arith.constant 0 : i32
      %dma_wait3A_58 = tpu.memref_slice %arg10[%add3A_17, %dma_wait3A_57] : memref<10112x128xf32, #tpu.memory_space<vmem_shared>> -> memref<80x128xf32, #tpu.memory_space<vmem_shared>>
      %dma_wait3A_59 = arith.constant 0 : i32
      %dma_wait3A_60 = arith.constant 0 : i32
      %dma_wait3A_61 = tpu.memref_slice %arg8[%dma_wait3A_59, %dma_wait3A_60] : memref<80x128xf32, #tpu.memory_space<vmem>> -> memref<80x128xf32, #tpu.memory_space<vmem>>
      tpu.wait_dma2 semaphore(%run_scoped3A_41 : memref<!tpu.dma_semaphore, #tpu.memory_space<semaphore_mem>>) src(%dma_wait3A_61 : memref<80x128xf32, #tpu.memory_space<vmem>>) dst(%dma_wait3A_58 : memref<80x128xf32, #tpu.memory_space<vmem_shared>>)
      tpu.yield
    }) : () -> ()
    %add3A_18 = arith.constant 480 : i32
    %add3A_19 = arith.addi %mul3A_0, %add3A_18 : i32
    "tpu.region"() ({
      %run_scoped3A_41 = tpu.sem_alloc : memref<!tpu.dma_semaphore, #tpu.memory_space<semaphore_mem>>
      %dma_start3A_42 = arith.constant 0 : i32
      %dma_start3A_43 = arith.constant 0 : i32
      %dma_start3A_44 = tpu.memref_slice %arg8[%dma_start3A_42, %dma_start3A_43] : memref<80x128xf32, #tpu.memory_space<vmem>> -> memref<80x128xf32, #tpu.memory_space<vmem>>
      %dma_start3A_45 = arith.constant 0 : i32
      %dma_start3A_46 = tpu.memref_slice %arg10[%add3A_19, %dma_start3A_45] : memref<10112x128xf32, #tpu.memory_space<vmem_shared>> -> memref<80x128xf32, #tpu.memory_space<vmem_shared>>
      %dma_start3A_47 = arith.constant 0 : i32
      %dma_start3A_48 = tpu.memref_slice %arg10[%add3A_19, %dma_start3A_47] : memref<10112x128xf32, #tpu.memory_space<vmem_shared>> -> memref<80x128xf32, #tpu.memory_space<vmem_shared>>
      %dma_start3A_49 = arith.constant 0 : i32
      %dma_start3A_50 = arith.constant 0 : i32
      %dma_start3A_51 = tpu.memref_slice %arg8[%dma_start3A_49, %dma_start3A_50] : memref<80x128xf32, #tpu.memory_space<vmem>> -> memref<80x128xf32, #tpu.memory_space<vmem>>
      tpu.enqueue_dma source(%dma_start3A_51 : memref<80x128xf32, #tpu.memory_space<vmem>>) target(%dma_start3A_48 : memref<80x128xf32, #tpu.memory_space<vmem_shared>>) target_semaphore(%run_scoped3A_41 : memref<!tpu.dma_semaphore, #tpu.memory_space<semaphore_mem>>)
      %dma_wait3A_52 = arith.constant 0 : i32
      %dma_wait3A_53 = arith.constant 0 : i32
      %dma_wait3A_54 = tpu.memref_slice %arg8[%dma_wait3A_52, %dma_wait3A_53] : memref<80x128xf32, #tpu.memory_space<vmem>> -> memref<80x128xf32, #tpu.memory_space<vmem>>
      %dma_wait3A_55 = arith.constant 0 : i32
      %dma_wait3A_56 = tpu.memref_slice %arg10[%add3A_19, %dma_wait3A_55] : memref<10112x128xf32, #tpu.memory_space<vmem_shared>> -> memref<80x128xf32, #tpu.memory_space<vmem_shared>>
      %dma_wait3A_57 = arith.constant 0 : i32
      %dma_wait3A_58 = tpu.memref_slice %arg10[%add3A_19, %dma_wait3A_57] : memref<10112x128xf32, #tpu.memory_space<vmem_shared>> -> memref<80x128xf32, #tpu.memory_space<vmem_shared>>
      %dma_wait3A_59 = arith.constant 0 : i32
      %dma_wait3A_60 = arith.constant 0 : i32
      %dma_wait3A_61 = tpu.memref_slice %arg8[%dma_wait3A_59, %dma_wait3A_60] : memref<80x128xf32, #tpu.memory_space<vmem>> -> memref<80x128xf32, #tpu.memory_space<vmem>>
      tpu.wait_dma2 semaphore(%run_scoped3A_41 : memref<!tpu.dma_semaphore, #tpu.memory_space<semaphore_mem>>) src(%dma_wait3A_61 : memref<80x128xf32, #tpu.memory_space<vmem>>) dst(%dma_wait3A_58 : memref<80x128xf32, #tpu.memory_space<vmem_shared>>)
      tpu.yield
    }) : () -> ()
    %add3A_20 = arith.constant 560 : i32
    %add3A_21 = arith.addi %mul3A_0, %add3A_20 : i32
    "tpu.region"() ({
      %run_scoped3A_41 = tpu.sem_alloc : memref<!tpu.dma_semaphore, #tpu.memory_space<semaphore_mem>>
      %dma_start3A_42 = arith.constant 0 : i32
      %dma_start3A_43 = arith.constant 0 : i32
      %dma_start3A_44 = tpu.memref_slice %arg8[%dma_start3A_42, %dma_start3A_43] : memref<80x128xf32, #tpu.memory_space<vmem>> -> memref<72x128xf32, #tpu.memory_space<vmem>>
      %dma_start3A_45 = arith.constant 0 : i32
      %dma_start3A_46 = tpu.memref_slice %arg10[%add3A_21, %dma_start3A_45] : memref<10112x128xf32, #tpu.memory_space<vmem_shared>> -> memref<72x128xf32, #tpu.memory_space<vmem_shared>>
      %dma_start3A_47 = arith.constant 0 : i32
      %dma_start3A_48 = tpu.memref_slice %arg10[%add3A_21, %dma_start3A_47] : memref<10112x128xf32, #tpu.memory_space<vmem_shared>> -> memref<72x128xf32, #tpu.memory_space<vmem_shared>>
      %dma_start3A_49 = arith.constant 0 : i32
      %dma_start3A_50 = arith.constant 0 : i32
      %dma_start3A_51 = tpu.memref_slice %arg8[%dma_start3A_49, %dma_start3A_50] : memref<80x128xf32, #tpu.memory_space<vmem>> -> memref<72x128xf32, #tpu.memory_space<vmem>>
      tpu.enqueue_dma source(%dma_start3A_51 : memref<72x128xf32, #tpu.memory_space<vmem>>) target(%dma_start3A_48 : memref<72x128xf32, #tpu.memory_space<vmem_shared>>) target_semaphore(%run_scoped3A_41 : memref<!tpu.dma_semaphore, #tpu.memory_space<semaphore_mem>>)
      %dma_wait3A_52 = arith.constant 0 : i32
      %dma_wait3A_53 = arith.constant 0 : i32
      %dma_wait3A_54 = tpu.memref_slice %arg8[%dma_wait3A_52, %dma_wait3A_53] : memref<80x128xf32, #tpu.memory_space<vmem>> -> memref<72x128xf32, #tpu.memory_space<vmem>>
      %dma_wait3A_55 = arith.constant 0 : i32
      %dma_wait3A_56 = tpu.memref_slice %arg10[%add3A_21, %dma_wait3A_55] : memref<10112x128xf32, #tpu.memory_space<vmem_shared>> -> memref<72x128xf32, #tpu.memory_space<vmem_shared>>
      %dma_wait3A_57 = arith.constant 0 : i32
      %dma_wait3A_58 = tpu.memref_slice %arg10[%add3A_21, %dma_wait3A_57] : memref<10112x128xf32, #tpu.memory_space<vmem_shared>> -> memref<72x128xf32, #tpu.memory_space<vmem_shared>>
      %dma_wait3A_59 = arith.constant 0 : i32
      %dma_wait3A_60 = arith.constant 0 : i32
      %dma_wait3A_61 = tpu.memref_slice %arg8[%dma_wait3A_59, %dma_wait3A_60] : memref<80x128xf32, #tpu.memory_space<vmem>> -> memref<72x128xf32, #tpu.memory_space<vmem>>
      tpu.wait_dma2 semaphore(%run_scoped3A_41 : memref<!tpu.dma_semaphore, #tpu.memory_space<semaphore_mem>>) src(%dma_wait3A_61 : memref<72x128xf32, #tpu.memory_space<vmem>>) dst(%dma_wait3A_58 : memref<72x128xf32, #tpu.memory_space<vmem_shared>>)
      tpu.yield
    }) : () -> ()
    %barrier3A = arith.constant 0 : index
    tpu.barrier barrier_id(%barrier3A)
    %dma_start3A = arith.constant 0 : i32
    %dma_start3A_22 = arith.constant 0 : i32
    %dma_start3A_23 = tpu.memref_slice %arg6[%dma_start3A, %dma_start3A_22] : memref<125x80xi32, #tpu.memory_space<vmem>> -> memref<1x80xi32, #tpu.memory_space<vmem>>
    %dma_start3A_24 = tpu.memref_squeeze %dma_start3A_23 : memref<1x80xi32, #tpu.memory_space<vmem>> -> memref<80xi32, #tpu.memory_space<vmem>>
    %dma_start3A_25 = arith.constant 0 : i32
    %dma_start3A_26 = arith.constant 0 : i32
    %dma_start3A_27 = tpu.memref_slice %arg2[%dma_start3A_25, %dma_start3A_26] : memref<2560x128xf32, #tpu.memory_space<hbm>> -> memref<2560x128xf32, #tpu.memory_space<hbm>>
    tpu.enqueue_indirect_dma source(%dma_start3A_27 : memref<2560x128xf32, #tpu.memory_space<hbm>>) target(%arg8 : memref<80x128xf32, #tpu.memory_space<vmem>>) offsets(%dma_start3A_24 : memref<80xi32, #tpu.memory_space<vmem>>) semaphore(%arg11 : memref<!tpu.dma_semaphore, #tpu.memory_space<semaphore_mem>>)
    %scan3A_28 = arith.constant 0 : i32
    %scan3A_29 = arith.constant 0 : i32
    %scan3A_30 = arith.constant 62 : i32
    %scan3A_31 = arith.addi %scan3A_29, %scan3A_30 : i32
    %scan3A_32 = arith.constant 1 : i32
    scf.for %scan3A_41 = %scan3A_29 to %scan3A_31 step %scan3A_32  : i32 {
      %mul3A_42 = arith.constant 2 : i32
      %mul3A_43 = arith.muli %scan3A_41, %mul3A_42 : i32
      %add3A_44 = arith.constant 1 : i32
      %add3A_45 = arith.addi %mul3A_43, %add3A_44 : i32
      %dma_start3A_46 = arith.constant 0 : i32
      %dma_start3A_47 = tpu.memref_slice %arg6[%add3A_45, %dma_start3A_46] : memref<125x80xi32, #tpu.memory_space<vmem>> -> memref<1x80xi32, #tpu.memory_space<vmem>>
      %dma_start3A_48 = tpu.memref_squeeze %dma_start3A_47 : memref<1x80xi32, #tpu.memory_space<vmem>> -> memref<80xi32, #tpu.memory_space<vmem>>
      %dma_start3A_49 = arith.constant 0 : i32
      %dma_start3A_50 = arith.constant 0 : i32
      %dma_start3A_51 = tpu.memref_slice %arg2[%dma_start3A_49, %dma_start3A_50] : memref<2560x128xf32, #tpu.memory_space<hbm>> -> memref<2560x128xf32, #tpu.memory_space<hbm>>
      tpu.enqueue_indirect_dma source(%dma_start3A_51 : memref<2560x128xf32, #tpu.memory_space<hbm>>) target(%arg9 : memref<80x128xf32, #tpu.memory_space<vmem>>) offsets(%dma_start3A_48 : memref<80xi32, #tpu.memory_space<vmem>>) semaphore(%arg12 : memref<!tpu.dma_semaphore, #tpu.memory_space<semaphore_mem>>)
      %dma_wait3A_52 = arith.constant 0 : i32
      %dma_wait3A_53 = tpu.memref_slice %arg6[%mul3A_43, %dma_wait3A_52] : memref<125x80xi32, #tpu.memory_space<vmem>> -> memref<1x80xi32, #tpu.memory_space<vmem>>
      %dma_wait3A_54 = tpu.memref_squeeze %dma_wait3A_53 : memref<1x80xi32, #tpu.memory_space<vmem>> -> memref<80xi32, #tpu.memory_space<vmem>>
      %dma_wait3A_55 = arith.constant 0 : i32
      %dma_wait3A_56 = arith.constant 0 : i32
      %dma_wait3A_57 = tpu.memref_slice %arg2[%dma_wait3A_55, %dma_wait3A_56] : memref<2560x128xf32, #tpu.memory_space<hbm>> -> memref<2560x128xf32, #tpu.memory_space<hbm>>
      tpu.wait_indirect_dma semaphore(%arg11 : memref<!tpu.dma_semaphore, #tpu.memory_space<semaphore_mem>>) src(%dma_wait3A_57 : memref<2560x128xf32, #tpu.memory_space<hbm>>) dst(%arg8 : memref<80x128xf32, #tpu.memory_space<vmem>>)
      "tpu.region"() ({
        %run_scoped3A_72 = tpu.sem_alloc : memref<!tpu.dma_semaphore, #tpu.memory_space<semaphore_mem>>
        %dma_start3A_73 = arith.constant 0 : i32
        %dma_start3A_74 = tpu.memref_slice %arg7[%mul3A_43, %dma_start3A_73] : memref<125x80xi32, #tpu.memory_space<vmem>> -> memref<1x80xi32, #tpu.memory_space<vmem>>
        %dma_start3A_75 = tpu.memref_squeeze %dma_start3A_74 : memref<1x80xi32, #tpu.memory_space<vmem>> -> memref<80xi32, #tpu.memory_space<vmem>>
        %dma_start3A_76 = arith.constant 0 : i32
        %dma_start3A_77 = arith.constant 0 : i32
        %dma_start3A_78 = tpu.memref_slice %arg10[%dma_start3A_76, %dma_start3A_77] : memref<10112x128xf32, #tpu.memory_space<vmem_shared>> -> memref<10112x128xf32, #tpu.memory_space<vmem_shared>>
        tpu.enqueue_indirect_dma source(%arg8 : memref<80x128xf32, #tpu.memory_space<vmem>>) target(%dma_start3A_78 : memref<10112x128xf32, #tpu.memory_space<vmem_shared>>) offsets(%dma_start3A_75 : memref<80xi32, #tpu.memory_space<vmem>>) semaphore(%run_scoped3A_72 : memref<!tpu.dma_semaphore, #tpu.memory_space<semaphore_mem>>) {add = true}
        %dma_wait3A_79 = arith.constant 0 : i32
        %dma_wait3A_80 = tpu.memref_slice %arg7[%mul3A_43, %dma_wait3A_79] : memref<125x80xi32, #tpu.memory_space<vmem>> -> memref<1x80xi32, #tpu.memory_space<vmem>>
        %dma_wait3A_81 = tpu.memref_squeeze %dma_wait3A_80 : memref<1x80xi32, #tpu.memory_space<vmem>> -> memref<80xi32, #tpu.memory_space<vmem>>
        %dma_wait3A_82 = arith.constant 0 : i32
        %dma_wait3A_83 = arith.constant 0 : i32
        %dma_wait3A_84 = tpu.memref_slice %arg10[%dma_wait3A_82, %dma_wait3A_83] : memref<10112x128xf32, #tpu.memory_space<vmem_shared>> -> memref<10112x128xf32, #tpu.memory_space<vmem_shared>>
        tpu.wait_indirect_dma semaphore(%run_scoped3A_72 : memref<!tpu.dma_semaphore, #tpu.memory_space<semaphore_mem>>) src(%arg8 : memref<80x128xf32, #tpu.memory_space<vmem>>) dst(%dma_wait3A_84 : memref<10112x128xf32, #tpu.memory_space<vmem_shared>>)
        tpu.yield
      }) : () -> ()
      %add3A_58 = arith.constant 2 : i32
      %add3A_59 = arith.addi %mul3A_43, %add3A_58 : i32
      %lt3A = arith.constant 125 : i32
      %lt3A_60 = arith.cmpi slt, %add3A_59, %lt3A : i32
      %convert_element_type3A = arith.extui %lt3A_60 : i1 to i32
      %cond3A = arith.constant 0 : i32
      %cond3A_61 = arith.cmpi ne, %convert_element_type3A, %cond3A : i32
      scf.if %cond3A_61 {
        %add3A_72 = arith.constant 2 : i32
        %add3A_73 = arith.addi %mul3A_43, %add3A_72 : i32
        %dma_start3A_74 = arith.constant 0 : i32
        %dma_start3A_75 = tpu.memref_slice %arg6[%add3A_73, %dma_start3A_74] : memref<125x80xi32, #tpu.memory_space<vmem>> -> memref<1x80xi32, #tpu.memory_space<vmem>>
        %dma_start3A_76 = tpu.memref_squeeze %dma_start3A_75 : memref<1x80xi32, #tpu.memory_space<vmem>> -> memref<80xi32, #tpu.memory_space<vmem>>
        %dma_start3A_77 = arith.constant 0 : i32
        %dma_start3A_78 = arith.constant 0 : i32
        %dma_start3A_79 = tpu.memref_slice %arg2[%dma_start3A_77, %dma_start3A_78] : memref<2560x128xf32, #tpu.memory_space<hbm>> -> memref<2560x128xf32, #tpu.memory_space<hbm>>
        tpu.enqueue_indirect_dma source(%dma_start3A_79 : memref<2560x128xf32, #tpu.memory_space<hbm>>) target(%arg8 : memref<80x128xf32, #tpu.memory_space<vmem>>) offsets(%dma_start3A_76 : memref<80xi32, #tpu.memory_space<vmem>>) semaphore(%arg11 : memref<!tpu.dma_semaphore, #tpu.memory_space<semaphore_mem>>)
      } else {
      }
      %add3A_62 = arith.constant 1 : i32
      %add3A_63 = arith.addi %mul3A_43, %add3A_62 : i32
      %dma_wait3A_64 = arith.constant 0 : i32
      %dma_wait3A_65 = tpu.memref_slice %arg6[%add3A_63, %dma_wait3A_64] : memref<125x80xi32, #tpu.memory_space<vmem>> -> memref<1x80xi32, #tpu.memory_space<vmem>>
      %dma_wait3A_66 = tpu.memref_squeeze %dma_wait3A_65 : memref<1x80xi32, #tpu.memory_space<vmem>> -> memref<80xi32, #tpu.memory_space<vmem>>
      %dma_wait3A_67 = arith.constant 0 : i32
      %dma_wait3A_68 = arith.constant 0 : i32
      %dma_wait3A_69 = tpu.memref_slice %arg2[%dma_wait3A_67, %dma_wait3A_68] : memref<2560x128xf32, #tpu.memory_space<hbm>> -> memref<2560x128xf32, #tpu.memory_space<hbm>>
      tpu.wait_indirect_dma semaphore(%arg12 : memref<!tpu.dma_semaphore, #tpu.memory_space<semaphore_mem>>) src(%dma_wait3A_69 : memref<2560x128xf32, #tpu.memory_space<hbm>>) dst(%arg9 : memref<80x128xf32, #tpu.memory_space<vmem>>)
      %add3A_70 = arith.constant 1 : i32
      %add3A_71 = arith.addi %mul3A_43, %add3A_70 : i32
      "tpu.region"() ({
        %run_scoped3A_72 = tpu.sem_alloc : memref<!tpu.dma_semaphore, #tpu.memory_space<semaphore_mem>>
        %dma_start3A_73 = arith.constant 0 : i32
        %dma_start3A_74 = tpu.memref_slice %arg7[%add3A_71, %dma_start3A_73] : memref<125x80xi32, #tpu.memory_space<vmem>> -> memref<1x80xi32, #tpu.memory_space<vmem>>
        %dma_start3A_75 = tpu.memref_squeeze %dma_start3A_74 : memref<1x80xi32, #tpu.memory_space<vmem>> -> memref<80xi32, #tpu.memory_space<vmem>>
        %dma_start3A_76 = arith.constant 0 : i32
        %dma_start3A_77 = arith.constant 0 : i32
        %dma_start3A_78 = tpu.memref_slice %arg10[%dma_start3A_76, %dma_start3A_77] : memref<10112x128xf32, #tpu.memory_space<vmem_shared>> -> memref<10112x128xf32, #tpu.memory_space<vmem_shared>>
        tpu.enqueue_indirect_dma source(%arg9 : memref<80x128xf32, #tpu.memory_space<vmem>>) target(%dma_start3A_78 : memref<10112x128xf32, #tpu.memory_space<vmem_shared>>) offsets(%dma_start3A_75 : memref<80xi32, #tpu.memory_space<vmem>>) semaphore(%run_scoped3A_72 : memref<!tpu.dma_semaphore, #tpu.memory_space<semaphore_mem>>) {add = true}
        %dma_wait3A_79 = arith.constant 0 : i32
        %dma_wait3A_80 = tpu.memref_slice %arg7[%add3A_71, %dma_wait3A_79] : memref<125x80xi32, #tpu.memory_space<vmem>> -> memref<1x80xi32, #tpu.memory_space<vmem>>
        %dma_wait3A_81 = tpu.memref_squeeze %dma_wait3A_80 : memref<1x80xi32, #tpu.memory_space<vmem>> -> memref<80xi32, #tpu.memory_space<vmem>>
        %dma_wait3A_82 = arith.constant 0 : i32
        %dma_wait3A_83 = arith.constant 0 : i32
        %dma_wait3A_84 = tpu.memref_slice %arg10[%dma_wait3A_82, %dma_wait3A_83] : memref<10112x128xf32, #tpu.memory_space<vmem_shared>> -> memref<10112x128xf32, #tpu.memory_space<vmem_shared>>
        tpu.wait_indirect_dma semaphore(%run_scoped3A_72 : memref<!tpu.dma_semaphore, #tpu.memory_space<semaphore_mem>>) src(%arg9 : memref<80x128xf32, #tpu.memory_space<vmem>>) dst(%dma_wait3A_84 : memref<10112x128xf32, #tpu.memory_space<vmem_shared>>)
        tpu.yield
      }) : () -> ()
    }
    %scan3A_33 = arith.constant 62 : i32
    %dma_wait3A = arith.constant 124 : i32
    %dma_wait3A_34 = arith.constant 0 : i32
    %dma_wait3A_35 = tpu.memref_slice %arg6[%dma_wait3A, %dma_wait3A_34] : memref<125x80xi32, #tpu.memory_space<vmem>> -> memref<1x80xi32, #tpu.memory_space<vmem>>
    %dma_wait3A_36 = tpu.memref_squeeze %dma_wait3A_35 : memref<1x80xi32, #tpu.memory_space<vmem>> -> memref<80xi32, #tpu.memory_space<vmem>>
    %dma_wait3A_37 = arith.constant 0 : i32
    %dma_wait3A_38 = arith.constant 0 : i32
    %dma_wait3A_39 = tpu.memref_slice %arg2[%dma_wait3A_37, %dma_wait3A_38] : memref<2560x128xf32, #tpu.memory_space<hbm>> -> memref<2560x128xf32, #tpu.memory_space<hbm>>
    tpu.wait_indirect_dma semaphore(%arg11 : memref<!tpu.dma_semaphore, #tpu.memory_space<semaphore_mem>>) src(%dma_wait3A_39 : memref<2560x128xf32, #tpu.memory_space<hbm>>) dst(%arg8 : memref<80x128xf32, #tpu.memory_space<vmem>>)
    %run_scoped3A = arith.constant 124 : i32
    "tpu.region"() ({
      %run_scoped3A_41 = tpu.sem_alloc : memref<!tpu.dma_semaphore, #tpu.memory_space<semaphore_mem>>
      %dma_start3A_42 = arith.constant 0 : i32
      %dma_start3A_43 = tpu.memref_slice %arg7[%run_scoped3A, %dma_start3A_42] : memref<125x80xi32, #tpu.memory_space<vmem>> -> memref<1x80xi32, #tpu.memory_space<vmem>>
      %dma_start3A_44 = tpu.memref_squeeze %dma_start3A_43 : memref<1x80xi32, #tpu.memory_space<vmem>> -> memref<80xi32, #tpu.memory_space<vmem>>
      %dma_start3A_45 = arith.constant 0 : i32
      %dma_start3A_46 = arith.constant 0 : i32
      %dma_start3A_47 = tpu.memref_slice %arg10[%dma_start3A_45, %dma_start3A_46] : memref<10112x128xf32, #tpu.memory_space<vmem_shared>> -> memref<10112x128xf32, #tpu.memory_space<vmem_shared>>
      tpu.enqueue_indirect_dma source(%arg8 : memref<80x128xf32, #tpu.memory_space<vmem>>) target(%dma_start3A_47 : memref<10112x128xf32, #tpu.memory_space<vmem_shared>>) offsets(%dma_start3A_44 : memref<80xi32, #tpu.memory_space<vmem>>) semaphore(%run_scoped3A_41 : memref<!tpu.dma_semaphore, #tpu.memory_space<semaphore_mem>>) {add = true}
      %dma_wait3A_48 = arith.constant 0 : i32
      %dma_wait3A_49 = tpu.memref_slice %arg7[%run_scoped3A, %dma_wait3A_48] : memref<125x80xi32, #tpu.memory_space<vmem>> -> memref<1x80xi32, #tpu.memory_space<vmem>>
      %dma_wait3A_50 = tpu.memref_squeeze %dma_wait3A_49 : memref<1x80xi32, #tpu.memory_space<vmem>> -> memref<80xi32, #tpu.memory_space<vmem>>
      %dma_wait3A_51 = arith.constant 0 : i32
      %dma_wait3A_52 = arith.constant 0 : i32
      %dma_wait3A_53 = tpu.memref_slice %arg10[%dma_wait3A_51, %dma_wait3A_52] : memref<10112x128xf32, #tpu.memory_space<vmem_shared>> -> memref<10112x128xf32, #tpu.memory_space<vmem_shared>>
      tpu.wait_indirect_dma semaphore(%run_scoped3A_41 : memref<!tpu.dma_semaphore, #tpu.memory_space<semaphore_mem>>) src(%arg8 : memref<80x128xf32, #tpu.memory_space<vmem>>) dst(%dma_wait3A_53 : memref<10112x128xf32, #tpu.memory_space<vmem_shared>>)
      tpu.yield
    }) : () -> ()
    %barrier3A_40 = arith.constant 0 : index
    tpu.barrier barrier_id(%barrier3A_40)
    "tpu.region"() ({
      %run_scoped3A_41 = tpu.sem_alloc : memref<!tpu.dma_semaphore, #tpu.memory_space<semaphore_mem>>
      %dma_start3A_42 = arith.constant 0 : i32
      %dma_start3A_43 = tpu.memref_slice %arg5[%arg0, %mul3A_0, %dma_start3A_42] : memref<2x10112x128xf32, #tpu.memory_space<hbm>> -> memref<1x632x128xf32, #tpu.memory_space<hbm>>
      %dma_start3A_44 = tpu.memref_squeeze %dma_start3A_43 : memref<1x632x128xf32, #tpu.memory_space<hbm>> -> memref<632x128xf32, #tpu.memory_space<hbm>>
      %dma_start3A_45 = arith.constant 0 : i32
      %dma_start3A_46 = tpu.memref_slice %arg10[%mul3A_0, %dma_start3A_45] : memref<10112x128xf32, #tpu.memory_space<vmem_shared>> -> memref<632x128xf32, #tpu.memory_space<vmem_shared>>
      tpu.enqueue_dma source(%dma_start3A_46 : memref<632x128xf32, #tpu.memory_space<vmem_shared>>) target(%dma_start3A_44 : memref<632x128xf32, #tpu.memory_space<hbm>>) target_semaphore(%run_scoped3A_41 : memref<!tpu.dma_semaphore, #tpu.memory_space<semaphore_mem>>)
      %dma_wait3A_47 = arith.constant 0 : i32
      %dma_wait3A_48 = tpu.memref_slice %arg5[%arg0, %mul3A_0, %dma_wait3A_47] : memref<2x10112x128xf32, #tpu.memory_space<hbm>> -> memref<1x632x128xf32, #tpu.memory_space<hbm>>
      %dma_wait3A_49 = tpu.memref_squeeze %dma_wait3A_48 : memref<1x632x128xf32, #tpu.memory_space<hbm>> -> memref<632x128xf32, #tpu.memory_space<hbm>>
      %dma_wait3A_50 = arith.constant 0 : i32
      %dma_wait3A_51 = tpu.memref_slice %arg10[%mul3A_0, %dma_wait3A_50] : memref<10112x128xf32, #tpu.memory_space<vmem_shared>> -> memref<632x128xf32, #tpu.memory_space<vmem_shared>>
      tpu.wait_dma2 semaphore(%run_scoped3A_41 : memref<!tpu.dma_semaphore, #tpu.memory_space<semaphore_mem>>) src(%dma_wait3A_51 : memref<632x128xf32, #tpu.memory_space<vmem_shared>>) dst(%dma_wait3A_49 : memref<632x128xf32, #tpu.memory_space<hbm>>)
      tpu.yield
    }) : () -> ()
    return
  }
}

#map = affine_map<(d0, d1) -> (0, 0)>
#map1 = affine_map<(d0, d1) -> (0, 0, 0, 0)>
#map2 = affine_map<(d0, d1) -> (0, 0, 0)>
module attributes {stable_mosaic.version = 14 : i64} {
  func.func @seg_sum(%arg0: i32, %arg1: i32, %arg2: memref<10000x128xf32, #tpu.memory_space<hbm>>, %arg3: memref<2x16x125x80xi32, #tpu.memory_space<hbm>>, %arg4: memref<2x16x125x80xi32, #tpu.memory_space<hbm>>, %arg5: memref<2x2560x128xf32, #tpu.memory_space<hbm>>, %arg6: memref<125x80xi32, #tpu.memory_space<vmem>>, %arg7: memref<125x80xi32, #tpu.memory_space<vmem>>, %arg8: memref<80x128xf32, #tpu.memory_space<vmem>>, %arg9: memref<80x128xf32, #tpu.memory_space<vmem>>, %arg10: memref<2560x128xf32, #tpu.memory_space<vmem_shared>>, %arg11: memref<!tpu.dma_semaphore, #tpu.memory_space<semaphore_mem>>, %arg12: memref<!tpu.dma_semaphore, #tpu.memory_space<semaphore_mem>>) attributes {dimension_semantics = [#tpu.dimension_semantics<core_parallel>, #tpu.dimension_semantics<subcore_parallel>], iteration_bounds = array<i64: 2, 16>, scalar_prefetch = 0 : i64, scratch_operands = 7 : i64, tpu.core_type = #tpu.core_type<sc_vector_subcore>, window_params = [{transform_indices = #map}, {transform_indices = #map1}, {transform_indices = #map1}, {transform_indices = #map2}]} {
    "tpu.region"() ({
      %run_scoped3A_29 = tpu.sem_alloc : memref<!tpu.dma_semaphore, #tpu.memory_space<semaphore_mem>>
      %dma_start3A_30 = arith.constant 0 : i32
      %dma_start3A_31 = arith.constant 0 : i32
      %dma_start3A_32 = tpu.memref_slice %arg3[%arg0, %arg1, %dma_start3A_30, %dma_start3A_31] : memref<2x16x125x80xi32, #tpu.memory_space<hbm>> -> memref<1x1x125x80xi32, #tpu.memory_space<hbm>>
      %dma_start3A_33 = tpu.memref_squeeze %dma_start3A_32 : memref<1x1x125x80xi32, #tpu.memory_space<hbm>> -> memref<125x80xi32, #tpu.memory_space<hbm>>
      %dma_start3A_34 = arith.constant 0 : i32
      %dma_start3A_35 = arith.constant 0 : i32
      %dma_start3A_36 = tpu.memref_slice %arg3[%arg0, %arg1, %dma_start3A_34, %dma_start3A_35] : memref<2x16x125x80xi32, #tpu.memory_space<hbm>> -> memref<1x1x125x80xi32, #tpu.memory_space<hbm>>
      %dma_start3A_37 = tpu.memref_squeeze %dma_start3A_36 : memref<1x1x125x80xi32, #tpu.memory_space<hbm>> -> memref<125x80xi32, #tpu.memory_space<hbm>>
      tpu.enqueue_dma source(%dma_start3A_37 : memref<125x80xi32, #tpu.memory_space<hbm>>) target(%arg6 : memref<125x80xi32, #tpu.memory_space<vmem>>) target_semaphore(%run_scoped3A_29 : memref<!tpu.dma_semaphore, #tpu.memory_space<semaphore_mem>>)
      %dma_wait3A_38 = arith.constant 0 : i32
      %dma_wait3A_39 = arith.constant 0 : i32
      %dma_wait3A_40 = tpu.memref_slice %arg3[%arg0, %arg1, %dma_wait3A_38, %dma_wait3A_39] : memref<2x16x125x80xi32, #tpu.memory_space<hbm>> -> memref<1x1x125x80xi32, #tpu.memory_space<hbm>>
      %dma_wait3A_41 = tpu.memref_squeeze %dma_wait3A_40 : memref<1x1x125x80xi32, #tpu.memory_space<hbm>> -> memref<125x80xi32, #tpu.memory_space<hbm>>
      %dma_wait3A_42 = arith.constant 0 : i32
      %dma_wait3A_43 = arith.constant 0 : i32
      %dma_wait3A_44 = tpu.memref_slice %arg3[%arg0, %arg1, %dma_wait3A_42, %dma_wait3A_43] : memref<2x16x125x80xi32, #tpu.memory_space<hbm>> -> memref<1x1x125x80xi32, #tpu.memory_space<hbm>>
      %dma_wait3A_45 = tpu.memref_squeeze %dma_wait3A_44 : memref<1x1x125x80xi32, #tpu.memory_space<hbm>> -> memref<125x80xi32, #tpu.memory_space<hbm>>
      tpu.wait_dma2 semaphore(%run_scoped3A_29 : memref<!tpu.dma_semaphore, #tpu.memory_space<semaphore_mem>>) src(%dma_wait3A_45 : memref<125x80xi32, #tpu.memory_space<hbm>>) dst(%arg6 : memref<125x80xi32, #tpu.memory_space<vmem>>)
      tpu.yield
    }) : () -> ()
    "tpu.region"() ({
      %run_scoped3A_29 = tpu.sem_alloc : memref<!tpu.dma_semaphore, #tpu.memory_space<semaphore_mem>>
      %dma_start3A_30 = arith.constant 0 : i32
      %dma_start3A_31 = arith.constant 0 : i32
      %dma_start3A_32 = tpu.memref_slice %arg4[%arg0, %arg1, %dma_start3A_30, %dma_start3A_31] : memref<2x16x125x80xi32, #tpu.memory_space<hbm>> -> memref<1x1x125x80xi32, #tpu.memory_space<hbm>>
      %dma_start3A_33 = tpu.memref_squeeze %dma_start3A_32 : memref<1x1x125x80xi32, #tpu.memory_space<hbm>> -> memref<125x80xi32, #tpu.memory_space<hbm>>
      %dma_start3A_34 = arith.constant 0 : i32
      %dma_start3A_35 = arith.constant 0 : i32
      %dma_start3A_36 = tpu.memref_slice %arg4[%arg0, %arg1, %dma_start3A_34, %dma_start3A_35] : memref<2x16x125x80xi32, #tpu.memory_space<hbm>> -> memref<1x1x125x80xi32, #tpu.memory_space<hbm>>
      %dma_start3A_37 = tpu.memref_squeeze %dma_start3A_36 : memref<1x1x125x80xi32, #tpu.memory_space<hbm>> -> memref<125x80xi32, #tpu.memory_space<hbm>>
      tpu.enqueue_dma source(%dma_start3A_37 : memref<125x80xi32, #tpu.memory_space<hbm>>) target(%arg7 : memref<125x80xi32, #tpu.memory_space<vmem>>) target_semaphore(%run_scoped3A_29 : memref<!tpu.dma_semaphore, #tpu.memory_space<semaphore_mem>>)
      %dma_wait3A_38 = arith.constant 0 : i32
      %dma_wait3A_39 = arith.constant 0 : i32
      %dma_wait3A_40 = tpu.memref_slice %arg4[%arg0, %arg1, %dma_wait3A_38, %dma_wait3A_39] : memref<2x16x125x80xi32, #tpu.memory_space<hbm>> -> memref<1x1x125x80xi32, #tpu.memory_space<hbm>>
      %dma_wait3A_41 = tpu.memref_squeeze %dma_wait3A_40 : memref<1x1x125x80xi32, #tpu.memory_space<hbm>> -> memref<125x80xi32, #tpu.memory_space<hbm>>
      %dma_wait3A_42 = arith.constant 0 : i32
      %dma_wait3A_43 = arith.constant 0 : i32
      %dma_wait3A_44 = tpu.memref_slice %arg4[%arg0, %arg1, %dma_wait3A_42, %dma_wait3A_43] : memref<2x16x125x80xi32, #tpu.memory_space<hbm>> -> memref<1x1x125x80xi32, #tpu.memory_space<hbm>>
      %dma_wait3A_45 = tpu.memref_squeeze %dma_wait3A_44 : memref<1x1x125x80xi32, #tpu.memory_space<hbm>> -> memref<125x80xi32, #tpu.memory_space<hbm>>
      tpu.wait_dma2 semaphore(%run_scoped3A_29 : memref<!tpu.dma_semaphore, #tpu.memory_space<semaphore_mem>>) src(%dma_wait3A_45 : memref<125x80xi32, #tpu.memory_space<hbm>>) dst(%arg7 : memref<125x80xi32, #tpu.memory_space<vmem>>)
      tpu.yield
    }) : () -> ()
    %mul3A = arith.constant 160 : i32
    %mul3A_0 = arith.muli %arg1, %mul3A : i32
    %broadcast_in_dim3A = arith.constant 0.000000e+00 : f32
    %broadcast_in_dim3A_1 = vector.broadcast %broadcast_in_dim3A : f32 to vector<16xf32>
    %scan3A = arith.constant 0 : i32
    %scan3A_2 = arith.constant 0 : i32
    %scan3A_3 = arith.constant 80 : i32
    %scan3A_4 = arith.addi %scan3A_2, %scan3A_3 : i32
    %scan3A_5 = arith.constant 1 : i32
    scf.for %scan3A_29 = %scan3A_2 to %scan3A_4 step %scan3A_5  : i32 {
      %swap3A = arith.index_cast %scan3A_29 : i32 to index
      %swap3A_30 = arith.constant 0 : index
      %swap3A_31 = tpu.vector_load %arg8[%swap3A, %swap3A_30] {strides = array<i32>} : memref<80x128xf32, #tpu.memory_space<vmem>>, vector<1x16xf32>,
      %swap3A_32 = vector.shape_cast %swap3A_31 : vector<1x16xf32> to vector<16xf32>
      %swap3A_33 = vector.shape_cast %broadcast_in_dim3A_1 : vector<16xf32> to vector<1x16xf32>
      tpu.vector_store %arg8[%swap3A, %swap3A_30], %swap3A_33 {strides = array<i32>} : memref<80x128xf32, #tpu.memory_space<vmem>>, vector<1x16xf32>,
      %swap3A_34 = arith.index_cast %scan3A_29 : i32 to index
      %swap3A_35 = arith.constant 16 : index
      %swap3A_36 = tpu.vector_load %arg8[%swap3A_34, %swap3A_35] {strides = array<i32>} : memref<80x128xf32, #tpu.memory_space<vmem>>, vector<1x16xf32>,
      %swap3A_37 = vector.shape_cast %swap3A_36 : vector<1x16xf32> to vector<16xf32>
      %swap3A_38 = vector.shape_cast %broadcast_in_dim3A_1 : vector<16xf32> to vector<1x16xf32>
      tpu.vector_store %arg8[%swap3A_34, %swap3A_35], %swap3A_38 {strides = array<i32>} : memref<80x128xf32, #tpu.memory_space<vmem>>, vector<1x16xf32>,
      %swap3A_39 = arith.index_cast %scan3A_29 : i32 to index
      %swap3A_40 = arith.constant 32 : index
      %swap3A_41 = tpu.vector_load %arg8[%swap3A_39, %swap3A_40] {strides = array<i32>} : memref<80x128xf32, #tpu.memory_space<vmem>>, vector<1x16xf32>,
      %swap3A_42 = vector.shape_cast %swap3A_41 : vector<1x16xf32> to vector<16xf32>
      %swap3A_43 = vector.shape_cast %broadcast_in_dim3A_1 : vector<16xf32> to vector<1x16xf32>
      tpu.vector_store %arg8[%swap3A_39, %swap3A_40], %swap3A_43 {strides = array<i32>} : memref<80x128xf32, #tpu.memory_space<vmem>>, vector<1x16xf32>,
      %swap3A_44 = arith.index_cast %scan3A_29 : i32 to index
      %swap3A_45 = arith.constant 48 : index
      %swap3A_46 = tpu.vector_load %arg8[%swap3A_44, %swap3A_45] {strides = array<i32>} : memref<80x128xf32, #tpu.memory_space<vmem>>, vector<1x16xf32>,
      %swap3A_47 = vector.shape_cast %swap3A_46 : vector<1x16xf32> to vector<16xf32>
      %swap3A_48 = vector.shape_cast %broadcast_in_dim3A_1 : vector<16xf32> to vector<1x16xf32>
      tpu.vector_store %arg8[%swap3A_44, %swap3A_45], %swap3A_48 {strides = array<i32>} : memref<80x128xf32, #tpu.memory_space<vmem>>, vector<1x16xf32>,
      %swap3A_49 = arith.index_cast %scan3A_29 : i32 to index
      %swap3A_50 = arith.constant 64 : index
      %swap3A_51 = tpu.vector_load %arg8[%swap3A_49, %swap3A_50] {strides = array<i32>} : memref<80x128xf32, #tpu.memory_space<vmem>>, vector<1x16xf32>,
      %swap3A_52 = vector.shape_cast %swap3A_51 : vector<1x16xf32> to vector<16xf32>
      %swap3A_53 = vector.shape_cast %broadcast_in_dim3A_1 : vector<16xf32> to vector<1x16xf32>
      tpu.vector_store %arg8[%swap3A_49, %swap3A_50], %swap3A_53 {strides = array<i32>} : memref<80x128xf32, #tpu.memory_space<vmem>>, vector<1x16xf32>,
      %swap3A_54 = arith.index_cast %scan3A_29 : i32 to index
      %swap3A_55 = arith.constant 80 : index
      %swap3A_56 = tpu.vector_load %arg8[%swap3A_54, %swap3A_55] {strides = array<i32>} : memref<80x128xf32, #tpu.memory_space<vmem>>, vector<1x16xf32>,
      %swap3A_57 = vector.shape_cast %swap3A_56 : vector<1x16xf32> to vector<16xf32>
      %swap3A_58 = vector.shape_cast %broadcast_in_dim3A_1 : vector<16xf32> to vector<1x16xf32>
      tpu.vector_store %arg8[%swap3A_54, %swap3A_55], %swap3A_58 {strides = array<i32>} : memref<80x128xf32, #tpu.memory_space<vmem>>, vector<1x16xf32>,
      %swap3A_59 = arith.index_cast %scan3A_29 : i32 to index
      %swap3A_60 = arith.constant 96 : index
      %swap3A_61 = tpu.vector_load %arg8[%swap3A_59, %swap3A_60] {strides = array<i32>} : memref<80x128xf32, #tpu.memory_space<vmem>>, vector<1x16xf32>,
      %swap3A_62 = vector.shape_cast %swap3A_61 : vector<1x16xf32> to vector<16xf32>
      %swap3A_63 = vector.shape_cast %broadcast_in_dim3A_1 : vector<16xf32> to vector<1x16xf32>
      tpu.vector_store %arg8[%swap3A_59, %swap3A_60], %swap3A_63 {strides = array<i32>} : memref<80x128xf32, #tpu.memory_space<vmem>>, vector<1x16xf32>,
      %swap3A_64 = arith.index_cast %scan3A_29 : i32 to index
      %swap3A_65 = arith.constant 112 : index
      %swap3A_66 = tpu.vector_load %arg8[%swap3A_64, %swap3A_65] {strides = array<i32>} : memref<80x128xf32, #tpu.memory_space<vmem>>, vector<1x16xf32>,
      %swap3A_67 = vector.shape_cast %swap3A_66 : vector<1x16xf32> to vector<16xf32>
      %swap3A_68 = vector.shape_cast %broadcast_in_dim3A_1 : vector<16xf32> to vector<1x16xf32>
      tpu.vector_store %arg8[%swap3A_64, %swap3A_65], %swap3A_68 {strides = array<i32>} : memref<80x128xf32, #tpu.memory_space<vmem>>, vector<1x16xf32>,
    }
    %scan3A_6 = arith.constant 80 : i32
    %add3A = arith.constant 0 : i32
    %add3A_7 = arith.addi %mul3A_0, %add3A : i32
    "tpu.region"() ({
      %run_scoped3A_29 = tpu.sem_alloc : memref<!tpu.dma_semaphore, #tpu.memory_space<semaphore_mem>>
      %dma_start3A_30 = arith.constant 0 : i32
      %dma_start3A_31 = arith.constant 0 : i32
      %dma_start3A_32 = tpu.memref_slice %arg8[%dma_start3A_30, %dma_start3A_31] : memref<80x128xf32, #tpu.memory_space<vmem>> -> memref<80x128xf32, #tpu.memory_space<vmem>>
      %dma_start3A_33 = arith.constant 0 : i32
      %dma_start3A_34 = tpu.memref_slice %arg10[%add3A_7, %dma_start3A_33] : memref<2560x128xf32, #tpu.memory_space<vmem_shared>> -> memref<80x128xf32, #tpu.memory_space<vmem_shared>>
      %dma_start3A_35 = arith.constant 0 : i32
      %dma_start3A_36 = tpu.memref_slice %arg10[%add3A_7, %dma_start3A_35] : memref<2560x128xf32, #tpu.memory_space<vmem_shared>> -> memref<80x128xf32, #tpu.memory_space<vmem_shared>>
      %dma_start3A_37 = arith.constant 0 : i32
      %dma_start3A_38 = arith.constant 0 : i32
      %dma_start3A_39 = tpu.memref_slice %arg8[%dma_start3A_37, %dma_start3A_38] : memref<80x128xf32, #tpu.memory_space<vmem>> -> memref<80x128xf32, #tpu.memory_space<vmem>>
      tpu.enqueue_dma source(%dma_start3A_39 : memref<80x128xf32, #tpu.memory_space<vmem>>) target(%dma_start3A_36 : memref<80x128xf32, #tpu.memory_space<vmem_shared>>) target_semaphore(%run_scoped3A_29 : memref<!tpu.dma_semaphore, #tpu.memory_space<semaphore_mem>>)
      %dma_wait3A_40 = arith.constant 0 : i32
      %dma_wait3A_41 = arith.constant 0 : i32
      %dma_wait3A_42 = tpu.memref_slice %arg8[%dma_wait3A_40, %dma_wait3A_41] : memref<80x128xf32, #tpu.memory_space<vmem>> -> memref<80x128xf32, #tpu.memory_space<vmem>>
      %dma_wait3A_43 = arith.constant 0 : i32
      %dma_wait3A_44 = tpu.memref_slice %arg10[%add3A_7, %dma_wait3A_43] : memref<2560x128xf32, #tpu.memory_space<vmem_shared>> -> memref<80x128xf32, #tpu.memory_space<vmem_shared>>
      %dma_wait3A_45 = arith.constant 0 : i32
      %dma_wait3A_46 = tpu.memref_slice %arg10[%add3A_7, %dma_wait3A_45] : memref<2560x128xf32, #tpu.memory_space<vmem_shared>> -> memref<80x128xf32, #tpu.memory_space<vmem_shared>>
      %dma_wait3A_47 = arith.constant 0 : i32
      %dma_wait3A_48 = arith.constant 0 : i32
      %dma_wait3A_49 = tpu.memref_slice %arg8[%dma_wait3A_47, %dma_wait3A_48] : memref<80x128xf32, #tpu.memory_space<vmem>> -> memref<80x128xf32, #tpu.memory_space<vmem>>
      tpu.wait_dma2 semaphore(%run_scoped3A_29 : memref<!tpu.dma_semaphore, #tpu.memory_space<semaphore_mem>>) src(%dma_wait3A_49 : memref<80x128xf32, #tpu.memory_space<vmem>>) dst(%dma_wait3A_46 : memref<80x128xf32, #tpu.memory_space<vmem_shared>>)
      tpu.yield
    }) : () -> ()
    %add3A_8 = arith.constant 80 : i32
    %add3A_9 = arith.addi %mul3A_0, %add3A_8 : i32
    "tpu.region"() ({
      %run_scoped3A_29 = tpu.sem_alloc : memref<!tpu.dma_semaphore, #tpu.memory_space<semaphore_mem>>
      %dma_start3A_30 = arith.constant 0 : i32
      %dma_start3A_31 = arith.constant 0 : i32
      %dma_start3A_32 = tpu.memref_slice %arg8[%dma_start3A_30, %dma_start3A_31] : memref<80x128xf32, #tpu.memory_space<vmem>> -> memref<80x128xf32, #tpu.memory_space<vmem>>
      %dma_start3A_33 = arith.constant 0 : i32
      %dma_start3A_34 = tpu.memref_slice %arg10[%add3A_9, %dma_start3A_33] : memref<2560x128xf32, #tpu.memory_space<vmem_shared>> -> memref<80x128xf32, #tpu.memory_space<vmem_shared>>
      %dma_start3A_35 = arith.constant 0 : i32
      %dma_start3A_36 = tpu.memref_slice %arg10[%add3A_9, %dma_start3A_35] : memref<2560x128xf32, #tpu.memory_space<vmem_shared>> -> memref<80x128xf32, #tpu.memory_space<vmem_shared>>
      %dma_start3A_37 = arith.constant 0 : i32
      %dma_start3A_38 = arith.constant 0 : i32
      %dma_start3A_39 = tpu.memref_slice %arg8[%dma_start3A_37, %dma_start3A_38] : memref<80x128xf32, #tpu.memory_space<vmem>> -> memref<80x128xf32, #tpu.memory_space<vmem>>
      tpu.enqueue_dma source(%dma_start3A_39 : memref<80x128xf32, #tpu.memory_space<vmem>>) target(%dma_start3A_36 : memref<80x128xf32, #tpu.memory_space<vmem_shared>>) target_semaphore(%run_scoped3A_29 : memref<!tpu.dma_semaphore, #tpu.memory_space<semaphore_mem>>)
      %dma_wait3A_40 = arith.constant 0 : i32
      %dma_wait3A_41 = arith.constant 0 : i32
      %dma_wait3A_42 = tpu.memref_slice %arg8[%dma_wait3A_40, %dma_wait3A_41] : memref<80x128xf32, #tpu.memory_space<vmem>> -> memref<80x128xf32, #tpu.memory_space<vmem>>
      %dma_wait3A_43 = arith.constant 0 : i32
      %dma_wait3A_44 = tpu.memref_slice %arg10[%add3A_9, %dma_wait3A_43] : memref<2560x128xf32, #tpu.memory_space<vmem_shared>> -> memref<80x128xf32, #tpu.memory_space<vmem_shared>>
      %dma_wait3A_45 = arith.constant 0 : i32
      %dma_wait3A_46 = tpu.memref_slice %arg10[%add3A_9, %dma_wait3A_45] : memref<2560x128xf32, #tpu.memory_space<vmem_shared>> -> memref<80x128xf32, #tpu.memory_space<vmem_shared>>
      %dma_wait3A_47 = arith.constant 0 : i32
      %dma_wait3A_48 = arith.constant 0 : i32
      %dma_wait3A_49 = tpu.memref_slice %arg8[%dma_wait3A_47, %dma_wait3A_48] : memref<80x128xf32, #tpu.memory_space<vmem>> -> memref<80x128xf32, #tpu.memory_space<vmem>>
      tpu.wait_dma2 semaphore(%run_scoped3A_29 : memref<!tpu.dma_semaphore, #tpu.memory_space<semaphore_mem>>) src(%dma_wait3A_49 : memref<80x128xf32, #tpu.memory_space<vmem>>) dst(%dma_wait3A_46 : memref<80x128xf32, #tpu.memory_space<vmem_shared>>)
      tpu.yield
    }) : () -> ()
    %barrier3A = arith.constant 0 : index
    tpu.barrier barrier_id(%barrier3A)
    %dma_start3A = arith.constant 0 : i32
    %dma_start3A_10 = arith.constant 0 : i32
    %dma_start3A_11 = tpu.memref_slice %arg6[%dma_start3A, %dma_start3A_10] : memref<125x80xi32, #tpu.memory_space<vmem>> -> memref<1x80xi32, #tpu.memory_space<vmem>>
    %dma_start3A_12 = tpu.memref_squeeze %dma_start3A_11 : memref<1x80xi32, #tpu.memory_space<vmem>> -> memref<80xi32, #tpu.memory_space<vmem>>
    %dma_start3A_13 = arith.constant 0 : i32
    %dma_start3A_14 = arith.constant 0 : i32
    %dma_start3A_15 = tpu.memref_slice %arg2[%dma_start3A_13, %dma_start3A_14] : memref<10000x128xf32, #tpu.memory_space<hbm>> -> memref<10000x128xf32, #tpu.memory_space<hbm>>
    tpu.enqueue_indirect_dma source(%dma_start3A_15 : memref<10000x128xf32, #tpu.memory_space<hbm>>) target(%arg8 : memref<80x128xf32, #tpu.memory_space<vmem>>) offsets(%dma_start3A_12 : memref<80xi32, #tpu.memory_space<vmem>>) semaphore(%arg11 : memref<!tpu.dma_semaphore, #tpu.memory_space<semaphore_mem>>)
    %scan3A_16 = arith.constant 0 : i32
    %scan3A_17 = arith.constant 0 : i32
    %scan3A_18 = arith.constant 62 : i32
    %scan3A_19 = arith.addi %scan3A_17, %scan3A_18 : i32
    %scan3A_20 = arith.constant 1 : i32
    scf.for %scan3A_29 = %scan3A_17 to %scan3A_19 step %scan3A_20  : i32 {
      %mul3A_30 = arith.constant 2 : i32
      %mul3A_31 = arith.muli %scan3A_29, %mul3A_30 : i32
      %add3A_32 = arith.constant 1 : i32
      %add3A_33 = arith.addi %mul3A_31, %add3A_32 : i32
      %dma_start3A_34 = arith.constant 0 : i32
      %dma_start3A_35 = tpu.memref_slice %arg6[%add3A_33, %dma_start3A_34] : memref<125x80xi32, #tpu.memory_space<vmem>> -> memref<1x80xi32, #tpu.memory_space<vmem>>
      %dma_start3A_36 = tpu.memref_squeeze %dma_start3A_35 : memref<1x80xi32, #tpu.memory_space<vmem>> -> memref<80xi32, #tpu.memory_space<vmem>>
      %dma_start3A_37 = arith.constant 0 : i32
      %dma_start3A_38 = arith.constant 0 : i32
      %dma_start3A_39 = tpu.memref_slice %arg2[%dma_start3A_37, %dma_start3A_38] : memref<10000x128xf32, #tpu.memory_space<hbm>> -> memref<10000x128xf32, #tpu.memory_space<hbm>>
      tpu.enqueue_indirect_dma source(%dma_start3A_39 : memref<10000x128xf32, #tpu.memory_space<hbm>>) target(%arg9 : memref<80x128xf32, #tpu.memory_space<vmem>>) offsets(%dma_start3A_36 : memref<80xi32, #tpu.memory_space<vmem>>) semaphore(%arg12 : memref<!tpu.dma_semaphore, #tpu.memory_space<semaphore_mem>>)
      %dma_wait3A_40 = arith.constant 0 : i32
      %dma_wait3A_41 = tpu.memref_slice %arg6[%mul3A_31, %dma_wait3A_40] : memref<125x80xi32, #tpu.memory_space<vmem>> -> memref<1x80xi32, #tpu.memory_space<vmem>>
      %dma_wait3A_42 = tpu.memref_squeeze %dma_wait3A_41 : memref<1x80xi32, #tpu.memory_space<vmem>> -> memref<80xi32, #tpu.memory_space<vmem>>
      %dma_wait3A_43 = arith.constant 0 : i32
      %dma_wait3A_44 = arith.constant 0 : i32
      %dma_wait3A_45 = tpu.memref_slice %arg2[%dma_wait3A_43, %dma_wait3A_44] : memref<10000x128xf32, #tpu.memory_space<hbm>> -> memref<10000x128xf32, #tpu.memory_space<hbm>>
      tpu.wait_indirect_dma semaphore(%arg11 : memref<!tpu.dma_semaphore, #tpu.memory_space<semaphore_mem>>) src(%dma_wait3A_45 : memref<10000x128xf32, #tpu.memory_space<hbm>>) dst(%arg8 : memref<80x128xf32, #tpu.memory_space<vmem>>)
      "tpu.region"() ({
        %run_scoped3A_60 = tpu.sem_alloc : memref<!tpu.dma_semaphore, #tpu.memory_space<semaphore_mem>>
        %dma_start3A_61 = arith.constant 0 : i32
        %dma_start3A_62 = tpu.memref_slice %arg7[%mul3A_31, %dma_start3A_61] : memref<125x80xi32, #tpu.memory_space<vmem>> -> memref<1x80xi32, #tpu.memory_space<vmem>>
        %dma_start3A_63 = tpu.memref_squeeze %dma_start3A_62 : memref<1x80xi32, #tpu.memory_space<vmem>> -> memref<80xi32, #tpu.memory_space<vmem>>
        %dma_start3A_64 = arith.constant 0 : i32
        %dma_start3A_65 = arith.constant 0 : i32
        %dma_start3A_66 = tpu.memref_slice %arg10[%dma_start3A_64, %dma_start3A_65] : memref<2560x128xf32, #tpu.memory_space<vmem_shared>> -> memref<2560x128xf32, #tpu.memory_space<vmem_shared>>
        tpu.enqueue_indirect_dma source(%arg8 : memref<80x128xf32, #tpu.memory_space<vmem>>) target(%dma_start3A_66 : memref<2560x128xf32, #tpu.memory_space<vmem_shared>>) offsets(%dma_start3A_63 : memref<80xi32, #tpu.memory_space<vmem>>) semaphore(%run_scoped3A_60 : memref<!tpu.dma_semaphore, #tpu.memory_space<semaphore_mem>>) {add = true}
        %dma_wait3A_67 = arith.constant 0 : i32
        %dma_wait3A_68 = tpu.memref_slice %arg7[%mul3A_31, %dma_wait3A_67] : memref<125x80xi32, #tpu.memory_space<vmem>> -> memref<1x80xi32, #tpu.memory_space<vmem>>
        %dma_wait3A_69 = tpu.memref_squeeze %dma_wait3A_68 : memref<1x80xi32, #tpu.memory_space<vmem>> -> memref<80xi32, #tpu.memory_space<vmem>>
        %dma_wait3A_70 = arith.constant 0 : i32
        %dma_wait3A_71 = arith.constant 0 : i32
        %dma_wait3A_72 = tpu.memref_slice %arg10[%dma_wait3A_70, %dma_wait3A_71] : memref<2560x128xf32, #tpu.memory_space<vmem_shared>> -> memref<2560x128xf32, #tpu.memory_space<vmem_shared>>
        tpu.wait_indirect_dma semaphore(%run_scoped3A_60 : memref<!tpu.dma_semaphore, #tpu.memory_space<semaphore_mem>>) src(%arg8 : memref<80x128xf32, #tpu.memory_space<vmem>>) dst(%dma_wait3A_72 : memref<2560x128xf32, #tpu.memory_space<vmem_shared>>)
        tpu.yield
      }) : () -> ()
      %add3A_46 = arith.constant 2 : i32
      %add3A_47 = arith.addi %mul3A_31, %add3A_46 : i32
      %lt3A = arith.constant 125 : i32
      %lt3A_48 = arith.cmpi slt, %add3A_47, %lt3A : i32
      %convert_element_type3A = arith.extui %lt3A_48 : i1 to i32
      %cond3A = arith.constant 0 : i32
      %cond3A_49 = arith.cmpi ne, %convert_element_type3A, %cond3A : i32
      scf.if %cond3A_49 {
        %add3A_60 = arith.constant 2 : i32
        %add3A_61 = arith.addi %mul3A_31, %add3A_60 : i32
        %dma_start3A_62 = arith.constant 0 : i32
        %dma_start3A_63 = tpu.memref_slice %arg6[%add3A_61, %dma_start3A_62] : memref<125x80xi32, #tpu.memory_space<vmem>> -> memref<1x80xi32, #tpu.memory_space<vmem>>
        %dma_start3A_64 = tpu.memref_squeeze %dma_start3A_63 : memref<1x80xi32, #tpu.memory_space<vmem>> -> memref<80xi32, #tpu.memory_space<vmem>>
        %dma_start3A_65 = arith.constant 0 : i32
        %dma_start3A_66 = arith.constant 0 : i32
        %dma_start3A_67 = tpu.memref_slice %arg2[%dma_start3A_65, %dma_start3A_66] : memref<10000x128xf32, #tpu.memory_space<hbm>> -> memref<10000x128xf32, #tpu.memory_space<hbm>>
        tpu.enqueue_indirect_dma source(%dma_start3A_67 : memref<10000x128xf32, #tpu.memory_space<hbm>>) target(%arg8 : memref<80x128xf32, #tpu.memory_space<vmem>>) offsets(%dma_start3A_64 : memref<80xi32, #tpu.memory_space<vmem>>) semaphore(%arg11 : memref<!tpu.dma_semaphore, #tpu.memory_space<semaphore_mem>>)
      } else {
      }
      %add3A_50 = arith.constant 1 : i32
      %add3A_51 = arith.addi %mul3A_31, %add3A_50 : i32
      %dma_wait3A_52 = arith.constant 0 : i32
      %dma_wait3A_53 = tpu.memref_slice %arg6[%add3A_51, %dma_wait3A_52] : memref<125x80xi32, #tpu.memory_space<vmem>> -> memref<1x80xi32, #tpu.memory_space<vmem>>
      %dma_wait3A_54 = tpu.memref_squeeze %dma_wait3A_53 : memref<1x80xi32, #tpu.memory_space<vmem>> -> memref<80xi32, #tpu.memory_space<vmem>>
      %dma_wait3A_55 = arith.constant 0 : i32
      %dma_wait3A_56 = arith.constant 0 : i32
      %dma_wait3A_57 = tpu.memref_slice %arg2[%dma_wait3A_55, %dma_wait3A_56] : memref<10000x128xf32, #tpu.memory_space<hbm>> -> memref<10000x128xf32, #tpu.memory_space<hbm>>
      tpu.wait_indirect_dma semaphore(%arg12 : memref<!tpu.dma_semaphore, #tpu.memory_space<semaphore_mem>>) src(%dma_wait3A_57 : memref<10000x128xf32, #tpu.memory_space<hbm>>) dst(%arg9 : memref<80x128xf32, #tpu.memory_space<vmem>>)
      %add3A_58 = arith.constant 1 : i32
      %add3A_59 = arith.addi %mul3A_31, %add3A_58 : i32
      "tpu.region"() ({
        %run_scoped3A_60 = tpu.sem_alloc : memref<!tpu.dma_semaphore, #tpu.memory_space<semaphore_mem>>
        %dma_start3A_61 = arith.constant 0 : i32
        %dma_start3A_62 = tpu.memref_slice %arg7[%add3A_59, %dma_start3A_61] : memref<125x80xi32, #tpu.memory_space<vmem>> -> memref<1x80xi32, #tpu.memory_space<vmem>>
        %dma_start3A_63 = tpu.memref_squeeze %dma_start3A_62 : memref<1x80xi32, #tpu.memory_space<vmem>> -> memref<80xi32, #tpu.memory_space<vmem>>
        %dma_start3A_64 = arith.constant 0 : i32
        %dma_start3A_65 = arith.constant 0 : i32
        %dma_start3A_66 = tpu.memref_slice %arg10[%dma_start3A_64, %dma_start3A_65] : memref<2560x128xf32, #tpu.memory_space<vmem_shared>> -> memref<2560x128xf32, #tpu.memory_space<vmem_shared>>
        tpu.enqueue_indirect_dma source(%arg9 : memref<80x128xf32, #tpu.memory_space<vmem>>) target(%dma_start3A_66 : memref<2560x128xf32, #tpu.memory_space<vmem_shared>>) offsets(%dma_start3A_63 : memref<80xi32, #tpu.memory_space<vmem>>) semaphore(%run_scoped3A_60 : memref<!tpu.dma_semaphore, #tpu.memory_space<semaphore_mem>>) {add = true}
        %dma_wait3A_67 = arith.constant 0 : i32
        %dma_wait3A_68 = tpu.memref_slice %arg7[%add3A_59, %dma_wait3A_67] : memref<125x80xi32, #tpu.memory_space<vmem>> -> memref<1x80xi32, #tpu.memory_space<vmem>>
        %dma_wait3A_69 = tpu.memref_squeeze %dma_wait3A_68 : memref<1x80xi32, #tpu.memory_space<vmem>> -> memref<80xi32, #tpu.memory_space<vmem>>
        %dma_wait3A_70 = arith.constant 0 : i32
        %dma_wait3A_71 = arith.constant 0 : i32
        %dma_wait3A_72 = tpu.memref_slice %arg10[%dma_wait3A_70, %dma_wait3A_71] : memref<2560x128xf32, #tpu.memory_space<vmem_shared>> -> memref<2560x128xf32, #tpu.memory_space<vmem_shared>>
        tpu.wait_indirect_dma semaphore(%run_scoped3A_60 : memref<!tpu.dma_semaphore, #tpu.memory_space<semaphore_mem>>) src(%arg9 : memref<80x128xf32, #tpu.memory_space<vmem>>) dst(%dma_wait3A_72 : memref<2560x128xf32, #tpu.memory_space<vmem_shared>>)
        tpu.yield
      }) : () -> ()
    }
    %scan3A_21 = arith.constant 62 : i32
    %dma_wait3A = arith.constant 124 : i32
    %dma_wait3A_22 = arith.constant 0 : i32
    %dma_wait3A_23 = tpu.memref_slice %arg6[%dma_wait3A, %dma_wait3A_22] : memref<125x80xi32, #tpu.memory_space<vmem>> -> memref<1x80xi32, #tpu.memory_space<vmem>>
    %dma_wait3A_24 = tpu.memref_squeeze %dma_wait3A_23 : memref<1x80xi32, #tpu.memory_space<vmem>> -> memref<80xi32, #tpu.memory_space<vmem>>
    %dma_wait3A_25 = arith.constant 0 : i32
    %dma_wait3A_26 = arith.constant 0 : i32
    %dma_wait3A_27 = tpu.memref_slice %arg2[%dma_wait3A_25, %dma_wait3A_26] : memref<10000x128xf32, #tpu.memory_space<hbm>> -> memref<10000x128xf32, #tpu.memory_space<hbm>>
    tpu.wait_indirect_dma semaphore(%arg11 : memref<!tpu.dma_semaphore, #tpu.memory_space<semaphore_mem>>) src(%dma_wait3A_27 : memref<10000x128xf32, #tpu.memory_space<hbm>>) dst(%arg8 : memref<80x128xf32, #tpu.memory_space<vmem>>)
    %run_scoped3A = arith.constant 124 : i32
    "tpu.region"() ({
      %run_scoped3A_29 = tpu.sem_alloc : memref<!tpu.dma_semaphore, #tpu.memory_space<semaphore_mem>>
      %dma_start3A_30 = arith.constant 0 : i32
      %dma_start3A_31 = tpu.memref_slice %arg7[%run_scoped3A, %dma_start3A_30] : memref<125x80xi32, #tpu.memory_space<vmem>> -> memref<1x80xi32, #tpu.memory_space<vmem>>
      %dma_start3A_32 = tpu.memref_squeeze %dma_start3A_31 : memref<1x80xi32, #tpu.memory_space<vmem>> -> memref<80xi32, #tpu.memory_space<vmem>>
      %dma_start3A_33 = arith.constant 0 : i32
      %dma_start3A_34 = arith.constant 0 : i32
      %dma_start3A_35 = tpu.memref_slice %arg10[%dma_start3A_33, %dma_start3A_34] : memref<2560x128xf32, #tpu.memory_space<vmem_shared>> -> memref<2560x128xf32, #tpu.memory_space<vmem_shared>>
      tpu.enqueue_indirect_dma source(%arg8 : memref<80x128xf32, #tpu.memory_space<vmem>>) target(%dma_start3A_35 : memref<2560x128xf32, #tpu.memory_space<vmem_shared>>) offsets(%dma_start3A_32 : memref<80xi32, #tpu.memory_space<vmem>>) semaphore(%run_scoped3A_29 : memref<!tpu.dma_semaphore, #tpu.memory_space<semaphore_mem>>) {add = true}
      %dma_wait3A_36 = arith.constant 0 : i32
      %dma_wait3A_37 = tpu.memref_slice %arg7[%run_scoped3A, %dma_wait3A_36] : memref<125x80xi32, #tpu.memory_space<vmem>> -> memref<1x80xi32, #tpu.memory_space<vmem>>
      %dma_wait3A_38 = tpu.memref_squeeze %dma_wait3A_37 : memref<1x80xi32, #tpu.memory_space<vmem>> -> memref<80xi32, #tpu.memory_space<vmem>>
      %dma_wait3A_39 = arith.constant 0 : i32
      %dma_wait3A_40 = arith.constant 0 : i32
      %dma_wait3A_41 = tpu.memref_slice %arg10[%dma_wait3A_39, %dma_wait3A_40] : memref<2560x128xf32, #tpu.memory_space<vmem_shared>> -> memref<2560x128xf32, #tpu.memory_space<vmem_shared>>
      tpu.wait_indirect_dma semaphore(%run_scoped3A_29 : memref<!tpu.dma_semaphore, #tpu.memory_space<semaphore_mem>>) src(%arg8 : memref<80x128xf32, #tpu.memory_space<vmem>>) dst(%dma_wait3A_41 : memref<2560x128xf32, #tpu.memory_space<vmem_shared>>)
      tpu.yield
    }) : () -> ()
    %barrier3A_28 = arith.constant 0 : index
    tpu.barrier barrier_id(%barrier3A_28)
    "tpu.region"() ({
      %run_scoped3A_29 = tpu.sem_alloc : memref<!tpu.dma_semaphore, #tpu.memory_space<semaphore_mem>>
      %dma_start3A_30 = arith.constant 0 : i32
      %dma_start3A_31 = tpu.memref_slice %arg5[%arg0, %mul3A_0, %dma_start3A_30] : memref<2x2560x128xf32, #tpu.memory_space<hbm>> -> memref<1x160x128xf32, #tpu.memory_space<hbm>>
      %dma_start3A_32 = tpu.memref_squeeze %dma_start3A_31 : memref<1x160x128xf32, #tpu.memory_space<hbm>> -> memref<160x128xf32, #tpu.memory_space<hbm>>
      %dma_start3A_33 = arith.constant 0 : i32
      %dma_start3A_34 = tpu.memref_slice %arg10[%mul3A_0, %dma_start3A_33] : memref<2560x128xf32, #tpu.memory_space<vmem_shared>> -> memref<160x128xf32, #tpu.memory_space<vmem_shared>>
      tpu.enqueue_dma source(%dma_start3A_34 : memref<160x128xf32, #tpu.memory_space<vmem_shared>>) target(%dma_start3A_32 : memref<160x128xf32, #tpu.memory_space<hbm>>) target_semaphore(%run_scoped3A_29 : memref<!tpu.dma_semaphore, #tpu.memory_space<semaphore_mem>>)
      %dma_wait3A_35 = arith.constant 0 : i32
      %dma_wait3A_36 = tpu.memref_slice %arg5[%arg0, %mul3A_0, %dma_wait3A_35] : memref<2x2560x128xf32, #tpu.memory_space<hbm>> -> memref<1x160x128xf32, #tpu.memory_space<hbm>>
      %dma_wait3A_37 = tpu.memref_squeeze %dma_wait3A_36 : memref<1x160x128xf32, #tpu.memory_space<hbm>> -> memref<160x128xf32, #tpu.memory_space<hbm>>
      %dma_wait3A_38 = arith.constant 0 : i32
      %dma_wait3A_39 = tpu.memref_slice %arg10[%mul3A_0, %dma_wait3A_38] : memref<2560x128xf32, #tpu.memory_space<vmem_shared>> -> memref<160x128xf32, #tpu.memory_space<vmem_shared>>
      tpu.wait_dma2 semaphore(%run_scoped3A_29 : memref<!tpu.dma_semaphore, #tpu.memory_space<semaphore_mem>>) src(%dma_wait3A_39 : memref<160x128xf32, #tpu.memory_space<vmem_shared>>) dst(%dma_wait3A_37 : memref<160x128xf32, #tpu.memory_space<hbm>>)
      tpu.yield
    }) : () -> ()
    return
  }
}

#map = affine_map<(d0, d1) -> (0, 0)>
#map1 = affine_map<(d0, d1) -> (0, 0, 0, 0)>
#map2 = affine_map<(d0, d1) -> (0, 0, 0)>
module attributes {stable_mosaic.version = 14 : i64} {
  func.func @seg_sum(%arg0: i32, %arg1: i32, %arg2: memref<10000x128xf32, #tpu.memory_space<hbm>>, %arg3: memref<2x16x125x80xi32, #tpu.memory_space<hbm>>, %arg4: memref<2x16x125x80xi32, #tpu.memory_space<hbm>>, %arg5: memref<2x2560x128xf32, #tpu.memory_space<hbm>>, %arg6: memref<125x80xi32, #tpu.memory_space<vmem>>, %arg7: memref<125x80xi32, #tpu.memory_space<vmem>>, %arg8: memref<80x128xf32, #tpu.memory_space<vmem>>, %arg9: memref<80x128xf32, #tpu.memory_space<vmem>>, %arg10: memref<2560x128xf32, #tpu.memory_space<vmem_shared>>, %arg11: memref<!tpu.dma_semaphore, #tpu.memory_space<semaphore_mem>>, %arg12: memref<!tpu.dma_semaphore, #tpu.memory_space<semaphore_mem>>) attributes {dimension_semantics = [#tpu.dimension_semantics<core_parallel>, #tpu.dimension_semantics<subcore_parallel>], iteration_bounds = array<i64: 2, 16>, scalar_prefetch = 0 : i64, scratch_operands = 7 : i64, tpu.core_type = #tpu.core_type<sc_vector_subcore>, window_params = [{transform_indices = #map}, {transform_indices = #map1}, {transform_indices = #map1}, {transform_indices = #map2}]} {
    "tpu.region"() ({
      %run_scoped3A_29 = tpu.sem_alloc : memref<!tpu.dma_semaphore, #tpu.memory_space<semaphore_mem>>
      %dma_start3A_30 = arith.constant 0 : i32
      %dma_start3A_31 = arith.constant 0 : i32
      %dma_start3A_32 = tpu.memref_slice %arg3[%arg0, %arg1, %dma_start3A_30, %dma_start3A_31] : memref<2x16x125x80xi32, #tpu.memory_space<hbm>> -> memref<1x1x125x80xi32, #tpu.memory_space<hbm>>
      %dma_start3A_33 = tpu.memref_squeeze %dma_start3A_32 : memref<1x1x125x80xi32, #tpu.memory_space<hbm>> -> memref<125x80xi32, #tpu.memory_space<hbm>>
      %dma_start3A_34 = arith.constant 0 : i32
      %dma_start3A_35 = arith.constant 0 : i32
      %dma_start3A_36 = tpu.memref_slice %arg3[%arg0, %arg1, %dma_start3A_34, %dma_start3A_35] : memref<2x16x125x80xi32, #tpu.memory_space<hbm>> -> memref<1x1x125x80xi32, #tpu.memory_space<hbm>>
      %dma_start3A_37 = tpu.memref_squeeze %dma_start3A_36 : memref<1x1x125x80xi32, #tpu.memory_space<hbm>> -> memref<125x80xi32, #tpu.memory_space<hbm>>
      tpu.enqueue_dma source(%dma_start3A_37 : memref<125x80xi32, #tpu.memory_space<hbm>>) target(%arg6 : memref<125x80xi32, #tpu.memory_space<vmem>>) target_semaphore(%run_scoped3A_29 : memref<!tpu.dma_semaphore, #tpu.memory_space<semaphore_mem>>)
      %dma_wait3A_38 = arith.constant 0 : i32
      %dma_wait3A_39 = arith.constant 0 : i32
      %dma_wait3A_40 = tpu.memref_slice %arg3[%arg0, %arg1, %dma_wait3A_38, %dma_wait3A_39] : memref<2x16x125x80xi32, #tpu.memory_space<hbm>> -> memref<1x1x125x80xi32, #tpu.memory_space<hbm>>
      %dma_wait3A_41 = tpu.memref_squeeze %dma_wait3A_40 : memref<1x1x125x80xi32, #tpu.memory_space<hbm>> -> memref<125x80xi32, #tpu.memory_space<hbm>>
      %dma_wait3A_42 = arith.constant 0 : i32
      %dma_wait3A_43 = arith.constant 0 : i32
      %dma_wait3A_44 = tpu.memref_slice %arg3[%arg0, %arg1, %dma_wait3A_42, %dma_wait3A_43] : memref<2x16x125x80xi32, #tpu.memory_space<hbm>> -> memref<1x1x125x80xi32, #tpu.memory_space<hbm>>
      %dma_wait3A_45 = tpu.memref_squeeze %dma_wait3A_44 : memref<1x1x125x80xi32, #tpu.memory_space<hbm>> -> memref<125x80xi32, #tpu.memory_space<hbm>>
      tpu.wait_dma2 semaphore(%run_scoped3A_29 : memref<!tpu.dma_semaphore, #tpu.memory_space<semaphore_mem>>) src(%dma_wait3A_45 : memref<125x80xi32, #tpu.memory_space<hbm>>) dst(%arg6 : memref<125x80xi32, #tpu.memory_space<vmem>>)
      tpu.yield
    }) : () -> ()
    "tpu.region"() ({
      %run_scoped3A_29 = tpu.sem_alloc : memref<!tpu.dma_semaphore, #tpu.memory_space<semaphore_mem>>
      %dma_start3A_30 = arith.constant 0 : i32
      %dma_start3A_31 = arith.constant 0 : i32
      %dma_start3A_32 = tpu.memref_slice %arg4[%arg0, %arg1, %dma_start3A_30, %dma_start3A_31] : memref<2x16x125x80xi32, #tpu.memory_space<hbm>> -> memref<1x1x125x80xi32, #tpu.memory_space<hbm>>
      %dma_start3A_33 = tpu.memref_squeeze %dma_start3A_32 : memref<1x1x125x80xi32, #tpu.memory_space<hbm>> -> memref<125x80xi32, #tpu.memory_space<hbm>>
      %dma_start3A_34 = arith.constant 0 : i32
      %dma_start3A_35 = arith.constant 0 : i32
      %dma_start3A_36 = tpu.memref_slice %arg4[%arg0, %arg1, %dma_start3A_34, %dma_start3A_35] : memref<2x16x125x80xi32, #tpu.memory_space<hbm>> -> memref<1x1x125x80xi32, #tpu.memory_space<hbm>>
      %dma_start3A_37 = tpu.memref_squeeze %dma_start3A_36 : memref<1x1x125x80xi32, #tpu.memory_space<hbm>> -> memref<125x80xi32, #tpu.memory_space<hbm>>
      tpu.enqueue_dma source(%dma_start3A_37 : memref<125x80xi32, #tpu.memory_space<hbm>>) target(%arg7 : memref<125x80xi32, #tpu.memory_space<vmem>>) target_semaphore(%run_scoped3A_29 : memref<!tpu.dma_semaphore, #tpu.memory_space<semaphore_mem>>)
      %dma_wait3A_38 = arith.constant 0 : i32
      %dma_wait3A_39 = arith.constant 0 : i32
      %dma_wait3A_40 = tpu.memref_slice %arg4[%arg0, %arg1, %dma_wait3A_38, %dma_wait3A_39] : memref<2x16x125x80xi32, #tpu.memory_space<hbm>> -> memref<1x1x125x80xi32, #tpu.memory_space<hbm>>
      %dma_wait3A_41 = tpu.memref_squeeze %dma_wait3A_40 : memref<1x1x125x80xi32, #tpu.memory_space<hbm>> -> memref<125x80xi32, #tpu.memory_space<hbm>>
      %dma_wait3A_42 = arith.constant 0 : i32
      %dma_wait3A_43 = arith.constant 0 : i32
      %dma_wait3A_44 = tpu.memref_slice %arg4[%arg0, %arg1, %dma_wait3A_42, %dma_wait3A_43] : memref<2x16x125x80xi32, #tpu.memory_space<hbm>> -> memref<1x1x125x80xi32, #tpu.memory_space<hbm>>
      %dma_wait3A_45 = tpu.memref_squeeze %dma_wait3A_44 : memref<1x1x125x80xi32, #tpu.memory_space<hbm>> -> memref<125x80xi32, #tpu.memory_space<hbm>>
      tpu.wait_dma2 semaphore(%run_scoped3A_29 : memref<!tpu.dma_semaphore, #tpu.memory_space<semaphore_mem>>) src(%dma_wait3A_45 : memref<125x80xi32, #tpu.memory_space<hbm>>) dst(%arg7 : memref<125x80xi32, #tpu.memory_space<vmem>>)
      tpu.yield
    }) : () -> ()
    %mul3A = arith.constant 160 : i32
    %mul3A_0 = arith.muli %arg1, %mul3A : i32
    %broadcast_in_dim3A = arith.constant 0.000000e+00 : f32
    %broadcast_in_dim3A_1 = vector.broadcast %broadcast_in_dim3A : f32 to vector<16xf32>
    %scan3A = arith.constant 0 : i32
    %scan3A_2 = arith.constant 0 : i32
    %scan3A_3 = arith.constant 80 : i32
    %scan3A_4 = arith.addi %scan3A_2, %scan3A_3 : i32
    %scan3A_5 = arith.constant 1 : i32
    scf.for %scan3A_29 = %scan3A_2 to %scan3A_4 step %scan3A_5  : i32 {
      %swap3A = arith.index_cast %scan3A_29 : i32 to index
      %swap3A_30 = arith.constant 0 : index
      %swap3A_31 = tpu.vector_load %arg8[%swap3A, %swap3A_30] {strides = array<i32>} : memref<80x128xf32, #tpu.memory_space<vmem>>, vector<1x16xf32>,
      %swap3A_32 = vector.shape_cast %swap3A_31 : vector<1x16xf32> to vector<16xf32>
      %swap3A_33 = vector.shape_cast %broadcast_in_dim3A_1 : vector<16xf32> to vector<1x16xf32>
      tpu.vector_store %arg8[%swap3A, %swap3A_30], %swap3A_33 {strides = array<i32>} : memref<80x128xf32, #tpu.memory_space<vmem>>, vector<1x16xf32>,
      %swap3A_34 = arith.index_cast %scan3A_29 : i32 to index
      %swap3A_35 = arith.constant 16 : index
      %swap3A_36 = tpu.vector_load %arg8[%swap3A_34, %swap3A_35] {strides = array<i32>} : memref<80x128xf32, #tpu.memory_space<vmem>>, vector<1x16xf32>,
      %swap3A_37 = vector.shape_cast %swap3A_36 : vector<1x16xf32> to vector<16xf32>
      %swap3A_38 = vector.shape_cast %broadcast_in_dim3A_1 : vector<16xf32> to vector<1x16xf32>
      tpu.vector_store %arg8[%swap3A_34, %swap3A_35], %swap3A_38 {strides = array<i32>} : memref<80x128xf32, #tpu.memory_space<vmem>>, vector<1x16xf32>,
      %swap3A_39 = arith.index_cast %scan3A_29 : i32 to index
      %swap3A_40 = arith.constant 32 : index
      %swap3A_41 = tpu.vector_load %arg8[%swap3A_39, %swap3A_40] {strides = array<i32>} : memref<80x128xf32, #tpu.memory_space<vmem>>, vector<1x16xf32>,
      %swap3A_42 = vector.shape_cast %swap3A_41 : vector<1x16xf32> to vector<16xf32>
      %swap3A_43 = vector.shape_cast %broadcast_in_dim3A_1 : vector<16xf32> to vector<1x16xf32>
      tpu.vector_store %arg8[%swap3A_39, %swap3A_40], %swap3A_43 {strides = array<i32>} : memref<80x128xf32, #tpu.memory_space<vmem>>, vector<1x16xf32>,
      %swap3A_44 = arith.index_cast %scan3A_29 : i32 to index
      %swap3A_45 = arith.constant 48 : index
      %swap3A_46 = tpu.vector_load %arg8[%swap3A_44, %swap3A_45] {strides = array<i32>} : memref<80x128xf32, #tpu.memory_space<vmem>>, vector<1x16xf32>,
      %swap3A_47 = vector.shape_cast %swap3A_46 : vector<1x16xf32> to vector<16xf32>
      %swap3A_48 = vector.shape_cast %broadcast_in_dim3A_1 : vector<16xf32> to vector<1x16xf32>
      tpu.vector_store %arg8[%swap3A_44, %swap3A_45], %swap3A_48 {strides = array<i32>} : memref<80x128xf32, #tpu.memory_space<vmem>>, vector<1x16xf32>,
      %swap3A_49 = arith.index_cast %scan3A_29 : i32 to index
      %swap3A_50 = arith.constant 64 : index
      %swap3A_51 = tpu.vector_load %arg8[%swap3A_49, %swap3A_50] {strides = array<i32>} : memref<80x128xf32, #tpu.memory_space<vmem>>, vector<1x16xf32>,
      %swap3A_52 = vector.shape_cast %swap3A_51 : vector<1x16xf32> to vector<16xf32>
      %swap3A_53 = vector.shape_cast %broadcast_in_dim3A_1 : vector<16xf32> to vector<1x16xf32>
      tpu.vector_store %arg8[%swap3A_49, %swap3A_50], %swap3A_53 {strides = array<i32>} : memref<80x128xf32, #tpu.memory_space<vmem>>, vector<1x16xf32>,
      %swap3A_54 = arith.index_cast %scan3A_29 : i32 to index
      %swap3A_55 = arith.constant 80 : index
      %swap3A_56 = tpu.vector_load %arg8[%swap3A_54, %swap3A_55] {strides = array<i32>} : memref<80x128xf32, #tpu.memory_space<vmem>>, vector<1x16xf32>,
      %swap3A_57 = vector.shape_cast %swap3A_56 : vector<1x16xf32> to vector<16xf32>
      %swap3A_58 = vector.shape_cast %broadcast_in_dim3A_1 : vector<16xf32> to vector<1x16xf32>
      tpu.vector_store %arg8[%swap3A_54, %swap3A_55], %swap3A_58 {strides = array<i32>} : memref<80x128xf32, #tpu.memory_space<vmem>>, vector<1x16xf32>,
      %swap3A_59 = arith.index_cast %scan3A_29 : i32 to index
      %swap3A_60 = arith.constant 96 : index
      %swap3A_61 = tpu.vector_load %arg8[%swap3A_59, %swap3A_60] {strides = array<i32>} : memref<80x128xf32, #tpu.memory_space<vmem>>, vector<1x16xf32>,
      %swap3A_62 = vector.shape_cast %swap3A_61 : vector<1x16xf32> to vector<16xf32>
      %swap3A_63 = vector.shape_cast %broadcast_in_dim3A_1 : vector<16xf32> to vector<1x16xf32>
      tpu.vector_store %arg8[%swap3A_59, %swap3A_60], %swap3A_63 {strides = array<i32>} : memref<80x128xf32, #tpu.memory_space<vmem>>, vector<1x16xf32>,
      %swap3A_64 = arith.index_cast %scan3A_29 : i32 to index
      %swap3A_65 = arith.constant 112 : index
      %swap3A_66 = tpu.vector_load %arg8[%swap3A_64, %swap3A_65] {strides = array<i32>} : memref<80x128xf32, #tpu.memory_space<vmem>>, vector<1x16xf32>,
      %swap3A_67 = vector.shape_cast %swap3A_66 : vector<1x16xf32> to vector<16xf32>
      %swap3A_68 = vector.shape_cast %broadcast_in_dim3A_1 : vector<16xf32> to vector<1x16xf32>
      tpu.vector_store %arg8[%swap3A_64, %swap3A_65], %swap3A_68 {strides = array<i32>} : memref<80x128xf32, #tpu.memory_space<vmem>>, vector<1x16xf32>,
    }
    %scan3A_6 = arith.constant 80 : i32
    %add3A = arith.constant 0 : i32
    %add3A_7 = arith.addi %mul3A_0, %add3A : i32
    "tpu.region"() ({
      %run_scoped3A_29 = tpu.sem_alloc : memref<!tpu.dma_semaphore, #tpu.memory_space<semaphore_mem>>
      %dma_start3A_30 = arith.constant 0 : i32
      %dma_start3A_31 = arith.constant 0 : i32
      %dma_start3A_32 = tpu.memref_slice %arg8[%dma_start3A_30, %dma_start3A_31] : memref<80x128xf32, #tpu.memory_space<vmem>> -> memref<80x128xf32, #tpu.memory_space<vmem>>
      %dma_start3A_33 = arith.constant 0 : i32
      %dma_start3A_34 = tpu.memref_slice %arg10[%add3A_7, %dma_start3A_33] : memref<2560x128xf32, #tpu.memory_space<vmem_shared>> -> memref<80x128xf32, #tpu.memory_space<vmem_shared>>
      %dma_start3A_35 = arith.constant 0 : i32
      %dma_start3A_36 = tpu.memref_slice %arg10[%add3A_7, %dma_start3A_35] : memref<2560x128xf32, #tpu.memory_space<vmem_shared>> -> memref<80x128xf32, #tpu.memory_space<vmem_shared>>
      %dma_start3A_37 = arith.constant 0 : i32
      %dma_start3A_38 = arith.constant 0 : i32
      %dma_start3A_39 = tpu.memref_slice %arg8[%dma_start3A_37, %dma_start3A_38] : memref<80x128xf32, #tpu.memory_space<vmem>> -> memref<80x128xf32, #tpu.memory_space<vmem>>
      tpu.enqueue_dma source(%dma_start3A_39 : memref<80x128xf32, #tpu.memory_space<vmem>>) target(%dma_start3A_36 : memref<80x128xf32, #tpu.memory_space<vmem_shared>>) target_semaphore(%run_scoped3A_29 : memref<!tpu.dma_semaphore, #tpu.memory_space<semaphore_mem>>)
      %dma_wait3A_40 = arith.constant 0 : i32
      %dma_wait3A_41 = arith.constant 0 : i32
      %dma_wait3A_42 = tpu.memref_slice %arg8[%dma_wait3A_40, %dma_wait3A_41] : memref<80x128xf32, #tpu.memory_space<vmem>> -> memref<80x128xf32, #tpu.memory_space<vmem>>
      %dma_wait3A_43 = arith.constant 0 : i32
      %dma_wait3A_44 = tpu.memref_slice %arg10[%add3A_7, %dma_wait3A_43] : memref<2560x128xf32, #tpu.memory_space<vmem_shared>> -> memref<80x128xf32, #tpu.memory_space<vmem_shared>>
      %dma_wait3A_45 = arith.constant 0 : i32
      %dma_wait3A_46 = tpu.memref_slice %arg10[%add3A_7, %dma_wait3A_45] : memref<2560x128xf32, #tpu.memory_space<vmem_shared>> -> memref<80x128xf32, #tpu.memory_space<vmem_shared>>
      %dma_wait3A_47 = arith.constant 0 : i32
      %dma_wait3A_48 = arith.constant 0 : i32
      %dma_wait3A_49 = tpu.memref_slice %arg8[%dma_wait3A_47, %dma_wait3A_48] : memref<80x128xf32, #tpu.memory_space<vmem>> -> memref<80x128xf32, #tpu.memory_space<vmem>>
      tpu.wait_dma2 semaphore(%run_scoped3A_29 : memref<!tpu.dma_semaphore, #tpu.memory_space<semaphore_mem>>) src(%dma_wait3A_49 : memref<80x128xf32, #tpu.memory_space<vmem>>) dst(%dma_wait3A_46 : memref<80x128xf32, #tpu.memory_space<vmem_shared>>)
      tpu.yield
    }) : () -> ()
    %add3A_8 = arith.constant 80 : i32
    %add3A_9 = arith.addi %mul3A_0, %add3A_8 : i32
    "tpu.region"() ({
      %run_scoped3A_29 = tpu.sem_alloc : memref<!tpu.dma_semaphore, #tpu.memory_space<semaphore_mem>>
      %dma_start3A_30 = arith.constant 0 : i32
      %dma_start3A_31 = arith.constant 0 : i32
      %dma_start3A_32 = tpu.memref_slice %arg8[%dma_start3A_30, %dma_start3A_31] : memref<80x128xf32, #tpu.memory_space<vmem>> -> memref<80x128xf32, #tpu.memory_space<vmem>>
      %dma_start3A_33 = arith.constant 0 : i32
      %dma_start3A_34 = tpu.memref_slice %arg10[%add3A_9, %dma_start3A_33] : memref<2560x128xf32, #tpu.memory_space<vmem_shared>> -> memref<80x128xf32, #tpu.memory_space<vmem_shared>>
      %dma_start3A_35 = arith.constant 0 : i32
      %dma_start3A_36 = tpu.memref_slice %arg10[%add3A_9, %dma_start3A_35] : memref<2560x128xf32, #tpu.memory_space<vmem_shared>> -> memref<80x128xf32, #tpu.memory_space<vmem_shared>>
      %dma_start3A_37 = arith.constant 0 : i32
      %dma_start3A_38 = arith.constant 0 : i32
      %dma_start3A_39 = tpu.memref_slice %arg8[%dma_start3A_37, %dma_start3A_38] : memref<80x128xf32, #tpu.memory_space<vmem>> -> memref<80x128xf32, #tpu.memory_space<vmem>>
      tpu.enqueue_dma source(%dma_start3A_39 : memref<80x128xf32, #tpu.memory_space<vmem>>) target(%dma_start3A_36 : memref<80x128xf32, #tpu.memory_space<vmem_shared>>) target_semaphore(%run_scoped3A_29 : memref<!tpu.dma_semaphore, #tpu.memory_space<semaphore_mem>>)
      %dma_wait3A_40 = arith.constant 0 : i32
      %dma_wait3A_41 = arith.constant 0 : i32
      %dma_wait3A_42 = tpu.memref_slice %arg8[%dma_wait3A_40, %dma_wait3A_41] : memref<80x128xf32, #tpu.memory_space<vmem>> -> memref<80x128xf32, #tpu.memory_space<vmem>>
      %dma_wait3A_43 = arith.constant 0 : i32
      %dma_wait3A_44 = tpu.memref_slice %arg10[%add3A_9, %dma_wait3A_43] : memref<2560x128xf32, #tpu.memory_space<vmem_shared>> -> memref<80x128xf32, #tpu.memory_space<vmem_shared>>
      %dma_wait3A_45 = arith.constant 0 : i32
      %dma_wait3A_46 = tpu.memref_slice %arg10[%add3A_9, %dma_wait3A_45] : memref<2560x128xf32, #tpu.memory_space<vmem_shared>> -> memref<80x128xf32, #tpu.memory_space<vmem_shared>>
      %dma_wait3A_47 = arith.constant 0 : i32
      %dma_wait3A_48 = arith.constant 0 : i32
      %dma_wait3A_49 = tpu.memref_slice %arg8[%dma_wait3A_47, %dma_wait3A_48] : memref<80x128xf32, #tpu.memory_space<vmem>> -> memref<80x128xf32, #tpu.memory_space<vmem>>
      tpu.wait_dma2 semaphore(%run_scoped3A_29 : memref<!tpu.dma_semaphore, #tpu.memory_space<semaphore_mem>>) src(%dma_wait3A_49 : memref<80x128xf32, #tpu.memory_space<vmem>>) dst(%dma_wait3A_46 : memref<80x128xf32, #tpu.memory_space<vmem_shared>>)
      tpu.yield
    }) : () -> ()
    %barrier3A = arith.constant 0 : index
    tpu.barrier barrier_id(%barrier3A)
    %dma_start3A = arith.constant 0 : i32
    %dma_start3A_10 = arith.constant 0 : i32
    %dma_start3A_11 = tpu.memref_slice %arg6[%dma_start3A, %dma_start3A_10] : memref<125x80xi32, #tpu.memory_space<vmem>> -> memref<1x80xi32, #tpu.memory_space<vmem>>
    %dma_start3A_12 = tpu.memref_squeeze %dma_start3A_11 : memref<1x80xi32, #tpu.memory_space<vmem>> -> memref<80xi32, #tpu.memory_space<vmem>>
    %dma_start3A_13 = arith.constant 0 : i32
    %dma_start3A_14 = arith.constant 0 : i32
    %dma_start3A_15 = tpu.memref_slice %arg2[%dma_start3A_13, %dma_start3A_14] : memref<10000x128xf32, #tpu.memory_space<hbm>> -> memref<10000x128xf32, #tpu.memory_space<hbm>>
    tpu.enqueue_indirect_dma source(%dma_start3A_15 : memref<10000x128xf32, #tpu.memory_space<hbm>>) target(%arg8 : memref<80x128xf32, #tpu.memory_space<vmem>>) offsets(%dma_start3A_12 : memref<80xi32, #tpu.memory_space<vmem>>) semaphore(%arg11 : memref<!tpu.dma_semaphore, #tpu.memory_space<semaphore_mem>>)
    %scan3A_16 = arith.constant 0 : i32
    %scan3A_17 = arith.constant 0 : i32
    %scan3A_18 = arith.constant 62 : i32
    %scan3A_19 = arith.addi %scan3A_17, %scan3A_18 : i32
    %scan3A_20 = arith.constant 1 : i32
    scf.for %scan3A_29 = %scan3A_17 to %scan3A_19 step %scan3A_20  : i32 {
      %mul3A_30 = arith.constant 2 : i32
      %mul3A_31 = arith.muli %scan3A_29, %mul3A_30 : i32
      %add3A_32 = arith.constant 1 : i32
      %add3A_33 = arith.addi %mul3A_31, %add3A_32 : i32
      %dma_start3A_34 = arith.constant 0 : i32
      %dma_start3A_35 = tpu.memref_slice %arg6[%add3A_33, %dma_start3A_34] : memref<125x80xi32, #tpu.memory_space<vmem>> -> memref<1x80xi32, #tpu.memory_space<vmem>>
      %dma_start3A_36 = tpu.memref_squeeze %dma_start3A_35 : memref<1x80xi32, #tpu.memory_space<vmem>> -> memref<80xi32, #tpu.memory_space<vmem>>
      %dma_start3A_37 = arith.constant 0 : i32
      %dma_start3A_38 = arith.constant 0 : i32
      %dma_start3A_39 = tpu.memref_slice %arg2[%dma_start3A_37, %dma_start3A_38] : memref<10000x128xf32, #tpu.memory_space<hbm>> -> memref<10000x128xf32, #tpu.memory_space<hbm>>
      tpu.enqueue_indirect_dma source(%dma_start3A_39 : memref<10000x128xf32, #tpu.memory_space<hbm>>) target(%arg9 : memref<80x128xf32, #tpu.memory_space<vmem>>) offsets(%dma_start3A_36 : memref<80xi32, #tpu.memory_space<vmem>>) semaphore(%arg12 : memref<!tpu.dma_semaphore, #tpu.memory_space<semaphore_mem>>)
      %dma_wait3A_40 = arith.constant 0 : i32
      %dma_wait3A_41 = tpu.memref_slice %arg6[%mul3A_31, %dma_wait3A_40] : memref<125x80xi32, #tpu.memory_space<vmem>> -> memref<1x80xi32, #tpu.memory_space<vmem>>
      %dma_wait3A_42 = tpu.memref_squeeze %dma_wait3A_41 : memref<1x80xi32, #tpu.memory_space<vmem>> -> memref<80xi32, #tpu.memory_space<vmem>>
      %dma_wait3A_43 = arith.constant 0 : i32
      %dma_wait3A_44 = arith.constant 0 : i32
      %dma_wait3A_45 = tpu.memref_slice %arg2[%dma_wait3A_43, %dma_wait3A_44] : memref<10000x128xf32, #tpu.memory_space<hbm>> -> memref<10000x128xf32, #tpu.memory_space<hbm>>
      tpu.wait_indirect_dma semaphore(%arg11 : memref<!tpu.dma_semaphore, #tpu.memory_space<semaphore_mem>>) src(%dma_wait3A_45 : memref<10000x128xf32, #tpu.memory_space<hbm>>) dst(%arg8 : memref<80x128xf32, #tpu.memory_space<vmem>>)
      "tpu.region"() ({
        %run_scoped3A_60 = tpu.sem_alloc : memref<!tpu.dma_semaphore, #tpu.memory_space<semaphore_mem>>
        %dma_start3A_61 = arith.constant 0 : i32
        %dma_start3A_62 = tpu.memref_slice %arg7[%mul3A_31, %dma_start3A_61] : memref<125x80xi32, #tpu.memory_space<vmem>> -> memref<1x80xi32, #tpu.memory_space<vmem>>
        %dma_start3A_63 = tpu.memref_squeeze %dma_start3A_62 : memref<1x80xi32, #tpu.memory_space<vmem>> -> memref<80xi32, #tpu.memory_space<vmem>>
        %dma_start3A_64 = arith.constant 0 : i32
        %dma_start3A_65 = arith.constant 0 : i32
        %dma_start3A_66 = tpu.memref_slice %arg10[%dma_start3A_64, %dma_start3A_65] : memref<2560x128xf32, #tpu.memory_space<vmem_shared>> -> memref<2560x128xf32, #tpu.memory_space<vmem_shared>>
        tpu.enqueue_indirect_dma source(%arg8 : memref<80x128xf32, #tpu.memory_space<vmem>>) target(%dma_start3A_66 : memref<2560x128xf32, #tpu.memory_space<vmem_shared>>) offsets(%dma_start3A_63 : memref<80xi32, #tpu.memory_space<vmem>>) semaphore(%run_scoped3A_60 : memref<!tpu.dma_semaphore, #tpu.memory_space<semaphore_mem>>) {add = true}
        %dma_wait3A_67 = arith.constant 0 : i32
        %dma_wait3A_68 = tpu.memref_slice %arg7[%mul3A_31, %dma_wait3A_67] : memref<125x80xi32, #tpu.memory_space<vmem>> -> memref<1x80xi32, #tpu.memory_space<vmem>>
        %dma_wait3A_69 = tpu.memref_squeeze %dma_wait3A_68 : memref<1x80xi32, #tpu.memory_space<vmem>> -> memref<80xi32, #tpu.memory_space<vmem>>
        %dma_wait3A_70 = arith.constant 0 : i32
        %dma_wait3A_71 = arith.constant 0 : i32
        %dma_wait3A_72 = tpu.memref_slice %arg10[%dma_wait3A_70, %dma_wait3A_71] : memref<2560x128xf32, #tpu.memory_space<vmem_shared>> -> memref<2560x128xf32, #tpu.memory_space<vmem_shared>>
        tpu.wait_indirect_dma semaphore(%run_scoped3A_60 : memref<!tpu.dma_semaphore, #tpu.memory_space<semaphore_mem>>) src(%arg8 : memref<80x128xf32, #tpu.memory_space<vmem>>) dst(%dma_wait3A_72 : memref<2560x128xf32, #tpu.memory_space<vmem_shared>>)
        tpu.yield
      }) : () -> ()
      %add3A_46 = arith.constant 2 : i32
      %add3A_47 = arith.addi %mul3A_31, %add3A_46 : i32
      %lt3A = arith.constant 125 : i32
      %lt3A_48 = arith.cmpi slt, %add3A_47, %lt3A : i32
      %convert_element_type3A = arith.extui %lt3A_48 : i1 to i32
      %cond3A = arith.constant 0 : i32
      %cond3A_49 = arith.cmpi ne, %convert_element_type3A, %cond3A : i32
      scf.if %cond3A_49 {
        %add3A_60 = arith.constant 2 : i32
        %add3A_61 = arith.addi %mul3A_31, %add3A_60 : i32
        %dma_start3A_62 = arith.constant 0 : i32
        %dma_start3A_63 = tpu.memref_slice %arg6[%add3A_61, %dma_start3A_62] : memref<125x80xi32, #tpu.memory_space<vmem>> -> memref<1x80xi32, #tpu.memory_space<vmem>>
        %dma_start3A_64 = tpu.memref_squeeze %dma_start3A_63 : memref<1x80xi32, #tpu.memory_space<vmem>> -> memref<80xi32, #tpu.memory_space<vmem>>
        %dma_start3A_65 = arith.constant 0 : i32
        %dma_start3A_66 = arith.constant 0 : i32
        %dma_start3A_67 = tpu.memref_slice %arg2[%dma_start3A_65, %dma_start3A_66] : memref<10000x128xf32, #tpu.memory_space<hbm>> -> memref<10000x128xf32, #tpu.memory_space<hbm>>
        tpu.enqueue_indirect_dma source(%dma_start3A_67 : memref<10000x128xf32, #tpu.memory_space<hbm>>) target(%arg8 : memref<80x128xf32, #tpu.memory_space<vmem>>) offsets(%dma_start3A_64 : memref<80xi32, #tpu.memory_space<vmem>>) semaphore(%arg11 : memref<!tpu.dma_semaphore, #tpu.memory_space<semaphore_mem>>)
      } else {
      }
      %add3A_50 = arith.constant 1 : i32
      %add3A_51 = arith.addi %mul3A_31, %add3A_50 : i32
      %dma_wait3A_52 = arith.constant 0 : i32
      %dma_wait3A_53 = tpu.memref_slice %arg6[%add3A_51, %dma_wait3A_52] : memref<125x80xi32, #tpu.memory_space<vmem>> -> memref<1x80xi32, #tpu.memory_space<vmem>>
      %dma_wait3A_54 = tpu.memref_squeeze %dma_wait3A_53 : memref<1x80xi32, #tpu.memory_space<vmem>> -> memref<80xi32, #tpu.memory_space<vmem>>
      %dma_wait3A_55 = arith.constant 0 : i32
      %dma_wait3A_56 = arith.constant 0 : i32
      %dma_wait3A_57 = tpu.memref_slice %arg2[%dma_wait3A_55, %dma_wait3A_56] : memref<10000x128xf32, #tpu.memory_space<hbm>> -> memref<10000x128xf32, #tpu.memory_space<hbm>>
      tpu.wait_indirect_dma semaphore(%arg12 : memref<!tpu.dma_semaphore, #tpu.memory_space<semaphore_mem>>) src(%dma_wait3A_57 : memref<10000x128xf32, #tpu.memory_space<hbm>>) dst(%arg9 : memref<80x128xf32, #tpu.memory_space<vmem>>)
      %add3A_58 = arith.constant 1 : i32
      %add3A_59 = arith.addi %mul3A_31, %add3A_58 : i32
      "tpu.region"() ({
        %run_scoped3A_60 = tpu.sem_alloc : memref<!tpu.dma_semaphore, #tpu.memory_space<semaphore_mem>>
        %dma_start3A_61 = arith.constant 0 : i32
        %dma_start3A_62 = tpu.memref_slice %arg7[%add3A_59, %dma_start3A_61] : memref<125x80xi32, #tpu.memory_space<vmem>> -> memref<1x80xi32, #tpu.memory_space<vmem>>
        %dma_start3A_63 = tpu.memref_squeeze %dma_start3A_62 : memref<1x80xi32, #tpu.memory_space<vmem>> -> memref<80xi32, #tpu.memory_space<vmem>>
        %dma_start3A_64 = arith.constant 0 : i32
        %dma_start3A_65 = arith.constant 0 : i32
        %dma_start3A_66 = tpu.memref_slice %arg10[%dma_start3A_64, %dma_start3A_65] : memref<2560x128xf32, #tpu.memory_space<vmem_shared>> -> memref<2560x128xf32, #tpu.memory_space<vmem_shared>>
        tpu.enqueue_indirect_dma source(%arg9 : memref<80x128xf32, #tpu.memory_space<vmem>>) target(%dma_start3A_66 : memref<2560x128xf32, #tpu.memory_space<vmem_shared>>) offsets(%dma_start3A_63 : memref<80xi32, #tpu.memory_space<vmem>>) semaphore(%run_scoped3A_60 : memref<!tpu.dma_semaphore, #tpu.memory_space<semaphore_mem>>) {add = true}
        %dma_wait3A_67 = arith.constant 0 : i32
        %dma_wait3A_68 = tpu.memref_slice %arg7[%add3A_59, %dma_wait3A_67] : memref<125x80xi32, #tpu.memory_space<vmem>> -> memref<1x80xi32, #tpu.memory_space<vmem>>
        %dma_wait3A_69 = tpu.memref_squeeze %dma_wait3A_68 : memref<1x80xi32, #tpu.memory_space<vmem>> -> memref<80xi32, #tpu.memory_space<vmem>>
        %dma_wait3A_70 = arith.constant 0 : i32
        %dma_wait3A_71 = arith.constant 0 : i32
        %dma_wait3A_72 = tpu.memref_slice %arg10[%dma_wait3A_70, %dma_wait3A_71] : memref<2560x128xf32, #tpu.memory_space<vmem_shared>> -> memref<2560x128xf32, #tpu.memory_space<vmem_shared>>
        tpu.wait_indirect_dma semaphore(%run_scoped3A_60 : memref<!tpu.dma_semaphore, #tpu.memory_space<semaphore_mem>>) src(%arg9 : memref<80x128xf32, #tpu.memory_space<vmem>>) dst(%dma_wait3A_72 : memref<2560x128xf32, #tpu.memory_space<vmem_shared>>)
        tpu.yield
      }) : () -> ()
    }
    %scan3A_21 = arith.constant 62 : i32
    %dma_wait3A = arith.constant 124 : i32
    %dma_wait3A_22 = arith.constant 0 : i32
    %dma_wait3A_23 = tpu.memref_slice %arg6[%dma_wait3A, %dma_wait3A_22] : memref<125x80xi32, #tpu.memory_space<vmem>> -> memref<1x80xi32, #tpu.memory_space<vmem>>
    %dma_wait3A_24 = tpu.memref_squeeze %dma_wait3A_23 : memref<1x80xi32, #tpu.memory_space<vmem>> -> memref<80xi32, #tpu.memory_space<vmem>>
    %dma_wait3A_25 = arith.constant 0 : i32
    %dma_wait3A_26 = arith.constant 0 : i32
    %dma_wait3A_27 = tpu.memref_slice %arg2[%dma_wait3A_25, %dma_wait3A_26] : memref<10000x128xf32, #tpu.memory_space<hbm>> -> memref<10000x128xf32, #tpu.memory_space<hbm>>
    tpu.wait_indirect_dma semaphore(%arg11 : memref<!tpu.dma_semaphore, #tpu.memory_space<semaphore_mem>>) src(%dma_wait3A_27 : memref<10000x128xf32, #tpu.memory_space<hbm>>) dst(%arg8 : memref<80x128xf32, #tpu.memory_space<vmem>>)
    %run_scoped3A = arith.constant 124 : i32
    "tpu.region"() ({
      %run_scoped3A_29 = tpu.sem_alloc : memref<!tpu.dma_semaphore, #tpu.memory_space<semaphore_mem>>
      %dma_start3A_30 = arith.constant 0 : i32
      %dma_start3A_31 = tpu.memref_slice %arg7[%run_scoped3A, %dma_start3A_30] : memref<125x80xi32, #tpu.memory_space<vmem>> -> memref<1x80xi32, #tpu.memory_space<vmem>>
      %dma_start3A_32 = tpu.memref_squeeze %dma_start3A_31 : memref<1x80xi32, #tpu.memory_space<vmem>> -> memref<80xi32, #tpu.memory_space<vmem>>
      %dma_start3A_33 = arith.constant 0 : i32
      %dma_start3A_34 = arith.constant 0 : i32
      %dma_start3A_35 = tpu.memref_slice %arg10[%dma_start3A_33, %dma_start3A_34] : memref<2560x128xf32, #tpu.memory_space<vmem_shared>> -> memref<2560x128xf32, #tpu.memory_space<vmem_shared>>
      tpu.enqueue_indirect_dma source(%arg8 : memref<80x128xf32, #tpu.memory_space<vmem>>) target(%dma_start3A_35 : memref<2560x128xf32, #tpu.memory_space<vmem_shared>>) offsets(%dma_start3A_32 : memref<80xi32, #tpu.memory_space<vmem>>) semaphore(%run_scoped3A_29 : memref<!tpu.dma_semaphore, #tpu.memory_space<semaphore_mem>>) {add = true}
      %dma_wait3A_36 = arith.constant 0 : i32
      %dma_wait3A_37 = tpu.memref_slice %arg7[%run_scoped3A, %dma_wait3A_36] : memref<125x80xi32, #tpu.memory_space<vmem>> -> memref<1x80xi32, #tpu.memory_space<vmem>>
      %dma_wait3A_38 = tpu.memref_squeeze %dma_wait3A_37 : memref<1x80xi32, #tpu.memory_space<vmem>> -> memref<80xi32, #tpu.memory_space<vmem>>
      %dma_wait3A_39 = arith.constant 0 : i32
      %dma_wait3A_40 = arith.constant 0 : i32
      %dma_wait3A_41 = tpu.memref_slice %arg10[%dma_wait3A_39, %dma_wait3A_40] : memref<2560x128xf32, #tpu.memory_space<vmem_shared>> -> memref<2560x128xf32, #tpu.memory_space<vmem_shared>>
      tpu.wait_indirect_dma semaphore(%run_scoped3A_29 : memref<!tpu.dma_semaphore, #tpu.memory_space<semaphore_mem>>) src(%arg8 : memref<80x128xf32, #tpu.memory_space<vmem>>) dst(%dma_wait3A_41 : memref<2560x128xf32, #tpu.memory_space<vmem_shared>>)
      tpu.yield
    }) : () -> ()
    %barrier3A_28 = arith.constant 0 : index
    tpu.barrier barrier_id(%barrier3A_28)
    "tpu.region"() ({
      %run_scoped3A_29 = tpu.sem_alloc : memref<!tpu.dma_semaphore, #tpu.memory_space<semaphore_mem>>
      %dma_start3A_30 = arith.constant 0 : i32
      %dma_start3A_31 = tpu.memref_slice %arg5[%arg0, %mul3A_0, %dma_start3A_30] : memref<2x2560x128xf32, #tpu.memory_space<hbm>> -> memref<1x160x128xf32, #tpu.memory_space<hbm>>
      %dma_start3A_32 = tpu.memref_squeeze %dma_start3A_31 : memref<1x160x128xf32, #tpu.memory_space<hbm>> -> memref<160x128xf32, #tpu.memory_space<hbm>>
      %dma_start3A_33 = arith.constant 0 : i32
      %dma_start3A_34 = tpu.memref_slice %arg10[%mul3A_0, %dma_start3A_33] : memref<2560x128xf32, #tpu.memory_space<vmem_shared>> -> memref<160x128xf32, #tpu.memory_space<vmem_shared>>
      tpu.enqueue_dma source(%dma_start3A_34 : memref<160x128xf32, #tpu.memory_space<vmem_shared>>) target(%dma_start3A_32 : memref<160x128xf32, #tpu.memory_space<hbm>>) target_semaphore(%run_scoped3A_29 : memref<!tpu.dma_semaphore, #tpu.memory_space<semaphore_mem>>)
      %dma_wait3A_35 = arith.constant 0 : i32
      %dma_wait3A_36 = tpu.memref_slice %arg5[%arg0, %mul3A_0, %dma_wait3A_35] : memref<2x2560x128xf32, #tpu.memory_space<hbm>> -> memref<1x160x128xf32, #tpu.memory_space<hbm>>
      %dma_wait3A_37 = tpu.memref_squeeze %dma_wait3A_36 : memref<1x160x128xf32, #tpu.memory_space<hbm>> -> memref<160x128xf32, #tpu.memory_space<hbm>>
      %dma_wait3A_38 = arith.constant 0 : i32
      %dma_wait3A_39 = tpu.memref_slice %arg10[%mul3A_0, %dma_wait3A_38] : memref<2560x128xf32, #tpu.memory_space<vmem_shared>> -> memref<160x128xf32, #tpu.memory_space<vmem_shared>>
      tpu.wait_dma2 semaphore(%run_scoped3A_29 : memref<!tpu.dma_semaphore, #tpu.memory_space<semaphore_mem>>) src(%dma_wait3A_39 : memref<160x128xf32, #tpu.memory_space<vmem_shared>>) dst(%dma_wait3A_37 : memref<160x128xf32, #tpu.memory_space<hbm>>)
      tpu.yield
    }) : () -> ()
    return
  }
}

module attributes {stable_mosaic.version = 14 : i64} {
  func.func @_tc_edge_body(%arg0: memref<2x2560x128xf32, #tpu.memory_space<vmem>>, %arg1: memref<2x2560x16xf32, #tpu.memory_space<vmem>>, %arg2: memref<128x1xf32, #tpu.memory_space<vmem>>, %arg3: memref<1x1xf32, #tpu.memory_space<vmem>>, %arg4: memref<2560x128xf32, #tpu.memory_space<vmem>>) attributes {dimension_semantics = [], scalar_prefetch = 0 : i64, scratch_operands = 0 : i64, tpu.core_type = #tpu.core_type<tc>} {
    %get3A = arith.constant 0 : index
    %get3A_0 = arith.constant 0 : index
    %get3A_1 = arith.constant 0 : index
    %get3A_2 = vector.load %arg1[%get3A, %get3A_0, %get3A_1] : memref<2x2560x16xf32, #tpu.memory_space<vmem>>, vector<1x2560x1xf32>
    %get3A_3 = vector.shape_cast %get3A_2 : vector<1x2560x1xf32> to vector<2560x1xf32>
    %get3A_4 = arith.constant 1 : index
    %get3A_5 = arith.constant 0 : index
    %get3A_6 = arith.constant 0 : index
    %get3A_7 = vector.load %arg1[%get3A_4, %get3A_5, %get3A_6] : memref<2x2560x16xf32, #tpu.memory_space<vmem>>, vector<1x2560x1xf32>
    %get3A_8 = vector.shape_cast %get3A_7 : vector<1x2560x1xf32> to vector<2560x1xf32>
    %add3A = arith.addf %get3A_3, %get3A_8 : vector<2560x1xf32>
    %jit3A = arith.constant 1.000000e+00 : f32
    %max3A = vector.broadcast %jit3A : f32 to vector<2560x1xf32>
    %max3A_9 = arith.maximumf %max3A, %add3A : vector<2560x1xf32>
    %get3A_10 = arith.constant 0 : index
    %get3A_11 = arith.constant 0 : index
    %get3A_12 = arith.constant 0 : index
    %get3A_13 = vector.load %arg0[%get3A_10, %get3A_11, %get3A_12] : memref<2x2560x128xf32, #tpu.memory_space<vmem>>, vector<1x2560x128xf32>
    %get3A_14 = vector.shape_cast %get3A_13 : vector<1x2560x128xf32> to vector<2560x128xf32>
    %get3A_15 = arith.constant 1 : index
    %get3A_16 = arith.constant 0 : index
    %get3A_17 = arith.constant 0 : index
    %get3A_18 = vector.load %arg0[%get3A_15, %get3A_16, %get3A_17] : memref<2x2560x128xf32, #tpu.memory_space<vmem>>, vector<1x2560x128xf32>
    %get3A_19 = vector.shape_cast %get3A_18 : vector<1x2560x128xf32> to vector<2560x128xf32>
    %add3A_20 = arith.addf %get3A_14, %get3A_19 : vector<2560x128xf32>
    %div3A = vector.broadcast %max3A_9 : vector<2560x1xf32> to vector<2560x128xf32>
    %div3A_21 = arith.divf %add3A_20, %div3A : vector<2560x128xf32>
    %get3A_22 = arith.constant 0 : index
    %get3A_23 = arith.constant 0 : index
    %get3A_24 = vector.load %arg2[%get3A_22, %get3A_23] : memref<128x1xf32, #tpu.memory_space<vmem>>, vector<128x1xf32>
    %dot_general3A = arith.constant dense<0.000000e+00> : vector<2560x1xf32>
    %dot_general3A_25 = tpu.matmul %div3A_21, %get3A_24, %dot_general3A {dimension_numbers = #tpu.dot_dimension_numbers<[1], [0], [0], [1], [0, 0, 1, 1], [], []>, transpose_lhs_hint = false} : vector<2560x128xf32>, vector<128x1xf32>, vector<2560x1xf32> -> vector<2560x1xf32>
    %get3A_26 = arith.constant 0 : index
    %get3A_27 = arith.constant 0 : index
    %get3A_28 = vector.load %arg3[%get3A_26, %get3A_27] : memref<1x1xf32, #tpu.memory_space<vmem>>, vector<1x1xf32>
    %add3A_29 = vector.broadcast %get3A_28 : vector<1x1xf32> to vector<2560x1xf32>
    %add3A_30 = arith.addf %dot_general3A_25, %add3A_29 : vector<2560x1xf32>
    %logistic3A = arith.negf %add3A_30 : vector<2560x1xf32>
    %logistic3A_31 = math.exp %logistic3A : vector<2560x1xf32>
    %logistic3A_32 = arith.constant 1.000000e+00 : f32
    %logistic3A_33 = vector.broadcast %logistic3A_32 : f32 to vector<2560x1xf32>
    %logistic3A_34 = arith.addf %logistic3A_33, %logistic3A_31 : vector<2560x1xf32>
    %logistic3A_35 = arith.divf %logistic3A_33, %logistic3A_34 : vector<2560x1xf32>
    %mul3A = vector.broadcast %logistic3A_35 : vector<2560x1xf32> to vector<2560x128xf32>
    %mul3A_36 = arith.mulf %div3A_21, %mul3A : vector<2560x128xf32>
    %swap3A = arith.constant 0 : index
    %swap3A_37 = arith.constant 0 : index
    %swap3A_38 = vector.load %arg4[%swap3A, %swap3A_37] : memref<2560x128xf32, #tpu.memory_space<vmem>>, vector<2560x128xf32>
    tpu.vector_store %arg4[%swap3A, %swap3A_37], %mul3A_36 {strides = array<i32>} : memref<2560x128xf32, #tpu.memory_space<vmem>>, vector<2560x128xf32>,
    return
  }
}

module attributes {stable_mosaic.version = 14 : i64} {
  func.func @_tc_ft_body(%arg0: i32, %arg1: memref<1000x128xf32, #tpu.memory_space<vmem>>, %arg2: memref<128x128xf32, #tpu.memory_space<vmem>>, %arg3: memref<1x128xf32, #tpu.memory_space<vmem>>, %arg4: memref<1x128xf32, #tpu.memory_space<vmem>>, %arg5: memref<1x128xf32, #tpu.memory_space<vmem>>, %arg6: memref<128x128xf32, #tpu.memory_space<vmem>>, %arg7: memref<1x128xf32, #tpu.memory_space<vmem>>, %arg8: memref<1000x128xf32, #tpu.memory_space<vmem>>) attributes {dimension_semantics = [#tpu.dimension_semantics<arbitrary>], iteration_bounds = array<i64: 10>, scalar_prefetch = 0 : i64, scratch_operands = 0 : i64, tpu.core_type = #tpu.core_type<tc>, window_params = [{transform_indices = @transform_0, window_bounds = array<i64: 1000, 128>}, {pipeline_mode = #tpu.pipeline_mode<synchronous>, transform_indices = @transform_1, window_bounds = array<i64: 128, 128>}, {pipeline_mode = #tpu.pipeline_mode<synchronous>, transform_indices = @transform_2, window_bounds = array<i64: 1, 128>}, {pipeline_mode = #tpu.pipeline_mode<synchronous>, transform_indices = @transform_3, window_bounds = array<i64: 1, 128>}, {pipeline_mode = #tpu.pipeline_mode<synchronous>, transform_indices = @transform_4, window_bounds = array<i64: 1, 128>}, {pipeline_mode = #tpu.pipeline_mode<synchronous>, transform_indices = @transform_5, window_bounds = array<i64: 128, 128>}, {pipeline_mode = #tpu.pipeline_mode<synchronous>, transform_indices = @transform_6, window_bounds = array<i64: 1, 128>}, {transform_indices = @transform_7, window_bounds = array<i64: 1000, 128>}]} {
    %get3A = arith.constant 0 : index
    %get3A_0 = arith.constant 0 : index
    %get3A_1 = vector.load %arg1[%get3A, %get3A_0] : memref<1000x128xf32, #tpu.memory_space<vmem>>, vector<1000x128xf32>
    %get3A_2 = arith.constant 0 : index
    %get3A_3 = arith.constant 0 : index
    %get3A_4 = vector.load %arg2[%get3A_2, %get3A_3] : memref<128x128xf32, #tpu.memory_space<vmem>>, vector<128x128xf32>
    %dot_general3A = arith.constant dense<0.000000e+00> : vector<1000x128xf32>
    %dot_general3A_5 = tpu.matmul %get3A_1, %get3A_4, %dot_general3A {dimension_numbers = #tpu.dot_dimension_numbers<[1], [0], [0], [1], [0, 0, 1, 1], [], []>, transpose_lhs_hint = false} : vector<1000x128xf32>, vector<128x128xf32>, vector<1000x128xf32> -> vector<1000x128xf32>
    %get3A_6 = arith.constant 0 : index
    %get3A_7 = arith.constant 0 : index
    %get3A_8 = vector.load %arg3[%get3A_6, %get3A_7] : memref<1x128xf32, #tpu.memory_space<vmem>>, vector<1x128xf32>
    %add3A = vector.broadcast %get3A_8 : vector<1x128xf32> to vector<1000x128xf32>
    %add3A_9 = arith.addf %dot_general3A_5, %add3A : vector<1000x128xf32>
    %integer_pow3A = arith.mulf %add3A_9, %add3A_9 : vector<1000x128xf32>
    %integer_pow3A_10 = arith.mulf %add3A_9, %integer_pow3A : vector<1000x128xf32>
    %mul3A = arith.constant 4.471500e-02 : f32
    %mul3A_11 = vector.broadcast %mul3A : f32 to vector<1000x128xf32>
    %mul3A_12 = arith.mulf %mul3A_11, %integer_pow3A_10 : vector<1000x128xf32>
    %add3A_13 = arith.addf %add3A_9, %mul3A_12 : vector<1000x128xf32>
    %mul3A_14 = arith.constant 0.797884583 : f32
    %mul3A_15 = vector.broadcast %mul3A_14 : f32 to vector<1000x128xf32>
    %mul3A_16 = arith.mulf %mul3A_15, %add3A_13 : vector<1000x128xf32>
    %tanh3A = math.tanh %mul3A_16 : vector<1000x128xf32>
    %add3A_17 = arith.constant 1.000000e+00 : f32
    %add3A_18 = vector.broadcast %add3A_17 : f32 to vector<1000x128xf32>
    %add3A_19 = arith.addf %add3A_18, %tanh3A : vector<1000x128xf32>
    %mul3A_20 = arith.constant 5.000000e-01 : f32
    %mul3A_21 = vector.broadcast %mul3A_20 : f32 to vector<1000x128xf32>
    %mul3A_22 = arith.mulf %mul3A_21, %add3A_19 : vector<1000x128xf32>
    %mul3A_23 = arith.mulf %add3A_9, %mul3A_22 : vector<1000x128xf32>
    %reduce_sum3A = arith.constant dense<0.000000e+00> : vector<1000xf32>
    %reduce_sum3A_24 = vector.multi_reduction <add>, %mul3A_23, %reduce_sum3A [1] : vector<1000x128xf32> to vector<1000xf32>
    %broadcast_in_dim3A = vector.shape_cast %reduce_sum3A_24 : vector<1000xf32> to vector<1000x1xf32>
    %div3A = arith.constant 1.280000e+02 : f32
    %div3A_25 = vector.broadcast %div3A : f32 to vector<1000x1xf32>
    %div3A_26 = arith.divf %broadcast_in_dim3A, %div3A_25 : vector<1000x1xf32>
    %sub3A = vector.broadcast %div3A_26 : vector<1000x1xf32> to vector<1000x128xf32>
    %sub3A_27 = arith.subf %mul3A_23, %sub3A : vector<1000x128xf32>
    %sub3A_28 = vector.broadcast %div3A_26 : vector<1000x1xf32> to vector<1000x128xf32>
    %sub3A_29 = arith.subf %mul3A_23, %sub3A_28 : vector<1000x128xf32>
    %mul3A_30 = arith.mulf %sub3A_27, %sub3A_29 : vector<1000x128xf32>
    %reduce_sum3A_31 = arith.constant dense<0.000000e+00> : vector<1000xf32>
    %reduce_sum3A_32 = vector.multi_reduction <add>, %mul3A_30, %reduce_sum3A_31 [1] : vector<1000x128xf32> to vector<1000xf32>
    %broadcast_in_dim3A_33 = vector.shape_cast %reduce_sum3A_32 : vector<1000xf32> to vector<1000x1xf32>
    %div3A_34 = arith.constant 1.280000e+02 : f32
    %div3A_35 = vector.broadcast %div3A_34 : f32 to vector<1000x1xf32>
    %div3A_36 = arith.divf %broadcast_in_dim3A_33, %div3A_35 : vector<1000x1xf32>
    %sub3A_37 = vector.broadcast %div3A_26 : vector<1000x1xf32> to vector<1000x128xf32>
    %sub3A_38 = arith.subf %mul3A_23, %sub3A_37 : vector<1000x128xf32>
    %add3A_39 = arith.constant 9.99999974E-6 : f32
    %add3A_40 = vector.broadcast %add3A_39 : f32 to vector<1000x1xf32>
    %add3A_41 = arith.addf %div3A_36, %add3A_40 : vector<1000x1xf32>
    %sqrt3A = math.sqrt %add3A_41 : vector<1000x1xf32>
    %div3A_42 = vector.broadcast %sqrt3A : vector<1000x1xf32> to vector<1000x128xf32>
    %div3A_43 = arith.divf %sub3A_38, %div3A_42 : vector<1000x128xf32>
    %get3A_44 = arith.constant 0 : index
    %get3A_45 = arith.constant 0 : index
    %get3A_46 = vector.load %arg4[%get3A_44, %get3A_45] : memref<1x128xf32, #tpu.memory_space<vmem>>, vector<1x128xf32>
    %mul3A_47 = vector.broadcast %get3A_46 : vector<1x128xf32> to vector<1000x128xf32>
    %mul3A_48 = arith.mulf %div3A_43, %mul3A_47 : vector<1000x128xf32>
    %get3A_49 = arith.constant 0 : index
    %get3A_50 = arith.constant 0 : index
    %get3A_51 = vector.load %arg5[%get3A_49, %get3A_50] : memref<1x128xf32, #tpu.memory_space<vmem>>, vector<1x128xf32>
    %add3A_52 = vector.broadcast %get3A_51 : vector<1x128xf32> to vector<1000x128xf32>
    %add3A_53 = arith.addf %mul3A_48, %add3A_52 : vector<1000x128xf32>
    %get3A_54 = arith.constant 0 : index
    %get3A_55 = arith.constant 0 : index
    %get3A_56 = vector.load %arg6[%get3A_54, %get3A_55] : memref<128x128xf32, #tpu.memory_space<vmem>>, vector<128x128xf32>
    %dot_general3A_57 = arith.constant dense<0.000000e+00> : vector<1000x128xf32>
    %dot_general3A_58 = tpu.matmul %add3A_53, %get3A_56, %dot_general3A_57 {dimension_numbers = #tpu.dot_dimension_numbers<[1], [0], [0], [1], [0, 0, 1, 1], [], []>, transpose_lhs_hint = false} : vector<1000x128xf32>, vector<128x128xf32>, vector<1000x128xf32> -> vector<1000x128xf32>
    %get3A_59 = arith.constant 0 : index
    %get3A_60 = arith.constant 0 : index
    %get3A_61 = vector.load %arg7[%get3A_59, %get3A_60] : memref<1x128xf32, #tpu.memory_space<vmem>>, vector<1x128xf32>
    %add3A_62 = vector.broadcast %get3A_61 : vector<1x128xf32> to vector<1000x128xf32>
    %add3A_63 = arith.addf %dot_general3A_58, %add3A_62 : vector<1000x128xf32>
    %swap3A = arith.constant 0 : index
    %swap3A_64 = arith.constant 0 : index
    %swap3A_65 = vector.load %arg8[%swap3A, %swap3A_64] : memref<1000x128xf32, #tpu.memory_space<vmem>>, vector<1000x128xf32>
    tpu.vector_store %arg8[%swap3A, %swap3A_64], %add3A_63 {strides = array<i32>} : memref<1000x128xf32, #tpu.memory_space<vmem>>, vector<1000x128xf32>,
    return
  }
  func.func @transform_0(%arg0: i32) -> (i32, i32) {
    %c0_i32 = arith.constant 0 : i32
    %c0_i32_0 = arith.constant 0 : i32
    return %arg0, %c0_i32 : i32, i32
  }
  func.func @transform_1(%arg0: i32) -> (i32, i32) {
    %c0_i32 = arith.constant 0 : i32
    %c0_i32_0 = arith.constant 0 : i32
    %c0_i32_1 = arith.constant 0 : i32
    return %c0_i32, %c0_i32_0 : i32, i32
  }
  func.func @transform_2(%arg0: i32) -> (i32, i32) {
    %c0_i32 = arith.constant 0 : i32
    %c0_i32_0 = arith.constant 0 : i32
    %c0_i32_1 = arith.constant 0 : i32
    return %c0_i32, %c0_i32_0 : i32, i32
  }
  func.func @transform_3(%arg0: i32) -> (i32, i32) {
    %c0_i32 = arith.constant 0 : i32
    %c0_i32_0 = arith.constant 0 : i32
    %c0_i32_1 = arith.constant 0 : i32
    return %c0_i32, %c0_i32_0 : i32, i32
  }
  func.func @transform_4(%arg0: i32) -> (i32, i32) {
    %c0_i32 = arith.constant 0 : i32
    %c0_i32_0 = arith.constant 0 : i32
    %c0_i32_1 = arith.constant 0 : i32
    return %c0_i32, %c0_i32_0 : i32, i32
  }
  func.func @transform_5(%arg0: i32) -> (i32, i32) {
    %c0_i32 = arith.constant 0 : i32
    %c0_i32_0 = arith.constant 0 : i32
    %c0_i32_1 = arith.constant 0 : i32
    return %c0_i32, %c0_i32_0 : i32, i32
  }
  func.func @transform_6(%arg0: i32) -> (i32, i32) {
    %c0_i32 = arith.constant 0 : i32
    %c0_i32_0 = arith.constant 0 : i32
    %c0_i32_1 = arith.constant 0 : i32
    return %c0_i32, %c0_i32_0 : i32, i32
  }
  func.func @transform_7(%arg0: i32) -> (i32, i32) {
    %c0_i32 = arith.constant 0 : i32
    %c0_i32_0 = arith.constant 0 : i32
    return %arg0, %c0_i32 : i32, i32
  }
}

module attributes {stable_mosaic.version = 14 : i64} {
  func.func @_tc_node_body(%arg0: i32, %arg1: memref<2x1000x128xf32, #tpu.memory_space<vmem>>, %arg2: memref<2x1000x16xf32, #tpu.memory_space<vmem>>, %arg3: memref<1000x128xf32, #tpu.memory_space<vmem>>, %arg4: memref<128x128xf32, #tpu.memory_space<vmem>>, %arg5: memref<1x128xf32, #tpu.memory_space<vmem>>, %arg6: memref<1000x128xf32, #tpu.memory_space<vmem>>) attributes {dimension_semantics = [#tpu.dimension_semantics<arbitrary>], iteration_bounds = array<i64: 10>, scalar_prefetch = 0 : i64, scratch_operands = 0 : i64, tpu.core_type = #tpu.core_type<tc>, window_params = [{transform_indices = @transform_0, window_bounds = array<i64: 2, 1000, 128>}, {transform_indices = @transform_1, window_bounds = array<i64: 2, 1000, 16>}, {transform_indices = @transform_2, window_bounds = array<i64: 1000, 128>}, {pipeline_mode = #tpu.pipeline_mode<synchronous>, transform_indices = @transform_3, window_bounds = array<i64: 128, 128>}, {pipeline_mode = #tpu.pipeline_mode<synchronous>, transform_indices = @transform_4, window_bounds = array<i64: 1, 128>}, {transform_indices = @transform_5, window_bounds = array<i64: 1000, 128>}]} {
    %get3A = arith.constant 0 : index
    %get3A_0 = arith.constant 0 : index
    %get3A_1 = arith.constant 0 : index
    %get3A_2 = vector.load %arg2[%get3A, %get3A_0, %get3A_1] : memref<2x1000x16xf32, #tpu.memory_space<vmem>>, vector<1x1000x1xf32>
    %get3A_3 = vector.shape_cast %get3A_2 : vector<1x1000x1xf32> to vector<1000x1xf32>
    %get3A_4 = arith.constant 1 : index
    %get3A_5 = arith.constant 0 : index
    %get3A_6 = arith.constant 0 : index
    %get3A_7 = vector.load %arg2[%get3A_4, %get3A_5, %get3A_6] : memref<2x1000x16xf32, #tpu.memory_space<vmem>>, vector<1x1000x1xf32>
    %get3A_8 = vector.shape_cast %get3A_7 : vector<1x1000x1xf32> to vector<1000x1xf32>
    %add3A = arith.addf %get3A_3, %get3A_8 : vector<1000x1xf32>
    %jit3A = arith.constant 1.000000e+00 : f32
    %max3A = vector.broadcast %jit3A : f32 to vector<1000x1xf32>
    %max3A_9 = arith.maximumf %max3A, %add3A : vector<1000x1xf32>
    %get3A_10 = arith.constant 0 : index
    %get3A_11 = arith.constant 0 : index
    %get3A_12 = arith.constant 0 : index
    %get3A_13 = vector.load %arg1[%get3A_10, %get3A_11, %get3A_12] : memref<2x1000x128xf32, #tpu.memory_space<vmem>>, vector<1x1000x128xf32>
    %get3A_14 = vector.shape_cast %get3A_13 : vector<1x1000x128xf32> to vector<1000x128xf32>
    %get3A_15 = arith.constant 1 : index
    %get3A_16 = arith.constant 0 : index
    %get3A_17 = arith.constant 0 : index
    %get3A_18 = vector.load %arg1[%get3A_15, %get3A_16, %get3A_17] : memref<2x1000x128xf32, #tpu.memory_space<vmem>>, vector<1x1000x128xf32>
    %get3A_19 = vector.shape_cast %get3A_18 : vector<1x1000x128xf32> to vector<1000x128xf32>
    %add3A_20 = arith.addf %get3A_14, %get3A_19 : vector<1000x128xf32>
    %div3A = vector.broadcast %max3A_9 : vector<1000x1xf32> to vector<1000x128xf32>
    %div3A_21 = arith.divf %add3A_20, %div3A : vector<1000x128xf32>
    %get3A_22 = arith.constant 0 : index
    %get3A_23 = arith.constant 0 : index
    %get3A_24 = vector.load %arg3[%get3A_22, %get3A_23] : memref<1000x128xf32, #tpu.memory_space<vmem>>, vector<1000x128xf32>
    %add3A_25 = arith.addf %div3A_21, %get3A_24 : vector<1000x128xf32>
    %integer_pow3A = arith.mulf %add3A_25, %add3A_25 : vector<1000x128xf32>
    %integer_pow3A_26 = arith.mulf %add3A_25, %integer_pow3A : vector<1000x128xf32>
    %mul3A = arith.constant 4.471500e-02 : f32
    %mul3A_27 = vector.broadcast %mul3A : f32 to vector<1000x128xf32>
    %mul3A_28 = arith.mulf %mul3A_27, %integer_pow3A_26 : vector<1000x128xf32>
    %add3A_29 = arith.addf %add3A_25, %mul3A_28 : vector<1000x128xf32>
    %mul3A_30 = arith.constant 0.797884583 : f32
    %mul3A_31 = vector.broadcast %mul3A_30 : f32 to vector<1000x128xf32>
    %mul3A_32 = arith.mulf %mul3A_31, %add3A_29 : vector<1000x128xf32>
    %tanh3A = math.tanh %mul3A_32 : vector<1000x128xf32>
    %add3A_33 = arith.constant 1.000000e+00 : f32
    %add3A_34 = vector.broadcast %add3A_33 : f32 to vector<1000x128xf32>
    %add3A_35 = arith.addf %add3A_34, %tanh3A : vector<1000x128xf32>
    %mul3A_36 = arith.constant 5.000000e-01 : f32
    %mul3A_37 = vector.broadcast %mul3A_36 : f32 to vector<1000x128xf32>
    %mul3A_38 = arith.mulf %mul3A_37, %add3A_35 : vector<1000x128xf32>
    %mul3A_39 = arith.mulf %add3A_25, %mul3A_38 : vector<1000x128xf32>
    %get3A_40 = arith.constant 0 : index
    %get3A_41 = arith.constant 0 : index
    %get3A_42 = vector.load %arg4[%get3A_40, %get3A_41] : memref<128x128xf32, #tpu.memory_space<vmem>>, vector<128x128xf32>
    %dot_general3A = arith.constant dense<0.000000e+00> : vector<1000x128xf32>
    %dot_general3A_43 = tpu.matmul %mul3A_39, %get3A_42, %dot_general3A {dimension_numbers = #tpu.dot_dimension_numbers<[1], [0], [0], [1], [0, 0, 1, 1], [], []>, transpose_lhs_hint = false} : vector<1000x128xf32>, vector<128x128xf32>, vector<1000x128xf32> -> vector<1000x128xf32>
    %get3A_44 = arith.constant 0 : index
    %get3A_45 = arith.constant 0 : index
    %get3A_46 = vector.load %arg5[%get3A_44, %get3A_45] : memref<1x128xf32, #tpu.memory_space<vmem>>, vector<1x128xf32>
    %add3A_47 = vector.broadcast %get3A_46 : vector<1x128xf32> to vector<1000x128xf32>
    %add3A_48 = arith.addf %dot_general3A_43, %add3A_47 : vector<1000x128xf32>
    %swap3A = arith.constant 0 : index
    %swap3A_49 = arith.constant 0 : index
    %swap3A_50 = vector.load %arg6[%swap3A, %swap3A_49] : memref<1000x128xf32, #tpu.memory_space<vmem>>, vector<1000x128xf32>
    tpu.vector_store %arg6[%swap3A, %swap3A_49], %add3A_48 {strides = array<i32>} : memref<1000x128xf32, #tpu.memory_space<vmem>>, vector<1000x128xf32>,
    return
  }
  func.func @transform_0(%arg0: i32) -> (i32, i32, i32) {
    %c0_i32 = arith.constant 0 : i32
    %c0_i32_0 = arith.constant 0 : i32
    %c0_i32_1 = arith.constant 0 : i32
    return %c0_i32, %arg0, %c0_i32_0 : i32, i32, i32
  }
  func.func @transform_1(%arg0: i32) -> (i32, i32, i32) {
    %c0_i32 = arith.constant 0 : i32
    %c0_i32_0 = arith.constant 0 : i32
    %c0_i32_1 = arith.constant 0 : i32
    return %c0_i32, %arg0, %c0_i32_0 : i32, i32, i32
  }
  func.func @transform_2(%arg0: i32) -> (i32, i32) {
    %c0_i32 = arith.constant 0 : i32
    %c0_i32_0 = arith.constant 0 : i32
    return %arg0, %c0_i32 : i32, i32
  }
  func.func @transform_3(%arg0: i32) -> (i32, i32) {
    %c0_i32 = arith.constant 0 : i32
    %c0_i32_0 = arith.constant 0 : i32
    %c0_i32_1 = arith.constant 0 : i32
    return %c0_i32, %c0_i32_0 : i32, i32
  }
  func.func @transform_4(%arg0: i32) -> (i32, i32) {
    %c0_i32 = arith.constant 0 : i32
    %c0_i32_0 = arith.constant 0 : i32
    %c0_i32_1 = arith.constant 0 : i32
    return %c0_i32, %c0_i32_0 : i32, i32
  }
  func.func @transform_5(%arg0: i32) -> (i32, i32) {
    %c0_i32 = arith.constant 0 : i32
    %c0_i32_0 = arith.constant 0 : i32
    return %arg0, %c0_i32 : i32, i32
  }
}

module attributes {stable_mosaic.version = 14 : i64} {
  func.func @_tc_edge_body(%arg0: memref<2x2560x128xf32, #tpu.memory_space<vmem>>, %arg1: memref<2x2560x16xf32, #tpu.memory_space<vmem>>, %arg2: memref<2560x128xf32, #tpu.memory_space<vmem>>, %arg3: memref<128x1xf32, #tpu.memory_space<vmem>>, %arg4: memref<1x1xf32, #tpu.memory_space<vmem>>, %arg5: memref<2560x128xf32, #tpu.memory_space<vmem>>) attributes {dimension_semantics = [], scalar_prefetch = 0 : i64, scratch_operands = 0 : i64, tpu.core_type = #tpu.core_type<tc>} {
    %get3A = arith.constant 0 : index
    %get3A_0 = arith.constant 0 : index
    %get3A_1 = arith.constant 0 : index
    %get3A_2 = vector.load %arg1[%get3A, %get3A_0, %get3A_1] : memref<2x2560x16xf32, #tpu.memory_space<vmem>>, vector<1x2560x1xf32>
    %get3A_3 = vector.shape_cast %get3A_2 : vector<1x2560x1xf32> to vector<2560x1xf32>
    %get3A_4 = arith.constant 1 : index
    %get3A_5 = arith.constant 0 : index
    %get3A_6 = arith.constant 0 : index
    %get3A_7 = vector.load %arg1[%get3A_4, %get3A_5, %get3A_6] : memref<2x2560x16xf32, #tpu.memory_space<vmem>>, vector<1x2560x1xf32>
    %get3A_8 = vector.shape_cast %get3A_7 : vector<1x2560x1xf32> to vector<2560x1xf32>
    %add3A = arith.addf %get3A_3, %get3A_8 : vector<2560x1xf32>
    %jit3A = arith.constant 1.000000e+00 : f32
    %max3A = vector.broadcast %jit3A : f32 to vector<2560x1xf32>
    %max3A_9 = arith.maximumf %max3A, %add3A : vector<2560x1xf32>
    %get3A_10 = arith.constant 0 : index
    %get3A_11 = arith.constant 0 : index
    %get3A_12 = arith.constant 0 : index
    %get3A_13 = vector.load %arg0[%get3A_10, %get3A_11, %get3A_12] : memref<2x2560x128xf32, #tpu.memory_space<vmem>>, vector<1x2560x128xf32>
    %get3A_14 = vector.shape_cast %get3A_13 : vector<1x2560x128xf32> to vector<2560x128xf32>
    %get3A_15 = arith.constant 1 : index
    %get3A_16 = arith.constant 0 : index
    %get3A_17 = arith.constant 0 : index
    %get3A_18 = vector.load %arg0[%get3A_15, %get3A_16, %get3A_17] : memref<2x2560x128xf32, #tpu.memory_space<vmem>>, vector<1x2560x128xf32>
    %get3A_19 = vector.shape_cast %get3A_18 : vector<1x2560x128xf32> to vector<2560x128xf32>
    %add3A_20 = arith.addf %get3A_14, %get3A_19 : vector<2560x128xf32>
    %div3A = vector.broadcast %max3A_9 : vector<2560x1xf32> to vector<2560x128xf32>
    %div3A_21 = arith.divf %add3A_20, %div3A : vector<2560x128xf32>
    %get3A_22 = arith.constant 0 : index
    %get3A_23 = arith.constant 0 : index
    %get3A_24 = vector.load %arg2[%get3A_22, %get3A_23] : memref<2560x128xf32, #tpu.memory_space<vmem>>, vector<2560x128xf32>
    %add3A_25 = arith.addf %div3A_21, %get3A_24 : vector<2560x128xf32>
    %get3A_26 = arith.constant 0 : index
    %get3A_27 = arith.constant 0 : index
    %get3A_28 = vector.load %arg3[%get3A_26, %get3A_27] : memref<128x1xf32, #tpu.memory_space<vmem>>, vector<128x1xf32>
    %dot_general3A = arith.constant dense<0.000000e+00> : vector<2560x1xf32>
    %dot_general3A_29 = tpu.matmul %add3A_25, %get3A_28, %dot_general3A {dimension_numbers = #tpu.dot_dimension_numbers<[1], [0], [0], [1], [0, 0, 1, 1], [], []>, transpose_lhs_hint = false} : vector<2560x128xf32>, vector<128x1xf32>, vector<2560x1xf32> -> vector<2560x1xf32>
    %get3A_30 = arith.constant 0 : index
    %get3A_31 = arith.constant 0 : index
    %get3A_32 = vector.load %arg4[%get3A_30, %get3A_31] : memref<1x1xf32, #tpu.memory_space<vmem>>, vector<1x1xf32>
    %add3A_33 = vector.broadcast %get3A_32 : vector<1x1xf32> to vector<2560x1xf32>
    %add3A_34 = arith.addf %dot_general3A_29, %add3A_33 : vector<2560x1xf32>
    %logistic3A = arith.negf %add3A_34 : vector<2560x1xf32>
    %logistic3A_35 = math.exp %logistic3A : vector<2560x1xf32>
    %logistic3A_36 = arith.constant 1.000000e+00 : f32
    %logistic3A_37 = vector.broadcast %logistic3A_36 : f32 to vector<2560x1xf32>
    %logistic3A_38 = arith.addf %logistic3A_37, %logistic3A_35 : vector<2560x1xf32>
    %logistic3A_39 = arith.divf %logistic3A_37, %logistic3A_38 : vector<2560x1xf32>
    %mul3A = vector.broadcast %logistic3A_39 : vector<2560x1xf32> to vector<2560x128xf32>
    %mul3A_40 = arith.mulf %add3A_25, %mul3A : vector<2560x128xf32>
    %swap3A = arith.constant 0 : index
    %swap3A_41 = arith.constant 0 : index
    %swap3A_42 = vector.load %arg5[%swap3A, %swap3A_41] : memref<2560x128xf32, #tpu.memory_space<vmem>>, vector<2560x128xf32>
    tpu.vector_store %arg5[%swap3A, %swap3A_41], %mul3A_40 {strides = array<i32>} : memref<2560x128xf32, #tpu.memory_space<vmem>>, vector<2560x128xf32>,
    return
  }
}

module attributes {stable_mosaic.version = 14 : i64} {
  func.func @_tc_final_body(%arg0: memref<2x2560x128xf32, #tpu.memory_space<vmem>>, %arg1: memref<2x2560x16xf32, #tpu.memory_space<vmem>>, %arg2: memref<2560x128xf32, #tpu.memory_space<vmem>>, %arg3: memref<128x1xf32, #tpu.memory_space<vmem>>, %arg4: memref<1x1xf32, #tpu.memory_space<vmem>>, %arg5: memref<128x128xf32, #tpu.memory_space<vmem>>, %arg6: memref<1x128xf32, #tpu.memory_space<vmem>>, %arg7: memref<128x128xf32, #tpu.memory_space<vmem>>, %arg8: memref<1x128xf32, #tpu.memory_space<vmem>>, %arg9: memref<128x4xf32, #tpu.memory_space<vmem>>, %arg10: memref<1x4xf32, #tpu.memory_space<vmem>>, %arg11: memref<128x128xf32, #tpu.memory_space<vmem>>, %arg12: memref<1x128xf32, #tpu.memory_space<vmem>>, %arg13: memref<128x128xf32, #tpu.memory_space<vmem>>, %arg14: memref<1x128xf32, #tpu.memory_space<vmem>>, %arg15: memref<1x128xf32, #tpu.memory_space<vmem>>, %arg16: memref<1x128xf32, #tpu.memory_space<vmem>>, %arg17: memref<1x128xf32, #tpu.memory_space<vmem>>, %arg18: memref<1x128xf32, #tpu.memory_space<vmem>>, %arg19: memref<128x1xf32, #tpu.memory_space<vmem>>, %arg20: memref<1x1xf32, #tpu.memory_space<vmem>>, %arg21: memref<2560x1xf32, #tpu.memory_space<vmem>>, %arg22: memref<2560x1xf32, #tpu.memory_space<vmem>>) attributes {dimension_semantics = [], scalar_prefetch = 0 : i64, scratch_operands = 0 : i64, tpu.core_type = #tpu.core_type<tc>} {
    %get3A = arith.constant 0 : index
    %get3A_0 = arith.constant 0 : index
    %get3A_1 = arith.constant 0 : index
    %get3A_2 = vector.load %arg1[%get3A, %get3A_0, %get3A_1] : memref<2x2560x16xf32, #tpu.memory_space<vmem>>, vector<1x2560x1xf32>
    %get3A_3 = vector.shape_cast %get3A_2 : vector<1x2560x1xf32> to vector<2560x1xf32>
    %get3A_4 = arith.constant 1 : index
    %get3A_5 = arith.constant 0 : index
    %get3A_6 = arith.constant 0 : index
    %get3A_7 = vector.load %arg1[%get3A_4, %get3A_5, %get3A_6] : memref<2x2560x16xf32, #tpu.memory_space<vmem>>, vector<1x2560x1xf32>
    %get3A_8 = vector.shape_cast %get3A_7 : vector<1x2560x1xf32> to vector<2560x1xf32>
    %add3A = arith.addf %get3A_3, %get3A_8 : vector<2560x1xf32>
    %jit3A = arith.constant 1.000000e+00 : f32
    %max3A = vector.broadcast %jit3A : f32 to vector<2560x1xf32>
    %max3A_9 = arith.maximumf %max3A, %add3A : vector<2560x1xf32>
    %get3A_10 = arith.constant 0 : index
    %get3A_11 = arith.constant 0 : index
    %get3A_12 = arith.constant 0 : index
    %get3A_13 = vector.load %arg0[%get3A_10, %get3A_11, %get3A_12] : memref<2x2560x128xf32, #tpu.memory_space<vmem>>, vector<1x2560x128xf32>
    %get3A_14 = vector.shape_cast %get3A_13 : vector<1x2560x128xf32> to vector<2560x128xf32>
    %get3A_15 = arith.constant 1 : index
    %get3A_16 = arith.constant 0 : index
    %get3A_17 = arith.constant 0 : index
    %get3A_18 = vector.load %arg0[%get3A_15, %get3A_16, %get3A_17] : memref<2x2560x128xf32, #tpu.memory_space<vmem>>, vector<1x2560x128xf32>
    %get3A_19 = vector.shape_cast %get3A_18 : vector<1x2560x128xf32> to vector<2560x128xf32>
    %add3A_20 = arith.addf %get3A_14, %get3A_19 : vector<2560x128xf32>
    %div3A = vector.broadcast %max3A_9 : vector<2560x1xf32> to vector<2560x128xf32>
    %div3A_21 = arith.divf %add3A_20, %div3A : vector<2560x128xf32>
    %get3A_22 = arith.constant 0 : index
    %get3A_23 = arith.constant 0 : index
    %get3A_24 = vector.load %arg2[%get3A_22, %get3A_23] : memref<2560x128xf32, #tpu.memory_space<vmem>>, vector<2560x128xf32>
    %add3A_25 = arith.addf %div3A_21, %get3A_24 : vector<2560x128xf32>
    %get3A_26 = arith.constant 0 : index
    %get3A_27 = arith.constant 0 : index
    %get3A_28 = vector.load %arg3[%get3A_26, %get3A_27] : memref<128x1xf32, #tpu.memory_space<vmem>>, vector<128x1xf32>
    %dot_general3A = arith.constant dense<0.000000e+00> : vector<2560x1xf32>
    %dot_general3A_29 = tpu.matmul %add3A_25, %get3A_28, %dot_general3A {dimension_numbers = #tpu.dot_dimension_numbers<[1], [0], [0], [1], [0, 0, 1, 1], [], []>, transpose_lhs_hint = false} : vector<2560x128xf32>, vector<128x1xf32>, vector<2560x1xf32> -> vector<2560x1xf32>
    %get3A_30 = arith.constant 0 : index
    %get3A_31 = arith.constant 0 : index
    %get3A_32 = vector.load %arg4[%get3A_30, %get3A_31] : memref<1x1xf32, #tpu.memory_space<vmem>>, vector<1x1xf32>
    %add3A_33 = vector.broadcast %get3A_32 : vector<1x1xf32> to vector<2560x1xf32>
    %add3A_34 = arith.addf %dot_general3A_29, %add3A_33 : vector<2560x1xf32>
    %logistic3A = arith.negf %add3A_34 : vector<2560x1xf32>
    %logistic3A_35 = math.exp %logistic3A : vector<2560x1xf32>
    %logistic3A_36 = arith.constant 1.000000e+00 : f32
    %logistic3A_37 = vector.broadcast %logistic3A_36 : f32 to vector<2560x1xf32>
    %logistic3A_38 = arith.addf %logistic3A_37, %logistic3A_35 : vector<2560x1xf32>
    %logistic3A_39 = arith.divf %logistic3A_37, %logistic3A_38 : vector<2560x1xf32>
    %mul3A = vector.broadcast %logistic3A_39 : vector<2560x1xf32> to vector<2560x128xf32>
    %mul3A_40 = arith.mulf %add3A_25, %mul3A : vector<2560x128xf32>
    %get3A_41 = arith.constant 0 : index
    %get3A_42 = arith.constant 0 : index
    %get3A_43 = vector.load %arg5[%get3A_41, %get3A_42] : memref<128x128xf32, #tpu.memory_space<vmem>>, vector<128x128xf32>
    %dot_general3A_44 = arith.constant dense<0.000000e+00> : vector<2560x128xf32>
    %dot_general3A_45 = tpu.matmul %mul3A_40, %get3A_43, %dot_general3A_44 {dimension_numbers = #tpu.dot_dimension_numbers<[1], [0], [0], [1], [0, 0, 1, 1], [], []>, transpose_lhs_hint = false} : vector<2560x128xf32>, vector<128x128xf32>, vector<2560x128xf32> -> vector<2560x128xf32>
    %get3A_46 = arith.constant 0 : index
    %get3A_47 = arith.constant 0 : index
    %get3A_48 = vector.load %arg6[%get3A_46, %get3A_47] : memref<1x128xf32, #tpu.memory_space<vmem>>, vector<1x128xf32>
    %add3A_49 = vector.broadcast %get3A_48 : vector<1x128xf32> to vector<2560x128xf32>
    %add3A_50 = arith.addf %dot_general3A_45, %add3A_49 : vector<2560x128xf32>
    %integer_pow3A = arith.mulf %add3A_50, %add3A_50 : vector<2560x128xf32>
    %integer_pow3A_51 = arith.mulf %add3A_50, %integer_pow3A : vector<2560x128xf32>
    %mul3A_52 = arith.constant 4.471500e-02 : f32
    %mul3A_53 = vector.broadcast %mul3A_52 : f32 to vector<2560x128xf32>
    %mul3A_54 = arith.mulf %mul3A_53, %integer_pow3A_51 : vector<2560x128xf32>
    %add3A_55 = arith.addf %add3A_50, %mul3A_54 : vector<2560x128xf32>
    %mul3A_56 = arith.constant 0.797884583 : f32
    %mul3A_57 = vector.broadcast %mul3A_56 : f32 to vector<2560x128xf32>
    %mul3A_58 = arith.mulf %mul3A_57, %add3A_55 : vector<2560x128xf32>
    %tanh3A = math.tanh %mul3A_58 : vector<2560x128xf32>
    %add3A_59 = arith.constant 1.000000e+00 : f32
    %add3A_60 = vector.broadcast %add3A_59 : f32 to vector<2560x128xf32>
    %add3A_61 = arith.addf %add3A_60, %tanh3A : vector<2560x128xf32>
    %mul3A_62 = arith.constant 5.000000e-01 : f32
    %mul3A_63 = vector.broadcast %mul3A_62 : f32 to vector<2560x128xf32>
    %mul3A_64 = arith.mulf %mul3A_63, %add3A_61 : vector<2560x128xf32>
    %mul3A_65 = arith.mulf %add3A_50, %mul3A_64 : vector<2560x128xf32>
    %get3A_66 = arith.constant 0 : index
    %get3A_67 = arith.constant 0 : index
    %get3A_68 = vector.load %arg7[%get3A_66, %get3A_67] : memref<128x128xf32, #tpu.memory_space<vmem>>, vector<128x128xf32>
    %dot_general3A_69 = arith.constant dense<0.000000e+00> : vector<2560x128xf32>
    %dot_general3A_70 = tpu.matmul %mul3A_65, %get3A_68, %dot_general3A_69 {dimension_numbers = #tpu.dot_dimension_numbers<[1], [0], [0], [1], [0, 0, 1, 1], [], []>, transpose_lhs_hint = false} : vector<2560x128xf32>, vector<128x128xf32>, vector<2560x128xf32> -> vector<2560x128xf32>
    %get3A_71 = arith.constant 0 : index
    %get3A_72 = arith.constant 0 : index
    %get3A_73 = vector.load %arg8[%get3A_71, %get3A_72] : memref<1x128xf32, #tpu.memory_space<vmem>>, vector<1x128xf32>
    %add3A_74 = vector.broadcast %get3A_73 : vector<1x128xf32> to vector<2560x128xf32>
    %add3A_75 = arith.addf %dot_general3A_70, %add3A_74 : vector<2560x128xf32>
    %integer_pow3A_76 = arith.mulf %add3A_75, %add3A_75 : vector<2560x128xf32>
    %integer_pow3A_77 = arith.mulf %add3A_75, %integer_pow3A_76 : vector<2560x128xf32>
    %mul3A_78 = arith.constant 4.471500e-02 : f32
    %mul3A_79 = vector.broadcast %mul3A_78 : f32 to vector<2560x128xf32>
    %mul3A_80 = arith.mulf %mul3A_79, %integer_pow3A_77 : vector<2560x128xf32>
    %add3A_81 = arith.addf %add3A_75, %mul3A_80 : vector<2560x128xf32>
    %mul3A_82 = arith.constant 0.797884583 : f32
    %mul3A_83 = vector.broadcast %mul3A_82 : f32 to vector<2560x128xf32>
    %mul3A_84 = arith.mulf %mul3A_83, %add3A_81 : vector<2560x128xf32>
    %tanh3A_85 = math.tanh %mul3A_84 : vector<2560x128xf32>
    %add3A_86 = arith.constant 1.000000e+00 : f32
    %add3A_87 = vector.broadcast %add3A_86 : f32 to vector<2560x128xf32>
    %add3A_88 = arith.addf %add3A_87, %tanh3A_85 : vector<2560x128xf32>
    %mul3A_89 = arith.constant 5.000000e-01 : f32
    %mul3A_90 = vector.broadcast %mul3A_89 : f32 to vector<2560x128xf32>
    %mul3A_91 = arith.mulf %mul3A_90, %add3A_88 : vector<2560x128xf32>
    %mul3A_92 = arith.mulf %add3A_75, %mul3A_91 : vector<2560x128xf32>
    %get3A_93 = arith.constant 0 : index
    %get3A_94 = arith.constant 0 : index
    %get3A_95 = vector.load %arg9[%get3A_93, %get3A_94] : memref<128x4xf32, #tpu.memory_space<vmem>>, vector<128x4xf32>
    %dot_general3A_96 = arith.constant dense<0.000000e+00> : vector<2560x4xf32>
    %dot_general3A_97 = tpu.matmul %mul3A_92, %get3A_95, %dot_general3A_96 {dimension_numbers = #tpu.dot_dimension_numbers<[1], [0], [0], [1], [0, 0, 1, 1], [], []>, transpose_lhs_hint = false} : vector<2560x128xf32>, vector<128x4xf32>, vector<2560x4xf32> -> vector<2560x4xf32>
    %get3A_98 = arith.constant 0 : index
    %get3A_99 = arith.constant 0 : index
    %get3A_100 = vector.load %arg10[%get3A_98, %get3A_99] : memref<1x4xf32, #tpu.memory_space<vmem>>, vector<1x4xf32>
    %add3A_101 = vector.broadcast %get3A_100 : vector<1x4xf32> to vector<2560x4xf32>
    %add3A_102 = arith.addf %dot_general3A_97, %add3A_101 : vector<2560x4xf32>
    %reduce_sum3A = arith.constant dense<0.000000e+00> : vector<2560xf32>
    %reduce_sum3A_103 = vector.multi_reduction <add>, %add3A_102, %reduce_sum3A [1] : vector<2560x4xf32> to vector<2560xf32>
    %broadcast_in_dim3A = vector.shape_cast %reduce_sum3A_103 : vector<2560xf32> to vector<2560x1xf32>
    %div3A_104 = arith.constant 4.000000e+00 : f32
    %div3A_105 = vector.broadcast %div3A_104 : f32 to vector<2560x1xf32>
    %div3A_106 = arith.divf %broadcast_in_dim3A, %div3A_105 : vector<2560x1xf32>
    %logistic3A_107 = arith.negf %div3A_106 : vector<2560x1xf32>
    %logistic3A_108 = math.exp %logistic3A_107 : vector<2560x1xf32>
    %logistic3A_109 = arith.constant 1.000000e+00 : f32
    %logistic3A_110 = vector.broadcast %logistic3A_109 : f32 to vector<2560x1xf32>
    %logistic3A_111 = arith.addf %logistic3A_110, %logistic3A_108 : vector<2560x1xf32>
    %logistic3A_112 = arith.divf %logistic3A_110, %logistic3A_111 : vector<2560x1xf32>
    %add3A_113 = arith.addf %logistic3A_112, %logistic3A_39 : vector<2560x1xf32>
    %mul3A_114 = arith.constant 5.000000e-01 : f32
    %mul3A_115 = vector.broadcast %mul3A_114 : f32 to vector<2560x1xf32>
    %mul3A_116 = arith.mulf %add3A_113, %mul3A_115 : vector<2560x1xf32>
    %mul3A_117 = vector.broadcast %mul3A_116 : vector<2560x1xf32> to vector<2560x128xf32>
    %mul3A_118 = arith.mulf %mul3A_65, %mul3A_117 : vector<2560x128xf32>
    %get3A_119 = arith.constant 0 : index
    %get3A_120 = arith.constant 0 : index
    %get3A_121 = vector.load %arg11[%get3A_119, %get3A_120] : memref<128x128xf32, #tpu.memory_space<vmem>>, vector<128x128xf32>
    %dot_general3A_122 = arith.constant dense<0.000000e+00> : vector<2560x128xf32>
    %dot_general3A_123 = tpu.matmul %mul3A_118, %get3A_121, %dot_general3A_122 {dimension_numbers = #tpu.dot_dimension_numbers<[1], [0], [0], [1], [0, 0, 1, 1], [], []>, transpose_lhs_hint = false} : vector<2560x128xf32>, vector<128x128xf32>, vector<2560x128xf32> -> vector<2560x128xf32>
    %get3A_124 = arith.constant 0 : index
    %get3A_125 = arith.constant 0 : index
    %get3A_126 = vector.load %arg12[%get3A_124, %get3A_125] : memref<1x128xf32, #tpu.memory_space<vmem>>, vector<1x128xf32>
    %add3A_127 = vector.broadcast %get3A_126 : vector<1x128xf32> to vector<2560x128xf32>
    %add3A_128 = arith.addf %dot_general3A_123, %add3A_127 : vector<2560x128xf32>
    %integer_pow3A_129 = arith.mulf %add3A_128, %add3A_128 : vector<2560x128xf32>
    %integer_pow3A_130 = arith.mulf %add3A_128, %integer_pow3A_129 : vector<2560x128xf32>
    %mul3A_131 = arith.constant 4.471500e-02 : f32
    %mul3A_132 = vector.broadcast %mul3A_131 : f32 to vector<2560x128xf32>
    %mul3A_133 = arith.mulf %mul3A_132, %integer_pow3A_130 : vector<2560x128xf32>
    %add3A_134 = arith.addf %add3A_128, %mul3A_133 : vector<2560x128xf32>
    %mul3A_135 = arith.constant 0.797884583 : f32
    %mul3A_136 = vector.broadcast %mul3A_135 : f32 to vector<2560x128xf32>
    %mul3A_137 = arith.mulf %mul3A_136, %add3A_134 : vector<2560x128xf32>
    %tanh3A_138 = math.tanh %mul3A_137 : vector<2560x128xf32>
    %add3A_139 = arith.constant 1.000000e+00 : f32
    %add3A_140 = vector.broadcast %add3A_139 : f32 to vector<2560x128xf32>
    %add3A_141 = arith.addf %add3A_140, %tanh3A_138 : vector<2560x128xf32>
    %mul3A_142 = arith.constant 5.000000e-01 : f32
    %mul3A_143 = vector.broadcast %mul3A_142 : f32 to vector<2560x128xf32>
    %mul3A_144 = arith.mulf %mul3A_143, %add3A_141 : vector<2560x128xf32>
    %mul3A_145 = arith.mulf %add3A_128, %mul3A_144 : vector<2560x128xf32>
    %get3A_146 = arith.constant 0 : index
    %get3A_147 = arith.constant 0 : index
    %get3A_148 = vector.load %arg13[%get3A_146, %get3A_147] : memref<128x128xf32, #tpu.memory_space<vmem>>, vector<128x128xf32>
    %dot_general3A_149 = arith.constant dense<0.000000e+00> : vector<2560x128xf32>
    %dot_general3A_150 = tpu.matmul %mul3A_145, %get3A_148, %dot_general3A_149 {dimension_numbers = #tpu.dot_dimension_numbers<[1], [0], [0], [1], [0, 0, 1, 1], [], []>, transpose_lhs_hint = false} : vector<2560x128xf32>, vector<128x128xf32>, vector<2560x128xf32> -> vector<2560x128xf32>
    %get3A_151 = arith.constant 0 : index
    %get3A_152 = arith.constant 0 : index
    %get3A_153 = vector.load %arg14[%get3A_151, %get3A_152] : memref<1x128xf32, #tpu.memory_space<vmem>>, vector<1x128xf32>
    %add3A_154 = vector.broadcast %get3A_153 : vector<1x128xf32> to vector<2560x128xf32>
    %add3A_155 = arith.addf %dot_general3A_150, %add3A_154 : vector<2560x128xf32>
    %integer_pow3A_156 = arith.mulf %add3A_155, %add3A_155 : vector<2560x128xf32>
    %integer_pow3A_157 = arith.mulf %add3A_155, %integer_pow3A_156 : vector<2560x128xf32>
    %mul3A_158 = arith.constant 4.471500e-02 : f32
    %mul3A_159 = vector.broadcast %mul3A_158 : f32 to vector<2560x128xf32>
    %mul3A_160 = arith.mulf %mul3A_159, %integer_pow3A_157 : vector<2560x128xf32>
    %add3A_161 = arith.addf %add3A_155, %mul3A_160 : vector<2560x128xf32>
    %mul3A_162 = arith.constant 0.797884583 : f32
    %mul3A_163 = vector.broadcast %mul3A_162 : f32 to vector<2560x128xf32>
    %mul3A_164 = arith.mulf %mul3A_163, %add3A_161 : vector<2560x128xf32>
    %tanh3A_165 = math.tanh %mul3A_164 : vector<2560x128xf32>
    %add3A_166 = arith.constant 1.000000e+00 : f32
    %add3A_167 = vector.broadcast %add3A_166 : f32 to vector<2560x128xf32>
    %add3A_168 = arith.addf %add3A_167, %tanh3A_165 : vector<2560x128xf32>
    %mul3A_169 = arith.constant 5.000000e-01 : f32
    %mul3A_170 = vector.broadcast %mul3A_169 : f32 to vector<2560x128xf32>
    %mul3A_171 = arith.mulf %mul3A_170, %add3A_168 : vector<2560x128xf32>
    %mul3A_172 = arith.mulf %add3A_155, %mul3A_171 : vector<2560x128xf32>
    %add3A_173 = arith.addf %mul3A_172, %mul3A_118 : vector<2560x128xf32>
    %get3A_174 = arith.constant 0 : index
    %get3A_175 = arith.constant 0 : index
    %get3A_176 = vector.load %arg15[%get3A_174, %get3A_175] : memref<1x128xf32, #tpu.memory_space<vmem>>, vector<1x128xf32>
    %sub3A = vector.broadcast %get3A_176 : vector<1x128xf32> to vector<2560x128xf32>
    %sub3A_177 = arith.subf %add3A_173, %sub3A : vector<2560x128xf32>
    %get3A_178 = arith.constant 0 : index
    %get3A_179 = arith.constant 0 : index
    %get3A_180 = vector.load %arg16[%get3A_178, %get3A_179] : memref<1x128xf32, #tpu.memory_space<vmem>>, vector<1x128xf32>
    %add3A_181 = arith.constant 9.99999974E-6 : f32
    %add3A_182 = vector.broadcast %add3A_181 : f32 to vector<1x128xf32>
    %add3A_183 = arith.addf %get3A_180, %add3A_182 : vector<1x128xf32>
    %sqrt3A = math.sqrt %add3A_183 : vector<1x128xf32>
    %div3A_184 = vector.broadcast %sqrt3A : vector<1x128xf32> to vector<2560x128xf32>
    %div3A_185 = arith.divf %sub3A_177, %div3A_184 : vector<2560x128xf32>
    %get3A_186 = arith.constant 0 : index
    %get3A_187 = arith.constant 0 : index
    %get3A_188 = vector.load %arg17[%get3A_186, %get3A_187] : memref<1x128xf32, #tpu.memory_space<vmem>>, vector<1x128xf32>
    %mul3A_189 = vector.broadcast %get3A_188 : vector<1x128xf32> to vector<2560x128xf32>
    %mul3A_190 = arith.mulf %div3A_185, %mul3A_189 : vector<2560x128xf32>
    %get3A_191 = arith.constant 0 : index
    %get3A_192 = arith.constant 0 : index
    %get3A_193 = vector.load %arg18[%get3A_191, %get3A_192] : memref<1x128xf32, #tpu.memory_space<vmem>>, vector<1x128xf32>
    %add3A_194 = vector.broadcast %get3A_193 : vector<1x128xf32> to vector<2560x128xf32>
    %add3A_195 = arith.addf %mul3A_190, %add3A_194 : vector<2560x128xf32>
    %get3A_196 = arith.constant 0 : index
    %get3A_197 = arith.constant 0 : index
    %get3A_198 = vector.load %arg19[%get3A_196, %get3A_197] : memref<128x1xf32, #tpu.memory_space<vmem>>, vector<128x1xf32>
    %dot_general3A_199 = arith.constant dense<0.000000e+00> : vector<2560x1xf32>
    %dot_general3A_200 = tpu.matmul %add3A_195, %get3A_198, %dot_general3A_199 {dimension_numbers = #tpu.dot_dimension_numbers<[1], [0], [0], [1], [0, 0, 1, 1], [], []>, transpose_lhs_hint = false} : vector<2560x128xf32>, vector<128x1xf32>, vector<2560x1xf32> -> vector<2560x1xf32>
    %get3A_201 = arith.constant 0 : index
    %get3A_202 = arith.constant 0 : index
    %get3A_203 = vector.load %arg20[%get3A_201, %get3A_202] : memref<1x1xf32, #tpu.memory_space<vmem>>, vector<1x1xf32>
    %add3A_204 = vector.broadcast %get3A_203 : vector<1x1xf32> to vector<2560x1xf32>
    %add3A_205 = arith.addf %dot_general3A_200, %add3A_204 : vector<2560x1xf32>
    %logistic3A_206 = arith.negf %add3A_205 : vector<2560x1xf32>
    %logistic3A_207 = math.exp %logistic3A_206 : vector<2560x1xf32>
    %logistic3A_208 = arith.constant 1.000000e+00 : f32
    %logistic3A_209 = vector.broadcast %logistic3A_208 : f32 to vector<2560x1xf32>
    %logistic3A_210 = arith.addf %logistic3A_209, %logistic3A_207 : vector<2560x1xf32>
    %logistic3A_211 = arith.divf %logistic3A_209, %logistic3A_210 : vector<2560x1xf32>
    %swap3A = arith.constant 0 : index
    %swap3A_212 = arith.constant 0 : index
    %swap3A_213 = vector.load %arg21[%swap3A, %swap3A_212] : memref<2560x1xf32, #tpu.memory_space<vmem>>, vector<2560x1xf32>
    tpu.vector_store %arg21[%swap3A, %swap3A_212], %logistic3A_211 {strides = array<i32>} : memref<2560x1xf32, #tpu.memory_space<vmem>>, vector<2560x1xf32>,
    %swap3A_214 = arith.constant 0 : index
    %swap3A_215 = arith.constant 0 : index
    %swap3A_216 = vector.load %arg22[%swap3A_214, %swap3A_215] : memref<2560x1xf32, #tpu.memory_space<vmem>>, vector<2560x1xf32>
    tpu.vector_store %arg22[%swap3A_214, %swap3A_215], %mul3A_116 {strides = array<i32>} : memref<2560x1xf32, #tpu.memory_space<vmem>>, vector<2560x1xf32>,
    return
  }
}

</mosaic_0001>

<sc_bundles>
// kernel: kernel.13.cloned.1.call-start
scs
__scs_entry_jumppad:
0x0: {  	(pc) =	sbr.rel $0x88, $3  }
0x1: {  	(tag) =	ssettag $0x0;
	lr =	simm.s32 $0x1  }
0x2: {  	[smem:$0x3F72] =	sst lr;
	_ =	strace $0xD0000000  }
0x3: {  	_ = 	snop  }
0x4: {  	_ = 	snop  }
0x5: {  	_ = 	snop  }
0x6: {  	_ = 	snop  }
0x7: {  	_ = 	snop  }
__scs_overlays_trampoline_lowered:
0x8: {  	[smem:$0x3F81] =	sst s0  }
0x9: {  	[smem:$0x3F82] =	sst s1  }
0xa: {  	[smem:$0x3F83] =	sst s2  }
0xb: {  	[smem:$0x3F84] =	sst s3  }
0xc: {  	[smem:$0x3F85] =	sst s4  }
0xd: {  	[smem:$0x3F86] =	sst s5  }
0xe: {  	[smem:$0x3F87] =	sst s6  }
0xf: {  	[smem:$0x3F88] =	sst s7  }
0x10: {  	[smem:$0x3F89] =	sst s8  }
0x11: {  	[smem:$0x3F8A] =	sst s9;
	s0 =	simm.s32 @!p0 $0x0  }
0x12: {  	s1 =	sld [smem:$0x3F70];
	s0 =	simm.s32 @p0 $0x1  }
0x13: {  	[smem:$0x3F8B] =	sst s0;
	s0 =	simm.s32 @!p1 $0x0  }
0x14: {  	s2 =	sld [smem:$0x3F6F];
	s0 =	simm.s32 @p1 $0x1  }
0x15: {  	[smem:$0x3F8C] =	sst s0;
	s0 =	simm.s32 @!p2 $0x0  }
0x16: {  	s3 =	sld [smem:$0x3FDB];
	s0 =	simm.s32 @p2 $0x1  }
0x17: {  	s4 =	simm.s32 $0x1BF5;
	[smem:$0x3F8E] =	sst s0  }
0x18: {  	s0 =	sld [smem:$0x3F71];
	_ =	swait.ge [sflag:s4], $0x0  }
0x19: {  	s7 =	sld [smem:$0x3F72]  }
0x1a: {  	s8 =	sadd.s32 $0xFFFFE003, lr  }
0x1b: {  	s9 =	sadd.s32 $0xFFFFFEF7, lr;
	s5 =	simm.s32 $0xFFFFFFFF;
	p2 =	slt.u32 s8, $0xFFFFF086  }
0x1c: {  	p1 =	slt.u32 s9, $0xF7A;
	s5 =	simm.s32 @!p2 $0x0  }
0x1d: {  	s5 =	simm.s32 @p1 $0x1;
	p0 =	seq.s32 s7, s2  }
0x1e: {  	s7 =	smul.u32 @!p0 $0xF7A, s2;
	p2 =	seq.s32 @!p0 s5, $0x0  }
0x1f: {  	s9 =	smul.u32 $0xF7A, s1;
	s8 =	simm.s32 @!p0 $0x1BF5;
	p2 =	por !p2, p0  }
0x20: {  	[sflag:s8] =	ssyncset.s32 @!p0 $0xFFFFF086;
	s6 =	sadd.s32 @!p0 s3, s7;
	s7 =	simm.s32 @!p0 $0x108  }
0x21: {  	s3 =	sadd.s32 s3, s9;
	s6 =	sadd.s32 @!p0 $0x88, s6;
	s7 =	simm.s32 @p2 $0x1082  }
0x22: {  	[simem:s7], [sflag:s8] =	dma.local @!p0 [hbm:s6], $0xF7A  }
0x23: {  	s9 =	sor.u32 $0xD0000000, s2;
	s6 =	simm.s32 $0x108;
	_ =	swait.ge @!p0 [sflag:s8], $0x0  }
0x24: {  	s3 =	sadd.s32 $0x88, s3;
	s6 =	simm.s32 @!p1 $0x1082;
	[sflag:s4] =	ssyncset.s32 $0xFFFFF086  }
0x25: {  	[simem:s6], [sflag:s4] =	dma.local [hbm:s3], $0xF7A  }
0x26: {  	[smem:$0x3F72] =	sst s1;
	(tag) =	ssettag s2;
	_ =	strace s9  }
0x27: {  	s1 =	sld [smem:$0x3F82]  }
0x28: {  	s2 =	sld [smem:$0x3F83]  }
0x29: {  	s4 =	sld [smem:$0x3F85]  }
0x2a: {  	p0 =	seq.s32 s5, $0x0;
	s5 =	sld [smem:$0x3F86]  }
0x2b: {  	s6 =	sld [smem:$0x3F87]  }
0x2c: {  	s7 =	sld [smem:$0x3F88]  }
0x2d: {  	s3 =	simm.s32 $0x108;
	s8 =	sld [smem:$0x3F89]  }
0x2e: {  	s3 =	simm.s32 @!p0 $0x1082;
	s9 =	sld [smem:$0x3F8A]  }
0x2f: {  	lr =	sadd.s32 s0, s3;
	s0 =	sld [smem:$0x3F81]  }
0x30: {  	s3 =	sld [smem:$0x3F84]  }
0x31: {  	[smem:$0x3F8D] =	sst s10  }
0x32: {  	s10 =	sld [smem:$0x3F8B];
	_ =	sdelay $0x3  }
0x33: {  	p0 =	seq.s32 s10, $0x1;
	s10 =	sld [smem:$0x3F8D];
	_ =	sdelay $0x3  }
0x34: {  	[smem:$0x3F8D] =	sst s10  }
0x35: {  	s10 =	sld [smem:$0x3F8C];
	_ =	sdelay $0x3  }
0x36: {  	p1 =	seq.s32 s10, $0x1;
	s10 =	sld [smem:$0x3F8D];
	_ =	sdelay $0x3  }
0x37: {  	[smem:$0x3F8D] =	sst s10  }
0x38: {  	s10 =	sld [smem:$0x3F8E]  }
0x39: {  	_ = 	snop;
	(pc) =	sbr.ind lr, $3  }
0x3a: {  	_ = 	snop  }
0x3b: {  	_ = 	snop  }
0x3c: {  	p2 =	seq.s32 s10, $0x1;
	s10 =	sld [smem:$0x3F8D]  }
0x3d: {  	_ =	shalt  }
0x3e: {  	_ =	shalt  }
0x3f: {  	_ =	shalt  }
0x40: {  	_ =	shalt  }
0x41: {  	_ =	shalt  }
0x42: {  	_ =	shalt  }
0x43: {  	_ =	shalt  }
0x44: {  	_ =	shalt  }
0x45: {  	_ =	shalt  }
0x46: {  	_ =	shalt  }
0x47: {  	_ =	shalt  }
0x48: {  	_ =	shalt  }
0x49: {  	_ =	shalt  }
0x4a: {  	_ =	shalt  }
0x4b: {  	_ =	shalt  }
0x4c: {  	_ =	shalt  }
0x4d: {  	_ =	shalt  }
0x4e: {  	_ =	shalt  }
0x4f: {  	_ =	shalt  }
0x50: {  	_ =	shalt  }
0x51: {  	_ =	shalt  }
0x52: {  	_ =	shalt  }
0x53: {  	_ =	shalt  }
0x54: {  	_ =	shalt  }
0x55: {  	_ =	shalt  }
0x56: {  	_ =	shalt  }
0x57: {  	_ =	shalt  }
0x58: {  	_ =	shalt  }
0x59: {  	_ =	shalt  }
0x5a: {  	_ =	shalt  }
0x5b: {  	_ =	shalt  }
0x5c: {  	_ =	shalt  }
0x5d: {  	_ =	shalt  }
0x5e: {  	_ =	shalt  }
0x5f: {  	_ =	shalt  }
0x60: {  	_ =	shalt  }
0x61: {  	_ =	shalt  }
0x62: {  	_ =	shalt  }
0x63: {  	_ =	shalt  }
0x64: {  	_ =	shalt  }
0x65: {  	_ =	shalt  }
0x66: {  	_ =	shalt  }
0x67: {  	_ =	shalt  }
0x68: {  	_ =	shalt  }
0x69: {  	_ =	shalt  }
0x6a: {  	_ =	shalt  }
0x6b: {  	_ =	shalt  }
0x6c: {  	_ =	shalt  }
0x6d: {  	_ =	shalt  }
0x6e: {  	_ =	shalt  }
0x6f: {  	_ =	shalt  }
0x70: {  	_ =	shalt  }
0x71: {  	_ =	shalt  }
0x72: {  	_ =	shalt  }
0x73: {  	_ =	shalt  }
0x74: {  	_ =	shalt  }
0x75: {  	_ =	shalt  }
0x76: {  	_ =	shalt  }
0x77: {  	_ =	shalt  }
0x78: {  	_ =	shalt  }
0x79: {  	_ =	shalt  }
0x7a: {  	_ =	shalt  }
0x7b: {  	_ =	shalt  }
0x7c: {  	_ =	shalt  }
0x7d: {  	_ =	shalt  }
0x7e: {  	_ =	shalt  }
0x7f: {  	_ =	shalt  }
0x80: {  	_ =	shalt  }
0x81: {  	_ =	shalt  }
0x82: {  	_ =	shalt  }
0x83: {  	_ =	shalt  }
0x84: {  	_ =	shalt  }
0x85: {  	_ =	shalt  }
0x86: {  	_ =	shalt  }
0x87: {  	_ =	shalt  }
.Lfunc_end0:
.L_simem_size_0:
called_computation_lowered:
.L_overlay_start_0:
0x88: {  	s2 =	sld [smem:$0x3FD9]  }
0x89: {  	s3 =	sld [smem:$0x3FFE];
	_ =	sdelay $0x1  }
0x8a: {  	s1 =	srdreg.scid  }
0x8b: {  	s0 =	sand.u32 $0x1, s1  }
0x8c: {  	s17 =	sshll.u32 s0, $0xA;
	s2 =	sadd.s32 s3, s2  }
0x8d: {  	s2 =	sadd.s32 s2, s17  }
0x8e: {  	[smem:$0x3F99] =	sst s2  }
0x8f: {  	_ = 	snop  }
0x90: {  	s2 =	sld [smem:$0x3FC8]  }
0x91: {  	s18 =	sld [smem:$0x3FC7];
	(tm) =	ssettm $0x1  }
0x92: {  	s4 =	sld [smem:$0x3FFB];
	_ =	sdelay $0x3  }
0x93: {  	_ =	strace s4  }
0x94: {  	s4 =	sld [smem:$0x3FFC];
	_ =	sdelay $0x3  }
0x95: {  	_ =	strace s4  }
0x96: {  	s4 =	sld [smem:$0x3FFD];
	_ =	sdelay $0x3  }
0x97: {  	_ =	strace s4  }
0x98: {  	_ =	strace $0x8FFFFFFF  }
0x99: {  	s19 =	sld [smem:$0x3FDB];
	_ =	sdelay $0x1  }
0x9a: {  	s5 =	simm.s32 $_scs_section_size  }
0x9b: {  	s6 =	simm.s32 $_size__tile_overlayer_lowered;
	s7 =	simm.s32 $_tile_overlayer_lowered  }
0x9c: {  	s22 =	simm.s32 $0x1BFF;
	s21 =	sshll.u32 s7, $0x1;
	s4 =	sadd.s32 s5, s19  }
0x9d: {  	s8 =	simm.s32 $0x0;
	s20 =	sshll.u32 s6, $0x1;
	s6 =	sadd.s32 s21, s4  }
0x9e: {  	[timem:s8], [sflag:s22] =	dma.local [hbm:s6], s20  }
0x9f: {  	_ =	swait.ge [sflag:s22], s20  }
0xa0: {  	s5 =	ssub.s32 $0x0, s20;
	[sflag:s22] =	ssyncset.done $0x0  }
0xa1: {  	[sflag:s22] =	ssyncadd.s32 s5;
	_ =	sdelay $0x1  }
0xa2: {  	s23 =	simm.s32 $0x1B8B  }
0xa3: {  	_ =	swait.ge [sflag:s23], $0x1  }
0xa4: {  	[sflag:s23] =	ssyncset.done $0x0  }
0xa5: {  	s25 =	simm.s32 $0x1B8E;
	s24 =	sld [smem:$0x3FFE];
	[sflag:s23] =	ssyncadd.s32 $0xFFFFFFFF  }
0xa6: {  	s26 =	simm.s32 $execute0_lowered;
	[smem:$0x3FD2] =	sst s25  }
0xa7: {  	s6 =	sshll.u32 s26, $0x1;
	_ =	strace $0x80000046;
	[dreg:$0x1] =	wrdreg $0xFFFFFFFF  }
0xa8: {  	s28 =	simm.s32 $_size_execute0_lowered;
	s4 =	sadd.s32 s4, s6;
	[dreg:$0x0] =	wrdreg $0x0  }
0xa9: {  	s6 =	sshll.u32 s28, $0x1;
	[dreg:$0x2] =	wrdreg s4  }
0xaa: {  	[dreg:$0x3] =	wrdreg s6  }
0xab: {  	[dreg:$0x4] =	wrdreg $0xC0  }
0xac: {  	_ =	task [dreg:s8], $0x5FFFF  }
0xad: {  	[dreg:$0x1] =	wrdreg $0xFFFFFFFF  }
0xae: {  	[dreg:$0x0] =	wrdreg $0x60  }
0xaf: {  	[dreg:$0x2] =	wrdreg s24  }
0xb0: {  	[dreg:$0x3] =	wrdreg s2  }
0xb1: {  	[dreg:$0x4] =	wrdreg s18  }
0xb2: {  	[dreg:$0x5] =	wrdreg $0xA8200  }
0xb3: {  	[dreg:$0x6] =	wrdreg $0xF8200  }
0xb4: {  	[dreg:$0x7] =	wrdreg $0x102200  }
0xb5: {  	[dreg:$0x8] =	wrdreg $0x9  }
0xb6: {  	_ =	task.clear_ibuf [dreg:s8], $0x9FFFF;
	_ =	strace $0x90000046  }
0xb7: {  	s29 =	simm.s32 $0x9;
	_ =	strace $0x80000048  }
0xb8: {  	_ =	swait.ge [sflag:s29], $0x1  }
0xb9: {  	[sflag:s29] =	ssyncadd.s32 $0xFFFFFFFF  }
0xba: {  	_ =	strace $0x90000048  }
0xbb: {  	_ =	sfence  }
0xbc: {  	s30 =	sld [smem:$0x0];
	_ =	sdelay $0x2  }
0xbd: {  	s31 =	sshll.u32 s1, $0xD;
	s1 =	sshrl.u32 s1, $0x2  }
0xbe: {  	s3 =	sand.u32 $0x4000, s31;
	s1 =	sadd.s32 s1, s30  }
0xbf: {  	s0 =	sor.u32 s3, s0;
	s1 =	sshll.u32 s1, $0x11  }
0xc0: {  	s0 =	sor.u32 s1, s0  }
0xc1: {  	s0 =	sadd.s32 $0x8F2B, s0  }
0xc2: {  	[sflag:s0] =	ssyncadd.remote.s32 $0x1  }
0xc3: {  	_ =	sfence.sel $0xFFFF  }
0xc4: {  	[dreg:$0x0] =	wrdreg $0xFFFFFFFF;
	(pc) =	sbr.abs _section_cstart, $3  }
0xc5: {  	[dreg:$0x1] =	wrdreg $0xFFFFFFFF  }
0xc6: {  	_ =	task.clear_ibuf [dreg:s8], $0x2FFFF;
	_ =	strace $0x9FFFFFFF  }
0xc7: {  	(tm) =	ssettm $0x7FFFFFFF  }
tec
execute0_lowered:
.L_overlay_start_1:
0x0: {  	(tag) =	ssettag $0x1  }
0x1: {  	s0 =	rddreg [dreg:$0x0]  }
0x2: {  	s2 =	rddreg [dreg:$0x1];
	s17 =	stileid.u32  }
0x3: {  	s5 =	rddreg [dreg:$0x2];
	s8 =	smul.u32 $0x5000, s17  }
0x4: {  	s1 =	rddreg [dreg:$0x3];
	s10 =	smul.u32 $0xA00, s17  }
0x5: {  	s3 =	rddreg [dreg:$0x4];
	s12 =	smul.u32 $0x2780, s17  }
0x6: {  	s6 =	srdreg.scid;
	s25 =	smul.u32 $0x2710, s17  }
0x7: {  	s4 =	rddreg [dreg:$0x5];
	s7 =	sand.u32 $0x1, s6;
	s16 =	smul.u32 $0xA0, s17  }
0x8: {  	s21 =	simm.s32 $0x0;
	s28 =	simm.s32 $0x4E20;
	s9 =	smul.u32 $0x50000, s7  }
0x9: {  	s29 =	simm.s32 $0xA320;
	s30 =	simm.s32 $0x50;
	s11 =	smul.u32 $0xA000, s7  }
0xa: {  	s31 =	simm.s32 $0x9E20;
	[smem:$0x7FF] =	sst s21;
	s13 =	smul.u32 $0x27800, s7  }
0xb: {  	s6 =	sadd.s32 $0x8E00, s0;
	s23 =	smul.u32 $0x27100, s7;
	s7 =	ssub.s32 $0x2, s7  }
0xc: {  	s20 =	smul.u32 $0x9E00, s17;
	_ =	strace $0x80000047;
	s26 =	sshrl.u32 s7, $0x1  }
0xd: {  	s18 =	sadd.s32 $0x50, s16;
	s9 =	sadd.s32 s8, s9;
	s11 =	sadd.s32 s10, s11  }
0xe: {  	s24 =	sadd.s32 s12, s13;
	s7 =	ssub.s32 s7, s26;
	s19 =	sshll.u32 s18, $0x7  }
0xf: {  	s21 =	sshll.u32 s18, $0x4;
	s9 =	sshrl.u32 s9, $0x3;
	s22 =	sshrl.u32 s11, $0x3  }
0x10: {  	s11 =	sadd.s32 s25, s23;
	s14 =	sadd.s32 s9, s0;
	s15 =	sadd.s32 s22, s0  }
0x11: {  	s9 =	sshrl.u32 s24, $0x3;
	s13 =	sshrl.u32 s11, $0x3;
	s11 =	sadd.s32 s10, s3  }
0x12: {  	s22 =	sshrl.u32 s20, $0x2;
	s10 =	simm.s32 $0x0;
	s0 =	sadd.s32 s9, s0  }
0x13: {  	s2 =	sadd.s32 s2, s13;
	s5 =	sadd.s32 s5, s13;
	s9 =	sadd.s32 s8, s1  }
0x14: {  	s13 =	sadd.s32 s12, s4;
	s23 =	sadd.s32 s22, s4;
	[dreg:$0x7] =	wrdreg s2  }
0x15: {  	s22 =	sadd.s32 $0x30000, s15;
	s8 =	simm.s32 $0x2;
	[dreg:$0x8] =	wrdreg s5  }
0x16: {  	s2 =	sadd.s32 s19, s1;
	s5 =	sadd.s32 $0x500, s23;
	s24 =	sadd.s32 $0xA00, s23  }
0x17: {  	s25 =	sadd.s32 $0xF00, s23;
	s26 =	sadd.s32 $0x1400, s23;
	[dreg:$0x9] =	wrdreg s2  }
0x18: {  	s18 =	sadd.s32 $0x1900, s23;
	s19 =	sadd.s32 $0x1E00, s23;
	[dreg:$0xb] =	wrdreg s5  }
0x19: {  	s20 =	sadd.s32 $0x2300, s23;
	s23 =	sadd.s32 $0x46800, s0;
	[dreg:$0xc] =	wrdreg s24  }
0x1a: {  	s0 =	simm.s32 $0x1;
	s2 =	sadd.s32 s21, s3;
	[dreg:$0xd] =	wrdreg s25  }
0x1b: {  	[dreg:$0xe] =	wrdreg s26;
	s21 =	sadd.s32 $0x32800, s14;
	s24 =	smax.u32 s7, $0x1  }
0x1c: {  	s25 =	simm.s32 $0x5;
	s26 =	simm.s32 $0x2710;
	s5 =	simm.s32 $0x3  }
0x1d: {  	v0 =	vimm.f32 $0.0e+00;
	v1 =	vimm.f32 $1.000000000e+00;
	s7 =	simm.s32 $0x4;
	[dreg:$0xa] =	wrdreg s2;
	s2 =	simm.s32 $0x7620  }
.LBB2_1:
0x1e: {  	s12 =	simm.s32 $0x0;
	s14 =	rddreg [dreg:$0x7]  }
0x1f: {  	[tilespmem:s12], [sflag:$0x5] =	stream.linear.gather [hbm4b:s14+s12], $0x2710, $0x38;
	[tilespmem:$0x129A0] =	vst v63  }
0x20: {  	_ =	swait.ge [sflag:s25], $0x2710  }
0x21: {  	[sflag:s25] =	ssyncset.done $0x0  }
0x22: {  	s17 =	rddreg [dreg:$0x8];
	[sflag:s25] =	ssyncadd.s32 $0xFFFFD8F0  }
0x23: {  	[tilespmem:s26], [sflag:$0x5] =	stream.linear.gather [hbm4b:s17+s12], $0x2710, $0x38;
	[tilespmem:$0x129A0] =	vst v63  }
0x24: {  	_ =	swait.ge [sflag:s25], $0x2710  }
0x25: {  	[sflag:s25] =	ssyncset.done $0x0  }
0x26: {  	s14 =	simm.s32 $0x200;
	s12 =	simm.s32 $0x0;
	[sflag:s25] =	ssyncadd.s32 $0xFFFFD8F0  }
.LBB2_2:
0x27: {  	p0 =	sne.s32 s14, $0x9E00;
	[tilespmem:s12+$0x4E90] =	vst v0  }
0x28: {  	[tilespmem:s12+$0x4E20] =	vst v0  }
0x29: {  	[tilespmem:s12+$0x4E30] =	vst v0  }
.Ltmp0:
0x2a: {  	[tilespmem:s12+$0x4E40] =	vst v0;
	(pc) =	sbr.rel @p0 .LBB2_2-.Ltmp0, $4  }
0x2b: {  	[tilespmem:s12+$0x4E50] =	vst v0  }
0x2c: {  	[tilespmem:s12+$0x4E60] =	vst v0  }
0x2d: {  	[tilespmem:s12+$0x4E70] =	vst v0  }
0x2e: {  	[tilespmem:s12+$0x4E80] =	vst v0;
	s12 =	sshra.s32 s14, $0x2;
	s14 =	sadd.s32 $0x200, s14  }
0x2f: {  	[tilespmem:s12+$0x4E90] =	vst v0  }
0x30: {  	[tilespmem:s12+$0x4E20] =	vst v0  }
0x31: {  	[tilespmem:s12+$0x4E30] =	vst v0  }
0x32: {  	[tilespmem:s12+$0x4E40] =	vst v0  }
0x33: {  	[tilespmem:s12+$0x4E50] =	vst v0  }
0x34: {  	[tilespmem:s12+$0x4E60] =	vst v0  }
0x35: {  	[tilespmem:s12+$0x4E70] =	vst v0  }
0x36: {  	[tilespmem:s12+$0x4E80] =	vst v0  }
0x37: {  	[spmem:s9] =	stream.linear.scatter [tilespmem:s28], [sflag:$0x5], $0x2800, $0x38;
	[tilespmem:$0x129A0] =	vst v63  }
0x38: {  	_ =	swait.ge [sflag:s25], $0x2800  }
0x39: {  	[sflag:s25] =	ssyncset.done $0x0  }
0x3a: {  	s17 =	rddreg [dreg:$0x9];
	[sflag:s25] =	ssyncadd.s32 $0xFFFFD800  }
0x3b: {  	[spmem:s17] =	stream.linear.scatter [tilespmem:s28], [sflag:$0x5], $0x2800, $0x38;
	[tilespmem:$0x129A0] =	vst v63  }
0x3c: {  	_ =	swait.ge [sflag:s25], $0x2800  }
0x3d: {  	[sflag:s25] =	ssyncset.done $0x0  }
0x3e: {  	s12 =	simm.s32 $0x40;
	s14 =	simm.s32 $0x0;
	[sflag:s25] =	ssyncadd.s32 $0xFFFFD800  }
.LBB2_4:
0x3f: {  	p0 =	sne.s32 s12, $0x13C0;
	[tilespmem:s14+$0x9E20] =	vst v1;
	s15 =	smov.u32 s12;
	s12 =	sadd.s32 $0x40, s12  }
.Ltmp1:
0x40: {  	[tilespmem:s14+$0xA320] =	vst v0;
	(pc) =	sbr.rel @p0 .LBB2_4-.Ltmp1, $2  }
0x41: {  	_ =	sdelay $0x2  }
0x42: {  	s14 =	sshra.s32 s15, $0x2  }
0x43: {  	[tilespmem:s14+$0x9E20] =	vst v1  }
0x44: {  	[tilespmem:s14+$0xA320] =	vst v0  }
0x45: {  	[spmem:s11] =	stream.linear.scatter [tilespmem:s29], [sflag:$0x5], $0x500, $0x38;
	[tilespmem:$0x129A0] =	vst v63  }
0x46: {  	_ =	swait.ge [sflag:s25], $0x500  }
0x47: {  	[sflag:s25] =	ssyncset.done $0x0  }
0x48: {  	s12 =	rddreg [dreg:$0xa];
	[sflag:s25] =	ssyncadd.s32 $0xFFFFFB00  }
0x49: {  	[spmem:s12] =	stream.linear.scatter [tilespmem:s29], [sflag:$0x5], $0x500, $0x38;
	[tilespmem:$0x129A0] =	vst v63  }
0x4a: {  	_ =	swait.ge [sflag:s25], $0x500  }
0x4b: {  	[sflag:s25] =	ssyncset.done $0x0  }
0x4c: {  	[sflag:s25] =	ssyncadd.s32 $0xFFFFFB00  }
0x4d: {  	[spmem:s13] =	stream.linear.scatter [tilespmem:s29], [sflag:$0x5], $0x500, $0x38;
	[tilespmem:$0x129A0] =	vst v63  }
0x4e: {  	_ =	swait.ge [sflag:s25], $0x500  }
0x4f: {  	[sflag:s25] =	ssyncset.done $0x0  }
0x50: {  	s15 =	rddreg [dreg:$0xb];
	[sflag:s25] =	ssyncadd.s32 $0xFFFFFB00  }
0x51: {  	[spmem:s15] =	stream.linear.scatter [tilespmem:s29], [sflag:$0x5], $0x500, $0x38;
	[tilespmem:$0x129A0] =	vst v63  }
0x52: {  	_ =	swait.ge [sflag:s25], $0x500  }
0x53: {  	[sflag:s25] =	ssyncset.done $0x0  }
0x54: {  	s16 =	rddreg [dreg:$0xc];
	[sflag:s25] =	ssyncadd.s32 $0xFFFFFB00  }
0x55: {  	[spmem:s16] =	stream.linear.scatter [tilespmem:s29], [sflag:$0x5], $0x500, $0x38;
	[tilespmem:$0x129A0] =	vst v63  }
0x56: {  	_ =	swait.ge [sflag:s25], $0x500  }
0x57: {  	[sflag:s25] =	ssyncset.done $0x0  }
0x58: {  	s17 =	rddreg [dreg:$0xd];
	[sflag:s25] =	ssyncadd.s32 $0xFFFFFB00  }
0x59: {  	[spmem:s17] =	stream.linear.scatter [tilespmem:s29], [sflag:$0x5], $0x500, $0x38;
	[tilespmem:$0x129A0] =	vst v63  }
0x5a: {  	_ =	swait.ge [sflag:s25], $0x500  }
0x5b: {  	[sflag:s25] =	ssyncset.done $0x0  }
0x5c: {  	s14 =	rddreg [dreg:$0xe];
	[sflag:s25] =	ssyncadd.s32 $0xFFFFFB00  }
0x5d: {  	[spmem:s14] =	stream.linear.scatter [tilespmem:s29], [sflag:$0x5], $0x500, $0x38;
	[tilespmem:$0x129A0] =	vst v63  }
0x5e: {  	_ =	swait.ge [sflag:s25], $0x500  }
0x5f: {  	[sflag:s25] =	ssyncset.done $0x0  }
0x60: {  	[sflag:s25] =	ssyncadd.s32 $0xFFFFFB00  }
0x61: {  	[spmem:s18] =	stream.linear.scatter [tilespmem:s29], [sflag:$0x5], $0x500, $0x38;
	[tilespmem:$0x129A0] =	vst v63  }
0x62: {  	_ =	swait.ge [sflag:s25], $0x500  }
0x63: {  	[sflag:s25] =	ssyncset.done $0x0  }
0x64: {  	[sflag:s25] =	ssyncadd.s32 $0xFFFFFB00  }
0x65: {  	[spmem:s19] =	stream.linear.scatter [tilespmem:s29], [sflag:$0x5], $0x500, $0x38;
	[tilespmem:$0x129A0] =	vst v63  }
0x66: {  	_ =	swait.ge [sflag:s25], $0x500  }
0x67: {  	[sflag:s25] =	ssyncset.done $0x0  }
0x68: {  	[sflag:s25] =	ssyncadd.s32 $0xFFFFFB00  }
0x69: {  	[spmem:s20] =	stream.linear.scatter [tilespmem:s29], [sflag:$0x5], $0x480, $0x38;
	[tilespmem:$0x129A0] =	vst v63  }
0x6a: {  	_ =	swait.ge [sflag:s25], $0x480  }
0x6b: {  	[sflag:s25] =	ssyncset.done $0x0  }
0x6c: {  	[sflag:s25] =	ssyncadd.s32 $0xFFFFFB80  }
0x6d: {  	s15 =	simm.s32 $0x0;
	[bflag:$0x0] =	sbarrier.arrive $0xFFFF  }
0x6e: {  	[tilespmem:s28], [sflag:$0x1] =	stream.indirect.gather [hbm4b:s6+s30], $0x80, s15, s30, $0xb8;
	[tilespmem:$0x129A0] =	vst v63  }
0x6f: {  	_ = 	snop  }
0x70: {  	[spmem:s3] =	stream.indirect.scatter.add.f32 [tilespmem:s31], [sflag:$0x3], $0x10, s26, s30, $0xb8;
	[tilespmem:$0x129A0] =	vst v63  }
0x71: {  	_ = 	snop  }
0x72: {  	[spmem:s4] =	stream.indirect.scatter.add.f32 [tilespmem:s31], [sflag:$0x4], $0x10, s15, s30, $0xb8;
	[tilespmem:$0x129A0] =	vst v63  }
0x73: {  	s16 =	simm.s32 $0x50  }
0x74: {  	[tilespmem:s2], [sflag:$0x2] =	stream.indirect.gather [hbm4b:s6+s30], $0x80, s16, s30, $0xb8;
	[tilespmem:$0x129A0] =	vst v63  }
0x75: {  	_ =	swait.ge [sflag:s0], $0x2800  }
0x76: {  	[sflag:s0] =	ssyncset.done $0x0  }
0x77: {  	s17 =	simm.s32 $0x2710;
	[sflag:s0] =	ssyncadd.s32 $0xFFFFD800  }
0x78: {  	[spmem:s1] =	stream.indirect.scatter.add.f32 [tilespmem:s28], [sflag:$0x5], $0x80, s17, s30, $0xb8;
	[tilespmem:$0x129A0] =	vst v63  }
0x79: {  	_ =	swait.ge [sflag:s25], $0x2800  }
0x7a: {  	[sflag:s25] =	ssyncset.done $0x0  }
0x7b: {  	[sflag:s25] =	ssyncadd.s32 $0xFFFFD800  }
0x7c: {  	_ =	swait.ge [sflag:s5], $0x500  }
0x7d: {  	[sflag:s5] =	ssyncset.done $0x0  }
0x7e: {  	[sflag:s5] =	ssyncadd.s32 $0xFFFFFB00  }
0x7f: {  	_ =	swait.ge [sflag:s7], $0x500  }
0x80: {  	[sflag:s7] =	ssyncset.done $0x0  }
0x81: {  	s15 =	simm.s32 $0x2760;
	[sflag:s7] =	ssyncadd.s32 $0xFFFFFB00  }
0x82: {  	[spmem:s3] =	stream.indirect.scatter.add.f32 [tilespmem:s31], [sflag:$0x3], $0x10, s15, s30, $0xb8;
	[tilespmem:$0x129A0] =	vst v63  }
0x83: {  	_ = 	snop  }
0x84: {  	[spmem:s4] =	stream.indirect.scatter.add.f32 [tilespmem:s31], [sflag:$0x4], $0x10, s16, s30, $0xb8;
	[tilespmem:$0x129A0] =	vst v63  }
0x85: {  	s16 =	simm.s32 $0xA0  }
0x86: {  	[tilespmem:s28], [sflag:$0x1] =	stream.indirect.gather [hbm4b:s6+s30], $0x80, s16, s30, $0xb8;
	[tilespmem:$0x129A0] =	vst v63  }
0x87: {  	_ =	swait.ge [sflag:s8], $0x2800  }
0x88: {  	[sflag:s8] =	ssyncset.done $0x0  }
0x89: {  	[sflag:s8] =	ssyncadd.s32 $0xFFFFD800  }
0x8a: {  	[spmem:s1] =	stream.indirect.scatter.add.f32 [tilespmem:s2], [sflag:$0x5], $0x80, s15, s30, $0xb8;
	[tilespmem:$0x129A0] =	vst v63  }
0x8b: {  	_ =	swait.ge [sflag:s25], $0x2800  }
0x8c: {  	[sflag:s25] =	ssyncset.done $0x0  }
0x8d: {  	[sflag:s25] =	ssyncadd.s32 $0xFFFFD800  }
0x8e: {  	_ =	swait.ge [sflag:s5], $0x500  }
0x8f: {  	[sflag:s5] =	ssyncset.done $0x0  }
0x90: {  	[sflag:s5] =	ssyncadd.s32 $0xFFFFFB00  }
0x91: {  	_ =	swait.ge [sflag:s7], $0x500  }
0x92: {  	s12 =	simm.s32 $0xA0;
	[sflag:s7] =	ssyncset.done $0x0  }
0x93: {  	s14 =	simm.s32 $0x500;
	s17 =	simm.s32 $0x27B0;
	[sflag:s7] =	ssyncadd.s32 $0xFFFFFB00  }
0x94: {  	[spmem:s3] =	stream.indirect.scatter.add.f32 [tilespmem:s31], [sflag:$0x3], $0x10, s17, s30, $0xb8;
	[tilespmem:$0x129A0] =	vst v63  }
.LBB2_6:
0x95: {  	[spmem:s4] =	stream.indirect.scatter.add.f32 [tilespmem:s31], [sflag:$0x4], $0x10, s16, s30, $0xb8;
	[tilespmem:$0x129A0] =	vst v63  }
0x96: {  	s15 =	smov.u32 s14  }
0x97: {  	s17 =	sadd.s32 $0x280, s14;
	s16 =	sadd.s32 $0x50, s12;
	s15 =	sshra.s32 s15, $0x2  }
0x98: {  	[tilespmem:s2], [sflag:$0x2] =	stream.indirect.gather [hbm4b:s6+s30], $0x80, s16, s30, $0xb8;
	[tilespmem:$0x129A0] =	vst v63  }
0x99: {  	p0 =	sne.s32 s14, $0x9880;
	_ =	swait.ge [sflag:s0], $0x2800  }
0x9a: {  	[sflag:s0] =	ssyncset.done $0x0  }
0x9b: {  	s14 =	sadd.s32 $0x2710, s12;
	[sflag:s0] =	ssyncadd.s32 $0xFFFFD800  }
0x9c: {  	[spmem:s1] =	stream.indirect.scatter.add.f32 [tilespmem:s28], [sflag:$0x5], $0x80, s14, s30, $0xb8;
	[tilespmem:$0x129A0] =	vst v63  }
0x9d: {  	_ =	swait.ge [sflag:s25], $0x2800  }
0x9e: {  	[sflag:s25] =	ssyncset.done $0x0  }
0x9f: {  	[sflag:s25] =	ssyncadd.s32 $0xFFFFD800  }
0xa0: {  	_ =	swait.ge [sflag:s5], $0x500  }
0xa1: {  	[sflag:s5] =	ssyncset.done $0x0  }
0xa2: {  	[sflag:s5] =	ssyncadd.s32 $0xFFFFFB00  }
0xa3: {  	_ =	swait.ge [sflag:s7], $0x500  }
0xa4: {  	[sflag:s7] =	ssyncset.done $0x0  }
0xa5: {  	s14 =	sadd.s32 $0x2760, s12;
	[sflag:s7] =	ssyncadd.s32 $0xFFFFFB00  }
0xa6: {  	[spmem:s3] =	stream.indirect.scatter.add.f32 [tilespmem:s31], [sflag:$0x3], $0x10, s14, s30, $0xb8;
	[tilespmem:$0x129A0] =	vst v63  }
0xa7: {  	_ = 	snop  }
0xa8: {  	[spmem:s4] =	stream.indirect.scatter.add.f32 [tilespmem:s31], [sflag:$0x4], $0x10, s16, s30, $0xb8;
	[tilespmem:$0x129A0] =	vst v63  }
0xa9: {  	s16 =	sadd.s32 $0xA0, s12  }
0xaa: {  	[tilespmem:s28], [sflag:$0x1] =	stream.indirect.gather [hbm4b:s6+s30], $0x80, s16, s30, $0xb8;
	[tilespmem:$0x129A0] =	vst v63  }
0xab: {  	_ =	swait.ge [sflag:s8], $0x2800  }
0xac: {  	[sflag:s8] =	ssyncset.done $0x0  }
0xad: {  	[sflag:s8] =	ssyncadd.s32 $0xFFFFD800  }
0xae: {  	[spmem:s1] =	stream.indirect.scatter.add.f32 [tilespmem:s2], [sflag:$0x5], $0x80, s14, s30, $0xb8;
	[tilespmem:$0x129A0] =	vst v63  }
0xaf: {  	_ =	swait.ge [sflag:s25], $0x2800  }
0xb0: {  	[sflag:s25] =	ssyncset.done $0x0  }
0xb1: {  	[sflag:s25] =	ssyncadd.s32 $0xFFFFD800  }
0xb2: {  	_ =	swait.ge [sflag:s5], $0x500  }
0xb3: {  	[sflag:s5] =	ssyncset.done $0x0  }
0xb4: {  	[sflag:s5] =	ssyncadd.s32 $0xFFFFFB00  }
.Ltmp2:
0xb5: {  	_ =	swait.ge [sflag:s7], $0x500;
	(pc) =	sbr.rel @p0 .LBB2_6-.Ltmp2, $4  }
0xb6: {  	[sflag:s7] =	ssyncset.done $0x0  }
0xb7: {  	s14 =	sadd.s32 $0x27B0, s12;
	s12 =	smov.u32 s15;
	[sflag:s7] =	ssyncadd.s32 $0xFFFFFB00  }
0xb8: {  	[spmem:s3] =	stream.indirect.scatter.add.f32 [tilespmem:s31], [sflag:$0x3], $0x10, s14, s30, $0xb8;
	[tilespmem:$0x129A0] =	vst v63  }
0xb9: {  	s14 =	smov.u32 s17  }
0xba: {  	[spmem:s4] =	stream.indirect.scatter.add.f32 [tilespmem:s31], [sflag:$0x4], $0x10, s16, s30, $0xb8;
	[tilespmem:$0x129A0] =	vst v63  }
0xbb: {  	s14 =	sadd.s32 $0x50, s12  }
0xbc: {  	[tilespmem:s2], [sflag:$0x2] =	stream.indirect.gather [hbm4b:s6+s30], $0x80, s14, s30, $0xb8;
	[tilespmem:$0x129A0] =	vst v63  }
0xbd: {  	_ =	swait.ge [sflag:s0], $0x2800  }
0xbe: {  	[sflag:s0] =	ssyncset.done $0x0  }
0xbf: {  	s15 =	sadd.s32 $0x2710, s12;
	[sflag:s0] =	ssyncadd.s32 $0xFFFFD800  }
0xc0: {  	[spmem:s1] =	stream.indirect.scatter.add.f32 [tilespmem:s28], [sflag:$0x5], $0x80, s15, s30, $0xb8;
	[tilespmem:$0x129A0] =	vst v63  }
0xc1: {  	_ =	swait.ge [sflag:s25], $0x2800  }
0xc2: {  	[sflag:s25] =	ssyncset.done $0x0  }
0xc3: {  	[sflag:s25] =	ssyncadd.s32 $0xFFFFD800  }
0xc4: {  	_ =	swait.ge [sflag:s5], $0x500  }
0xc5: {  	[sflag:s5] =	ssyncset.done $0x0  }
0xc6: {  	[sflag:s5] =	ssyncadd.s32 $0xFFFFFB00  }
0xc7: {  	_ =	swait.ge [sflag:s7], $0x500  }
0xc8: {  	[sflag:s7] =	ssyncset.done $0x0  }
0xc9: {  	s16 =	sadd.s32 $0x2760, s12;
	[sflag:s7] =	ssyncadd.s32 $0xFFFFFB00  }
0xca: {  	[spmem:s3] =	stream.indirect.scatter.add.f32 [tilespmem:s31], [sflag:$0x3], $0x10, s16, s30, $0xb8;
	[tilespmem:$0x129A0] =	vst v63  }
0xcb: {  	_ = 	snop  }
0xcc: {  	[spmem:s4] =	stream.indirect.scatter.add.f32 [tilespmem:s31], [sflag:$0x4], $0x10, s14, s30, $0xb8;
	[tilespmem:$0x129A0] =	vst v63  }
0xcd: {  	s17 =	sadd.s32 $0xA0, s12  }
0xce: {  	[tilespmem:s28], [sflag:$0x1] =	stream.indirect.gather [hbm4b:s6+s30], $0x80, s17, s30, $0xb8;
	[tilespmem:$0x129A0] =	vst v63  }
0xcf: {  	_ =	swait.ge [sflag:s8], $0x2800  }
0xd0: {  	[sflag:s8] =	ssyncset.done $0x0  }
0xd1: {  	[sflag:s8] =	ssyncadd.s32 $0xFFFFD800  }
0xd2: {  	[spmem:s1] =	stream.indirect.scatter.add.f32 [tilespmem:s2], [sflag:$0x5], $0x80, s16, s30, $0xb8;
	[tilespmem:$0x129A0] =	vst v63  }
0xd3: {  	_ =	swait.ge [sflag:s25], $0x2800  }
0xd4: {  	[sflag:s25] =	ssyncset.done $0x0  }
0xd5: {  	[sflag:s25] =	ssyncadd.s32 $0xFFFFD800  }
0xd6: {  	_ =	swait.ge [sflag:s5], $0x500  }
0xd7: {  	[sflag:s5] =	ssyncset.done $0x0  }
0xd8: {  	[sflag:s5] =	ssyncadd.s32 $0xFFFFFB00  }
0xd9: {  	_ =	swait.ge [sflag:s7], $0x500  }
0xda: {  	[sflag:s7] =	ssyncset.done $0x0  }
0xdb: {  	s16 =	sadd.s32 $0x27B0, s12;
	[sflag:s7] =	ssyncadd.s32 $0xFFFFFB00  }
0xdc: {  	[spmem:s3] =	stream.indirect.scatter.add.f32 [tilespmem:s31], [sflag:$0x3], $0x10, s16, s30, $0xb8;
	[tilespmem:$0x129A0] =	vst v63  }
0xdd: {  	_ = 	snop  }
0xde: {  	[spmem:s4] =	stream.indirect.scatter.add.f32 [tilespmem:s31], [sflag:$0x4], $0x10, s17, s30, $0xb8;
	[tilespmem:$0x129A0] =	vst v63  }
0xdf: {  	_ =	swait.ge [sflag:s0], $0x2800  }
0xe0: {  	[sflag:s0] =	ssyncset.done $0x0  }
0xe1: {  	s17 =	simm.s32 $0x4DD0;
	[sflag:s0] =	ssyncadd.s32 $0xFFFFD800  }
0xe2: {  	[spmem:s1] =	stream.indirect.scatter.add.f32 [tilespmem:s28], [sflag:$0x5], $0x80, s17, s30, $0xb8;
	[tilespmem:$0x129A0] =	vst v63  }
0xe3: {  	_ =	swait.ge [sflag:s25], $0x2800  }
0xe4: {  	[sflag:s25] =	ssyncset.done $0x0  }
0xe5: {  	[sflag:s25] =	ssyncadd.s32 $0xFFFFD800  }
0xe6: {  	_ =	swait.ge [sflag:s5], $0x500  }
0xe7: {  	[sflag:s5] =	ssyncset.done $0x0  }
0xe8: {  	[sflag:s5] =	ssyncadd.s32 $0xFFFFFB00  }
0xe9: {  	_ =	swait.ge [sflag:s7], $0x500  }
0xea: {  	s14 =	stileid.u32;
	[sflag:s7] =	ssyncset.done $0x0  }
0xeb: {  	s12 =	sshll.u32 s14, $0x6;
	[sflag:s7] =	ssyncadd.s32 $0xFFFFFB00  }
0xec: {  	s15 =	sshrl.u32 s9, $0x3;
	s12 =	sor.u32 $0x1C05, s12;
	[bflag:$0x0] =	sbarrier.arrive $0xFFFF  }
0xed: {  	[hbm:s21], [sflag:s12] =	dma.local [spmem:s15], $0xA00  }
0xee: {  	_ =	swait.ge [sflag:s25], $0xA00  }
0xef: {  	[sflag:s25] =	ssyncset.done $0x0  }
0xf0: {  	s16 =	sshrl.u32 s11, $0x3;
	[sflag:s25] =	ssyncadd.s32 $0xFFFFF600  }
0xf1: {  	[hbm:s22], [sflag:s12] =	dma.local [spmem:s16], $0x140  }
0xf2: {  	s10 =	sadd.s32 $0x1, s10;
	_ =	swait.ge [sflag:s25], $0x140  }
0xf3: {  	p0 =	sne.s32 s10, s24;
	[sflag:s25] =	ssyncset.done $0x0  }
.Ltmp3:
0xf4: {  	s17 =	sshrl.u32 s13, $0x3;
	[sflag:s25] =	ssyncadd.s32 $0xFFFFFEC0;
	(pc) =	sbr.rel @p0 .LBB2_1-.Ltmp3, $4  }
0xf5: {  	[hbm:s23], [sflag:s12] =	dma.local [spmem:s17], $0x4F0  }
0xf6: {  	_ =	swait.ge [sflag:s25], $0x4F0  }
0xf7: {  	[sflag:s25] =	ssyncset.done $0x0  }
0xf8: {  	[sflag:s25] =	ssyncadd.s32 $0xFFFFFB10  }
0xf9: {  	_ =	sfence.sel $0x180000  }
0xfa: {  	[bflag:$0x0] =	sbarrier.arrive $0xFFFF  }
0xfb: {  	_ =	strace $0x90000047  }
0xfc: {  	s0 =	stileid.u32;
	[bflag:$0x2] =	sbarrier.arrive $0xFFFF  }
0xfd: {  	p0 =	sne.s32 s0, $0x0;
	s0 =	rddreg [dreg:$0x6]  }
0xfe: {  	s0 =	sadd.s32 @!p0 $0x100000, s0  }
0xff: {  	[sflag:s0] =	ssyncadd.tile.s32 @!p0 $0x1;
	_ =	shalt  }
.Lfunc_end2:
_tile_overlayer_lowered:
.L_overlay_start_2:
0x100: {  	(tag) =	ssettag $0x2  }
0x101: {  	s0 =	rddreg [dreg:$0x0];
	s2 =	stileid.u32  }
0x102: {  	s1 =	rddreg [dreg:$0x1];
	p0 =	sne.s32 s2, $0x0  }
0x103: {  	s3 =	rddreg [dreg:$0x2];
	[bflag:$0x3] =	sbarrier.arrive $0xFFFF;
	s2 =	simm.s32 @!p0 $0x1C05  }
0x104: {  	[timem:s3], [sflag:s2] =	dma.local @!p0 [hbm:s0], s1  }
0x105: {  	s0 =	simm.s32 @!p0 $0x5  }
0x106: {  	_ =	swait.ge @!p0 [sflag:s0], s1  }
0x107: {  	s1 =	ssub.s32 @!p0 $0x0, s1;
	[sflag:s0] =	ssyncset.done @!p0 $0x0  }
0x108: {  	[sflag:s0] =	ssyncadd.s32 @!p0 s1  }
0x109: {  	[bflag:$0x3] =	sbarrier.arrive $0xFFFF  }
0x10a: {  	_ =	shalt  }

// kernel: kernel.16.cloned.1.call-start
scs
__scs_entry_jumppad:
0x0: {  	(pc) =	sbr.rel $0x88, $3  }
0x1: {  	(tag) =	ssettag $0x0;
	lr =	simm.s32 $0x1  }
0x2: {  	[smem:$0x3F72] =	sst lr;
	_ =	strace $0xD0000000  }
0x3: {  	_ = 	snop  }
0x4: {  	_ = 	snop  }
0x5: {  	_ = 	snop  }
0x6: {  	_ = 	snop  }
0x7: {  	_ = 	snop  }
__scs_overlays_trampoline_lowered:
0x8: {  	[smem:$0x3F81] =	sst s0  }
0x9: {  	[smem:$0x3F82] =	sst s1  }
0xa: {  	[smem:$0x3F83] =	sst s2  }
0xb: {  	[smem:$0x3F84] =	sst s3  }
0xc: {  	[smem:$0x3F85] =	sst s4  }
0xd: {  	[smem:$0x3F86] =	sst s5  }
0xe: {  	[smem:$0x3F87] =	sst s6  }
0xf: {  	[smem:$0x3F88] =	sst s7  }
0x10: {  	[smem:$0x3F89] =	sst s8  }
0x11: {  	[smem:$0x3F8A] =	sst s9;
	s0 =	simm.s32 @!p0 $0x0  }
0x12: {  	s1 =	sld [smem:$0x3F70];
	s0 =	simm.s32 @p0 $0x1  }
0x13: {  	[smem:$0x3F8B] =	sst s0;
	s0 =	simm.s32 @!p1 $0x0  }
0x14: {  	s2 =	sld [smem:$0x3F6F];
	s0 =	simm.s32 @p1 $0x1  }
0x15: {  	[smem:$0x3F8C] =	sst s0;
	s0 =	simm.s32 @!p2 $0x0  }
0x16: {  	s3 =	sld [smem:$0x3FDB];
	s0 =	simm.s32 @p2 $0x1  }
0x17: {  	s4 =	simm.s32 $0x1BF5;
	[smem:$0x3F8E] =	sst s0  }
0x18: {  	s0 =	sld [smem:$0x3F71];
	_ =	swait.ge [sflag:s4], $0x0  }
0x19: {  	s7 =	sld [smem:$0x3F72]  }
0x1a: {  	s8 =	sadd.s32 $0xFFFFE003, lr  }
0x1b: {  	s9 =	sadd.s32 $0xFFFFFEF7, lr;
	s5 =	simm.s32 $0xFFFFFFFF;
	p2 =	slt.u32 s8, $0xFFFFF086  }
0x1c: {  	p1 =	slt.u32 s9, $0xF7A;
	s5 =	simm.s32 @!p2 $0x0  }
0x1d: {  	s5 =	simm.s32 @p1 $0x1;
	p0 =	seq.s32 s7, s2  }
0x1e: {  	s7 =	smul.u32 @!p0 $0xF7A, s2;
	p2 =	seq.s32 @!p0 s5, $0x0  }
0x1f: {  	s9 =	smul.u32 $0xF7A, s1;
	s8 =	simm.s32 @!p0 $0x1BF5;
	p2 =	por !p2, p0  }
0x20: {  	[sflag:s8] =	ssyncset.s32 @!p0 $0xFFFFF086;
	s6 =	sadd.s32 @!p0 s3, s7;
	s7 =	simm.s32 @!p0 $0x108  }
0x21: {  	s3 =	sadd.s32 s3, s9;
	s6 =	sadd.s32 @!p0 $0x88, s6;
	s7 =	simm.s32 @p2 $0x1082  }
0x22: {  	[simem:s7], [sflag:s8] =	dma.local @!p0 [hbm:s6], $0xF7A  }
0x23: {  	s9 =	sor.u32 $0xD0000000, s2;
	s6 =	simm.s32 $0x108;
	_ =	swait.ge @!p0 [sflag:s8], $0x0  }
0x24: {  	s3 =	sadd.s32 $0x88, s3;
	s6 =	simm.s32 @!p1 $0x1082;
	[sflag:s4] =	ssyncset.s32 $0xFFFFF086  }
0x25: {  	[simem:s6], [sflag:s4] =	dma.local [hbm:s3], $0xF7A  }
0x26: {  	[smem:$0x3F72] =	sst s1;
	(tag) =	ssettag s2;
	_ =	strace s9  }
0x27: {  	s1 =	sld [smem:$0x3F82]  }
0x28: {  	s2 =	sld [smem:$0x3F83]  }
0x29: {  	s4 =	sld [smem:$0x3F85]  }
0x2a: {  	p0 =	seq.s32 s5, $0x0;
	s5 =	sld [smem:$0x3F86]  }
0x2b: {  	s6 =	sld [smem:$0x3F87]  }
0x2c: {  	s7 =	sld [smem:$0x3F88]  }
0x2d: {  	s3 =	simm.s32 $0x108;
	s8 =	sld [smem:$0x3F89]  }
0x2e: {  	s3 =	simm.s32 @!p0 $0x1082;
	s9 =	sld [smem:$0x3F8A]  }
0x2f: {  	lr =	sadd.s32 s0, s3;
	s0 =	sld [smem:$0x3F81]  }
0x30: {  	s3 =	sld [smem:$0x3F84]  }
0x31: {  	[smem:$0x3F8D] =	sst s10  }
0x32: {  	s10 =	sld [smem:$0x3F8B];
	_ =	sdelay $0x3  }
0x33: {  	p0 =	seq.s32 s10, $0x1;
	s10 =	sld [smem:$0x3F8D];
	_ =	sdelay $0x3  }
0x34: {  	[smem:$0x3F8D] =	sst s10  }
0x35: {  	s10 =	sld [smem:$0x3F8C];
	_ =	sdelay $0x3  }
0x36: {  	p1 =	seq.s32 s10, $0x1;
	s10 =	sld [smem:$0x3F8D];
	_ =	sdelay $0x3  }
0x37: {  	[smem:$0x3F8D] =	sst s10  }
0x38: {  	s10 =	sld [smem:$0x3F8E]  }
0x39: {  	_ = 	snop;
	(pc) =	sbr.ind lr, $3  }
0x3a: {  	_ = 	snop  }
0x3b: {  	_ = 	snop  }
0x3c: {  	p2 =	seq.s32 s10, $0x1;
	s10 =	sld [smem:$0x3F8D]  }
0x3d: {  	_ =	shalt  }
0x3e: {  	_ =	shalt  }
0x3f: {  	_ =	shalt  }
0x40: {  	_ =	shalt  }
0x41: {  	_ =	shalt  }
0x42: {  	_ =	shalt  }
0x43: {  	_ =	shalt  }
0x44: {  	_ =	shalt  }
0x45: {  	_ =	shalt  }
0x46: {  	_ =	shalt  }
0x47: {  	_ =	shalt  }
0x48: {  	_ =	shalt  }
0x49: {  	_ =	shalt  }
0x4a: {  	_ =	shalt  }
0x4b: {  	_ =	shalt  }
0x4c: {  	_ =	shalt  }
0x4d: {  	_ =	shalt  }
0x4e: {  	_ =	shalt  }
0x4f: {  	_ =	shalt  }
0x50: {  	_ =	shalt  }
0x51: {  	_ =	shalt  }
0x52: {  	_ =	shalt  }
0x53: {  	_ =	shalt  }
0x54: {  	_ =	shalt  }
0x55: {  	_ =	shalt  }
0x56: {  	_ =	shalt  }
0x57: {  	_ =	shalt  }
0x58: {  	_ =	shalt  }
0x59: {  	_ =	shalt  }
0x5a: {  	_ =	shalt  }
0x5b: {  	_ =	shalt  }
0x5c: {  	_ =	shalt  }
0x5d: {  	_ =	shalt  }
0x5e: {  	_ =	shalt  }
0x5f: {  	_ =	shalt  }
0x60: {  	_ =	shalt  }
0x61: {  	_ =	shalt  }
0x62: {  	_ =	shalt  }
0x63: {  	_ =	shalt  }
0x64: {  	_ =	shalt  }
0x65: {  	_ =	shalt  }
0x66: {  	_ =	shalt  }
0x67: {  	_ =	shalt  }
0x68: {  	_ =	shalt  }
0x69: {  	_ =	shalt  }
0x6a: {  	_ =	shalt  }
0x6b: {  	_ =	shalt  }
0x6c: {  	_ =	shalt  }
0x6d: {  	_ =	shalt  }
0x6e: {  	_ =	shalt  }
0x6f: {  	_ =	shalt  }
0x70: {  	_ =	shalt  }
0x71: {  	_ =	shalt  }
0x72: {  	_ =	shalt  }
0x73: {  	_ =	shalt  }
0x74: {  	_ =	shalt  }
0x75: {  	_ =	shalt  }
0x76: {  	_ =	shalt  }
0x77: {  	_ =	shalt  }
0x78: {  	_ =	shalt  }
0x79: {  	_ =	shalt  }
0x7a: {  	_ =	shalt  }
0x7b: {  	_ =	shalt  }
0x7c: {  	_ =	shalt  }
0x7d: {  	_ =	shalt  }
0x7e: {  	_ =	shalt  }
0x7f: {  	_ =	shalt  }
0x80: {  	_ =	shalt  }
0x81: {  	_ =	shalt  }
0x82: {  	_ =	shalt  }
0x83: {  	_ =	shalt  }
0x84: {  	_ =	shalt  }
0x85: {  	_ =	shalt  }
0x86: {  	_ =	shalt  }
0x87: {  	_ =	shalt  }
.Lfunc_end0:
.L_simem_size_0:
called_computation.1_lowered:
.L_overlay_start_0:
0x88: {  	s2 =	sld [smem:$0x3FD9]  }
0x89: {  	s3 =	sld [smem:$0x3FFE];
	_ =	sdelay $0x1  }
0x8a: {  	s1 =	srdreg.scid  }
0x8b: {  	s0 =	sand.u32 $0x1, s1  }
0x8c: {  	s17 =	sshll.u32 s0, $0xA;
	s2 =	sadd.s32 s3, s2  }
0x8d: {  	s2 =	sadd.s32 s2, s17  }
0x8e: {  	[smem:$0x3F99] =	sst s2  }
0x8f: {  	_ = 	snop  }
0x90: {  	s2 =	sld [smem:$0x3FC8]  }
0x91: {  	s18 =	sld [smem:$0x3FC7];
	(tm) =	ssettm $0x1  }
0x92: {  	s4 =	sld [smem:$0x3FFB];
	_ =	sdelay $0x3  }
0x93: {  	_ =	strace s4  }
0x94: {  	s4 =	sld [smem:$0x3FFC];
	_ =	sdelay $0x3  }
0x95: {  	_ =	strace s4  }
0x96: {  	s4 =	sld [smem:$0x3FFD];
	_ =	sdelay $0x3  }
0x97: {  	_ =	strace s4  }
0x98: {  	_ =	strace $0x8FFFFFFF  }
0x99: {  	s19 =	sld [smem:$0x3FDB];
	_ =	sdelay $0x1  }
0x9a: {  	s5 =	simm.s32 $_scs_section_size  }
0x9b: {  	s6 =	simm.s32 $_size__tile_overlayer_lowered;
	s7 =	simm.s32 $_tile_overlayer_lowered  }
0x9c: {  	s22 =	simm.s32 $0x1BFF;
	s21 =	sshll.u32 s7, $0x1;
	s4 =	sadd.s32 s5, s19  }
0x9d: {  	s8 =	simm.s32 $0x0;
	s20 =	sshll.u32 s6, $0x1;
	s6 =	sadd.s32 s21, s4  }
0x9e: {  	[timem:s8], [sflag:s22] =	dma.local [hbm:s6], s20  }
0x9f: {  	_ =	swait.ge [sflag:s22], s20  }
0xa0: {  	s5 =	ssub.s32 $0x0, s20;
	[sflag:s22] =	ssyncset.done $0x0  }
0xa1: {  	[sflag:s22] =	ssyncadd.s32 s5;
	_ =	sdelay $0x1  }
0xa2: {  	s23 =	simm.s32 $0x1B8B  }
0xa3: {  	_ =	swait.ge [sflag:s23], $0x1  }
0xa4: {  	[sflag:s23] =	ssyncset.done $0x0  }
0xa5: {  	s25 =	simm.s32 $0x1B8E;
	s24 =	sld [smem:$0x3FFE];
	[sflag:s23] =	ssyncadd.s32 $0xFFFFFFFF  }
0xa6: {  	s26 =	simm.s32 $execute0_lowered;
	[smem:$0x3FD2] =	sst s25  }
0xa7: {  	s6 =	sshll.u32 s26, $0x1;
	_ =	strace $0x80000049;
	[dreg:$0x1] =	wrdreg $0xFFFFFFFF  }
0xa8: {  	s28 =	simm.s32 $_size_execute0_lowered;
	s4 =	sadd.s32 s4, s6;
	[dreg:$0x0] =	wrdreg $0x0  }
0xa9: {  	s6 =	sshll.u32 s28, $0x1;
	[dreg:$0x2] =	wrdreg s4  }
0xaa: {  	[dreg:$0x3] =	wrdreg s6  }
0xab: {  	[dreg:$0x4] =	wrdreg $0xC0  }
0xac: {  	_ =	task [dreg:s8], $0x5FFFF  }
0xad: {  	[dreg:$0x1] =	wrdreg $0xFFFFFFFF  }
0xae: {  	[dreg:$0x0] =	wrdreg $0x60  }
0xaf: {  	[dreg:$0x2] =	wrdreg s24  }
0xb0: {  	[dreg:$0x3] =	wrdreg s18  }
0xb1: {  	[dreg:$0x4] =	wrdreg s2  }
0xb2: {  	[dreg:$0x5] =	wrdreg $0x9E200  }
0xb3: {  	[dreg:$0x6] =	wrdreg $0x9  }
0xb4: {  	_ =	task.clear_ibuf [dreg:s8], $0x7FFFF;
	_ =	strace $0x90000049  }
0xb5: {  	s29 =	simm.s32 $0x9;
	_ =	strace $0x8000004B  }
0xb6: {  	_ =	swait.ge [sflag:s29], $0x1  }
0xb7: {  	[sflag:s29] =	ssyncadd.s32 $0xFFFFFFFF  }
0xb8: {  	_ =	strace $0x9000004B  }
0xb9: {  	_ =	sfence  }
0xba: {  	s30 =	sld [smem:$0x0];
	_ =	sdelay $0x2  }
0xbb: {  	s31 =	sshll.u32 s1, $0xD;
	s1 =	sshrl.u32 s1, $0x2  }
0xbc: {  	s3 =	sand.u32 $0x4000, s31;
	s1 =	sadd.s32 s1, s30  }
0xbd: {  	s0 =	sor.u32 s3, s0;
	s1 =	sshll.u32 s1, $0x11  }
0xbe: {  	s0 =	sor.u32 s1, s0  }
0xbf: {  	s0 =	sadd.s32 $0x8F2B, s0  }
0xc0: {  	[sflag:s0] =	ssyncadd.remote.s32 $0x1  }
0xc1: {  	_ =	sfence.sel $0xFFFF  }
0xc2: {  	[dreg:$0x0] =	wrdreg $0xFFFFFFFF;
	(pc) =	sbr.abs _section_cstart, $3  }
0xc3: {  	[dreg:$0x1] =	wrdreg $0xFFFFFFFF  }
0xc4: {  	_ =	task.clear_ibuf [dreg:s8], $0x2FFFF;
	_ =	strace $0x9FFFFFFF  }
0xc5: {  	(tm) =	ssettm $0x7FFFFFFF  }
tec
execute0_lowered:
.L_overlay_start_1:
0x0: {  	(tag) =	ssettag $0x1  }
0x1: {  	s5 =	rddreg [dreg:$0x0]  }
0x2: {  	s6 =	rddreg [dreg:$0x1]  }
0x3: {  	s1 =	srdreg.scid;
	s7 =	rddreg [dreg:$0x2]  }
0x4: {  	s0 =	stileid.u32;
	s2 =	rddreg [dreg:$0x3]  }
0x5: {  	s3 =	simm.s32 $0x0;
	s17 =	simm.s32 $0x3;
	s18 =	simm.s32 $0x2710  }
0x6: {  	s19 =	simm.s32 $0x4E20;
	s20 =	simm.s32 $0x50;
	s21 =	simm.s32 $0x7620  }
0x7: {  	s22 =	simm.s32 $0x1;
	s23 =	simm.s32 $0x2;
	s9 =	smul.u32 $0x13C00, s0  }
0x8: {  	s24 =	simm.s32 $0x4DD0;
	s8 =	sand.u32 $0x1, s1;
	s29 =	smul.u32 $0x4F000, s0  }
0x9: {  	s25 =	simm.s32 $0x0;
	s1 =	rddreg [dreg:$0x4];
	s4 =	smul.u32 $0x13C000, s8  }
0xa: {  	[smem:$0x7FF] =	sst s3;
	s10 =	smul.u32 $0x27100, s8;
	s8 =	ssub.s32 $0x2, s8  }
0xb: {  	s12 =	smul.u32 $0x2710, s0;
	_ =	strace $0x8000004A;
	s30 =	sshrl.u32 s8, $0x1  }
0xc: {  	s31 =	sshrl.u32 s29, $0x2;
	s11 =	sadd.s32 s9, s4;
	s4 =	sadd.s32 $0x30000, s5  }
0xd: {  	s10 =	sadd.s32 s12, s10;
	s16 =	ssub.s32 s8, s30;
	s14 =	sadd.s32 s31, s2  }
0xe: {  	s11 =	sshrl.u32 s11, $0x3;
	s10 =	sshrl.u32 s10, $0x3;
	s8 =	sadd.s32 $0x2800, s14  }
0xf: {  	s12 =	sadd.s32 $0xC800, s14;
	s13 =	sadd.s32 $0xF000, s14;
	s16 =	smax.u32 s16, $0x1  }
0x10: {  	s15 =	sadd.s32 s11, s5;
	s5 =	sadd.s32 s6, s10;
	s6 =	sadd.s32 s7, s10  }
0x11: {  	s7 =	sadd.s32 s9, s2;
	s9 =	sadd.s32 $0x5000, s14;
	s10 =	sadd.s32 $0x7800, s14  }
0x12: {  	v0 =	vimm.f32 $0.0e+00;
	s11 =	sadd.s32 $0xA000, s14;
	s14 =	sadd.s32 $0x11800, s14;
	s15 =	sadd.s32 $0x50600, s15  }
.LBB2_1:
0x13: {  	[tilespmem:s3], [sflag:$0x3] =	stream.linear.gather [hbm4b:s5+s3], $0x2710, $0x38;
	[tilespmem:$0x1DA20] =	vst v63  }
0x14: {  	_ =	swait.ge [sflag:s17], $0x2710  }
0x15: {  	[sflag:s17] =	ssyncset.done $0x0  }
0x16: {  	[sflag:s17] =	ssyncadd.s32 $0xFFFFD8F0  }
0x17: {  	[tilespmem:s18], [sflag:$0x3] =	stream.linear.gather [hbm4b:s6+s3], $0x2710, $0x38;
	[tilespmem:$0x1DA20] =	vst v63  }
0x18: {  	_ =	swait.ge [sflag:s17], $0x2710  }
0x19: {  	[sflag:s17] =	ssyncset.done $0x0  }
0x1a: {  	s26 =	simm.s32 $0x0;
	s28 =	simm.s32 $0x200;
	[sflag:s17] =	ssyncadd.s32 $0xFFFFD8F0  }
.LBB2_2:
0x1b: {  	p0 =	sne.s32 s28, $0x9E00;
	[tilespmem:s26+$0x4E90] =	vst v0  }
0x1c: {  	[tilespmem:s26+$0x4E20] =	vst v0  }
0x1d: {  	[tilespmem:s26+$0x4E30] =	vst v0  }
.Ltmp0:
0x1e: {  	[tilespmem:s26+$0x4E40] =	vst v0;
	(pc) =	sbr.rel @p0 .LBB2_2-.Ltmp0, $4  }
0x1f: {  	[tilespmem:s26+$0x4E50] =	vst v0  }
0x20: {  	[tilespmem:s26+$0x4E60] =	vst v0  }
0x21: {  	[tilespmem:s26+$0x4E70] =	vst v0  }
0x22: {  	[tilespmem:s26+$0x4E80] =	vst v0;
	s26 =	sshra.s32 s28, $0x2;
	s28 =	sadd.s32 $0x200, s28  }
0x23: {  	[tilespmem:s26+$0x4E90] =	vst v0  }
0x24: {  	[tilespmem:s26+$0x4E20] =	vst v0  }
0x25: {  	[tilespmem:s26+$0x4E30] =	vst v0  }
0x26: {  	[tilespmem:s26+$0x4E40] =	vst v0  }
0x27: {  	[tilespmem:s26+$0x4E50] =	vst v0  }
0x28: {  	[tilespmem:s26+$0x4E60] =	vst v0  }
0x29: {  	[tilespmem:s26+$0x4E70] =	vst v0  }
0x2a: {  	[tilespmem:s26+$0x4E80] =	vst v0  }
0x2b: {  	[spmem:s7] =	stream.linear.scatter [tilespmem:s19], [sflag:$0x3], $0x2800, $0x38;
	[tilespmem:$0x1DA20] =	vst v63  }
0x2c: {  	_ =	swait.ge [sflag:s17], $0x2800  }
0x2d: {  	[sflag:s17] =	ssyncset.done $0x0  }
0x2e: {  	[sflag:s17] =	ssyncadd.s32 $0xFFFFD800  }
0x2f: {  	[spmem:s8] =	stream.linear.scatter [tilespmem:s19], [sflag:$0x3], $0x2800, $0x38;
	[tilespmem:$0x1DA20] =	vst v63  }
0x30: {  	_ =	swait.ge [sflag:s17], $0x2800  }
0x31: {  	[sflag:s17] =	ssyncset.done $0x0  }
0x32: {  	[sflag:s17] =	ssyncadd.s32 $0xFFFFD800  }
0x33: {  	[spmem:s9] =	stream.linear.scatter [tilespmem:s19], [sflag:$0x3], $0x2800, $0x38;
	[tilespmem:$0x1DA20] =	vst v63  }
0x34: {  	_ =	swait.ge [sflag:s17], $0x2800  }
0x35: {  	[sflag:s17] =	ssyncset.done $0x0  }
0x36: {  	[sflag:s17] =	ssyncadd.s32 $0xFFFFD800  }
0x37: {  	[spmem:s10] =	stream.linear.scatter [tilespmem:s19], [sflag:$0x3], $0x2800, $0x38;
	[tilespmem:$0x1DA20] =	vst v63  }
0x38: {  	_ =	swait.ge [sflag:s17], $0x2800  }
0x39: {  	[sflag:s17] =	ssyncset.done $0x0  }
0x3a: {  	[sflag:s17] =	ssyncadd.s32 $0xFFFFD800  }
0x3b: {  	[spmem:s11] =	stream.linear.scatter [tilespmem:s19], [sflag:$0x3], $0x2800, $0x38;
	[tilespmem:$0x1DA20] =	vst v63  }
0x3c: {  	_ =	swait.ge [sflag:s17], $0x2800  }
0x3d: {  	[sflag:s17] =	ssyncset.done $0x0  }
0x3e: {  	[sflag:s17] =	ssyncadd.s32 $0xFFFFD800  }
0x3f: {  	[spmem:s12] =	stream.linear.scatter [tilespmem:s19], [sflag:$0x3], $0x2800, $0x38;
	[tilespmem:$0x1DA20] =	vst v63  }
0x40: {  	_ =	swait.ge [sflag:s17], $0x2800  }
0x41: {  	[sflag:s17] =	ssyncset.done $0x0  }
0x42: {  	[sflag:s17] =	ssyncadd.s32 $0xFFFFD800  }
0x43: {  	[spmem:s13] =	stream.linear.scatter [tilespmem:s19], [sflag:$0x3], $0x2800, $0x38;
	[tilespmem:$0x1DA20] =	vst v63  }
0x44: {  	_ =	swait.ge [sflag:s17], $0x2800  }
0x45: {  	[sflag:s17] =	ssyncset.done $0x0  }
0x46: {  	[sflag:s17] =	ssyncadd.s32 $0xFFFFD800  }
0x47: {  	[spmem:s14] =	stream.linear.scatter [tilespmem:s19], [sflag:$0x3], $0x2400, $0x38;
	[tilespmem:$0x1DA20] =	vst v63  }
0x48: {  	_ =	swait.ge [sflag:s17], $0x2400  }
0x49: {  	[sflag:s17] =	ssyncset.done $0x0  }
0x4a: {  	[sflag:s17] =	ssyncadd.s32 $0xFFFFDC00  }
0x4b: {  	s30 =	simm.s32 $0x0;
	[bflag:$0x0] =	sbarrier.arrive $0xFFFF  }
0x4c: {  	[tilespmem:s19], [sflag:$0x1] =	stream.indirect.gather [hbm4b:s4+s20], $0x80, s30, s20, $0xb8;
	[tilespmem:$0x1DA20] =	vst v63  }
0x4d: {  	s31 =	simm.s32 $0x50  }
0x4e: {  	[tilespmem:s21], [sflag:$0x2] =	stream.indirect.gather [hbm4b:s4+s20], $0x80, s31, s20, $0xb8;
	[tilespmem:$0x1DA20] =	vst v63  }
0x4f: {  	_ =	swait.ge [sflag:s22], $0x2800  }
0x50: {  	[sflag:s22] =	ssyncset.done $0x0  }
0x51: {  	s29 =	simm.s32 $0x2710;
	[sflag:s22] =	ssyncadd.s32 $0xFFFFD800  }
0x52: {  	[spmem:s2] =	stream.indirect.scatter.add.f32 [tilespmem:s19], [sflag:$0x3], $0x80, s29, s20, $0xb8;
	[tilespmem:$0x1DA20] =	vst v63  }
0x53: {  	_ =	swait.ge [sflag:s17], $0x2800  }
0x54: {  	[sflag:s17] =	ssyncset.done $0x0  }
0x55: {  	s30 =	simm.s32 $0xA0;
	[sflag:s17] =	ssyncadd.s32 $0xFFFFD800  }
0x56: {  	[tilespmem:s19], [sflag:$0x1] =	stream.indirect.gather [hbm4b:s4+s20], $0x80, s30, s20, $0xb8;
	[tilespmem:$0x1DA20] =	vst v63  }
0x57: {  	_ =	swait.ge [sflag:s23], $0x2800  }
0x58: {  	[sflag:s23] =	ssyncset.done $0x0  }
0x59: {  	s31 =	simm.s32 $0x2760;
	[sflag:s23] =	ssyncadd.s32 $0xFFFFD800  }
0x5a: {  	[spmem:s2] =	stream.indirect.scatter.add.f32 [tilespmem:s21], [sflag:$0x3], $0x80, s31, s20, $0xb8;
	[tilespmem:$0x1DA20] =	vst v63  }
0x5b: {  	_ =	swait.ge [sflag:s17], $0x2800  }
0x5c: {  	s28 =	simm.s32 $0x500;
	s26 =	simm.s32 $0xA0;
	[sflag:s17] =	ssyncset.done $0x0  }
.LBB2_4:
0x5d: {  	s29 =	sadd.s32 $0x50, s26  }
0x5e: {  	[sflag:s17] =	ssyncadd.s32 $0xFFFFD800;
	s30 =	smov.u32 s28;
	s31 =	sadd.s32 $0x280, s28  }
0x5f: {  	[tilespmem:s21], [sflag:$0x2] =	stream.indirect.gather [hbm4b:s4+s20], $0x80, s29, s20, $0xb8;
	[tilespmem:$0x1DA20] =	vst v63  }
0x60: {  	p0 =	sne.s32 s28, $0x9880;
	_ =	swait.ge [sflag:s22], $0x2800  }
0x61: {  	[sflag:s22] =	ssyncset.done $0x0  }
0x62: {  	s28 =	sadd.s32 $0x2710, s26;
	[sflag:s22] =	ssyncadd.s32 $0xFFFFD800  }
0x63: {  	[spmem:s2] =	stream.indirect.scatter.add.f32 [tilespmem:s19], [sflag:$0x3], $0x80, s28, s20, $0xb8;
	[tilespmem:$0x1DA20] =	vst v63  }
0x64: {  	_ =	swait.ge [sflag:s17], $0x2800  }
0x65: {  	[sflag:s17] =	ssyncset.done $0x0  }
0x66: {  	s28 =	sadd.s32 $0xA0, s26;
	[sflag:s17] =	ssyncadd.s32 $0xFFFFD800  }
0x67: {  	[tilespmem:s19], [sflag:$0x1] =	stream.indirect.gather [hbm4b:s4+s20], $0x80, s28, s20, $0xb8;
	[tilespmem:$0x1DA20] =	vst v63  }
0x68: {  	_ =	swait.ge [sflag:s23], $0x2800  }
.Ltmp1:
0x69: {  	[sflag:s23] =	ssyncset.done $0x0;
	(pc) =	sbr.rel @p0 .LBB2_4-.Ltmp1, $4  }
0x6a: {  	s26 =	sadd.s32 $0x2760, s26;
	[sflag:s23] =	ssyncadd.s32 $0xFFFFD800  }
0x6b: {  	[spmem:s2] =	stream.indirect.scatter.add.f32 [tilespmem:s21], [sflag:$0x3], $0x80, s26, s20, $0xb8;
	[tilespmem:$0x1DA20] =	vst v63  }
0x6c: {  	_ =	swait.ge [sflag:s17], $0x2800  }
0x6d: {  	s28 =	smov.u32 s31;
	s26 =	sshra.s32 s30, $0x2;
	[sflag:s17] =	ssyncset.done $0x0  }
0x6e: {  	s28 =	sadd.s32 $0x50, s26;
	[sflag:s17] =	ssyncadd.s32 $0xFFFFD800  }
0x6f: {  	[tilespmem:s21], [sflag:$0x2] =	stream.indirect.gather [hbm4b:s4+s20], $0x80, s28, s20, $0xb8;
	[tilespmem:$0x1DA20] =	vst v63  }
0x70: {  	_ =	swait.ge [sflag:s22], $0x2800  }
0x71: {  	[sflag:s22] =	ssyncset.done $0x0  }
0x72: {  	s30 =	sadd.s32 $0x2710, s26;
	[sflag:s22] =	ssyncadd.s32 $0xFFFFD800  }
0x73: {  	[spmem:s2] =	stream.indirect.scatter.add.f32 [tilespmem:s19], [sflag:$0x3], $0x80, s30, s20, $0xb8;
	[tilespmem:$0x1DA20] =	vst v63  }
0x74: {  	_ =	swait.ge [sflag:s17], $0x2800  }
0x75: {  	[sflag:s17] =	ssyncset.done $0x0  }
0x76: {  	s31 =	sadd.s32 $0xA0, s26;
	[sflag:s17] =	ssyncadd.s32 $0xFFFFD800  }
0x77: {  	[tilespmem:s19], [sflag:$0x1] =	stream.indirect.gather [hbm4b:s4+s20], $0x80, s31, s20, $0xb8;
	[tilespmem:$0x1DA20] =	vst v63  }
0x78: {  	_ =	swait.ge [sflag:s23], $0x2800  }
0x79: {  	[sflag:s23] =	ssyncset.done $0x0  }
0x7a: {  	s29 =	sadd.s32 $0x2760, s26;
	[sflag:s23] =	ssyncadd.s32 $0xFFFFD800  }
0x7b: {  	[spmem:s2] =	stream.indirect.scatter.add.f32 [tilespmem:s21], [sflag:$0x3], $0x80, s29, s20, $0xb8;
	[tilespmem:$0x1DA20] =	vst v63  }
0x7c: {  	_ =	swait.ge [sflag:s17], $0x2800  }
0x7d: {  	[sflag:s17] =	ssyncset.done $0x0  }
0x7e: {  	[sflag:s17] =	ssyncadd.s32 $0xFFFFD800  }
0x7f: {  	_ =	swait.ge [sflag:s22], $0x2800  }
0x80: {  	[sflag:s22] =	ssyncset.done $0x0  }
0x81: {  	[sflag:s22] =	ssyncadd.s32 $0xFFFFD800  }
0x82: {  	[spmem:s2] =	stream.indirect.scatter.add.f32 [tilespmem:s19], [sflag:$0x3], $0x80, s24, s20, $0xb8;
	[tilespmem:$0x1DA20] =	vst v63  }
0x83: {  	_ =	swait.ge [sflag:s17], $0x2800  }
0x84: {  	s25 =	sadd.s32 $0x1, s25;
	s30 =	sshll.u32 s0, $0x6;
	[sflag:s17] =	ssyncset.done $0x0  }
0x85: {  	p0 =	sne.s32 s25, s16;
	s26 =	sor.u32 $0x1C03, s30;
	[sflag:s17] =	ssyncadd.s32 $0xFFFFD800  }
.Ltmp2:
0x86: {  	s31 =	sshrl.u32 s7, $0x3;
	[bflag:$0x0] =	sbarrier.arrive $0xFFFF;
	(pc) =	sbr.rel @p0 .LBB2_1-.Ltmp2, $4  }
0x87: {  	[hbm:s15], [sflag:s26] =	dma.local [spmem:s31], $0x2780  }
0x88: {  	_ =	swait.ge [sflag:s17], $0x2780  }
0x89: {  	[sflag:s17] =	ssyncset.done $0x0  }
0x8a: {  	[sflag:s17] =	ssyncadd.s32 $0xFFFFD880  }
0x8b: {  	_ =	sfence.sel $0x180000  }
0x8c: {  	[bflag:$0x0] =	sbarrier.arrive $0xFFFF  }
0x8d: {  	p0 =	sne.s32 s0, $0x0;
	_ =	strace $0x9000004A  }
0x8e: {  	s0 =	sadd.s32 @!p0 $0x100000, s1;
	[bflag:$0x2] =	sbarrier.arrive $0xFFFF  }
0x8f: {  	[sflag:s0] =	ssyncadd.tile.s32 @!p0 $0x1;
	_ =	shalt  }
.Lfunc_end2:
_tile_overlayer_lowered:
.L_overlay_start_2:
0x90: {  	(tag) =	ssettag $0x2  }
0x91: {  	s0 =	rddreg [dreg:$0x0];
	s2 =	stileid.u32  }
0x92: {  	s1 =	rddreg [dreg:$0x1];
	p0 =	sne.s32 s2, $0x0  }
0x93: {  	s3 =	rddreg [dreg:$0x2];
	[bflag:$0x3] =	sbarrier.arrive $0xFFFF;
	s2 =	simm.s32 @!p0 $0x1C03  }
0x94: {  	[timem:s3], [sflag:s2] =	dma.local @!p0 [hbm:s0], s1  }
0x95: {  	s0 =	simm.s32 @!p0 $0x3  }
0x96: {  	_ =	swait.ge @!p0 [sflag:s0], s1  }
0x97: {  	s1 =	ssub.s32 @!p0 $0x0, s1;
	[sflag:s0] =	ssyncset.done @!p0 $0x0  }
0x98: {  	[sflag:s0] =	ssyncadd.s32 @!p0 s1  }
0x99: {  	[bflag:$0x3] =	sbarrier.arrive $0xFFFF  }
0x9a: {  	_ =	shalt  }

// kernel: kernel.19.cloned.1.call-start
scs
__scs_entry_jumppad:
0x0: {  	(pc) =	sbr.rel $0x88, $3  }
0x1: {  	(tag) =	ssettag $0x0;
	lr =	simm.s32 $0x1  }
0x2: {  	[smem:$0x3F72] =	sst lr;
	_ =	strace $0xD0000000  }
0x3: {  	_ = 	snop  }
0x4: {  	_ = 	snop  }
0x5: {  	_ = 	snop  }
0x6: {  	_ = 	snop  }
0x7: {  	_ = 	snop  }
__scs_overlays_trampoline_lowered:
0x8: {  	[smem:$0x3F81] =	sst s0  }
0x9: {  	[smem:$0x3F82] =	sst s1  }
0xa: {  	[smem:$0x3F83] =	sst s2  }
0xb: {  	[smem:$0x3F84] =	sst s3  }
0xc: {  	[smem:$0x3F85] =	sst s4  }
0xd: {  	[smem:$0x3F86] =	sst s5  }
0xe: {  	[smem:$0x3F87] =	sst s6  }
0xf: {  	[smem:$0x3F88] =	sst s7  }
0x10: {  	[smem:$0x3F89] =	sst s8  }
0x11: {  	[smem:$0x3F8A] =	sst s9;
	s0 =	simm.s32 @!p0 $0x0  }
0x12: {  	s1 =	sld [smem:$0x3F70];
	s0 =	simm.s32 @p0 $0x1  }
0x13: {  	[smem:$0x3F8B] =	sst s0;
	s0 =	simm.s32 @!p1 $0x0  }
0x14: {  	s2 =	sld [smem:$0x3F6F];
	s0 =	simm.s32 @p1 $0x1  }
0x15: {  	[smem:$0x3F8C] =	sst s0;
	s0 =	simm.s32 @!p2 $0x0  }
0x16: {  	s3 =	sld [smem:$0x3FDB];
	s0 =	simm.s32 @p2 $0x1  }
0x17: {  	s4 =	simm.s32 $0x1BF5;
	[smem:$0x3F8E] =	sst s0  }
0x18: {  	s0 =	sld [smem:$0x3F71];
	_ =	swait.ge [sflag:s4], $0x0  }
0x19: {  	s7 =	sld [smem:$0x3F72]  }
0x1a: {  	s8 =	sadd.s32 $0xFFFFE003, lr  }
0x1b: {  	s9 =	sadd.s32 $0xFFFFFEF7, lr;
	s5 =	simm.s32 $0xFFFFFFFF;
	p2 =	slt.u32 s8, $0xFFFFF086  }
0x1c: {  	p1 =	slt.u32 s9, $0xF7A;
	s5 =	simm.s32 @!p2 $0x0  }
0x1d: {  	s5 =	simm.s32 @p1 $0x1;
	p0 =	seq.s32 s7, s2  }
0x1e: {  	s7 =	smul.u32 @!p0 $0xF7A, s2;
	p2 =	seq.s32 @!p0 s5, $0x0  }
0x1f: {  	s9 =	smul.u32 $0xF7A, s1;
	s8 =	simm.s32 @!p0 $0x1BF5;
	p2 =	por !p2, p0  }
0x20: {  	[sflag:s8] =	ssyncset.s32 @!p0 $0xFFFFF086;
	s6 =	sadd.s32 @!p0 s3, s7;
	s7 =	simm.s32 @!p0 $0x108  }
0x21: {  	s3 =	sadd.s32 s3, s9;
	s6 =	sadd.s32 @!p0 $0x88, s6;
	s7 =	simm.s32 @p2 $0x1082  }
0x22: {  	[simem:s7], [sflag:s8] =	dma.local @!p0 [hbm:s6], $0xF7A  }
0x23: {  	s9 =	sor.u32 $0xD0000000, s2;
	s6 =	simm.s32 $0x108;
	_ =	swait.ge @!p0 [sflag:s8], $0x0  }
0x24: {  	s3 =	sadd.s32 $0x88, s3;
	s6 =	simm.s32 @!p1 $0x1082;
	[sflag:s4] =	ssyncset.s32 $0xFFFFF086  }
0x25: {  	[simem:s6], [sflag:s4] =	dma.local [hbm:s3], $0xF7A  }
0x26: {  	[smem:$0x3F72] =	sst s1;
	(tag) =	ssettag s2;
	_ =	strace s9  }
0x27: {  	s1 =	sld [smem:$0x3F82]  }
0x28: {  	s2 =	sld [smem:$0x3F83]  }
0x29: {  	s4 =	sld [smem:$0x3F85]  }
0x2a: {  	p0 =	seq.s32 s5, $0x0;
	s5 =	sld [smem:$0x3F86]  }
0x2b: {  	s6 =	sld [smem:$0x3F87]  }
0x2c: {  	s7 =	sld [smem:$0x3F88]  }
0x2d: {  	s3 =	simm.s32 $0x108;
	s8 =	sld [smem:$0x3F89]  }
0x2e: {  	s3 =	simm.s32 @!p0 $0x1082;
	s9 =	sld [smem:$0x3F8A]  }
0x2f: {  	lr =	sadd.s32 s0, s3;
	s0 =	sld [smem:$0x3F81]  }
0x30: {  	s3 =	sld [smem:$0x3F84]  }
0x31: {  	[smem:$0x3F8D] =	sst s10  }
0x32: {  	s10 =	sld [smem:$0x3F8B];
	_ =	sdelay $0x3  }
0x33: {  	p0 =	seq.s32 s10, $0x1;
	s10 =	sld [smem:$0x3F8D];
	_ =	sdelay $0x3  }
0x34: {  	[smem:$0x3F8D] =	sst s10  }
0x35: {  	s10 =	sld [smem:$0x3F8C];
	_ =	sdelay $0x3  }
0x36: {  	p1 =	seq.s32 s10, $0x1;
	s10 =	sld [smem:$0x3F8D];
	_ =	sdelay $0x3  }
0x37: {  	[smem:$0x3F8D] =	sst s10  }
0x38: {  	s10 =	sld [smem:$0x3F8E]  }
0x39: {  	_ = 	snop;
	(pc) =	sbr.ind lr, $3  }
0x3a: {  	_ = 	snop  }
0x3b: {  	_ = 	snop  }
0x3c: {  	p2 =	seq.s32 s10, $0x1;
	s10 =	sld [smem:$0x3F8D]  }
0x3d: {  	_ =	shalt  }
0x3e: {  	_ =	shalt  }
0x3f: {  	_ =	shalt  }
0x40: {  	_ =	shalt  }
0x41: {  	_ =	shalt  }
0x42: {  	_ =	shalt  }
0x43: {  	_ =	shalt  }
0x44: {  	_ =	shalt  }
0x45: {  	_ =	shalt  }
0x46: {  	_ =	shalt  }
0x47: {  	_ =	shalt  }
0x48: {  	_ =	shalt  }
0x49: {  	_ =	shalt  }
0x4a: {  	_ =	shalt  }
0x4b: {  	_ =	shalt  }
0x4c: {  	_ =	shalt  }
0x4d: {  	_ =	shalt  }
0x4e: {  	_ =	shalt  }
0x4f: {  	_ =	shalt  }
0x50: {  	_ =	shalt  }
0x51: {  	_ =	shalt  }
0x52: {  	_ =	shalt  }
0x53: {  	_ =	shalt  }
0x54: {  	_ =	shalt  }
0x55: {  	_ =	shalt  }
0x56: {  	_ =	shalt  }
0x57: {  	_ =	shalt  }
0x58: {  	_ =	shalt  }
0x59: {  	_ =	shalt  }
0x5a: {  	_ =	shalt  }
0x5b: {  	_ =	shalt  }
0x5c: {  	_ =	shalt  }
0x5d: {  	_ =	shalt  }
0x5e: {  	_ =	shalt  }
0x5f: {  	_ =	shalt  }
0x60: {  	_ =	shalt  }
0x61: {  	_ =	shalt  }
0x62: {  	_ =	shalt  }
0x63: {  	_ =	shalt  }
0x64: {  	_ =	shalt  }
0x65: {  	_ =	shalt  }
0x66: {  	_ =	shalt  }
0x67: {  	_ =	shalt  }
0x68: {  	_ =	shalt  }
0x69: {  	_ =	shalt  }
0x6a: {  	_ =	shalt  }
0x6b: {  	_ =	shalt  }
0x6c: {  	_ =	shalt  }
0x6d: {  	_ =	shalt  }
0x6e: {  	_ =	shalt  }
0x6f: {  	_ =	shalt  }
0x70: {  	_ =	shalt  }
0x71: {  	_ =	shalt  }
0x72: {  	_ =	shalt  }
0x73: {  	_ =	shalt  }
0x74: {  	_ =	shalt  }
0x75: {  	_ =	shalt  }
0x76: {  	_ =	shalt  }
0x77: {  	_ =	shalt  }
0x78: {  	_ =	shalt  }
0x79: {  	_ =	shalt  }
0x7a: {  	_ =	shalt  }
0x7b: {  	_ =	shalt  }
0x7c: {  	_ =	shalt  }
0x7d: {  	_ =	shalt  }
0x7e: {  	_ =	shalt  }
0x7f: {  	_ =	shalt  }
0x80: {  	_ =	shalt  }
0x81: {  	_ =	shalt  }
0x82: {  	_ =	shalt  }
0x83: {  	_ =	shalt  }
0x84: {  	_ =	shalt  }
0x85: {  	_ =	shalt  }
0x86: {  	_ =	shalt  }
0x87: {  	_ =	shalt  }
.Lfunc_end0:
.L_simem_size_0:
called_computation.2_lowered:
.L_overlay_start_0:
0x88: {  	s2 =	sld [smem:$0x3FD9]  }
0x89: {  	s3 =	sld [smem:$0x3FFE];
	_ =	sdelay $0x1  }
0x8a: {  	s1 =	srdreg.scid  }
0x8b: {  	s0 =	sand.u32 $0x1, s1  }
0x8c: {  	s17 =	sshll.u32 s0, $0xA;
	s2 =	sadd.s32 s3, s2  }
0x8d: {  	s2 =	sadd.s32 s2, s17  }
0x8e: {  	[smem:$0x3F99] =	sst s2  }
0x8f: {  	_ = 	snop  }
0x90: {  	s2 =	sld [smem:$0x3FC8]  }
0x91: {  	s18 =	sld [smem:$0x3FC7];
	(tm) =	ssettm $0x1  }
0x92: {  	s4 =	sld [smem:$0x3FFB];
	_ =	sdelay $0x3  }
0x93: {  	_ =	strace s4  }
0x94: {  	s4 =	sld [smem:$0x3FFC];
	_ =	sdelay $0x3  }
0x95: {  	_ =	strace s4  }
0x96: {  	s4 =	sld [smem:$0x3FFD];
	_ =	sdelay $0x3  }
0x97: {  	_ =	strace s4  }
0x98: {  	_ =	strace $0x8FFFFFFF  }
0x99: {  	s19 =	sld [smem:$0x3FDB];
	_ =	sdelay $0x1  }
0x9a: {  	s5 =	simm.s32 $_scs_section_size  }
0x9b: {  	s6 =	simm.s32 $_size__tile_overlayer_lowered;
	s7 =	simm.s32 $_tile_overlayer_lowered  }
0x9c: {  	s22 =	simm.s32 $0x1BFF;
	s21 =	sshll.u32 s7, $0x1;
	s4 =	sadd.s32 s5, s19  }
0x9d: {  	s8 =	simm.s32 $0x0;
	s20 =	sshll.u32 s6, $0x1;
	s6 =	sadd.s32 s21, s4  }
0x9e: {  	[timem:s8], [sflag:s22] =	dma.local [hbm:s6], s20  }
0x9f: {  	_ =	swait.ge [sflag:s22], s20  }
0xa0: {  	s5 =	ssub.s32 $0x0, s20;
	[sflag:s22] =	ssyncset.done $0x0  }
0xa1: {  	[sflag:s22] =	ssyncadd.s32 s5;
	_ =	sdelay $0x1  }
0xa2: {  	s23 =	simm.s32 $0x1B8B  }
0xa3: {  	_ =	swait.ge [sflag:s23], $0x1  }
0xa4: {  	[sflag:s23] =	ssyncset.done $0x0  }
0xa5: {  	s25 =	simm.s32 $0x1B8E;
	s24 =	sld [smem:$0x3FFE];
	[sflag:s23] =	ssyncadd.s32 $0xFFFFFFFF  }
0xa6: {  	s26 =	simm.s32 $execute0_lowered;
	[smem:$0x3FD2] =	sst s25  }
0xa7: {  	s6 =	sshll.u32 s26, $0x1;
	_ =	strace $0x8000004C;
	[dreg:$0x1] =	wrdreg $0xFFFFFFFF  }
0xa8: {  	s28 =	simm.s32 $_size_execute0_lowered;
	s4 =	sadd.s32 s4, s6;
	[dreg:$0x0] =	wrdreg $0x0  }
0xa9: {  	s6 =	sshll.u32 s28, $0x1;
	[dreg:$0x2] =	wrdreg s4  }
0xaa: {  	[dreg:$0x3] =	wrdreg s6  }
0xab: {  	[dreg:$0x4] =	wrdreg $0xC0  }
0xac: {  	_ =	task [dreg:s8], $0x5FFFF  }
0xad: {  	[dreg:$0x1] =	wrdreg $0xFFFFFFFF  }
0xae: {  	[dreg:$0x0] =	wrdreg $0x60  }
0xaf: {  	[dreg:$0x2] =	wrdreg s24  }
0xb0: {  	[dreg:$0x3] =	wrdreg s2  }
0xb1: {  	[dreg:$0x4] =	wrdreg s18  }
0xb2: {  	[dreg:$0x5] =	wrdreg $0x9E200  }
0xb3: {  	[dreg:$0x6] =	wrdreg $0x9  }
0xb4: {  	_ =	task.clear_ibuf [dreg:s8], $0x7FFFF;
	_ =	strace $0x9000004C  }
0xb5: {  	s29 =	simm.s32 $0x9;
	_ =	strace $0x8000004E  }
0xb6: {  	_ =	swait.ge [sflag:s29], $0x1  }
0xb7: {  	[sflag:s29] =	ssyncadd.s32 $0xFFFFFFFF  }
0xb8: {  	_ =	strace $0x9000004E  }
0xb9: {  	_ =	sfence  }
0xba: {  	s30 =	sld [smem:$0x0];
	_ =	sdelay $0x2  }
0xbb: {  	s31 =	sshll.u32 s1, $0xD;
	s1 =	sshrl.u32 s1, $0x2  }
0xbc: {  	s3 =	sand.u32 $0x4000, s31;
	s1 =	sadd.s32 s1, s30  }
0xbd: {  	s0 =	sor.u32 s3, s0;
	s1 =	sshll.u32 s1, $0x11  }
0xbe: {  	s0 =	sor.u32 s1, s0  }
0xbf: {  	s0 =	sadd.s32 $0x8F2B, s0  }
0xc0: {  	[sflag:s0] =	ssyncadd.remote.s32 $0x1  }
0xc1: {  	_ =	sfence.sel $0xFFFF  }
0xc2: {  	[dreg:$0x0] =	wrdreg $0xFFFFFFFF;
	(pc) =	sbr.abs _section_cstart, $3  }
0xc3: {  	[dreg:$0x1] =	wrdreg $0xFFFFFFFF  }
0xc4: {  	_ =	task.clear_ibuf [dreg:s8], $0x2FFFF;
	_ =	strace $0x9FFFFFFF  }
0xc5: {  	(tm) =	ssettm $0x7FFFFFFF  }
tec
execute0_lowered:
.L_overlay_start_1:
0x0: {  	(tag) =	ssettag $0x1  }
0x1: {  	s5 =	rddreg [dreg:$0x0]  }
0x2: {  	s6 =	rddreg [dreg:$0x1]  }
0x3: {  	s1 =	srdreg.scid;
	s7 =	rddreg [dreg:$0x2]  }
0x4: {  	s0 =	stileid.u32;
	s2 =	rddreg [dreg:$0x3]  }
0x5: {  	s3 =	simm.s32 $0x0;
	s14 =	simm.s32 $0x50;
	s15 =	simm.s32 $0x7620  }
0x6: {  	s16 =	simm.s32 $0x1;
	s17 =	simm.s32 $0x2;
	s9 =	smul.u32 $0x5000, s0  }
0x7: {  	s18 =	simm.s32 $0x4DD0;
	s21 =	simm.s32 $0x0;
	s12 =	smul.u32 $0x2710, s0  }
0x8: {  	s8 =	sand.u32 $0x1, s1;
	s1 =	rddreg [dreg:$0x4];
	s29 =	smul.u32 $0x14000, s0  }
0x9: {  	[smem:$0x7FF] =	sst s3;
	s19 =	sshll.u32 s0, $0x6;
	s4 =	smul.u32 $0x50000, s8  }
0xa: {  	s10 =	smul.u32 $0x27100, s8;
	_ =	strace $0x8000004D;
	s8 =	ssub.s32 $0x2, s8  }
0xb: {  	s19 =	sor.u32 $0x1C03, s19;
	s30 =	sshrl.u32 s8, $0x1;
	s31 =	sshrl.u32 s29, $0x2  }
0xc: {  	s11 =	sadd.s32 s9, s4;
	s4 =	sadd.s32 $0x8E00, s5;
	s10 =	sadd.s32 s12, s10  }
0xd: {  	s13 =	ssub.s32 s8, s30;
	s8 =	sadd.s32 s31, s2;
	s12 =	simm.s32 $0x2710  }
0xe: {  	s11 =	sshrl.u32 s11, $0x3;
	s10 =	sshrl.u32 s10, $0x3;
	s8 =	sadd.s32 $0x2800, s8  }
0xf: {  	s11 =	sadd.s32 s11, s5;
	s5 =	sadd.s32 s6, s10;
	s6 =	sadd.s32 s7, s10  }
0x10: {  	s7 =	sadd.s32 s9, s2;
	s10 =	smax.u32 s13, $0x1;
	s13 =	simm.s32 $0x4E20  }
0x11: {  	v0 =	vimm.f32 $0.0e+00;
	s9 =	sadd.s32 $0x3A000, s11;
	s11 =	simm.s32 $0x3;
	s20 =	sshrl.u32 s7, $0x3  }
.LBB2_1:
0x12: {  	[tilespmem:s3], [sflag:$0x3] =	stream.linear.gather [hbm4b:s5+s3], $0x2710, $0x38;
	[tilespmem:$0xEE20] =	vst v63  }
0x13: {  	_ =	swait.ge [sflag:s11], $0x2710  }
0x14: {  	[sflag:s11] =	ssyncset.done $0x0  }
0x15: {  	[sflag:s11] =	ssyncadd.s32 $0xFFFFD8F0  }
0x16: {  	[tilespmem:s12], [sflag:$0x3] =	stream.linear.gather [hbm4b:s6+s3], $0x2710, $0x38;
	[tilespmem:$0xEE20] =	vst v63  }
0x17: {  	_ =	swait.ge [sflag:s11], $0x2710  }
0x18: {  	[sflag:s11] =	ssyncset.done $0x0  }
0x19: {  	s22 =	simm.s32 $0x0;
	s23 =	simm.s32 $0x200;
	[sflag:s11] =	ssyncadd.s32 $0xFFFFD8F0  }
.LBB2_2:
0x1a: {  	p0 =	sne.s32 s23, $0x9E00;
	[tilespmem:s22+$0x4E90] =	vst v0  }
0x1b: {  	[tilespmem:s22+$0x4E20] =	vst v0  }
0x1c: {  	[tilespmem:s22+$0x4E30] =	vst v0  }
.Ltmp0:
0x1d: {  	[tilespmem:s22+$0x4E40] =	vst v0;
	(pc) =	sbr.rel @p0 .LBB2_2-.Ltmp0, $4  }
0x1e: {  	[tilespmem:s22+$0x4E50] =	vst v0  }
0x1f: {  	[tilespmem:s22+$0x4E60] =	vst v0  }
0x20: {  	[tilespmem:s22+$0x4E70] =	vst v0  }
0x21: {  	[tilespmem:s22+$0x4E80] =	vst v0;
	s22 =	sshra.s32 s23, $0x2;
	s23 =	sadd.s32 $0x200, s23  }
0x22: {  	[tilespmem:s22+$0x4E90] =	vst v0  }
0x23: {  	[tilespmem:s22+$0x4E20] =	vst v0  }
0x24: {  	[tilespmem:s22+$0x4E30] =	vst v0  }
0x25: {  	[tilespmem:s22+$0x4E40] =	vst v0  }
0x26: {  	[tilespmem:s22+$0x4E50] =	vst v0  }
0x27: {  	[tilespmem:s22+$0x4E60] =	vst v0  }
0x28: {  	[tilespmem:s22+$0x4E70] =	vst v0  }
0x29: {  	[tilespmem:s22+$0x4E80] =	vst v0  }
0x2a: {  	[spmem:s7] =	stream.linear.scatter [tilespmem:s13], [sflag:$0x3], $0x2800, $0x38;
	[tilespmem:$0xEE20] =	vst v63  }
0x2b: {  	_ =	swait.ge [sflag:s11], $0x2800  }
0x2c: {  	[sflag:s11] =	ssyncset.done $0x0  }
0x2d: {  	[sflag:s11] =	ssyncadd.s32 $0xFFFFD800  }
0x2e: {  	[spmem:s8] =	stream.linear.scatter [tilespmem:s13], [sflag:$0x3], $0x2800, $0x38;
	[tilespmem:$0xEE20] =	vst v63  }
0x2f: {  	_ =	swait.ge [sflag:s11], $0x2800  }
0x30: {  	[sflag:s11] =	ssyncset.done $0x0  }
0x31: {  	[sflag:s11] =	ssyncadd.s32 $0xFFFFD800  }
0x32: {  	s26 =	simm.s32 $0x0;
	[bflag:$0x0] =	sbarrier.arrive $0xFFFF  }
0x33: {  	[tilespmem:s13], [sflag:$0x1] =	stream.indirect.gather [hbm4b:s4+s14], $0x80, s26, s14, $0xb8;
	[tilespmem:$0xEE20] =	vst v63  }
0x34: {  	s28 =	simm.s32 $0x50  }
0x35: {  	[tilespmem:s15], [sflag:$0x2] =	stream.indirect.gather [hbm4b:s4+s14], $0x80, s28, s14, $0xb8;
	[tilespmem:$0xEE20] =	vst v63  }
0x36: {  	_ =	swait.ge [sflag:s16], $0x2800  }
0x37: {  	[sflag:s16] =	ssyncset.done $0x0  }
0x38: {  	s29 =	simm.s32 $0x2710;
	[sflag:s16] =	ssyncadd.s32 $0xFFFFD800  }
0x39: {  	[spmem:s2] =	stream.indirect.scatter.add.f32 [tilespmem:s13], [sflag:$0x3], $0x80, s29, s14, $0xb8;
	[tilespmem:$0xEE20] =	vst v63  }
0x3a: {  	_ =	swait.ge [sflag:s11], $0x2800  }
0x3b: {  	[sflag:s11] =	ssyncset.done $0x0  }
0x3c: {  	s30 =	simm.s32 $0xA0;
	[sflag:s11] =	ssyncadd.s32 $0xFFFFD800  }
0x3d: {  	[tilespmem:s13], [sflag:$0x1] =	stream.indirect.gather [hbm4b:s4+s14], $0x80, s30, s14, $0xb8;
	[tilespmem:$0xEE20] =	vst v63  }
0x3e: {  	_ =	swait.ge [sflag:s17], $0x2800  }
0x3f: {  	[sflag:s17] =	ssyncset.done $0x0  }
0x40: {  	s31 =	simm.s32 $0x2760;
	[sflag:s17] =	ssyncadd.s32 $0xFFFFD800  }
0x41: {  	[spmem:s2] =	stream.indirect.scatter.add.f32 [tilespmem:s15], [sflag:$0x3], $0x80, s31, s14, $0xb8;
	[tilespmem:$0xEE20] =	vst v63  }
0x42: {  	_ =	swait.ge [sflag:s11], $0x2800  }
0x43: {  	s23 =	simm.s32 $0x500;
	s22 =	simm.s32 $0xA0;
	[sflag:s11] =	ssyncset.done $0x0  }
.LBB2_4:
0x44: {  	s24 =	sadd.s32 $0x50, s22  }
0x45: {  	[sflag:s11] =	ssyncadd.s32 $0xFFFFD800;
	s25 =	smov.u32 s23;
	s26 =	sadd.s32 $0x280, s23  }
0x46: {  	[tilespmem:s15], [sflag:$0x2] =	stream.indirect.gather [hbm4b:s4+s14], $0x80, s24, s14, $0xb8;
	[tilespmem:$0xEE20] =	vst v63  }
0x47: {  	p0 =	sne.s32 s23, $0x9880;
	_ =	swait.ge [sflag:s16], $0x2800  }
0x48: {  	[sflag:s16] =	ssyncset.done $0x0  }
0x49: {  	s23 =	sadd.s32 $0x2710, s22;
	[sflag:s16] =	ssyncadd.s32 $0xFFFFD800  }
0x4a: {  	[spmem:s2] =	stream.indirect.scatter.add.f32 [tilespmem:s13], [sflag:$0x3], $0x80, s23, s14, $0xb8;
	[tilespmem:$0xEE20] =	vst v63  }
0x4b: {  	_ =	swait.ge [sflag:s11], $0x2800  }
0x4c: {  	[sflag:s11] =	ssyncset.done $0x0  }
0x4d: {  	s23 =	sadd.s32 $0xA0, s22;
	[sflag:s11] =	ssyncadd.s32 $0xFFFFD800  }
0x4e: {  	[tilespmem:s13], [sflag:$0x1] =	stream.indirect.gather [hbm4b:s4+s14], $0x80, s23, s14, $0xb8;
	[tilespmem:$0xEE20] =	vst v63  }
0x4f: {  	_ =	swait.ge [sflag:s17], $0x2800  }
.Ltmp1:
0x50: {  	[sflag:s17] =	ssyncset.done $0x0;
	(pc) =	sbr.rel @p0 .LBB2_4-.Ltmp1, $4  }
0x51: {  	s22 =	sadd.s32 $0x2760, s22;
	[sflag:s17] =	ssyncadd.s32 $0xFFFFD800  }
0x52: {  	[spmem:s2] =	stream.indirect.scatter.add.f32 [tilespmem:s15], [sflag:$0x3], $0x80, s22, s14, $0xb8;
	[tilespmem:$0xEE20] =	vst v63  }
0x53: {  	_ =	swait.ge [sflag:s11], $0x2800  }
0x54: {  	s23 =	smov.u32 s26;
	s22 =	sshra.s32 s25, $0x2;
	[sflag:s11] =	ssyncset.done $0x0  }
0x55: {  	s23 =	sadd.s32 $0x50, s22;
	[sflag:s11] =	ssyncadd.s32 $0xFFFFD800  }
0x56: {  	[tilespmem:s15], [sflag:$0x2] =	stream.indirect.gather [hbm4b:s4+s14], $0x80, s23, s14, $0xb8;
	[tilespmem:$0xEE20] =	vst v63  }
0x57: {  	_ =	swait.ge [sflag:s16], $0x2800  }
0x58: {  	[sflag:s16] =	ssyncset.done $0x0  }
0x59: {  	s29 =	sadd.s32 $0x2710, s22;
	[sflag:s16] =	ssyncadd.s32 $0xFFFFD800  }
0x5a: {  	[spmem:s2] =	stream.indirect.scatter.add.f32 [tilespmem:s13], [sflag:$0x3], $0x80, s29, s14, $0xb8;
	[tilespmem:$0xEE20] =	vst v63  }
0x5b: {  	_ =	swait.ge [sflag:s11], $0x2800  }
0x5c: {  	[sflag:s11] =	ssyncset.done $0x0  }
0x5d: {  	s30 =	sadd.s32 $0xA0, s22;
	[sflag:s11] =	ssyncadd.s32 $0xFFFFD800  }
0x5e: {  	[tilespmem:s13], [sflag:$0x1] =	stream.indirect.gather [hbm4b:s4+s14], $0x80, s30, s14, $0xb8;
	[tilespmem:$0xEE20] =	vst v63  }
0x5f: {  	_ =	swait.ge [sflag:s17], $0x2800  }
0x60: {  	[sflag:s17] =	ssyncset.done $0x0  }
0x61: {  	s31 =	sadd.s32 $0x2760, s22;
	[sflag:s17] =	ssyncadd.s32 $0xFFFFD800  }
0x62: {  	[spmem:s2] =	stream.indirect.scatter.add.f32 [tilespmem:s15], [sflag:$0x3], $0x80, s31, s14, $0xb8;
	[tilespmem:$0xEE20] =	vst v63  }
0x63: {  	_ =	swait.ge [sflag:s11], $0x2800  }
0x64: {  	[sflag:s11] =	ssyncset.done $0x0  }
0x65: {  	[sflag:s11] =	ssyncadd.s32 $0xFFFFD800  }
0x66: {  	_ =	swait.ge [sflag:s16], $0x2800  }
0x67: {  	[sflag:s16] =	ssyncset.done $0x0  }
0x68: {  	[sflag:s16] =	ssyncadd.s32 $0xFFFFD800  }
0x69: {  	[spmem:s2] =	stream.indirect.scatter.add.f32 [tilespmem:s13], [sflag:$0x3], $0x80, s18, s14, $0xb8;
	[tilespmem:$0xEE20] =	vst v63  }
0x6a: {  	_ =	swait.ge [sflag:s11], $0x2800  }
0x6b: {  	s21 =	sadd.s32 $0x1, s21;
	[sflag:s11] =	ssyncset.done $0x0  }
0x6c: {  	p0 =	sne.s32 s21, s10;
	[sflag:s11] =	ssyncadd.s32 $0xFFFFD800  }
.Ltmp2:
0x6d: {  	[bflag:$0x0] =	sbarrier.arrive $0xFFFF;
	(pc) =	sbr.rel @p0 .LBB2_1-.Ltmp2, $4  }
0x6e: {  	[hbm:s9], [sflag:s19] =	dma.local [spmem:s20], $0xA00  }
0x6f: {  	_ =	swait.ge [sflag:s11], $0xA00  }
0x70: {  	[sflag:s11] =	ssyncset.done $0x0  }
0x71: {  	[sflag:s11] =	ssyncadd.s32 $0xFFFFF600  }
0x72: {  	_ =	sfence.sel $0x180000  }
0x73: {  	[bflag:$0x0] =	sbarrier.arrive $0xFFFF  }
0x74: {  	p0 =	sne.s32 s0, $0x0;
	_ =	strace $0x9000004D  }
0x75: {  	s0 =	sadd.s32 @!p0 $0x100000, s1;
	[bflag:$0x2] =	sbarrier.arrive $0xFFFF  }
0x76: {  	[sflag:s0] =	ssyncadd.tile.s32 @!p0 $0x1;
	_ =	shalt  }
.Lfunc_end2:
_tile_overlayer_lowered:
.L_overlay_start_2:
0x77: {  	(tag) =	ssettag $0x2  }
0x78: {  	s0 =	rddreg [dreg:$0x0];
	s2 =	stileid.u32  }
0x79: {  	s1 =	rddreg [dreg:$0x1];
	p0 =	sne.s32 s2, $0x0  }
0x7a: {  	s3 =	rddreg [dreg:$0x2];
	[bflag:$0x3] =	sbarrier.arrive $0xFFFF;
	s2 =	simm.s32 @!p0 $0x1C03  }
0x7b: {  	[timem:s3], [sflag:s2] =	dma.local @!p0 [hbm:s0], s1  }
0x7c: {  	s0 =	simm.s32 @!p0 $0x3  }
0x7d: {  	_ =	swait.ge @!p0 [sflag:s0], s1  }
0x7e: {  	s1 =	ssub.s32 @!p0 $0x0, s1;
	[sflag:s0] =	ssyncset.done @!p0 $0x0  }
0x7f: {  	[sflag:s0] =	ssyncadd.s32 @!p0 s1  }
0x80: {  	[bflag:$0x3] =	sbarrier.arrive $0xFFFF  }
0x81: {  	_ =	shalt  }

// kernel: kernel.22.cloned.1.call-start
scs
__scs_entry_jumppad:
0x0: {  	(pc) =	sbr.rel $0x88, $3  }
0x1: {  	(tag) =	ssettag $0x0;
	lr =	simm.s32 $0x1  }
0x2: {  	[smem:$0x3F72] =	sst lr;
	_ =	strace $0xD0000000  }
0x3: {  	_ = 	snop  }
0x4: {  	_ = 	snop  }
0x5: {  	_ = 	snop  }
0x6: {  	_ = 	snop  }
0x7: {  	_ = 	snop  }
__scs_overlays_trampoline_lowered:
0x8: {  	[smem:$0x3F81] =	sst s0  }
0x9: {  	[smem:$0x3F82] =	sst s1  }
0xa: {  	[smem:$0x3F83] =	sst s2  }
0xb: {  	[smem:$0x3F84] =	sst s3  }
0xc: {  	[smem:$0x3F85] =	sst s4  }
0xd: {  	[smem:$0x3F86] =	sst s5  }
0xe: {  	[smem:$0x3F87] =	sst s6  }
0xf: {  	[smem:$0x3F88] =	sst s7  }
0x10: {  	[smem:$0x3F89] =	sst s8  }
0x11: {  	[smem:$0x3F8A] =	sst s9;
	s0 =	simm.s32 @!p0 $0x0  }
0x12: {  	s1 =	sld [smem:$0x3F70];
	s0 =	simm.s32 @p0 $0x1  }
0x13: {  	[smem:$0x3F8B] =	sst s0;
	s0 =	simm.s32 @!p1 $0x0  }
0x14: {  	s2 =	sld [smem:$0x3F6F];
	s0 =	simm.s32 @p1 $0x1  }
0x15: {  	[smem:$0x3F8C] =	sst s0;
	s0 =	simm.s32 @!p2 $0x0  }
0x16: {  	s3 =	sld [smem:$0x3FDB];
	s0 =	simm.s32 @p2 $0x1  }
0x17: {  	s4 =	simm.s32 $0x1BF5;
	[smem:$0x3F8E] =	sst s0  }
0x18: {  	s0 =	sld [smem:$0x3F71];
	_ =	swait.ge [sflag:s4], $0x0  }
0x19: {  	s7 =	sld [smem:$0x3F72]  }
0x1a: {  	s8 =	sadd.s32 $0xFFFFE003, lr  }
0x1b: {  	s9 =	sadd.s32 $0xFFFFFEF7, lr;
	s5 =	simm.s32 $0xFFFFFFFF;
	p2 =	slt.u32 s8, $0xFFFFF086  }
0x1c: {  	p1 =	slt.u32 s9, $0xF7A;
	s5 =	simm.s32 @!p2 $0x0  }
0x1d: {  	s5 =	simm.s32 @p1 $0x1;
	p0 =	seq.s32 s7, s2  }
0x1e: {  	s7 =	smul.u32 @!p0 $0xF7A, s2;
	p2 =	seq.s32 @!p0 s5, $0x0  }
0x1f: {  	s9 =	smul.u32 $0xF7A, s1;
	s8 =	simm.s32 @!p0 $0x1BF5;
	p2 =	por !p2, p0  }
0x20: {  	[sflag:s8] =	ssyncset.s32 @!p0 $0xFFFFF086;
	s6 =	sadd.s32 @!p0 s3, s7;
	s7 =	simm.s32 @!p0 $0x108  }
0x21: {  	s3 =	sadd.s32 s3, s9;
	s6 =	sadd.s32 @!p0 $0x88, s6;
	s7 =	simm.s32 @p2 $0x1082  }
0x22: {  	[simem:s7], [sflag:s8] =	dma.local @!p0 [hbm:s6], $0xF7A  }
0x23: {  	s9 =	sor.u32 $0xD0000000, s2;
	s6 =	simm.s32 $0x108;
	_ =	swait.ge @!p0 [sflag:s8], $0x0  }
0x24: {  	s3 =	sadd.s32 $0x88, s3;
	s6 =	simm.s32 @!p1 $0x1082;
	[sflag:s4] =	ssyncset.s32 $0xFFFFF086  }
0x25: {  	[simem:s6], [sflag:s4] =	dma.local [hbm:s3], $0xF7A  }
0x26: {  	[smem:$0x3F72] =	sst s1;
	(tag) =	ssettag s2;
	_ =	strace s9  }
0x27: {  	s1 =	sld [smem:$0x3F82]  }
0x28: {  	s2 =	sld [smem:$0x3F83]  }
0x29: {  	s4 =	sld [smem:$0x3F85]  }
0x2a: {  	p0 =	seq.s32 s5, $0x0;
	s5 =	sld [smem:$0x3F86]  }
0x2b: {  	s6 =	sld [smem:$0x3F87]  }
0x2c: {  	s7 =	sld [smem:$0x3F88]  }
0x2d: {  	s3 =	simm.s32 $0x108;
	s8 =	sld [smem:$0x3F89]  }
0x2e: {  	s3 =	simm.s32 @!p0 $0x1082;
	s9 =	sld [smem:$0x3F8A]  }
0x2f: {  	lr =	sadd.s32 s0, s3;
	s0 =	sld [smem:$0x3F81]  }
0x30: {  	s3 =	sld [smem:$0x3F84]  }
0x31: {  	[smem:$0x3F8D] =	sst s10  }
0x32: {  	s10 =	sld [smem:$0x3F8B];
	_ =	sdelay $0x3  }
0x33: {  	p0 =	seq.s32 s10, $0x1;
	s10 =	sld [smem:$0x3F8D];
	_ =	sdelay $0x3  }
0x34: {  	[smem:$0x3F8D] =	sst s10  }
0x35: {  	s10 =	sld [smem:$0x3F8C];
	_ =	sdelay $0x3  }
0x36: {  	p1 =	seq.s32 s10, $0x1;
	s10 =	sld [smem:$0x3F8D];
	_ =	sdelay $0x3  }
0x37: {  	[smem:$0x3F8D] =	sst s10  }
0x38: {  	s10 =	sld [smem:$0x3F8E]  }
0x39: {  	_ = 	snop;
	(pc) =	sbr.ind lr, $3  }
0x3a: {  	_ = 	snop  }
0x3b: {  	_ = 	snop  }
0x3c: {  	p2 =	seq.s32 s10, $0x1;
	s10 =	sld [smem:$0x3F8D]  }
0x3d: {  	_ =	shalt  }
0x3e: {  	_ =	shalt  }
0x3f: {  	_ =	shalt  }
0x40: {  	_ =	shalt  }
0x41: {  	_ =	shalt  }
0x42: {  	_ =	shalt  }
0x43: {  	_ =	shalt  }
0x44: {  	_ =	shalt  }
0x45: {  	_ =	shalt  }
0x46: {  	_ =	shalt  }
0x47: {  	_ =	shalt  }
0x48: {  	_ =	shalt  }
0x49: {  	_ =	shalt  }
0x4a: {  	_ =	shalt  }
0x4b: {  	_ =	shalt  }
0x4c: {  	_ =	shalt  }
0x4d: {  	_ =	shalt  }
0x4e: {  	_ =	shalt  }
0x4f: {  	_ =	shalt  }
0x50: {  	_ =	shalt  }
0x51: {  	_ =	shalt  }
0x52: {  	_ =	shalt  }
0x53: {  	_ =	shalt  }
0x54: {  	_ =	shalt  }
0x55: {  	_ =	shalt  }
0x56: {  	_ =	shalt  }
0x57: {  	_ =	shalt  }
0x58: {  	_ =	shalt  }
0x59: {  	_ =	shalt  }
0x5a: {  	_ =	shalt  }
0x5b: {  	_ =	shalt  }
0x5c: {  	_ =	shalt  }
0x5d: {  	_ =	shalt  }
0x5e: {  	_ =	shalt  }
0x5f: {  	_ =	shalt  }
0x60: {  	_ =	shalt  }
0x61: {  	_ =	shalt  }
0x62: {  	_ =	shalt  }
0x63: {  	_ =	shalt  }
0x64: {  	_ =	shalt  }
0x65: {  	_ =	shalt  }
0x66: {  	_ =	shalt  }
0x67: {  	_ =	shalt  }
0x68: {  	_ =	shalt  }
0x69: {  	_ =	shalt  }
0x6a: {  	_ =	shalt  }
0x6b: {  	_ =	shalt  }
0x6c: {  	_ =	shalt  }
0x6d: {  	_ =	shalt  }
0x6e: {  	_ =	shalt  }
0x6f: {  	_ =	shalt  }
0x70: {  	_ =	shalt  }
0x71: {  	_ =	shalt  }
0x72: {  	_ =	shalt  }
0x73: {  	_ =	shalt  }
0x74: {  	_ =	shalt  }
0x75: {  	_ =	shalt  }
0x76: {  	_ =	shalt  }
0x77: {  	_ =	shalt  }
0x78: {  	_ =	shalt  }
0x79: {  	_ =	shalt  }
0x7a: {  	_ =	shalt  }
0x7b: {  	_ =	shalt  }
0x7c: {  	_ =	shalt  }
0x7d: {  	_ =	shalt  }
0x7e: {  	_ =	shalt  }
0x7f: {  	_ =	shalt  }
0x80: {  	_ =	shalt  }
0x81: {  	_ =	shalt  }
0x82: {  	_ =	shalt  }
0x83: {  	_ =	shalt  }
0x84: {  	_ =	shalt  }
0x85: {  	_ =	shalt  }
0x86: {  	_ =	shalt  }
0x87: {  	_ =	shalt  }
.Lfunc_end0:
.L_simem_size_0:
called_computation.3_lowered:
.L_overlay_start_0:
0x88: {  	s2 =	sld [smem:$0x3FD9]  }
0x89: {  	s3 =	sld [smem:$0x3FFE];
	_ =	sdelay $0x1  }
0x8a: {  	s1 =	srdreg.scid  }
0x8b: {  	s0 =	sand.u32 $0x1, s1  }
0x8c: {  	s17 =	sshll.u32 s0, $0xA;
	s2 =	sadd.s32 s3, s2  }
0x8d: {  	s2 =	sadd.s32 s2, s17  }
0x8e: {  	[smem:$0x3F99] =	sst s2  }
0x8f: {  	_ = 	snop  }
0x90: {  	s2 =	sld [smem:$0x3FC8]  }
0x91: {  	s18 =	sld [smem:$0x3FC7];
	(tm) =	ssettm $0x1  }
0x92: {  	s4 =	sld [smem:$0x3FFB];
	_ =	sdelay $0x3  }
0x93: {  	_ =	strace s4  }
0x94: {  	s4 =	sld [smem:$0x3FFC];
	_ =	sdelay $0x3  }
0x95: {  	_ =	strace s4  }
0x96: {  	s4 =	sld [smem:$0x3FFD];
	_ =	sdelay $0x3  }
0x97: {  	_ =	strace s4  }
0x98: {  	_ =	strace $0x8FFFFFFF  }
0x99: {  	s19 =	sld [smem:$0x3FDB];
	_ =	sdelay $0x1  }
0x9a: {  	s5 =	simm.s32 $_scs_section_size  }
0x9b: {  	s6 =	simm.s32 $_size__tile_overlayer_lowered;
	s7 =	simm.s32 $_tile_overlayer_lowered  }
0x9c: {  	s22 =	simm.s32 $0x1BFF;
	s21 =	sshll.u32 s7, $0x1;
	s4 =	sadd.s32 s5, s19  }
0x9d: {  	s8 =	simm.s32 $0x0;
	s20 =	sshll.u32 s6, $0x1;
	s6 =	sadd.s32 s21, s4  }
0x9e: {  	[timem:s8], [sflag:s22] =	dma.local [hbm:s6], s20  }
0x9f: {  	_ =	swait.ge [sflag:s22], s20  }
0xa0: {  	s5 =	ssub.s32 $0x0, s20;
	[sflag:s22] =	ssyncset.done $0x0  }
0xa1: {  	[sflag:s22] =	ssyncadd.s32 s5;
	_ =	sdelay $0x1  }
0xa2: {  	s23 =	simm.s32 $0x1B8B  }
0xa3: {  	_ =	swait.ge [sflag:s23], $0x1  }
0xa4: {  	[sflag:s23] =	ssyncset.done $0x0  }
0xa5: {  	s25 =	simm.s32 $0x1B8E;
	s24 =	sld [smem:$0x3FFE];
	[sflag:s23] =	ssyncadd.s32 $0xFFFFFFFF  }
0xa6: {  	s26 =	simm.s32 $execute0_lowered;
	[smem:$0x3FD2] =	sst s25  }
0xa7: {  	s6 =	sshll.u32 s26, $0x1;
	_ =	strace $0x8000004F;
	[dreg:$0x1] =	wrdreg $0xFFFFFFFF  }
0xa8: {  	s28 =	simm.s32 $_size_execute0_lowered;
	s4 =	sadd.s32 s4, s6;
	[dreg:$0x0] =	wrdreg $0x0  }
0xa9: {  	s6 =	sshll.u32 s28, $0x1;
	[dreg:$0x2] =	wrdreg s4  }
0xaa: {  	[dreg:$0x3] =	wrdreg s6  }
0xab: {  	[dreg:$0x4] =	wrdreg $0xC0  }
0xac: {  	_ =	task [dreg:s8], $0x5FFFF  }
0xad: {  	[dreg:$0x1] =	wrdreg $0xFFFFFFFF  }
0xae: {  	[dreg:$0x0] =	wrdreg $0x60  }
0xaf: {  	[dreg:$0x2] =	wrdreg s24  }
0xb0: {  	[dreg:$0x3] =	wrdreg s18  }
0xb1: {  	[dreg:$0x4] =	wrdreg s2  }
0xb2: {  	[dreg:$0x5] =	wrdreg $0x9E200  }
0xb3: {  	[dreg:$0x6] =	wrdreg $0x9  }
0xb4: {  	_ =	task.clear_ibuf [dreg:s8], $0x7FFFF;
	_ =	strace $0x9000004F  }
0xb5: {  	s29 =	simm.s32 $0x9;
	_ =	strace $0x80000051  }
0xb6: {  	_ =	swait.ge [sflag:s29], $0x1  }
0xb7: {  	[sflag:s29] =	ssyncadd.s32 $0xFFFFFFFF  }
0xb8: {  	_ =	strace $0x90000051  }
0xb9: {  	_ =	sfence  }
0xba: {  	s30 =	sld [smem:$0x0];
	_ =	sdelay $0x2  }
0xbb: {  	s31 =	sshll.u32 s1, $0xD;
	s1 =	sshrl.u32 s1, $0x2  }
0xbc: {  	s3 =	sand.u32 $0x4000, s31;
	s1 =	sadd.s32 s1, s30  }
0xbd: {  	s0 =	sor.u32 s3, s0;
	s1 =	sshll.u32 s1, $0x11  }
0xbe: {  	s0 =	sor.u32 s1, s0  }
0xbf: {  	s0 =	sadd.s32 $0x8F2B, s0  }
0xc0: {  	[sflag:s0] =	ssyncadd.remote.s32 $0x1  }
0xc1: {  	_ =	sfence.sel $0xFFFF  }
0xc2: {  	[dreg:$0x0] =	wrdreg $0xFFFFFFFF;
	(pc) =	sbr.abs _section_cstart, $3  }
0xc3: {  	[dreg:$0x1] =	wrdreg $0xFFFFFFFF  }
0xc4: {  	_ =	task.clear_ibuf [dreg:s8], $0x2FFFF;
	_ =	strace $0x9FFFFFFF  }
0xc5: {  	(tm) =	ssettm $0x7FFFFFFF  }
tec
execute0_lowered:
.L_overlay_start_1:
0x0: {  	(tag) =	ssettag $0x1  }
0x1: {  	s5 =	rddreg [dreg:$0x0]  }
0x2: {  	s6 =	rddreg [dreg:$0x1]  }
0x3: {  	s1 =	srdreg.scid;
	s7 =	rddreg [dreg:$0x2]  }
0x4: {  	s0 =	stileid.u32;
	s2 =	rddreg [dreg:$0x3]  }
0x5: {  	s3 =	simm.s32 $0x0;
	s17 =	simm.s32 $0x3;
	s18 =	simm.s32 $0x2710  }
0x6: {  	s19 =	simm.s32 $0x4E20;
	s20 =	simm.s32 $0x50;
	s21 =	simm.s32 $0x7620  }
0x7: {  	s22 =	simm.s32 $0x1;
	s23 =	simm.s32 $0x2;
	s9 =	smul.u32 $0x13C00, s0  }
0x8: {  	s24 =	simm.s32 $0x4DD0;
	s8 =	sand.u32 $0x1, s1;
	s29 =	smul.u32 $0x4F000, s0  }
0x9: {  	s25 =	simm.s32 $0x0;
	s1 =	rddreg [dreg:$0x4];
	s4 =	smul.u32 $0x13C000, s8  }
0xa: {  	[smem:$0x7FF] =	sst s3;
	s10 =	smul.u32 $0x27100, s8;
	s8 =	ssub.s32 $0x2, s8  }
0xb: {  	s12 =	smul.u32 $0x2710, s0;
	_ =	strace $0x80000050;
	s30 =	sshrl.u32 s8, $0x1  }
0xc: {  	s31 =	sshrl.u32 s29, $0x2;
	s11 =	sadd.s32 s9, s4;
	s4 =	sadd.s32 $0x30000, s5  }
0xd: {  	s10 =	sadd.s32 s12, s10;
	s16 =	ssub.s32 s8, s30;
	s14 =	sadd.s32 s31, s2  }
0xe: {  	s11 =	sshrl.u32 s11, $0x3;
	s10 =	sshrl.u32 s10, $0x3;
	s8 =	sadd.s32 $0x2800, s14  }
0xf: {  	s12 =	sadd.s32 $0xC800, s14;
	s13 =	sadd.s32 $0xF000, s14;
	s16 =	smax.u32 s16, $0x1  }
0x10: {  	s15 =	sadd.s32 s11, s5;
	s5 =	sadd.s32 s6, s10;
	s6 =	sadd.s32 s7, s10  }
0x11: {  	s7 =	sadd.s32 s9, s2;
	s9 =	sadd.s32 $0x5000, s14;
	s10 =	sadd.s32 $0x7800, s14  }
0x12: {  	v0 =	vimm.f32 $0.0e+00;
	s11 =	sadd.s32 $0xA000, s14;
	s14 =	sadd.s32 $0x11800, s14;
	s15 =	sadd.s32 $0x3A000, s15  }
.LBB2_1:
0x13: {  	[tilespmem:s3], [sflag:$0x3] =	stream.linear.gather [hbm4b:s5+s3], $0x2710, $0x38;
	[tilespmem:$0x1DA20] =	vst v63  }
0x14: {  	_ =	swait.ge [sflag:s17], $0x2710  }
0x15: {  	[sflag:s17] =	ssyncset.done $0x0  }
0x16: {  	[sflag:s17] =	ssyncadd.s32 $0xFFFFD8F0  }
0x17: {  	[tilespmem:s18], [sflag:$0x3] =	stream.linear.gather [hbm4b:s6+s3], $0x2710, $0x38;
	[tilespmem:$0x1DA20] =	vst v63  }
0x18: {  	_ =	swait.ge [sflag:s17], $0x2710  }
0x19: {  	[sflag:s17] =	ssyncset.done $0x0  }
0x1a: {  	s26 =	simm.s32 $0x0;
	s28 =	simm.s32 $0x200;
	[sflag:s17] =	ssyncadd.s32 $0xFFFFD8F0  }
.LBB2_2:
0x1b: {  	p0 =	sne.s32 s28, $0x9E00;
	[tilespmem:s26+$0x4E90] =	vst v0  }
0x1c: {  	[tilespmem:s26+$0x4E20] =	vst v0  }
0x1d: {  	[tilespmem:s26+$0x4E30] =	vst v0  }
.Ltmp0:
0x1e: {  	[tilespmem:s26+$0x4E40] =	vst v0;
	(pc) =	sbr.rel @p0 .LBB2_2-.Ltmp0, $4  }
0x1f: {  	[tilespmem:s26+$0x4E50] =	vst v0  }
0x20: {  	[tilespmem:s26+$0x4E60] =	vst v0  }
0x21: {  	[tilespmem:s26+$0x4E70] =	vst v0  }
0x22: {  	[tilespmem:s26+$0x4E80] =	vst v0;
	s26 =	sshra.s32 s28, $0x2;
	s28 =	sadd.s32 $0x200, s28  }
0x23: {  	[tilespmem:s26+$0x4E90] =	vst v0  }
0x24: {  	[tilespmem:s26+$0x4E20] =	vst v0  }
0x25: {  	[tilespmem:s26+$0x4E30] =	vst v0  }
0x26: {  	[tilespmem:s26+$0x4E40] =	vst v0  }
0x27: {  	[tilespmem:s26+$0x4E50] =	vst v0  }
0x28: {  	[tilespmem:s26+$0x4E60] =	vst v0  }
0x29: {  	[tilespmem:s26+$0x4E70] =	vst v0  }
0x2a: {  	[tilespmem:s26+$0x4E80] =	vst v0  }
0x2b: {  	[spmem:s7] =	stream.linear.scatter [tilespmem:s19], [sflag:$0x3], $0x2800, $0x38;
	[tilespmem:$0x1DA20] =	vst v63  }
0x2c: {  	_ =	swait.ge [sflag:s17], $0x2800  }
0x2d: {  	[sflag:s17] =	ssyncset.done $0x0  }
0x2e: {  	[sflag:s17] =	ssyncadd.s32 $0xFFFFD800  }
0x2f: {  	[spmem:s8] =	stream.linear.scatter [tilespmem:s19], [sflag:$0x3], $0x2800, $0x38;
	[tilespmem:$0x1DA20] =	vst v63  }
0x30: {  	_ =	swait.ge [sflag:s17], $0x2800  }
0x31: {  	[sflag:s17] =	ssyncset.done $0x0  }
0x32: {  	[sflag:s17] =	ssyncadd.s32 $0xFFFFD800  }
0x33: {  	[spmem:s9] =	stream.linear.scatter [tilespmem:s19], [sflag:$0x3], $0x2800, $0x38;
	[tilespmem:$0x1DA20] =	vst v63  }
0x34: {  	_ =	swait.ge [sflag:s17], $0x2800  }
0x35: {  	[sflag:s17] =	ssyncset.done $0x0  }
0x36: {  	[sflag:s17] =	ssyncadd.s32 $0xFFFFD800  }
0x37: {  	[spmem:s10] =	stream.linear.scatter [tilespmem:s19], [sflag:$0x3], $0x2800, $0x38;
	[tilespmem:$0x1DA20] =	vst v63  }
0x38: {  	_ =	swait.ge [sflag:s17], $0x2800  }
0x39: {  	[sflag:s17] =	ssyncset.done $0x0  }
0x3a: {  	[sflag:s17] =	ssyncadd.s32 $0xFFFFD800  }
0x3b: {  	[spmem:s11] =	stream.linear.scatter [tilespmem:s19], [sflag:$0x3], $0x2800, $0x38;
	[tilespmem:$0x1DA20] =	vst v63  }
0x3c: {  	_ =	swait.ge [sflag:s17], $0x2800  }
0x3d: {  	[sflag:s17] =	ssyncset.done $0x0  }
0x3e: {  	[sflag:s17] =	ssyncadd.s32 $0xFFFFD800  }
0x3f: {  	[spmem:s12] =	stream.linear.scatter [tilespmem:s19], [sflag:$0x3], $0x2800, $0x38;
	[tilespmem:$0x1DA20] =	vst v63  }
0x40: {  	_ =	swait.ge [sflag:s17], $0x2800  }
0x41: {  	[sflag:s17] =	ssyncset.done $0x0  }
0x42: {  	[sflag:s17] =	ssyncadd.s32 $0xFFFFD800  }
0x43: {  	[spmem:s13] =	stream.linear.scatter [tilespmem:s19], [sflag:$0x3], $0x2800, $0x38;
	[tilespmem:$0x1DA20] =	vst v63  }
0x44: {  	_ =	swait.ge [sflag:s17], $0x2800  }
0x45: {  	[sflag:s17] =	ssyncset.done $0x0  }
0x46: {  	[sflag:s17] =	ssyncadd.s32 $0xFFFFD800  }
0x47: {  	[spmem:s14] =	stream.linear.scatter [tilespmem:s19], [sflag:$0x3], $0x2400, $0x38;
	[tilespmem:$0x1DA20] =	vst v63  }
0x48: {  	_ =	swait.ge [sflag:s17], $0x2400  }
0x49: {  	[sflag:s17] =	ssyncset.done $0x0  }
0x4a: {  	[sflag:s17] =	ssyncadd.s32 $0xFFFFDC00  }
0x4b: {  	s30 =	simm.s32 $0x0;
	[bflag:$0x0] =	sbarrier.arrive $0xFFFF  }
0x4c: {  	[tilespmem:s19], [sflag:$0x1] =	stream.indirect.gather [hbm4b:s4+s20], $0x80, s30, s20, $0xb8;
	[tilespmem:$0x1DA20] =	vst v63  }
0x4d: {  	s31 =	simm.s32 $0x50  }
0x4e: {  	[tilespmem:s21], [sflag:$0x2] =	stream.indirect.gather [hbm4b:s4+s20], $0x80, s31, s20, $0xb8;
	[tilespmem:$0x1DA20] =	vst v63  }
0x4f: {  	_ =	swait.ge [sflag:s22], $0x2800  }
0x50: {  	[sflag:s22] =	ssyncset.done $0x0  }
0x51: {  	s29 =	simm.s32 $0x2710;
	[sflag:s22] =	ssyncadd.s32 $0xFFFFD800  }
0x52: {  	[spmem:s2] =	stream.indirect.scatter.add.f32 [tilespmem:s19], [sflag:$0x3], $0x80, s29, s20, $0xb8;
	[tilespmem:$0x1DA20] =	vst v63  }
0x53: {  	_ =	swait.ge [sflag:s17], $0x2800  }
0x54: {  	[sflag:s17] =	ssyncset.done $0x0  }
0x55: {  	s30 =	simm.s32 $0xA0;
	[sflag:s17] =	ssyncadd.s32 $0xFFFFD800  }
0x56: {  	[tilespmem:s19], [sflag:$0x1] =	stream.indirect.gather [hbm4b:s4+s20], $0x80, s30, s20, $0xb8;
	[tilespmem:$0x1DA20] =	vst v63  }
0x57: {  	_ =	swait.ge [sflag:s23], $0x2800  }
0x58: {  	[sflag:s23] =	ssyncset.done $0x0  }
0x59: {  	s31 =	simm.s32 $0x2760;
	[sflag:s23] =	ssyncadd.s32 $0xFFFFD800  }
0x5a: {  	[spmem:s2] =	stream.indirect.scatter.add.f32 [tilespmem:s21], [sflag:$0x3], $0x80, s31, s20, $0xb8;
	[tilespmem:$0x1DA20] =	vst v63  }
0x5b: {  	_ =	swait.ge [sflag:s17], $0x2800  }
0x5c: {  	s28 =	simm.s32 $0x500;
	s26 =	simm.s32 $0xA0;
	[sflag:s17] =	ssyncset.done $0x0  }
.LBB2_4:
0x5d: {  	s29 =	sadd.s32 $0x50, s26  }
0x5e: {  	[sflag:s17] =	ssyncadd.s32 $0xFFFFD800;
	s30 =	smov.u32 s28;
	s31 =	sadd.s32 $0x280, s28  }
0x5f: {  	[tilespmem:s21], [sflag:$0x2] =	stream.indirect.gather [hbm4b:s4+s20], $0x80, s29, s20, $0xb8;
	[tilespmem:$0x1DA20] =	vst v63  }
0x60: {  	p0 =	sne.s32 s28, $0x9880;
	_ =	swait.ge [sflag:s22], $0x2800  }
0x61: {  	[sflag:s22] =	ssyncset.done $0x0  }
0x62: {  	s28 =	sadd.s32 $0x2710, s26;
	[sflag:s22] =	ssyncadd.s32 $0xFFFFD800  }
0x63: {  	[spmem:s2] =	stream.indirect.scatter.add.f32 [tilespmem:s19], [sflag:$0x3], $0x80, s28, s20, $0xb8;
	[tilespmem:$0x1DA20] =	vst v63  }
0x64: {  	_ =	swait.ge [sflag:s17], $0x2800  }
0x65: {  	[sflag:s17] =	ssyncset.done $0x0  }
0x66: {  	s28 =	sadd.s32 $0xA0, s26;
	[sflag:s17] =	ssyncadd.s32 $0xFFFFD800  }
0x67: {  	[tilespmem:s19], [sflag:$0x1] =	stream.indirect.gather [hbm4b:s4+s20], $0x80, s28, s20, $0xb8;
	[tilespmem:$0x1DA20] =	vst v63  }
0x68: {  	_ =	swait.ge [sflag:s23], $0x2800  }
.Ltmp1:
0x69: {  	[sflag:s23] =	ssyncset.done $0x0;
	(pc) =	sbr.rel @p0 .LBB2_4-.Ltmp1, $4  }
0x6a: {  	s26 =	sadd.s32 $0x2760, s26;
	[sflag:s23] =	ssyncadd.s32 $0xFFFFD800  }
0x6b: {  	[spmem:s2] =	stream.indirect.scatter.add.f32 [tilespmem:s21], [sflag:$0x3], $0x80, s26, s20, $0xb8;
	[tilespmem:$0x1DA20] =	vst v63  }
0x6c: {  	_ =	swait.ge [sflag:s17], $0x2800  }
0x6d: {  	s28 =	smov.u32 s31;
	s26 =	sshra.s32 s30, $0x2;
	[sflag:s17] =	ssyncset.done $0x0  }
0x6e: {  	s28 =	sadd.s32 $0x50, s26;
	[sflag:s17] =	ssyncadd.s32 $0xFFFFD800  }
0x6f: {  	[tilespmem:s21], [sflag:$0x2] =	stream.indirect.gather [hbm4b:s4+s20], $0x80, s28, s20, $0xb8;
	[tilespmem:$0x1DA20] =	vst v63  }
0x70: {  	_ =	swait.ge [sflag:s22], $0x2800  }
0x71: {  	[sflag:s22] =	ssyncset.done $0x0  }
0x72: {  	s30 =	sadd.s32 $0x2710, s26;
	[sflag:s22] =	ssyncadd.s32 $0xFFFFD800  }
0x73: {  	[spmem:s2] =	stream.indirect.scatter.add.f32 [tilespmem:s19], [sflag:$0x3], $0x80, s30, s20, $0xb8;
	[tilespmem:$0x1DA20] =	vst v63  }
0x74: {  	_ =	swait.ge [sflag:s17], $0x2800  }
0x75: {  	[sflag:s17] =	ssyncset.done $0x0  }
0x76: {  	s31 =	sadd.s32 $0xA0, s26;
	[sflag:s17] =	ssyncadd.s32 $0xFFFFD800  }
0x77: {  	[tilespmem:s19], [sflag:$0x1] =	stream.indirect.gather [hbm4b:s4+s20], $0x80, s31, s20, $0xb8;
	[tilespmem:$0x1DA20] =	vst v63  }
0x78: {  	_ =	swait.ge [sflag:s23], $0x2800  }
0x79: {  	[sflag:s23] =	ssyncset.done $0x0  }
0x7a: {  	s29 =	sadd.s32 $0x2760, s26;
	[sflag:s23] =	ssyncadd.s32 $0xFFFFD800  }
0x7b: {  	[spmem:s2] =	stream.indirect.scatter.add.f32 [tilespmem:s21], [sflag:$0x3], $0x80, s29, s20, $0xb8;
	[tilespmem:$0x1DA20] =	vst v63  }
0x7c: {  	_ =	swait.ge [sflag:s17], $0x2800  }
0x7d: {  	[sflag:s17] =	ssyncset.done $0x0  }
0x7e: {  	[sflag:s17] =	ssyncadd.s32 $0xFFFFD800  }
0x7f: {  	_ =	swait.ge [sflag:s22], $0x2800  }
0x80: {  	[sflag:s22] =	ssyncset.done $0x0  }
0x81: {  	[sflag:s22] =	ssyncadd.s32 $0xFFFFD800  }
0x82: {  	[spmem:s2] =	stream.indirect.scatter.add.f32 [tilespmem:s19], [sflag:$0x3], $0x80, s24, s20, $0xb8;
	[tilespmem:$0x1DA20] =	vst v63  }
0x83: {  	_ =	swait.ge [sflag:s17], $0x2800  }
0x84: {  	s25 =	sadd.s32 $0x1, s25;
	s30 =	sshll.u32 s0, $0x6;
	[sflag:s17] =	ssyncset.done $0x0  }
0x85: {  	p0 =	sne.s32 s25, s16;
	s26 =	sor.u32 $0x1C03, s30;
	[sflag:s17] =	ssyncadd.s32 $0xFFFFD800  }
.Ltmp2:
0x86: {  	s31 =	sshrl.u32 s7, $0x3;
	[bflag:$0x0] =	sbarrier.arrive $0xFFFF;
	(pc) =	sbr.rel @p0 .LBB2_1-.Ltmp2, $4  }
0x87: {  	[hbm:s15], [sflag:s26] =	dma.local [spmem:s31], $0x2780  }
0x88: {  	_ =	swait.ge [sflag:s17], $0x2780  }
0x89: {  	[sflag:s17] =	ssyncset.done $0x0  }
0x8a: {  	[sflag:s17] =	ssyncadd.s32 $0xFFFFD880  }
0x8b: {  	_ =	sfence.sel $0x180000  }
0x8c: {  	[bflag:$0x0] =	sbarrier.arrive $0xFFFF  }
0x8d: {  	p0 =	sne.s32 s0, $0x0;
	_ =	strace $0x90000050  }
0x8e: {  	s0 =	sadd.s32 @!p0 $0x100000, s1;
	[bflag:$0x2] =	sbarrier.arrive $0xFFFF  }
0x8f: {  	[sflag:s0] =	ssyncadd.tile.s32 @!p0 $0x1;
	_ =	shalt  }
.Lfunc_end2:
_tile_overlayer_lowered:
.L_overlay_start_2:
0x90: {  	(tag) =	ssettag $0x2  }
0x91: {  	s0 =	rddreg [dreg:$0x0];
	s2 =	stileid.u32  }
0x92: {  	s1 =	rddreg [dreg:$0x1];
	p0 =	sne.s32 s2, $0x0  }
0x93: {  	s3 =	rddreg [dreg:$0x2];
	[bflag:$0x3] =	sbarrier.arrive $0xFFFF;
	s2 =	simm.s32 @!p0 $0x1C03  }
0x94: {  	[timem:s3], [sflag:s2] =	dma.local @!p0 [hbm:s0], s1  }
0x95: {  	s0 =	simm.s32 @!p0 $0x3  }
0x96: {  	_ =	swait.ge @!p0 [sflag:s0], s1  }
0x97: {  	s1 =	ssub.s32 @!p0 $0x0, s1;
	[sflag:s0] =	ssyncset.done @!p0 $0x0  }
0x98: {  	[sflag:s0] =	ssyncadd.s32 @!p0 s1  }
0x99: {  	[bflag:$0x3] =	sbarrier.arrive $0xFFFF  }
0x9a: {  	_ =	shalt  }

// kernel: kernel.25.cloned.1.call-start
scs
__scs_entry_jumppad:
0x0: {  	(pc) =	sbr.rel $0x88, $3  }
0x1: {  	(tag) =	ssettag $0x0;
	lr =	simm.s32 $0x1  }
0x2: {  	[smem:$0x3F72] =	sst lr;
	_ =	strace $0xD0000000  }
0x3: {  	_ = 	snop  }
0x4: {  	_ = 	snop  }
0x5: {  	_ = 	snop  }
0x6: {  	_ = 	snop  }
0x7: {  	_ = 	snop  }
__scs_overlays_trampoline_lowered:
0x8: {  	[smem:$0x3F81] =	sst s0  }
0x9: {  	[smem:$0x3F82] =	sst s1  }
0xa: {  	[smem:$0x3F83] =	sst s2  }
0xb: {  	[smem:$0x3F84] =	sst s3  }
0xc: {  	[smem:$0x3F85] =	sst s4  }
0xd: {  	[smem:$0x3F86] =	sst s5  }
0xe: {  	[smem:$0x3F87] =	sst s6  }
0xf: {  	[smem:$0x3F88] =	sst s7  }
0x10: {  	[smem:$0x3F89] =	sst s8  }
0x11: {  	[smem:$0x3F8A] =	sst s9;
	s0 =	simm.s32 @!p0 $0x0  }
0x12: {  	s1 =	sld [smem:$0x3F70];
	s0 =	simm.s32 @p0 $0x1  }
0x13: {  	[smem:$0x3F8B] =	sst s0;
	s0 =	simm.s32 @!p1 $0x0  }
0x14: {  	s2 =	sld [smem:$0x3F6F];
	s0 =	simm.s32 @p1 $0x1  }
0x15: {  	[smem:$0x3F8C] =	sst s0;
	s0 =	simm.s32 @!p2 $0x0  }
0x16: {  	s3 =	sld [smem:$0x3FDB];
	s0 =	simm.s32 @p2 $0x1  }
0x17: {  	s4 =	simm.s32 $0x1BF5;
	[smem:$0x3F8E] =	sst s0  }
0x18: {  	s0 =	sld [smem:$0x3F71];
	_ =	swait.ge [sflag:s4], $0x0  }
0x19: {  	s7 =	sld [smem:$0x3F72]  }
0x1a: {  	s8 =	sadd.s32 $0xFFFFE003, lr  }
0x1b: {  	s9 =	sadd.s32 $0xFFFFFEF7, lr;
	s5 =	simm.s32 $0xFFFFFFFF;
	p2 =	slt.u32 s8, $0xFFFFF086  }
0x1c: {  	p1 =	slt.u32 s9, $0xF7A;
	s5 =	simm.s32 @!p2 $0x0  }
0x1d: {  	s5 =	simm.s32 @p1 $0x1;
	p0 =	seq.s32 s7, s2  }
0x1e: {  	s7 =	smul.u32 @!p0 $0xF7A, s2;
	p2 =	seq.s32 @!p0 s5, $0x0  }
0x1f: {  	s9 =	smul.u32 $0xF7A, s1;
	s8 =	simm.s32 @!p0 $0x1BF5;
	p2 =	por !p2, p0  }
0x20: {  	[sflag:s8] =	ssyncset.s32 @!p0 $0xFFFFF086;
	s6 =	sadd.s32 @!p0 s3, s7;
	s7 =	simm.s32 @!p0 $0x108  }
0x21: {  	s3 =	sadd.s32 s3, s9;
	s6 =	sadd.s32 @!p0 $0x88, s6;
	s7 =	simm.s32 @p2 $0x1082  }
0x22: {  	[simem:s7], [sflag:s8] =	dma.local @!p0 [hbm:s6], $0xF7A  }
0x23: {  	s9 =	sor.u32 $0xD0000000, s2;
	s6 =	simm.s32 $0x108;
	_ =	swait.ge @!p0 [sflag:s8], $0x0  }
0x24: {  	s3 =	sadd.s32 $0x88, s3;
	s6 =	simm.s32 @!p1 $0x1082;
	[sflag:s4] =	ssyncset.s32 $0xFFFFF086  }
0x25: {  	[simem:s6], [sflag:s4] =	dma.local [hbm:s3], $0xF7A  }
0x26: {  	[smem:$0x3F72] =	sst s1;
	(tag) =	ssettag s2;
	_ =	strace s9  }
0x27: {  	s1 =	sld [smem:$0x3F82]  }
0x28: {  	s2 =	sld [smem:$0x3F83]  }
0x29: {  	s4 =	sld [smem:$0x3F85]  }
0x2a: {  	p0 =	seq.s32 s5, $0x0;
	s5 =	sld [smem:$0x3F86]  }
0x2b: {  	s6 =	sld [smem:$0x3F87]  }
0x2c: {  	s7 =	sld [smem:$0x3F88]  }
0x2d: {  	s3 =	simm.s32 $0x108;
	s8 =	sld [smem:$0x3F89]  }
0x2e: {  	s3 =	simm.s32 @!p0 $0x1082;
	s9 =	sld [smem:$0x3F8A]  }
0x2f: {  	lr =	sadd.s32 s0, s3;
	s0 =	sld [smem:$0x3F81]  }
0x30: {  	s3 =	sld [smem:$0x3F84]  }
0x31: {  	[smem:$0x3F8D] =	sst s10  }
0x32: {  	s10 =	sld [smem:$0x3F8B];
	_ =	sdelay $0x3  }
0x33: {  	p0 =	seq.s32 s10, $0x1;
	s10 =	sld [smem:$0x3F8D];
	_ =	sdelay $0x3  }
0x34: {  	[smem:$0x3F8D] =	sst s10  }
0x35: {  	s10 =	sld [smem:$0x3F8C];
	_ =	sdelay $0x3  }
0x36: {  	p1 =	seq.s32 s10, $0x1;
	s10 =	sld [smem:$0x3F8D];
	_ =	sdelay $0x3  }
0x37: {  	[smem:$0x3F8D] =	sst s10  }
0x38: {  	s10 =	sld [smem:$0x3F8E]  }
0x39: {  	_ = 	snop;
	(pc) =	sbr.ind lr, $3  }
0x3a: {  	_ = 	snop  }
0x3b: {  	_ = 	snop  }
0x3c: {  	p2 =	seq.s32 s10, $0x1;
	s10 =	sld [smem:$0x3F8D]  }
0x3d: {  	_ =	shalt  }
0x3e: {  	_ =	shalt  }
0x3f: {  	_ =	shalt  }
0x40: {  	_ =	shalt  }
0x41: {  	_ =	shalt  }
0x42: {  	_ =	shalt  }
0x43: {  	_ =	shalt  }
0x44: {  	_ =	shalt  }
0x45: {  	_ =	shalt  }
0x46: {  	_ =	shalt  }
0x47: {  	_ =	shalt  }
0x48: {  	_ =	shalt  }
0x49: {  	_ =	shalt  }
0x4a: {  	_ =	shalt  }
0x4b: {  	_ =	shalt  }
0x4c: {  	_ =	shalt  }
0x4d: {  	_ =	shalt  }
0x4e: {  	_ =	shalt  }
0x4f: {  	_ =	shalt  }
0x50: {  	_ =	shalt  }
0x51: {  	_ =	shalt  }
0x52: {  	_ =	shalt  }
0x53: {  	_ =	shalt  }
0x54: {  	_ =	shalt  }
0x55: {  	_ =	shalt  }
0x56: {  	_ =	shalt  }
0x57: {  	_ =	shalt  }
0x58: {  	_ =	shalt  }
0x59: {  	_ =	shalt  }
0x5a: {  	_ =	shalt  }
0x5b: {  	_ =	shalt  }
0x5c: {  	_ =	shalt  }
0x5d: {  	_ =	shalt  }
0x5e: {  	_ =	shalt  }
0x5f: {  	_ =	shalt  }
0x60: {  	_ =	shalt  }
0x61: {  	_ =	shalt  }
0x62: {  	_ =	shalt  }
0x63: {  	_ =	shalt  }
0x64: {  	_ =	shalt  }
0x65: {  	_ =	shalt  }
0x66: {  	_ =	shalt  }
0x67: {  	_ =	shalt  }
0x68: {  	_ =	shalt  }
0x69: {  	_ =	shalt  }
0x6a: {  	_ =	shalt  }
0x6b: {  	_ =	shalt  }
0x6c: {  	_ =	shalt  }
0x6d: {  	_ =	shalt  }
0x6e: {  	_ =	shalt  }
0x6f: {  	_ =	shalt  }
0x70: {  	_ =	shalt  }
0x71: {  	_ =	shalt  }
0x72: {  	_ =	shalt  }
0x73: {  	_ =	shalt  }
0x74: {  	_ =	shalt  }
0x75: {  	_ =	shalt  }
0x76: {  	_ =	shalt  }
0x77: {  	_ =	shalt  }
0x78: {  	_ =	shalt  }
0x79: {  	_ =	shalt  }
0x7a: {  	_ =	shalt  }
0x7b: {  	_ =	shalt  }
0x7c: {  	_ =	shalt  }
0x7d: {  	_ =	shalt  }
0x7e: {  	_ =	shalt  }
0x7f: {  	_ =	shalt  }
0x80: {  	_ =	shalt  }
0x81: {  	_ =	shalt  }
0x82: {  	_ =	shalt  }
0x83: {  	_ =	shalt  }
0x84: {  	_ =	shalt  }
0x85: {  	_ =	shalt  }
0x86: {  	_ =	shalt  }
0x87: {  	_ =	shalt  }
.Lfunc_end0:
.L_simem_size_0:
called_computation.4_lowered:
.L_overlay_start_0:
0x88: {  	s2 =	sld [smem:$0x3FD9]  }
0x89: {  	s3 =	sld [smem:$0x3FFE];
	_ =	sdelay $0x1  }
0x8a: {  	s1 =	srdreg.scid  }
0x8b: {  	s0 =	sand.u32 $0x1, s1  }
0x8c: {  	s17 =	sshll.u32 s0, $0xA;
	s2 =	sadd.s32 s3, s2  }
0x8d: {  	s2 =	sadd.s32 s2, s17  }
0x8e: {  	[smem:$0x3F99] =	sst s2  }
0x8f: {  	_ = 	snop  }
0x90: {  	s2 =	sld [smem:$0x3FC8]  }
0x91: {  	s18 =	sld [smem:$0x3FC7];
	(tm) =	ssettm $0x1  }
0x92: {  	s4 =	sld [smem:$0x3FFB];
	_ =	sdelay $0x3  }
0x93: {  	_ =	strace s4  }
0x94: {  	s4 =	sld [smem:$0x3FFC];
	_ =	sdelay $0x3  }
0x95: {  	_ =	strace s4  }
0x96: {  	s4 =	sld [smem:$0x3FFD];
	_ =	sdelay $0x3  }
0x97: {  	_ =	strace s4  }
0x98: {  	_ =	strace $0x8FFFFFFF  }
0x99: {  	s19 =	sld [smem:$0x3FDB];
	_ =	sdelay $0x1  }
0x9a: {  	s5 =	simm.s32 $_scs_section_size  }
0x9b: {  	s6 =	simm.s32 $_size__tile_overlayer_lowered;
	s7 =	simm.s32 $_tile_overlayer_lowered  }
0x9c: {  	s22 =	simm.s32 $0x1BFF;
	s21 =	sshll.u32 s7, $0x1;
	s4 =	sadd.s32 s5, s19  }
0x9d: {  	s8 =	simm.s32 $0x0;
	s20 =	sshll.u32 s6, $0x1;
	s6 =	sadd.s32 s21, s4  }
0x9e: {  	[timem:s8], [sflag:s22] =	dma.local [hbm:s6], s20  }
0x9f: {  	_ =	swait.ge [sflag:s22], s20  }
0xa0: {  	s5 =	ssub.s32 $0x0, s20;
	[sflag:s22] =	ssyncset.done $0x0  }
0xa1: {  	[sflag:s22] =	ssyncadd.s32 s5;
	_ =	sdelay $0x1  }
0xa2: {  	s23 =	simm.s32 $0x1B8B  }
0xa3: {  	_ =	swait.ge [sflag:s23], $0x1  }
0xa4: {  	[sflag:s23] =	ssyncset.done $0x0  }
0xa5: {  	s25 =	simm.s32 $0x1B8E;
	s24 =	sld [smem:$0x3FFE];
	[sflag:s23] =	ssyncadd.s32 $0xFFFFFFFF  }
0xa6: {  	s26 =	simm.s32 $execute0_lowered;
	[smem:$0x3FD2] =	sst s25  }
0xa7: {  	s6 =	sshll.u32 s26, $0x1;
	_ =	strace $0x80000052;
	[dreg:$0x1] =	wrdreg $0xFFFFFFFF  }
0xa8: {  	s28 =	simm.s32 $_size_execute0_lowered;
	s4 =	sadd.s32 s4, s6;
	[dreg:$0x0] =	wrdreg $0x0  }
0xa9: {  	s6 =	sshll.u32 s28, $0x1;
	[dreg:$0x2] =	wrdreg s4  }
0xaa: {  	[dreg:$0x3] =	wrdreg s6  }
0xab: {  	[dreg:$0x4] =	wrdreg $0xC0  }
0xac: {  	_ =	task [dreg:s8], $0x5FFFF  }
0xad: {  	[dreg:$0x1] =	wrdreg $0xFFFFFFFF  }
0xae: {  	[dreg:$0x0] =	wrdreg $0x60  }
0xaf: {  	[dreg:$0x2] =	wrdreg s24  }
0xb0: {  	[dreg:$0x3] =	wrdreg s2  }
0xb1: {  	[dreg:$0x4] =	wrdreg s18  }
0xb2: {  	[dreg:$0x5] =	wrdreg $0x9E200  }
0xb3: {  	[dreg:$0x6] =	wrdreg $0x9  }
0xb4: {  	_ =	task.clear_ibuf [dreg:s8], $0x7FFFF;
	_ =	strace $0x90000052  }
0xb5: {  	s29 =	simm.s32 $0x9;
	_ =	strace $0x80000054  }
0xb6: {  	_ =	swait.ge [sflag:s29], $0x1  }
0xb7: {  	[sflag:s29] =	ssyncadd.s32 $0xFFFFFFFF  }
0xb8: {  	_ =	strace $0x90000054  }
0xb9: {  	_ =	sfence  }
0xba: {  	s30 =	sld [smem:$0x0];
	_ =	sdelay $0x2  }
0xbb: {  	s31 =	sshll.u32 s1, $0xD;
	s1 =	sshrl.u32 s1, $0x2  }
0xbc: {  	s3 =	sand.u32 $0x4000, s31;
	s1 =	sadd.s32 s1, s30  }
0xbd: {  	s0 =	sor.u32 s3, s0;
	s1 =	sshll.u32 s1, $0x11  }
0xbe: {  	s0 =	sor.u32 s1, s0  }
0xbf: {  	s0 =	sadd.s32 $0x8F2B, s0  }
0xc0: {  	[sflag:s0] =	ssyncadd.remote.s32 $0x1  }
0xc1: {  	_ =	sfence.sel $0xFFFF  }
0xc2: {  	[dreg:$0x0] =	wrdreg $0xFFFFFFFF;
	(pc) =	sbr.abs _section_cstart, $3  }
0xc3: {  	[dreg:$0x1] =	wrdreg $0xFFFFFFFF  }
0xc4: {  	_ =	task.clear_ibuf [dreg:s8], $0x2FFFF;
	_ =	strace $0x9FFFFFFF  }
0xc5: {  	(tm) =	ssettm $0x7FFFFFFF  }
tec
execute0_lowered:
.L_overlay_start_1:
0x0: {  	(tag) =	ssettag $0x1  }
0x1: {  	s5 =	rddreg [dreg:$0x0]  }
0x2: {  	s6 =	rddreg [dreg:$0x1]  }
0x3: {  	s1 =	srdreg.scid;
	s7 =	rddreg [dreg:$0x2]  }
0x4: {  	s0 =	stileid.u32;
	s2 =	rddreg [dreg:$0x3]  }
0x5: {  	s3 =	simm.s32 $0x0;
	s14 =	simm.s32 $0x50;
	s15 =	simm.s32 $0x7620  }
0x6: {  	s16 =	simm.s32 $0x1;
	s17 =	simm.s32 $0x2;
	s9 =	smul.u32 $0x5000, s0  }
0x7: {  	s18 =	simm.s32 $0x4DD0;
	s21 =	simm.s32 $0x0;
	s12 =	smul.u32 $0x2710, s0  }
0x8: {  	s8 =	sand.u32 $0x1, s1;
	s1 =	rddreg [dreg:$0x4];
	s29 =	smul.u32 $0x14000, s0  }
0x9: {  	[smem:$0x7FF] =	sst s3;
	s19 =	sshll.u32 s0, $0x6;
	s4 =	smul.u32 $0x50000, s8  }
0xa: {  	s10 =	smul.u32 $0x27100, s8;
	_ =	strace $0x80000053;
	s8 =	ssub.s32 $0x2, s8  }
0xb: {  	s19 =	sor.u32 $0x1C03, s19;
	s30 =	sshrl.u32 s8, $0x1;
	s31 =	sshrl.u32 s29, $0x2  }
0xc: {  	s11 =	sadd.s32 s9, s4;
	s4 =	sadd.s32 $0x8E00, s5;
	s10 =	sadd.s32 s12, s10  }
0xd: {  	s13 =	ssub.s32 s8, s30;
	s8 =	sadd.s32 s31, s2;
	s12 =	simm.s32 $0x2710  }
0xe: {  	s11 =	sshrl.u32 s11, $0x3;
	s10 =	sshrl.u32 s10, $0x3;
	s8 =	sadd.s32 $0x2800, s8  }
0xf: {  	s11 =	sadd.s32 s11, s5;
	s5 =	sadd.s32 s6, s10;
	s6 =	sadd.s32 s7, s10  }
0x10: {  	s7 =	sadd.s32 s9, s2;
	s10 =	smax.u32 s13, $0x1;
	s13 =	simm.s32 $0x4E20  }
0x11: {  	v0 =	vimm.f32 $0.0e+00;
	s9 =	sadd.s32 $0x3A000, s11;
	s11 =	simm.s32 $0x3;
	s20 =	sshrl.u32 s7, $0x3  }
.LBB2_1:
0x12: {  	[tilespmem:s3], [sflag:$0x3] =	stream.linear.gather [hbm4b:s5+s3], $0x2710, $0x38;
	[tilespmem:$0xEE20] =	vst v63  }
0x13: {  	_ =	swait.ge [sflag:s11], $0x2710  }
0x14: {  	[sflag:s11] =	ssyncset.done $0x0  }
0x15: {  	[sflag:s11] =	ssyncadd.s32 $0xFFFFD8F0  }
0x16: {  	[tilespmem:s12], [sflag:$0x3] =	stream.linear.gather [hbm4b:s6+s3], $0x2710, $0x38;
	[tilespmem:$0xEE20] =	vst v63  }
0x17: {  	_ =	swait.ge [sflag:s11], $0x2710  }
0x18: {  	[sflag:s11] =	ssyncset.done $0x0  }
0x19: {  	s22 =	simm.s32 $0x0;
	s23 =	simm.s32 $0x200;
	[sflag:s11] =	ssyncadd.s32 $0xFFFFD8F0  }
.LBB2_2:
0x1a: {  	p0 =	sne.s32 s23, $0x9E00;
	[tilespmem:s22+$0x4E90] =	vst v0  }
0x1b: {  	[tilespmem:s22+$0x4E20] =	vst v0  }
0x1c: {  	[tilespmem:s22+$0x4E30] =	vst v0  }
.Ltmp0:
0x1d: {  	[tilespmem:s22+$0x4E40] =	vst v0;
	(pc) =	sbr.rel @p0 .LBB2_2-.Ltmp0, $4  }
0x1e: {  	[tilespmem:s22+$0x4E50] =	vst v0  }
0x1f: {  	[tilespmem:s22+$0x4E60] =	vst v0  }
0x20: {  	[tilespmem:s22+$0x4E70] =	vst v0  }
0x21: {  	[tilespmem:s22+$0x4E80] =	vst v0;
	s22 =	sshra.s32 s23, $0x2;
	s23 =	sadd.s32 $0x200, s23  }
0x22: {  	[tilespmem:s22+$0x4E90] =	vst v0  }
0x23: {  	[tilespmem:s22+$0x4E20] =	vst v0  }
0x24: {  	[tilespmem:s22+$0x4E30] =	vst v0  }
0x25: {  	[tilespmem:s22+$0x4E40] =	vst v0  }
0x26: {  	[tilespmem:s22+$0x4E50] =	vst v0  }
0x27: {  	[tilespmem:s22+$0x4E60] =	vst v0  }
0x28: {  	[tilespmem:s22+$0x4E70] =	vst v0  }
0x29: {  	[tilespmem:s22+$0x4E80] =	vst v0  }
0x2a: {  	[spmem:s7] =	stream.linear.scatter [tilespmem:s13], [sflag:$0x3], $0x2800, $0x38;
	[tilespmem:$0xEE20] =	vst v63  }
0x2b: {  	_ =	swait.ge [sflag:s11], $0x2800  }
0x2c: {  	[sflag:s11] =	ssyncset.done $0x0  }
0x2d: {  	[sflag:s11] =	ssyncadd.s32 $0xFFFFD800  }
0x2e: {  	[spmem:s8] =	stream.linear.scatter [tilespmem:s13], [sflag:$0x3], $0x2800, $0x38;
	[tilespmem:$0xEE20] =	vst v63  }
0x2f: {  	_ =	swait.ge [sflag:s11], $0x2800  }
0x30: {  	[sflag:s11] =	ssyncset.done $0x0  }
0x31: {  	[sflag:s11] =	ssyncadd.s32 $0xFFFFD800  }
0x32: {  	s26 =	simm.s32 $0x0;
	[bflag:$0x0] =	sbarrier.arrive $0xFFFF  }
0x33: {  	[tilespmem:s13], [sflag:$0x1] =	stream.indirect.gather [hbm4b:s4+s14], $0x80, s26, s14, $0xb8;
	[tilespmem:$0xEE20] =	vst v63  }
0x34: {  	s28 =	simm.s32 $0x50  }
0x35: {  	[tilespmem:s15], [sflag:$0x2] =	stream.indirect.gather [hbm4b:s4+s14], $0x80, s28, s14, $0xb8;
	[tilespmem:$0xEE20] =	vst v63  }
0x36: {  	_ =	swait.ge [sflag:s16], $0x2800  }
0x37: {  	[sflag:s16] =	ssyncset.done $0x0  }
0x38: {  	s29 =	simm.s32 $0x2710;
	[sflag:s16] =	ssyncadd.s32 $0xFFFFD800  }
0x39: {  	[spmem:s2] =	stream.indirect.scatter.add.f32 [tilespmem:s13], [sflag:$0x3], $0x80, s29, s14, $0xb8;
	[tilespmem:$0xEE20] =	vst v63  }
0x3a: {  	_ =	swait.ge [sflag:s11], $0x2800  }
0x3b: {  	[sflag:s11] =	ssyncset.done $0x0  }
0x3c: {  	s30 =	simm.s32 $0xA0;
	[sflag:s11] =	ssyncadd.s32 $0xFFFFD800  }
0x3d: {  	[tilespmem:s13], [sflag:$0x1] =	stream.indirect.gather [hbm4b:s4+s14], $0x80, s30, s14, $0xb8;
	[tilespmem:$0xEE20] =	vst v63  }
0x3e: {  	_ =	swait.ge [sflag:s17], $0x2800  }
0x3f: {  	[sflag:s17] =	ssyncset.done $0x0  }
0x40: {  	s31 =	simm.s32 $0x2760;
	[sflag:s17] =	ssyncadd.s32 $0xFFFFD800  }
0x41: {  	[spmem:s2] =	stream.indirect.scatter.add.f32 [tilespmem:s15], [sflag:$0x3], $0x80, s31, s14, $0xb8;
	[tilespmem:$0xEE20] =	vst v63  }
0x42: {  	_ =	swait.ge [sflag:s11], $0x2800  }
0x43: {  	s23 =	simm.s32 $0x500;
	s22 =	simm.s32 $0xA0;
	[sflag:s11] =	ssyncset.done $0x0  }
.LBB2_4:
0x44: {  	s24 =	sadd.s32 $0x50, s22  }
0x45: {  	[sflag:s11] =	ssyncadd.s32 $0xFFFFD800;
	s25 =	smov.u32 s23;
	s26 =	sadd.s32 $0x280, s23  }
0x46: {  	[tilespmem:s15], [sflag:$0x2] =	stream.indirect.gather [hbm4b:s4+s14], $0x80, s24, s14, $0xb8;
	[tilespmem:$0xEE20] =	vst v63  }
0x47: {  	p0 =	sne.s32 s23, $0x9880;
	_ =	swait.ge [sflag:s16], $0x2800  }
0x48: {  	[sflag:s16] =	ssyncset.done $0x0  }
0x49: {  	s23 =	sadd.s32 $0x2710, s22;
	[sflag:s16] =	ssyncadd.s32 $0xFFFFD800  }
0x4a: {  	[spmem:s2] =	stream.indirect.scatter.add.f32 [tilespmem:s13], [sflag:$0x3], $0x80, s23, s14, $0xb8;
	[tilespmem:$0xEE20] =	vst v63  }
0x4b: {  	_ =	swait.ge [sflag:s11], $0x2800  }
0x4c: {  	[sflag:s11] =	ssyncset.done $0x0  }
0x4d: {  	s23 =	sadd.s32 $0xA0, s22;
	[sflag:s11] =	ssyncadd.s32 $0xFFFFD800  }
0x4e: {  	[tilespmem:s13], [sflag:$0x1] =	stream.indirect.gather [hbm4b:s4+s14], $0x80, s23, s14, $0xb8;
	[tilespmem:$0xEE20] =	vst v63  }
0x4f: {  	_ =	swait.ge [sflag:s17], $0x2800  }
.Ltmp1:
0x50: {  	[sflag:s17] =	ssyncset.done $0x0;
	(pc) =	sbr.rel @p0 .LBB2_4-.Ltmp1, $4  }
0x51: {  	s22 =	sadd.s32 $0x2760, s22;
	[sflag:s17] =	ssyncadd.s32 $0xFFFFD800  }
0x52: {  	[spmem:s2] =	stream.indirect.scatter.add.f32 [tilespmem:s15], [sflag:$0x3], $0x80, s22, s14, $0xb8;
	[tilespmem:$0xEE20] =	vst v63  }
0x53: {  	_ =	swait.ge [sflag:s11], $0x2800  }
0x54: {  	s23 =	smov.u32 s26;
	s22 =	sshra.s32 s25, $0x2;
	[sflag:s11] =	ssyncset.done $0x0  }
0x55: {  	s23 =	sadd.s32 $0x50, s22;
	[sflag:s11] =	ssyncadd.s32 $0xFFFFD800  }
0x56: {  	[tilespmem:s15], [sflag:$0x2] =	stream.indirect.gather [hbm4b:s4+s14], $0x80, s23, s14, $0xb8;
	[tilespmem:$0xEE20] =	vst v63  }
0x57: {  	_ =	swait.ge [sflag:s16], $0x2800  }
0x58: {  	[sflag:s16] =	ssyncset.done $0x0  }
0x59: {  	s29 =	sadd.s32 $0x2710, s22;
	[sflag:s16] =	ssyncadd.s32 $0xFFFFD800  }
0x5a: {  	[spmem:s2] =	stream.indirect.scatter.add.f32 [tilespmem:s13], [sflag:$0x3], $0x80, s29, s14, $0xb8;
	[tilespmem:$0xEE20] =	vst v63  }
0x5b: {  	_ =	swait.ge [sflag:s11], $0x2800  }
0x5c: {  	[sflag:s11] =	ssyncset.done $0x0  }
0x5d: {  	s30 =	sadd.s32 $0xA0, s22;
	[sflag:s11] =	ssyncadd.s32 $0xFFFFD800  }
0x5e: {  	[tilespmem:s13], [sflag:$0x1] =	stream.indirect.gather [hbm4b:s4+s14], $0x80, s30, s14, $0xb8;
	[tilespmem:$0xEE20] =	vst v63  }
0x5f: {  	_ =	swait.ge [sflag:s17], $0x2800  }
0x60: {  	[sflag:s17] =	ssyncset.done $0x0  }
0x61: {  	s31 =	sadd.s32 $0x2760, s22;
	[sflag:s17] =	ssyncadd.s32 $0xFFFFD800  }
0x62: {  	[spmem:s2] =	stream.indirect.scatter.add.f32 [tilespmem:s15], [sflag:$0x3], $0x80, s31, s14, $0xb8;
	[tilespmem:$0xEE20] =	vst v63  }
0x63: {  	_ =	swait.ge [sflag:s11], $0x2800  }
0x64: {  	[sflag:s11] =	ssyncset.done $0x0  }
0x65: {  	[sflag:s11] =	ssyncadd.s32 $0xFFFFD800  }
0x66: {  	_ =	swait.ge [sflag:s16], $0x2800  }
0x67: {  	[sflag:s16] =	ssyncset.done $0x0  }
0x68: {  	[sflag:s16] =	ssyncadd.s32 $0xFFFFD800  }
0x69: {  	[spmem:s2] =	stream.indirect.scatter.add.f32 [tilespmem:s13], [sflag:$0x3], $0x80, s18, s14, $0xb8;
	[tilespmem:$0xEE20] =	vst v63  }
0x6a: {  	_ =	swait.ge [sflag:s11], $0x2800  }
0x6b: {  	s21 =	sadd.s32 $0x1, s21;
	[sflag:s11] =	ssyncset.done $0x0  }
0x6c: {  	p0 =	sne.s32 s21, s10;
	[sflag:s11] =	ssyncadd.s32 $0xFFFFD800  }
.Ltmp2:
0x6d: {  	[bflag:$0x0] =	sbarrier.arrive $0xFFFF;
	(pc) =	sbr.rel @p0 .LBB2_1-.Ltmp2, $4  }
0x6e: {  	[hbm:s9], [sflag:s19] =	dma.local [spmem:s20], $0xA00  }
0x6f: {  	_ =	swait.ge [sflag:s11], $0xA00  }
0x70: {  	[sflag:s11] =	ssyncset.done $0x0  }
0x71: {  	[sflag:s11] =	ssyncadd.s32 $0xFFFFF600  }
0x72: {  	_ =	sfence.sel $0x180000  }
0x73: {  	[bflag:$0x0] =	sbarrier.arrive $0xFFFF  }
0x74: {  	p0 =	sne.s32 s0, $0x0;
	_ =	strace $0x90000053  }
0x75: {  	s0 =	sadd.s32 @!p0 $0x100000, s1;
	[bflag:$0x2] =	sbarrier.arrive $0xFFFF  }
0x76: {  	[sflag:s0] =	ssyncadd.tile.s32 @!p0 $0x1;
	_ =	shalt  }
.Lfunc_end2:
_tile_overlayer_lowered:
.L_overlay_start_2:
0x77: {  	(tag) =	ssettag $0x2  }
0x78: {  	s0 =	rddreg [dreg:$0x0];
	s2 =	stileid.u32  }
0x79: {  	s1 =	rddreg [dreg:$0x1];
	p0 =	sne.s32 s2, $0x0  }
0x7a: {  	s3 =	rddreg [dreg:$0x2];
	[bflag:$0x3] =	sbarrier.arrive $0xFFFF;
	s2 =	simm.s32 @!p0 $0x1C03  }
0x7b: {  	[timem:s3], [sflag:s2] =	dma.local @!p0 [hbm:s0], s1  }
0x7c: {  	s0 =	simm.s32 @!p0 $0x3  }
0x7d: {  	_ =	swait.ge @!p0 [sflag:s0], s1  }
0x7e: {  	s1 =	ssub.s32 @!p0 $0x0, s1;
	[sflag:s0] =	ssyncset.done @!p0 $0x0  }
0x7f: {  	[sflag:s0] =	ssyncadd.s32 @!p0 s1  }
0x80: {  	[bflag:$0x3] =	sbarrier.arrive $0xFFFF  }
0x81: {  	_ =	shalt  }

</sc_bundles>
